<compile_context>
chip_gen: v7x
topology: tpu7x:2x2x1
jax: 0.10.2.dev20260603
libtpu: 0.0.44.dev20260713+nightly
codegen_flags: <defaults>
</compile_context>

<pallas_src>
import functools

import jax
import jax.numpy as jnp
from jax import lax
from jax.experimental import pallas as pl
from jax.experimental.pallas import tpu as pltpu
from jax.experimental.pallas import tpu_sc as plsc

N = 10000
E = 320000
D = 128
H = 64
R = 16
RN = R * N

NC = 2
NS = 16
L = 16

PB = 128
SCW = 64
NSC = PB // SCW
NB = 79
ET = NB * PB
EPAD = NC * NS * ET
EHALF = NS * ET
NBA = 2 * NB

ACC_ROWS = 10112
ROWS_PT = ACC_ROWS // NS
CNT_PT = 10640
CNTSZ = NS * CNT_PT
CZ = CNT_PT // 5

_i32 = jnp.int32
_f32 = jnp.float32



def _w_body(comp_ref, basis_ref, w_ref):
    w_ref[...] = jnp.dot(comp_ref[...], basis_ref[...],
                         preferred_element_type=_f32)


def _xw_body(x_ref, w_ref, xw_ref):
    xw_ref[...] = jnp.dot(x_ref[...], w_ref[0],
                          preferred_element_type=_f32)[None]


def _out1_body(x_ref, p0_ref, p1_ref, root_ref, b1_ref, o_ref):
    o_ref[...] = (p0_ref[...] + p1_ref[...] + b1_ref[...]
                  + jnp.dot(x_ref[...], root_ref[...],
                            preferred_element_type=_f32))


def _head_body(x_ref, o1_ref, a0_ref, a1_ref, wrel_ref, wroot_ref, b2_ref,
               wlx_ref, wlh_ref, bl_ref, wfc_ref, bfc_ref, o_ref):
    agg2 = a0_ref[...] + a1_ref[...]
    out2 = (jnp.dot(agg2, wrel_ref[...], preferred_element_type=_f32)
            + jnp.dot(o1_ref[...], wroot_ref[...], preferred_element_type=_f32)
            + b2_ref[...])
    hidden = (jnp.dot(x_ref[...], wlx_ref[...], preferred_element_type=_f32)
              + jnp.dot(out2, wlh_ref[...], preferred_element_type=_f32)
              + bl_ref[...])
    hidden = jnp.maximum(hidden, 0.0)
    logits = jnp.dot(hidden, wfc_ref[...], preferred_element_type=_f32) \
        + bfc_ref[...]
    m = jnp.max(logits, axis=1, keepdims=True)
    s = logits - m
    lse = jnp.log(jnp.sum(jnp.exp(s), axis=1, keepdims=True))
    o_ref[...] = s - lse



def _zero_acc_slice(rows, acc_sh, s):
    def _fill_rows(i, _):
        for k in range(H // L):
            rows[0, i, pl.ds(k * L, L)] = jnp.zeros((L,), _f32)
        return 0
    lax.fori_loop(0, PB, _fill_rows, 0)
    for q in range(ROWS_PT // PB):
        pltpu.sync_copy(rows.at[0],
                        acc_sh.at[pl.ds(s * ROWS_PT + q * PB, PB)])
    rem = ROWS_PT % PB
    if rem:
        pltpu.sync_copy(
            rows.at[0, pl.ds(0, rem)],
            acc_sh.at[pl.ds(s * ROWS_PT + (ROWS_PT // PB) * PB, rem)])


def _sc1_body(et_hbm, dst_hbm, src_hbm, xw_hbm, out_hbm,
              ebuf, idx_c, idx_g, idx_c2, ones, sval, zc, rows,
              gsem, ssem, wsem, cnt_sh, acc_sh):
    c = lax.axis_index("c")
    s = lax.axis_index("s")

    lanes = lax.broadcasted_iota(_i32, (L,), 0)

    def _fill_zc(i, _):
        zc[pl.ds(i * L, L)] = jnp.zeros((L,), _f32)
        return 0
    lax.fori_loop(0, CZ // L, _fill_zc, 0)

    for r in range(SCW // L):
        ones[pl.ds(r * L, L)] = jnp.ones((L,), _f32)

    for u in range(CNT_PT // CZ):
        pltpu.sync_copy(zc, cnt_sh.at[pl.ds(s * CNT_PT + u * CZ, CZ)])
    _zero_acc_slice(rows, acc_sh, s)
    plsc.subcore_barrier()

    scope_a = jax.named_scope("sc1_pass_a")
    scope_a.__enter__()
    NSA = ET // SCW

    def _stage_a(st, _):
        abase = s * (2 * ET) + st * ET
        pltpu.sync_copy(et_hbm.at[pl.ds(abase, ET)], ebuf.at[pl.ds(0, ET)])
        pltpu.sync_copy(dst_hbm.at[pl.ds(abase, ET)], ebuf.at[pl.ds(ET, ET)])

        def _cidx(row, _):
            for r in range(SCW // L):
                o = row * SCW + r * L
                t16 = ebuf[pl.ds(o, L)]
                d16 = ebuf[pl.ds(ET + o, L)]
                idx_c2[row, pl.ds(r * L, L)] = t16 * N + d16
            return 0
        lax.fori_loop(0, NSA, _cidx, 0)

        def _scat(b, _):
            pltpu.async_copy(ones, cnt_sh.at[idx_c2.at[b]], wsem, add=True)
            return 0
        lax.fori_loop(0, NSA, _scat, 0)

        def _drain(b, _):
            pltpu.make_async_copy(ones, cnt_sh.at[idx_c2.at[b]],
                                  wsem).wait()
            return 0
        lax.fori_loop(0, NSA, _drain, 0)
        return 0
    lax.fori_loop(0, 2, _stage_a, 0)
    plsc.subcore_barrier()
    scope_a.__exit__(None, None, None)

    def _recip(i, _):
        v = zc[pl.ds(i * L, L)]
        zc[pl.ds(i * L, L)] = 1.0 / jnp.maximum(v, 1.0)
        return 0

    for u in range(CNT_PT // CZ):
        pltpu.sync_copy(cnt_sh.at[pl.ds(s * CNT_PT + u * CZ, CZ)], zc)
        lax.fori_loop(0, CZ // L, _recip, 0)
        pltpu.sync_copy(zc, cnt_sh.at[pl.ds(s * CNT_PT + u * CZ, CZ)])
    plsc.subcore_barrier()

    scope_b = jax.named_scope("sc1_pass_b")
    scope_b.__enter__()
    base = c * EHALF + s * ET
    pltpu.sync_copy(et_hbm.at[pl.ds(base, ET)], ebuf.at[pl.ds(0, ET)])
    pltpu.sync_copy(dst_hbm.at[pl.ds(base, ET)], ebuf.at[pl.ds(ET, ET)])
    pltpu.sync_copy(src_hbm.at[pl.ds(base, ET)], ebuf.at[pl.ds(2 * ET, ET)])

    def _bidx(row, _):
        for r in range(SCW // L):
            o = row * SCW + r * L
            t16 = ebuf[pl.ds(o, L)]
            d16 = ebuf[pl.ds(ET + o, L)]
            s16 = ebuf[pl.ds(2 * ET + o, L)]
            idx_c[pl.ds(o, L)] = t16 * N + d16
            idx_g[pl.ds(o, L)] = jnp.minimum(t16 * N + s16, RN - 1)
            idx_c2[row, pl.ds(r * L, L)] = d16
        return 0
    lax.fori_loop(0, NSA, _bidx, 0)

    fidx = [lanes + f * L for f in range(H // L)]

    def _fire(b, p):
        pltpu.async_copy(xw_hbm.at[idx_g.at[pl.ds(b * PB, PB)]],
                         rows.at[p], gsem.at[p])
        pltpu.async_copy(cnt_sh.at[idx_c.at[pl.ds(b * PB, PB)]],
                         sval.at[p], ssem.at[p])

    _fire(0, 0)

    def _batch(b, _):
        p = lax.rem(b, 2)
        pn = 1 - p

        @pl.when(b + 1 < NB)
        def _():
            _fire(b + 1, pn)

        pltpu.make_async_copy(xw_hbm.at[idx_g.at[pl.ds(b * PB, PB)]],
                              rows.at[p], gsem.at[p]).wait()
        pltpu.make_async_copy(cnt_sh.at[idx_c.at[pl.ds(b * PB, PB)]],
                              sval.at[p], ssem.at[p]).wait()
        def _grp(j, _):
            sv = sval[p, pl.ds(j * L, L)]
            for k in range(L):
                e = j * L + k
                ss = sv[k]
                for f in range(H // L):
                    v = rows[p, e, pl.ds(f * L, L)]
                    rows[p, e, pl.ds(f * L, L)] = v * ss
            return 0
        lax.fori_loop(0, PB // L, _grp, 0)

        for q in range(NSC):
            pltpu.async_copy(rows.at[p, pl.ds(q * SCW, SCW)],
                             acc_sh.at[idx_c2.at[b * NSC + q]], wsem,
                             add=True)
        for q in range(NSC):
            pltpu.make_async_copy(rows.at[p, pl.ds(q * SCW, SCW)],
                                  acc_sh.at[idx_c2.at[b * NSC + q]],
                                  wsem).wait()
        return 0
    lax.fori_loop(0, NB, _batch, 0)
    plsc.subcore_barrier()
    scope_b.__exit__(None, None, None)

    pltpu.sync_copy(acc_sh.at[pl.ds(s * ROWS_PT, ROWS_PT)],
                    out_hbm.at[pl.ds(c * ACC_ROWS + s * ROWS_PT, ROWS_PT)])



def _sc2_body(src_hbm, dst_hbm, o1_hbm, out_hbm,
              ebuf, sidx, rows, gsem, wsem, acc_sh, o1_sh):
    c = lax.axis_index("c")
    s = lax.axis_index("s")

    lastn = N - (NS - 1) * ROWS_PT

    @pl.when(s < NS - 1)
    def _():
        pltpu.sync_copy(o1_hbm.at[pl.ds(s * ROWS_PT, ROWS_PT)],
                        o1_sh.at[pl.ds(s * ROWS_PT, ROWS_PT)])

    @pl.when(s == NS - 1)
    def _():
        pltpu.sync_copy(o1_hbm.at[pl.ds((NS - 1) * ROWS_PT, lastn)],
                        o1_sh.at[pl.ds((NS - 1) * ROWS_PT, lastn)])

    _zero_acc_slice(rows, acc_sh, s)
    plsc.subcore_barrier()

    base = c * EHALF + s * ET
    pltpu.sync_copy(src_hbm.at[pl.ds(base, ET)], ebuf.at[pl.ds(0, ET)])
    pltpu.sync_copy(dst_hbm.at[pl.ds(base, ET)], ebuf.at[pl.ds(ET, ET)])

    def _fire(b, p):
        pltpu.async_copy(o1_sh.at[ebuf.at[pl.ds(b * PB, PB)]],
                         rows.at[p], gsem.at[p])

    _fire(0, 0)

    def _batch(b, _):
        p = lax.rem(b, 2)
        pn = 1 - p

        @pl.when(b + 1 < NB)
        def _():
            _fire(b + 1, pn)

        pltpu.make_async_copy(o1_sh.at[ebuf.at[pl.ds(b * PB, PB)]],
                              rows.at[p], gsem.at[p]).wait()
        for q in range(NSC):
            for r in range(SCW // L):
                sidx[q, pl.ds(r * L, L)] = \
                    ebuf[pl.ds(ET + b * PB + q * SCW + r * L, L)]
            pltpu.async_copy(rows.at[p, pl.ds(q * SCW, SCW)],
                             acc_sh.at[sidx.at[q]], wsem, add=True)
        for q in range(NSC):
            pltpu.make_async_copy(rows.at[p, pl.ds(q * SCW, SCW)],
                                  acc_sh.at[sidx.at[q]], wsem).wait()
        return 0
    lax.fori_loop(0, NB, _batch, 0)
    plsc.subcore_barrier()

    pltpu.sync_copy(acc_sh.at[pl.ds(s * ROWS_PT, ROWS_PT)],
                    out_hbm.at[pl.ds(c * ACC_ROWS + s * ROWS_PT, ROWS_PT)])



_MESH = plsc.VectorSubcoreMesh(core_axis_name="c", subcore_axis_name="s",
                               num_cores=NC, num_subcores=NS)

_SC_PARAMS = pltpu.CompilerParams(needs_layout_passes=False,
                                  use_tc_tiling_on_sc=False)

_sc1 = functools.partial(
    pl.kernel, _sc1_body,
    out_type=jax.ShapeDtypeStruct((NC * ACC_ROWS, H), _f32),
    mesh=_MESH,
    compiler_params=_SC_PARAMS,
    scratch_types=[
        pltpu.VMEM((3 * ET,), _i32),
        pltpu.VMEM((ET,), _i32),
        pltpu.VMEM((ET,), _i32),
        pltpu.VMEM((ET // SCW, SCW), _i32),
        pltpu.VMEM((SCW,), _f32),
        pltpu.VMEM((2, PB), _f32),
        pltpu.VMEM((CZ,), _f32),
        pltpu.VMEM((2, PB, H), _f32),
        pltpu.SemaphoreType.DMA((2,)),
        pltpu.SemaphoreType.DMA((2,)),
        pltpu.SemaphoreType.DMA,
        pltpu.VMEM_SHARED((CNTSZ,), _f32),
        pltpu.VMEM_SHARED((ACC_ROWS, H), _f32),
    ],
)

_sc2 = functools.partial(
    pl.kernel, _sc2_body,
    out_type=jax.ShapeDtypeStruct((NC * ACC_ROWS, H), _f32),
    mesh=_MESH,
    compiler_params=_SC_PARAMS,
    scratch_types=[
        pltpu.VMEM((2 * ET,), _i32),
        pltpu.VMEM((NSC, SCW), _i32),
        pltpu.VMEM((2, PB, H), _f32),
        pltpu.SemaphoreType.DMA((2,)),
        pltpu.SemaphoreType.DMA,
        pltpu.VMEM_SHARED((ACC_ROWS, H), _f32),
        pltpu.VMEM_SHARED((ACC_ROWS, H), _f32),
    ],
)


def kernel(x, edge_index, edge_norm, edge_type, seq_lengths, umask,
           nodal_attn, avec, comp, basis, root, bias1, w_rel, w_root,
           bias2, w_lin, b_lin, w_fc, b_fc):
    del edge_norm, seq_lengths, umask, nodal_attn, avec

    src = edge_index[0].astype(_i32)
    dst = edge_index[1].astype(_i32)
    et = edge_type.astype(_i32)
    pad = EPAD - E
    srcp = jnp.concatenate([src, jnp.zeros((pad,), _i32)])
    dstp = jnp.concatenate([dst, jnp.full((pad,), N, _i32)])
    etp = jnp.concatenate([et, jnp.full((pad,), R, _i32)])

    basis2 = basis.reshape(basis.shape[0], D * H)
    w_flat = pl.pallas_call(
        _w_body,
        out_shape=jax.ShapeDtypeStruct((R, D * H), _f32),
    )(comp, basis2)
    w_all = w_flat.reshape(R, D, H)

    xw = pl.pallas_call(
        _xw_body,
        grid=(R,),
        in_specs=[
            pl.BlockSpec((N, D), lambda r: (0, 0)),
            pl.BlockSpec((1, D, H), lambda r: (r, 0, 0)),
        ],
        out_specs=pl.BlockSpec((1, N, H), lambda r: (r, 0, 0)),
        out_shape=jax.ShapeDtypeStruct((R, N, H), _f32),
    )(x, w_all)
    xw2d = xw.reshape(RN, H)

    relpart = _sc1()(etp, dstp, srcp, xw2d)

    out1 = pl.pallas_call(
        _out1_body,
        out_shape=jax.ShapeDtypeStruct((N, H), _f32),
    )(x, relpart[:N], relpart[ACC_ROWS:ACC_ROWS + N], root, bias1[None, :])

    aggpart = _sc2()(srcp, dstp, out1)

    log_prob = pl.pallas_call(
        _head_body,
        out_shape=jax.ShapeDtypeStruct((N, b_fc.shape[0]), _f32),
    )(x, out1, aggpart[:N], aggpart[ACC_ROWS:ACC_ROWS + N],
      w_rel, w_root, bias2[None, :], w_lin[:D], w_lin[D:],
      b_lin[None, :], w_fc, b_fc[None, :])
    return log_prob

# --- scband reference (transcript-rebuilt; emitter-appended) ---
"""Pipeline reference for scband-graph-network-31172872634708 (READ-ONLY COPY).

The authoritative reference and input builder live on the scoring server;
editing this copy changes nothing except your own understanding.
"""

import jax, jax.numpy as jnp
import numpy as np

N_NODES = 10000
N_EDGES = 320000
D_FEAT = 128
HID = 64
N_REL = 16
N_BASES = 30
N_CLASSES = 7


def setup_inputs(seed: int = 0) -> dict:
    key = jax.random.key(seed)
    ks = jax.random.split(key, 16)
    x = jax.random.normal(ks[0], (N_NODES, D_FEAT), dtype=jnp.float32)
    edge_index = jax.random.randint(ks[1], (2, N_EDGES), 0, N_NODES, dtype=jnp.int64)
    edge_norm = jax.random.uniform(ks[2], (N_EDGES,), dtype=jnp.float32)
    edge_type = jax.random.randint(ks[3], (N_EDGES,), 0, N_REL, dtype=jnp.int64)
    seq_lengths = jax.random.randint(ks[4], (100,), 0, 100, dtype=jnp.int64)
    umask = jnp.ones((100, 100), dtype=jnp.float32)
    # learned parameters
    s = 0.05
    comp = jax.random.normal(ks[5], (N_REL, N_BASES), dtype=jnp.float32) * s
    basis = jax.random.normal(ks[6], (N_BASES, D_FEAT, HID), dtype=jnp.float32) * s
    root = jax.random.normal(ks[7], (D_FEAT, HID), dtype=jnp.float32) * s
    bias1 = jnp.zeros((HID,), dtype=jnp.float32)
    w_rel = jax.random.normal(ks[8], (HID, HID), dtype=jnp.float32) * s
    w_root = jax.random.normal(ks[9], (HID, HID), dtype=jnp.float32) * s
    bias2 = jnp.zeros((HID,), dtype=jnp.float32)
    w_lin = jax.random.normal(ks[10], (D_FEAT + HID, HID), dtype=jnp.float32) * s
    b_lin = jnp.zeros((HID,), dtype=jnp.float32)
    w_fc = jax.random.normal(ks[11], (HID, N_CLASSES), dtype=jnp.float32) * s
    b_fc = jnp.zeros((N_CLASSES,), dtype=jnp.float32)
    return {
        "x": x, "edge_index": edge_index, "edge_norm": edge_norm,
        "edge_type": edge_type, "seq_lengths": seq_lengths, "umask": umask,
        "nodal_attn": 0, "avec": 0,
        "comp": comp, "basis": basis, "root": root, "bias1": bias1,
        "w_rel": w_rel, "w_root": w_root, "bias2": bias2,
        "w_lin": w_lin, "b_lin": b_lin, "w_fc": w_fc, "b_fc": b_fc,
    }


def reference(x, edge_index, edge_norm, edge_type, seq_lengths, umask,
              nodal_attn, avec, comp, basis, root, bias1, w_rel, w_root,
              bias2, w_lin, b_lin, w_fc, b_fc):
    # nodal_attn=0, avec=0 -> plain classification branch (no matching attention)
    N = x.shape[0]
    src = edge_index[0]
    dst = edge_index[1]
    R = comp.shape[0]
    # --- RGCNConv layer 1 (basis decomposition, mean aggregation per relation) ---
    W = jnp.einsum('rb,bio->rio', comp, basis)  # [R, D_FEAT, HID]
    agg = jnp.zeros((R, N, x.shape[1]), dtype=x.dtype).at[edge_type, dst].add(x[src])
    cnt = jnp.zeros((R, N), dtype=x.dtype).at[edge_type, dst].add(1.0)
    mean = agg / jnp.maximum(cnt, 1.0)[..., None]
    out1 = jnp.einsum('rni,rio->no', mean, W) + x @ root + bias1  # [N, HID]
    # --- GraphConv layer 2 (add aggregation) ---
    agg2 = jnp.zeros((N, out1.shape[1]), dtype=out1.dtype).at[dst].add(out1[src])
    out2 = agg2 @ w_rel + out1 @ w_root + bias2  # [N, HID]
    # --- classification head ---
    emotions = jnp.concatenate([x, out2], axis=-1)  # [N, D_FEAT + HID]
    hidden = jax.nn.relu(emotions @ w_lin + b_lin)
    # dropout is identity in eval mode
    logits = hidden @ w_fc + b_fc
    log_prob = jax.nn.log_softmax(logits, axis=1)
    return log_prob

if __name__ == "__main__":
    import jax
    _d = setup_inputs()
    print(jax.jit(kernel)(*tuple(_d.values())))

</pallas_src>

<mosaic_0001>
#map = affine_map<(d0, d1) -> (0)>
#map1 = affine_map<(d0, d1) -> (0, 0)>
module attributes {stable_mosaic.version = 14 : i64} {
  func.func @_sc2_body(%arg0: i32, %arg1: i32, %arg2: memref<323584xi32, #tpu.memory_space<hbm>>, %arg3: memref<323584xi32, #tpu.memory_space<hbm>>, %arg4: memref<10000x64xf32, #tpu.memory_space<hbm>>, %arg5: memref<20224x64xf32, #tpu.memory_space<hbm>>, %arg6: memref<20224xi32, #tpu.memory_space<vmem>>, %arg7: memref<2x64xi32, #tpu.memory_space<vmem>>, %arg8: memref<2x128x64xf32, #tpu.memory_space<vmem>>, %arg9: memref<2x!tpu.dma_semaphore, #tpu.memory_space<semaphore_mem>>, %arg10: memref<!tpu.dma_semaphore, #tpu.memory_space<semaphore_mem>>, %arg11: memref<10112x64xf32, #tpu.memory_space<vmem_shared>>, %arg12: memref<10112x64xf32, #tpu.memory_space<vmem_shared>>) attributes {dimension_semantics = [#tpu.dimension_semantics<core_parallel>, #tpu.dimension_semantics<subcore_parallel>], iteration_bounds = array<i64: 2, 16>, scalar_prefetch = 0 : i64, scratch_operands = 7 : i64, tpu.core_type = #tpu.core_type<sc_vector_subcore>, window_params = [{transform_indices = #map}, {transform_indices = #map}, {transform_indices = #map1}, {transform_indices = #map1}]} {
    %lt3A = arith.constant 15 : i32
    %lt3A_0 = arith.cmpi slt, %arg1, %lt3A : i32
    %convert_element_type3A = arith.extui %lt3A_0 : i1 to i32
    %cond3A = arith.constant 0 : i32
    %cond3A_1 = arith.cmpi ne, %convert_element_type3A, %cond3A : i32
    scf.if %cond3A_1 {
      %mul3A_66 = arith.constant 632 : i32
      %mul3A_67 = arith.muli %arg1, %mul3A_66 : i32
      %mul3A_68 = arith.constant 632 : i32
      %mul3A_69 = arith.muli %arg1, %mul3A_68 : i32
      "tpu.region"() ({
        %run_scoped3A_70 = tpu.sem_alloc : memref<!tpu.dma_semaphore, #tpu.memory_space<semaphore_mem>>
        %dma_start3A_71 = arith.constant 0 : i32
        %dma_start3A_72 = tpu.memref_slice %arg12[%mul3A_69, %dma_start3A_71] : memref<10112x64xf32, #tpu.memory_space<vmem_shared>> -> memref<632x64xf32, #tpu.memory_space<vmem_shared>>
        %dma_start3A_73 = arith.constant 0 : i32
        %dma_start3A_74 = tpu.memref_slice %arg4[%mul3A_67, %dma_start3A_73] : memref<10000x64xf32, #tpu.memory_space<hbm>> -> memref<632x64xf32, #tpu.memory_space<hbm>>
        tpu.enqueue_dma source(%dma_start3A_74 : memref<632x64xf32, #tpu.memory_space<hbm>>) target(%dma_start3A_72 : memref<632x64xf32, #tpu.memory_space<vmem_shared>>) target_semaphore(%run_scoped3A_70 : memref<!tpu.dma_semaphore, #tpu.memory_space<semaphore_mem>>)
        %dma_wait3A = arith.constant 0 : i32
        %dma_wait3A_75 = tpu.memref_slice %arg12[%mul3A_69, %dma_wait3A] : memref<10112x64xf32, #tpu.memory_space<vmem_shared>> -> memref<632x64xf32, #tpu.memory_space<vmem_shared>>
        %dma_wait3A_76 = arith.constant 0 : i32
        %dma_wait3A_77 = tpu.memref_slice %arg4[%mul3A_67, %dma_wait3A_76] : memref<10000x64xf32, #tpu.memory_space<hbm>> -> memref<632x64xf32, #tpu.memory_space<hbm>>
        tpu.wait_dma2 semaphore(%run_scoped3A_70 : memref<!tpu.dma_semaphore, #tpu.memory_space<semaphore_mem>>) src(%dma_wait3A_77 : memref<632x64xf32, #tpu.memory_space<hbm>>) dst(%dma_wait3A_75 : memref<632x64xf32, #tpu.memory_space<vmem_shared>>)
        tpu.yield
      }) : () -> ()
    } else {
    }
    %eq3A = arith.constant 15 : i32
    %eq3A_2 = arith.cmpi eq, %arg1, %eq3A : i32
    %convert_element_type3A_3 = arith.extui %eq3A_2 : i1 to i32
    %cond3A_4 = arith.constant 0 : i32
    %cond3A_5 = arith.cmpi ne, %convert_element_type3A_3, %cond3A_4 : i32
    scf.if %cond3A_5 {
      "tpu.region"() ({
        %run_scoped3A_66 = tpu.sem_alloc : memref<!tpu.dma_semaphore, #tpu.memory_space<semaphore_mem>>
        %dma_start3A_67 = arith.constant 9480 : i32
        %dma_start3A_68 = arith.constant 0 : i32
        %dma_start3A_69 = tpu.memref_slice %arg12[%dma_start3A_67, %dma_start3A_68] : memref<10112x64xf32, #tpu.memory_space<vmem_shared>> -> memref<520x64xf32, #tpu.memory_space<vmem_shared>>
        %dma_start3A_70 = arith.constant 9480 : i32
        %dma_start3A_71 = arith.constant 0 : i32
        %dma_start3A_72 = tpu.memref_slice %arg4[%dma_start3A_70, %dma_start3A_71] : memref<10000x64xf32, #tpu.memory_space<hbm>> -> memref<520x64xf32, #tpu.memory_space<hbm>>
        tpu.enqueue_dma source(%dma_start3A_72 : memref<520x64xf32, #tpu.memory_space<hbm>>) target(%dma_start3A_69 : memref<520x64xf32, #tpu.memory_space<vmem_shared>>) target_semaphore(%run_scoped3A_66 : memref<!tpu.dma_semaphore, #tpu.memory_space<semaphore_mem>>)
        %dma_wait3A = arith.constant 9480 : i32
        %dma_wait3A_73 = arith.constant 0 : i32
        %dma_wait3A_74 = tpu.memref_slice %arg12[%dma_wait3A, %dma_wait3A_73] : memref<10112x64xf32, #tpu.memory_space<vmem_shared>> -> memref<520x64xf32, #tpu.memory_space<vmem_shared>>
        %dma_wait3A_75 = arith.constant 9480 : i32
        %dma_wait3A_76 = arith.constant 0 : i32
        %dma_wait3A_77 = tpu.memref_slice %arg4[%dma_wait3A_75, %dma_wait3A_76] : memref<10000x64xf32, #tpu.memory_space<hbm>> -> memref<520x64xf32, #tpu.memory_space<hbm>>
        tpu.wait_dma2 semaphore(%run_scoped3A_66 : memref<!tpu.dma_semaphore, #tpu.memory_space<semaphore_mem>>) src(%dma_wait3A_77 : memref<520x64xf32, #tpu.memory_space<hbm>>) dst(%dma_wait3A_74 : memref<520x64xf32, #tpu.memory_space<vmem_shared>>)
        tpu.yield
      }) : () -> ()
    } else {
    }
    %scan3A = arith.constant 0 : i32
    %scan3A_6 = arith.constant 0 : i32
    %scan3A_7 = arith.constant 128 : i32
    %scan3A_8 = arith.addi %scan3A_6, %scan3A_7 : i32
    %scan3A_9 = arith.constant 1 : i32
    %scan3A_10 = scf.for %scan3A_66 = %scan3A_6 to %scan3A_8 step %scan3A_9 iter_args(%scan3A_67 = %scan3A) -> (i32)  : i32 {
      %broadcast_in_dim3A = arith.constant 0.000000e+00 : f32
      %broadcast_in_dim3A_68 = vector.broadcast %broadcast_in_dim3A : f32 to vector<16xf32>
      %swap3A = arith.constant 0 : i32
      %swap3A_69 = arith.index_cast %swap3A : i32 to index
      %swap3A_70 = arith.index_cast %scan3A_66 : i32 to index
      %swap3A_71 = arith.constant 0 : index
      %swap3A_72 = tpu.vector_load %arg8[%swap3A_69, %swap3A_70, %swap3A_71] {strides = array<i32>} : memref<2x128x64xf32, #tpu.memory_space<vmem>>, vector<16xf32>,
      tpu.vector_store %arg8[%swap3A_69, %swap3A_70, %swap3A_71], %broadcast_in_dim3A_68 {strides = array<i32>} : memref<2x128x64xf32, #tpu.memory_space<vmem>>, vector<16xf32>,
      %broadcast_in_dim3A_73 = arith.constant 0.000000e+00 : f32
      %broadcast_in_dim3A_74 = vector.broadcast %broadcast_in_dim3A_73 : f32 to vector<16xf32>
      %swap3A_75 = arith.constant 0 : i32
      %swap3A_76 = arith.index_cast %swap3A_75 : i32 to index
      %swap3A_77 = arith.index_cast %scan3A_66 : i32 to index
      %swap3A_78 = arith.constant 16 : index
      %swap3A_79 = tpu.vector_load %arg8[%swap3A_76, %swap3A_77, %swap3A_78] {strides = array<i32>} : memref<2x128x64xf32, #tpu.memory_space<vmem>>, vector<16xf32>,
      tpu.vector_store %arg8[%swap3A_76, %swap3A_77, %swap3A_78], %broadcast_in_dim3A_74 {strides = array<i32>} : memref<2x128x64xf32, #tpu.memory_space<vmem>>, vector<16xf32>,
      %broadcast_in_dim3A_80 = arith.constant 0.000000e+00 : f32
      %broadcast_in_dim3A_81 = vector.broadcast %broadcast_in_dim3A_80 : f32 to vector<16xf32>
      %swap3A_82 = arith.constant 0 : i32
      %swap3A_83 = arith.index_cast %swap3A_82 : i32 to index
      %swap3A_84 = arith.index_cast %scan3A_66 : i32 to index
      %swap3A_85 = arith.constant 32 : index
      %swap3A_86 = tpu.vector_load %arg8[%swap3A_83, %swap3A_84, %swap3A_85] {strides = array<i32>} : memref<2x128x64xf32, #tpu.memory_space<vmem>>, vector<16xf32>,
      tpu.vector_store %arg8[%swap3A_83, %swap3A_84, %swap3A_85], %broadcast_in_dim3A_81 {strides = array<i32>} : memref<2x128x64xf32, #tpu.memory_space<vmem>>, vector<16xf32>,
      %broadcast_in_dim3A_87 = arith.constant 0.000000e+00 : f32
      %broadcast_in_dim3A_88 = vector.broadcast %broadcast_in_dim3A_87 : f32 to vector<16xf32>
      %swap3A_89 = arith.constant 0 : i32
      %swap3A_90 = arith.index_cast %swap3A_89 : i32 to index
      %swap3A_91 = arith.index_cast %scan3A_66 : i32 to index
      %swap3A_92 = arith.constant 48 : index
      %swap3A_93 = tpu.vector_load %arg8[%swap3A_90, %swap3A_91, %swap3A_92] {strides = array<i32>} : memref<2x128x64xf32, #tpu.memory_space<vmem>>, vector<16xf32>,
      tpu.vector_store %arg8[%swap3A_90, %swap3A_91, %swap3A_92], %broadcast_in_dim3A_88 {strides = array<i32>} : memref<2x128x64xf32, #tpu.memory_space<vmem>>, vector<16xf32>,
      %scan3A_94 = arith.constant 0 : i32
      scf.yield %scan3A_94 : i32
    }
    %scan3A_11 = arith.constant 128 : i32
    %mul3A = arith.constant 632 : i32
    %mul3A_12 = arith.muli %arg1, %mul3A : i32
    %add3A = arith.constant 0 : i32
    %add3A_13 = arith.addi %mul3A_12, %add3A : i32
    %run_scoped3A = arith.constant 0 : i32
    "tpu.region"() ({
      %run_scoped3A_66 = tpu.sem_alloc : memref<!tpu.dma_semaphore, #tpu.memory_space<semaphore_mem>>
      %dma_start3A_67 = arith.constant 0 : i32
      %dma_start3A_68 = arith.constant 0 : i32
      %dma_start3A_69 = tpu.memref_slice %arg8[%run_scoped3A, %dma_start3A_67, %dma_start3A_68] : memref<2x128x64xf32, #tpu.memory_space<vmem>> -> memref<1x128x64xf32, #tpu.memory_space<vmem>>
      %dma_start3A_70 = tpu.memref_squeeze %dma_start3A_69 : memref<1x128x64xf32, #tpu.memory_space<vmem>> -> memref<128x64xf32, #tpu.memory_space<vmem>>
      %dma_start3A_71 = arith.constant 0 : i32
      %dma_start3A_72 = tpu.memref_slice %arg11[%add3A_13, %dma_start3A_71] : memref<10112x64xf32, #tpu.memory_space<vmem_shared>> -> memref<128x64xf32, #tpu.memory_space<vmem_shared>>
      %dma_start3A_73 = arith.constant 0 : i32
      %dma_start3A_74 = tpu.memref_slice %arg11[%add3A_13, %dma_start3A_73] : memref<10112x64xf32, #tpu.memory_space<vmem_shared>> -> memref<128x64xf32, #tpu.memory_space<vmem_shared>>
      %dma_start3A_75 = arith.constant 0 : i32
      %dma_start3A_76 = arith.constant 0 : i32
      %dma_start3A_77 = tpu.memref_slice %arg8[%run_scoped3A, %dma_start3A_75, %dma_start3A_76] : memref<2x128x64xf32, #tpu.memory_space<vmem>> -> memref<1x128x64xf32, #tpu.memory_space<vmem>>
      %dma_start3A_78 = tpu.memref_squeeze %dma_start3A_77 : memref<1x128x64xf32, #tpu.memory_space<vmem>> -> memref<128x64xf32, #tpu.memory_space<vmem>>
      tpu.enqueue_dma source(%dma_start3A_78 : memref<128x64xf32, #tpu.memory_space<vmem>>) target(%dma_start3A_74 : memref<128x64xf32, #tpu.memory_space<vmem_shared>>) target_semaphore(%run_scoped3A_66 : memref<!tpu.dma_semaphore, #tpu.memory_space<semaphore_mem>>)
      %dma_wait3A = arith.constant 0 : i32
      %dma_wait3A_79 = arith.constant 0 : i32
      %dma_wait3A_80 = tpu.memref_slice %arg8[%run_scoped3A, %dma_wait3A, %dma_wait3A_79] : memref<2x128x64xf32, #tpu.memory_space<vmem>> -> memref<1x128x64xf32, #tpu.memory_space<vmem>>
      %dma_wait3A_81 = tpu.memref_squeeze %dma_wait3A_80 : memref<1x128x64xf32, #tpu.memory_space<vmem>> -> memref<128x64xf32, #tpu.memory_space<vmem>>
      %dma_wait3A_82 = arith.constant 0 : i32
      %dma_wait3A_83 = tpu.memref_slice %arg11[%add3A_13, %dma_wait3A_82] : memref<10112x64xf32, #tpu.memory_space<vmem_shared>> -> memref<128x64xf32, #tpu.memory_space<vmem_shared>>
      %dma_wait3A_84 = arith.constant 0 : i32
      %dma_wait3A_85 = tpu.memref_slice %arg11[%add3A_13, %dma_wait3A_84] : memref<10112x64xf32, #tpu.memory_space<vmem_shared>> -> memref<128x64xf32, #tpu.memory_space<vmem_shared>>
      %dma_wait3A_86 = arith.constant 0 : i32
      %dma_wait3A_87 = arith.constant 0 : i32
      %dma_wait3A_88 = tpu.memref_slice %arg8[%run_scoped3A, %dma_wait3A_86, %dma_wait3A_87] : memref<2x128x64xf32, #tpu.memory_space<vmem>> -> memref<1x128x64xf32, #tpu.memory_space<vmem>>
      %dma_wait3A_89 = tpu.memref_squeeze %dma_wait3A_88 : memref<1x128x64xf32, #tpu.memory_space<vmem>> -> memref<128x64xf32, #tpu.memory_space<vmem>>
      tpu.wait_dma2 semaphore(%run_scoped3A_66 : memref<!tpu.dma_semaphore, #tpu.memory_space<semaphore_mem>>) src(%dma_wait3A_89 : memref<128x64xf32, #tpu.memory_space<vmem>>) dst(%dma_wait3A_85 : memref<128x64xf32, #tpu.memory_space<vmem_shared>>)
      tpu.yield
    }) : () -> ()
    %mul3A_14 = arith.constant 632 : i32
    %mul3A_15 = arith.muli %arg1, %mul3A_14 : i32
    %add3A_16 = arith.constant 128 : i32
    %add3A_17 = arith.addi %mul3A_15, %add3A_16 : i32
    %run_scoped3A_18 = arith.constant 0 : i32
    "tpu.region"() ({
      %run_scoped3A_66 = tpu.sem_alloc : memref<!tpu.dma_semaphore, #tpu.memory_space<semaphore_mem>>
      %dma_start3A_67 = arith.constant 0 : i32
      %dma_start3A_68 = arith.constant 0 : i32
      %dma_start3A_69 = tpu.memref_slice %arg8[%run_scoped3A_18, %dma_start3A_67, %dma_start3A_68] : memref<2x128x64xf32, #tpu.memory_space<vmem>> -> memref<1x128x64xf32, #tpu.memory_space<vmem>>
      %dma_start3A_70 = tpu.memref_squeeze %dma_start3A_69 : memref<1x128x64xf32, #tpu.memory_space<vmem>> -> memref<128x64xf32, #tpu.memory_space<vmem>>
      %dma_start3A_71 = arith.constant 0 : i32
      %dma_start3A_72 = tpu.memref_slice %arg11[%add3A_17, %dma_start3A_71] : memref<10112x64xf32, #tpu.memory_space<vmem_shared>> -> memref<128x64xf32, #tpu.memory_space<vmem_shared>>
      %dma_start3A_73 = arith.constant 0 : i32
      %dma_start3A_74 = tpu.memref_slice %arg11[%add3A_17, %dma_start3A_73] : memref<10112x64xf32, #tpu.memory_space<vmem_shared>> -> memref<128x64xf32, #tpu.memory_space<vmem_shared>>
      %dma_start3A_75 = arith.constant 0 : i32
      %dma_start3A_76 = arith.constant 0 : i32
      %dma_start3A_77 = tpu.memref_slice %arg8[%run_scoped3A_18, %dma_start3A_75, %dma_start3A_76] : memref<2x128x64xf32, #tpu.memory_space<vmem>> -> memref<1x128x64xf32, #tpu.memory_space<vmem>>
      %dma_start3A_78 = tpu.memref_squeeze %dma_start3A_77 : memref<1x128x64xf32, #tpu.memory_space<vmem>> -> memref<128x64xf32, #tpu.memory_space<vmem>>
      tpu.enqueue_dma source(%dma_start3A_78 : memref<128x64xf32, #tpu.memory_space<vmem>>) target(%dma_start3A_74 : memref<128x64xf32, #tpu.memory_space<vmem_shared>>) target_semaphore(%run_scoped3A_66 : memref<!tpu.dma_semaphore, #tpu.memory_space<semaphore_mem>>)
      %dma_wait3A = arith.constant 0 : i32
      %dma_wait3A_79 = arith.constant 0 : i32
      %dma_wait3A_80 = tpu.memref_slice %arg8[%run_scoped3A_18, %dma_wait3A, %dma_wait3A_79] : memref<2x128x64xf32, #tpu.memory_space<vmem>> -> memref<1x128x64xf32, #tpu.memory_space<vmem>>
      %dma_wait3A_81 = tpu.memref_squeeze %dma_wait3A_80 : memref<1x128x64xf32, #tpu.memory_space<vmem>> -> memref<128x64xf32, #tpu.memory_space<vmem>>
      %dma_wait3A_82 = arith.constant 0 : i32
      %dma_wait3A_83 = tpu.memref_slice %arg11[%add3A_17, %dma_wait3A_82] : memref<10112x64xf32, #tpu.memory_space<vmem_shared>> -> memref<128x64xf32, #tpu.memory_space<vmem_shared>>
      %dma_wait3A_84 = arith.constant 0 : i32
      %dma_wait3A_85 = tpu.memref_slice %arg11[%add3A_17, %dma_wait3A_84] : memref<10112x64xf32, #tpu.memory_space<vmem_shared>> -> memref<128x64xf32, #tpu.memory_space<vmem_shared>>
      %dma_wait3A_86 = arith.constant 0 : i32
      %dma_wait3A_87 = arith.constant 0 : i32
      %dma_wait3A_88 = tpu.memref_slice %arg8[%run_scoped3A_18, %dma_wait3A_86, %dma_wait3A_87] : memref<2x128x64xf32, #tpu.memory_space<vmem>> -> memref<1x128x64xf32, #tpu.memory_space<vmem>>
      %dma_wait3A_89 = tpu.memref_squeeze %dma_wait3A_88 : memref<1x128x64xf32, #tpu.memory_space<vmem>> -> memref<128x64xf32, #tpu.memory_space<vmem>>
      tpu.wait_dma2 semaphore(%run_scoped3A_66 : memref<!tpu.dma_semaphore, #tpu.memory_space<semaphore_mem>>) src(%dma_wait3A_89 : memref<128x64xf32, #tpu.memory_space<vmem>>) dst(%dma_wait3A_85 : memref<128x64xf32, #tpu.memory_space<vmem_shared>>)
      tpu.yield
    }) : () -> ()
    %mul3A_19 = arith.constant 632 : i32
    %mul3A_20 = arith.muli %arg1, %mul3A_19 : i32
    %add3A_21 = arith.constant 256 : i32
    %add3A_22 = arith.addi %mul3A_20, %add3A_21 : i32
    %run_scoped3A_23 = arith.constant 0 : i32
    "tpu.region"() ({
      %run_scoped3A_66 = tpu.sem_alloc : memref<!tpu.dma_semaphore, #tpu.memory_space<semaphore_mem>>
      %dma_start3A_67 = arith.constant 0 : i32
      %dma_start3A_68 = arith.constant 0 : i32
      %dma_start3A_69 = tpu.memref_slice %arg8[%run_scoped3A_23, %dma_start3A_67, %dma_start3A_68] : memref<2x128x64xf32, #tpu.memory_space<vmem>> -> memref<1x128x64xf32, #tpu.memory_space<vmem>>
      %dma_start3A_70 = tpu.memref_squeeze %dma_start3A_69 : memref<1x128x64xf32, #tpu.memory_space<vmem>> -> memref<128x64xf32, #tpu.memory_space<vmem>>
      %dma_start3A_71 = arith.constant 0 : i32
      %dma_start3A_72 = tpu.memref_slice %arg11[%add3A_22, %dma_start3A_71] : memref<10112x64xf32, #tpu.memory_space<vmem_shared>> -> memref<128x64xf32, #tpu.memory_space<vmem_shared>>
      %dma_start3A_73 = arith.constant 0 : i32
      %dma_start3A_74 = tpu.memref_slice %arg11[%add3A_22, %dma_start3A_73] : memref<10112x64xf32, #tpu.memory_space<vmem_shared>> -> memref<128x64xf32, #tpu.memory_space<vmem_shared>>
      %dma_start3A_75 = arith.constant 0 : i32
      %dma_start3A_76 = arith.constant 0 : i32
      %dma_start3A_77 = tpu.memref_slice %arg8[%run_scoped3A_23, %dma_start3A_75, %dma_start3A_76] : memref<2x128x64xf32, #tpu.memory_space<vmem>> -> memref<1x128x64xf32, #tpu.memory_space<vmem>>
      %dma_start3A_78 = tpu.memref_squeeze %dma_start3A_77 : memref<1x128x64xf32, #tpu.memory_space<vmem>> -> memref<128x64xf32, #tpu.memory_space<vmem>>
      tpu.enqueue_dma source(%dma_start3A_78 : memref<128x64xf32, #tpu.memory_space<vmem>>) target(%dma_start3A_74 : memref<128x64xf32, #tpu.memory_space<vmem_shared>>) target_semaphore(%run_scoped3A_66 : memref<!tpu.dma_semaphore, #tpu.memory_space<semaphore_mem>>)
      %dma_wait3A = arith.constant 0 : i32
      %dma_wait3A_79 = arith.constant 0 : i32
      %dma_wait3A_80 = tpu.memref_slice %arg8[%run_scoped3A_23, %dma_wait3A, %dma_wait3A_79] : memref<2x128x64xf32, #tpu.memory_space<vmem>> -> memref<1x128x64xf32, #tpu.memory_space<vmem>>
      %dma_wait3A_81 = tpu.memref_squeeze %dma_wait3A_80 : memref<1x128x64xf32, #tpu.memory_space<vmem>> -> memref<128x64xf32, #tpu.memory_space<vmem>>
      %dma_wait3A_82 = arith.constant 0 : i32
      %dma_wait3A_83 = tpu.memref_slice %arg11[%add3A_22, %dma_wait3A_82] : memref<10112x64xf32, #tpu.memory_space<vmem_shared>> -> memref<128x64xf32, #tpu.memory_space<vmem_shared>>
      %dma_wait3A_84 = arith.constant 0 : i32
      %dma_wait3A_85 = tpu.memref_slice %arg11[%add3A_22, %dma_wait3A_84] : memref<10112x64xf32, #tpu.memory_space<vmem_shared>> -> memref<128x64xf32, #tpu.memory_space<vmem_shared>>
      %dma_wait3A_86 = arith.constant 0 : i32
      %dma_wait3A_87 = arith.constant 0 : i32
      %dma_wait3A_88 = tpu.memref_slice %arg8[%run_scoped3A_23, %dma_wait3A_86, %dma_wait3A_87] : memref<2x128x64xf32, #tpu.memory_space<vmem>> -> memref<1x128x64xf32, #tpu.memory_space<vmem>>
      %dma_wait3A_89 = tpu.memref_squeeze %dma_wait3A_88 : memref<1x128x64xf32, #tpu.memory_space<vmem>> -> memref<128x64xf32, #tpu.memory_space<vmem>>
      tpu.wait_dma2 semaphore(%run_scoped3A_66 : memref<!tpu.dma_semaphore, #tpu.memory_space<semaphore_mem>>) src(%dma_wait3A_89 : memref<128x64xf32, #tpu.memory_space<vmem>>) dst(%dma_wait3A_85 : memref<128x64xf32, #tpu.memory_space<vmem_shared>>)
      tpu.yield
    }) : () -> ()
    %mul3A_24 = arith.constant 632 : i32
    %mul3A_25 = arith.muli %arg1, %mul3A_24 : i32
    %add3A_26 = arith.constant 384 : i32
    %add3A_27 = arith.addi %mul3A_25, %add3A_26 : i32
    %run_scoped3A_28 = arith.constant 0 : i32
    "tpu.region"() ({
      %run_scoped3A_66 = tpu.sem_alloc : memref<!tpu.dma_semaphore, #tpu.memory_space<semaphore_mem>>
      %dma_start3A_67 = arith.constant 0 : i32
      %dma_start3A_68 = arith.constant 0 : i32
      %dma_start3A_69 = tpu.memref_slice %arg8[%run_scoped3A_28, %dma_start3A_67, %dma_start3A_68] : memref<2x128x64xf32, #tpu.memory_space<vmem>> -> memref<1x128x64xf32, #tpu.memory_space<vmem>>
      %dma_start3A_70 = tpu.memref_squeeze %dma_start3A_69 : memref<1x128x64xf32, #tpu.memory_space<vmem>> -> memref<128x64xf32, #tpu.memory_space<vmem>>
      %dma_start3A_71 = arith.constant 0 : i32
      %dma_start3A_72 = tpu.memref_slice %arg11[%add3A_27, %dma_start3A_71] : memref<10112x64xf32, #tpu.memory_space<vmem_shared>> -> memref<128x64xf32, #tpu.memory_space<vmem_shared>>
      %dma_start3A_73 = arith.constant 0 : i32
      %dma_start3A_74 = tpu.memref_slice %arg11[%add3A_27, %dma_start3A_73] : memref<10112x64xf32, #tpu.memory_space<vmem_shared>> -> memref<128x64xf32, #tpu.memory_space<vmem_shared>>
      %dma_start3A_75 = arith.constant 0 : i32
      %dma_start3A_76 = arith.constant 0 : i32
      %dma_start3A_77 = tpu.memref_slice %arg8[%run_scoped3A_28, %dma_start3A_75, %dma_start3A_76] : memref<2x128x64xf32, #tpu.memory_space<vmem>> -> memref<1x128x64xf32, #tpu.memory_space<vmem>>
      %dma_start3A_78 = tpu.memref_squeeze %dma_start3A_77 : memref<1x128x64xf32, #tpu.memory_space<vmem>> -> memref<128x64xf32, #tpu.memory_space<vmem>>
      tpu.enqueue_dma source(%dma_start3A_78 : memref<128x64xf32, #tpu.memory_space<vmem>>) target(%dma_start3A_74 : memref<128x64xf32, #tpu.memory_space<vmem_shared>>) target_semaphore(%run_scoped3A_66 : memref<!tpu.dma_semaphore, #tpu.memory_space<semaphore_mem>>)
      %dma_wait3A = arith.constant 0 : i32
      %dma_wait3A_79 = arith.constant 0 : i32
      %dma_wait3A_80 = tpu.memref_slice %arg8[%run_scoped3A_28, %dma_wait3A, %dma_wait3A_79] : memref<2x128x64xf32, #tpu.memory_space<vmem>> -> memref<1x128x64xf32, #tpu.memory_space<vmem>>
      %dma_wait3A_81 = tpu.memref_squeeze %dma_wait3A_80 : memref<1x128x64xf32, #tpu.memory_space<vmem>> -> memref<128x64xf32, #tpu.memory_space<vmem>>
      %dma_wait3A_82 = arith.constant 0 : i32
      %dma_wait3A_83 = tpu.memref_slice %arg11[%add3A_27, %dma_wait3A_82] : memref<10112x64xf32, #tpu.memory_space<vmem_shared>> -> memref<128x64xf32, #tpu.memory_space<vmem_shared>>
      %dma_wait3A_84 = arith.constant 0 : i32
      %dma_wait3A_85 = tpu.memref_slice %arg11[%add3A_27, %dma_wait3A_84] : memref<10112x64xf32, #tpu.memory_space<vmem_shared>> -> memref<128x64xf32, #tpu.memory_space<vmem_shared>>
      %dma_wait3A_86 = arith.constant 0 : i32
      %dma_wait3A_87 = arith.constant 0 : i32
      %dma_wait3A_88 = tpu.memref_slice %arg8[%run_scoped3A_28, %dma_wait3A_86, %dma_wait3A_87] : memref<2x128x64xf32, #tpu.memory_space<vmem>> -> memref<1x128x64xf32, #tpu.memory_space<vmem>>
      %dma_wait3A_89 = tpu.memref_squeeze %dma_wait3A_88 : memref<1x128x64xf32, #tpu.memory_space<vmem>> -> memref<128x64xf32, #tpu.memory_space<vmem>>
      tpu.wait_dma2 semaphore(%run_scoped3A_66 : memref<!tpu.dma_semaphore, #tpu.memory_space<semaphore_mem>>) src(%dma_wait3A_89 : memref<128x64xf32, #tpu.memory_space<vmem>>) dst(%dma_wait3A_85 : memref<128x64xf32, #tpu.memory_space<vmem_shared>>)
      tpu.yield
    }) : () -> ()
    %mul3A_29 = arith.constant 632 : i32
    %mul3A_30 = arith.muli %arg1, %mul3A_29 : i32
    %add3A_31 = arith.constant 512 : i32
    %add3A_32 = arith.addi %mul3A_30, %add3A_31 : i32
    %run_scoped3A_33 = arith.constant 0 : i32
    "tpu.region"() ({
      %run_scoped3A_66 = tpu.sem_alloc : memref<!tpu.dma_semaphore, #tpu.memory_space<semaphore_mem>>
      %dma_start3A_67 = arith.constant 0 : i32
      %dma_start3A_68 = arith.constant 0 : i32
      %dma_start3A_69 = tpu.memref_slice %arg8[%run_scoped3A_33, %dma_start3A_67, %dma_start3A_68] : memref<2x128x64xf32, #tpu.memory_space<vmem>> -> memref<1x120x64xf32, #tpu.memory_space<vmem>>
      %dma_start3A_70 = tpu.memref_squeeze %dma_start3A_69 : memref<1x120x64xf32, #tpu.memory_space<vmem>> -> memref<120x64xf32, #tpu.memory_space<vmem>>
      %dma_start3A_71 = arith.constant 0 : i32
      %dma_start3A_72 = tpu.memref_slice %arg11[%add3A_32, %dma_start3A_71] : memref<10112x64xf32, #tpu.memory_space<vmem_shared>> -> memref<120x64xf32, #tpu.memory_space<vmem_shared>>
      %dma_start3A_73 = arith.constant 0 : i32
      %dma_start3A_74 = tpu.memref_slice %arg11[%add3A_32, %dma_start3A_73] : memref<10112x64xf32, #tpu.memory_space<vmem_shared>> -> memref<120x64xf32, #tpu.memory_space<vmem_shared>>
      %dma_start3A_75 = arith.constant 0 : i32
      %dma_start3A_76 = arith.constant 0 : i32
      %dma_start3A_77 = tpu.memref_slice %arg8[%run_scoped3A_33, %dma_start3A_75, %dma_start3A_76] : memref<2x128x64xf32, #tpu.memory_space<vmem>> -> memref<1x120x64xf32, #tpu.memory_space<vmem>>
      %dma_start3A_78 = tpu.memref_squeeze %dma_start3A_77 : memref<1x120x64xf32, #tpu.memory_space<vmem>> -> memref<120x64xf32, #tpu.memory_space<vmem>>
      tpu.enqueue_dma source(%dma_start3A_78 : memref<120x64xf32, #tpu.memory_space<vmem>>) target(%dma_start3A_74 : memref<120x64xf32, #tpu.memory_space<vmem_shared>>) target_semaphore(%run_scoped3A_66 : memref<!tpu.dma_semaphore, #tpu.memory_space<semaphore_mem>>)
      %dma_wait3A = arith.constant 0 : i32
      %dma_wait3A_79 = arith.constant 0 : i32
      %dma_wait3A_80 = tpu.memref_slice %arg8[%run_scoped3A_33, %dma_wait3A, %dma_wait3A_79] : memref<2x128x64xf32, #tpu.memory_space<vmem>> -> memref<1x120x64xf32, #tpu.memory_space<vmem>>
      %dma_wait3A_81 = tpu.memref_squeeze %dma_wait3A_80 : memref<1x120x64xf32, #tpu.memory_space<vmem>> -> memref<120x64xf32, #tpu.memory_space<vmem>>
      %dma_wait3A_82 = arith.constant 0 : i32
      %dma_wait3A_83 = tpu.memref_slice %arg11[%add3A_32, %dma_wait3A_82] : memref<10112x64xf32, #tpu.memory_space<vmem_shared>> -> memref<120x64xf32, #tpu.memory_space<vmem_shared>>
      %dma_wait3A_84 = arith.constant 0 : i32
      %dma_wait3A_85 = tpu.memref_slice %arg11[%add3A_32, %dma_wait3A_84] : memref<10112x64xf32, #tpu.memory_space<vmem_shared>> -> memref<120x64xf32, #tpu.memory_space<vmem_shared>>
      %dma_wait3A_86 = arith.constant 0 : i32
      %dma_wait3A_87 = arith.constant 0 : i32
      %dma_wait3A_88 = tpu.memref_slice %arg8[%run_scoped3A_33, %dma_wait3A_86, %dma_wait3A_87] : memref<2x128x64xf32, #tpu.memory_space<vmem>> -> memref<1x120x64xf32, #tpu.memory_space<vmem>>
      %dma_wait3A_89 = tpu.memref_squeeze %dma_wait3A_88 : memref<1x120x64xf32, #tpu.memory_space<vmem>> -> memref<120x64xf32, #tpu.memory_space<vmem>>
      tpu.wait_dma2 semaphore(%run_scoped3A_66 : memref<!tpu.dma_semaphore, #tpu.memory_space<semaphore_mem>>) src(%dma_wait3A_89 : memref<120x64xf32, #tpu.memory_space<vmem>>) dst(%dma_wait3A_85 : memref<120x64xf32, #tpu.memory_space<vmem_shared>>)
      tpu.yield
    }) : () -> ()
    %barrier3A = arith.constant 0 : index
    tpu.barrier barrier_id(%barrier3A)
    %mul3A_34 = arith.constant 161792 : i32
    %mul3A_35 = arith.muli %arg0, %mul3A_34 : i32
    %mul3A_36 = arith.constant 10112 : i32
    %mul3A_37 = arith.muli %arg1, %mul3A_36 : i32
    %add3A_38 = arith.addi %mul3A_35, %mul3A_37 : i32
    "tpu.region"() ({
      %run_scoped3A_66 = tpu.sem_alloc : memref<!tpu.dma_semaphore, #tpu.memory_space<semaphore_mem>>
      %dma_start3A_67 = arith.constant 0 : i32
      %dma_start3A_68 = tpu.memref_slice %arg6[%dma_start3A_67] : memref<20224xi32, #tpu.memory_space<vmem>> -> memref<10112xi32, #tpu.memory_space<vmem>>
      %dma_start3A_69 = tpu.memref_slice %arg2[%add3A_38] : memref<323584xi32, #tpu.memory_space<hbm>> -> memref<10112xi32, #tpu.memory_space<hbm>>
      %dma_start3A_70 = arith.constant 0 : i32
      %dma_start3A_71 = tpu.memref_slice %arg6[%dma_start3A_70] : memref<20224xi32, #tpu.memory_space<vmem>> -> memref<10112xi32, #tpu.memory_space<vmem>>
      %dma_start3A_72 = tpu.memref_slice %arg2[%add3A_38] : memref<323584xi32, #tpu.memory_space<hbm>> -> memref<10112xi32, #tpu.memory_space<hbm>>
      tpu.enqueue_dma source(%dma_start3A_72 : memref<10112xi32, #tpu.memory_space<hbm>>) target(%dma_start3A_71 : memref<10112xi32, #tpu.memory_space<vmem>>) target_semaphore(%run_scoped3A_66 : memref<!tpu.dma_semaphore, #tpu.memory_space<semaphore_mem>>)
      %dma_wait3A = arith.constant 0 : i32
      %dma_wait3A_73 = tpu.memref_slice %arg6[%dma_wait3A] : memref<20224xi32, #tpu.memory_space<vmem>> -> memref<10112xi32, #tpu.memory_space<vmem>>
      %dma_wait3A_74 = tpu.memref_slice %arg2[%add3A_38] : memref<323584xi32, #tpu.memory_space<hbm>> -> memref<10112xi32, #tpu.memory_space<hbm>>
      %dma_wait3A_75 = arith.constant 0 : i32
      %dma_wait3A_76 = tpu.memref_slice %arg6[%dma_wait3A_75] : memref<20224xi32, #tpu.memory_space<vmem>> -> memref<10112xi32, #tpu.memory_space<vmem>>
      %dma_wait3A_77 = tpu.memref_slice %arg2[%add3A_38] : memref<323584xi32, #tpu.memory_space<hbm>> -> memref<10112xi32, #tpu.memory_space<hbm>>
      tpu.wait_dma2 semaphore(%run_scoped3A_66 : memref<!tpu.dma_semaphore, #tpu.memory_space<semaphore_mem>>) src(%dma_wait3A_77 : memref<10112xi32, #tpu.memory_space<hbm>>) dst(%dma_wait3A_76 : memref<10112xi32, #tpu.memory_space<vmem>>)
      tpu.yield
    }) : () -> ()
    "tpu.region"() ({
      %run_scoped3A_66 = tpu.sem_alloc : memref<!tpu.dma_semaphore, #tpu.memory_space<semaphore_mem>>
      %dma_start3A_67 = arith.constant 10112 : i32
      %dma_start3A_68 = tpu.memref_slice %arg6[%dma_start3A_67] : memref<20224xi32, #tpu.memory_space<vmem>> -> memref<10112xi32, #tpu.memory_space<vmem>>
      %dma_start3A_69 = tpu.memref_slice %arg3[%add3A_38] : memref<323584xi32, #tpu.memory_space<hbm>> -> memref<10112xi32, #tpu.memory_space<hbm>>
      %dma_start3A_70 = arith.constant 10112 : i32
      %dma_start3A_71 = tpu.memref_slice %arg6[%dma_start3A_70] : memref<20224xi32, #tpu.memory_space<vmem>> -> memref<10112xi32, #tpu.memory_space<vmem>>
      %dma_start3A_72 = tpu.memref_slice %arg3[%add3A_38] : memref<323584xi32, #tpu.memory_space<hbm>> -> memref<10112xi32, #tpu.memory_space<hbm>>
      tpu.enqueue_dma source(%dma_start3A_72 : memref<10112xi32, #tpu.memory_space<hbm>>) target(%dma_start3A_71 : memref<10112xi32, #tpu.memory_space<vmem>>) target_semaphore(%run_scoped3A_66 : memref<!tpu.dma_semaphore, #tpu.memory_space<semaphore_mem>>)
      %dma_wait3A = arith.constant 10112 : i32
      %dma_wait3A_73 = tpu.memref_slice %arg6[%dma_wait3A] : memref<20224xi32, #tpu.memory_space<vmem>> -> memref<10112xi32, #tpu.memory_space<vmem>>
      %dma_wait3A_74 = tpu.memref_slice %arg3[%add3A_38] : memref<323584xi32, #tpu.memory_space<hbm>> -> memref<10112xi32, #tpu.memory_space<hbm>>
      %dma_wait3A_75 = arith.constant 10112 : i32
      %dma_wait3A_76 = tpu.memref_slice %arg6[%dma_wait3A_75] : memref<20224xi32, #tpu.memory_space<vmem>> -> memref<10112xi32, #tpu.memory_space<vmem>>
      %dma_wait3A_77 = tpu.memref_slice %arg3[%add3A_38] : memref<323584xi32, #tpu.memory_space<hbm>> -> memref<10112xi32, #tpu.memory_space<hbm>>
      tpu.wait_dma2 semaphore(%run_scoped3A_66 : memref<!tpu.dma_semaphore, #tpu.memory_space<semaphore_mem>>) src(%dma_wait3A_77 : memref<10112xi32, #tpu.memory_space<hbm>>) dst(%dma_wait3A_76 : memref<10112xi32, #tpu.memory_space<vmem>>)
      tpu.yield
    }) : () -> ()
    %dma_start3A = arith.constant 0 : i32
    %dma_start3A_39 = arith.constant 0 : i32
    %dma_start3A_40 = arith.constant 0 : i32
    %dma_start3A_41 = arith.constant 0 : i32
    %dma_start3A_42 = tpu.memref_slice %arg8[%dma_start3A, %dma_start3A_40, %dma_start3A_41] : memref<2x128x64xf32, #tpu.memory_space<vmem>> -> memref<1x128x64xf32, #tpu.memory_space<vmem>>
    %dma_start3A_43 = tpu.memref_squeeze %dma_start3A_42 : memref<1x128x64xf32, #tpu.memory_space<vmem>> -> memref<128x64xf32, #tpu.memory_space<vmem>>
    %dma_start3A_44 = arith.constant 0 : i32
    %dma_start3A_45 = tpu.memref_slice %arg6[%dma_start3A_44] : memref<20224xi32, #tpu.memory_space<vmem>> -> memref<128xi32, #tpu.memory_space<vmem>>
    %dma_start3A_46 = arith.constant 0 : i32
    %dma_start3A_47 = arith.constant 0 : i32
    %dma_start3A_48 = tpu.memref_slice %arg12[%dma_start3A_46, %dma_start3A_47] : memref<10112x64xf32, #tpu.memory_space<vmem_shared>> -> memref<10112x64xf32, #tpu.memory_space<vmem_shared>>
    %dma_start3A_49 = tpu.memref_slice %arg9[%dma_start3A_39] : memref<2x!tpu.dma_semaphore, #tpu.memory_space<semaphore_mem>> -> memref<1x!tpu.dma_semaphore, #tpu.memory_space<semaphore_mem>>
    %dma_start3A_50 = tpu.memref_squeeze %dma_start3A_49 : memref<1x!tpu.dma_semaphore, #tpu.memory_space<semaphore_mem>> -> memref<!tpu.dma_semaphore, #tpu.memory_space<semaphore_mem>>
    tpu.enqueue_indirect_dma source(%dma_start3A_48 : memref<10112x64xf32, #tpu.memory_space<vmem_shared>>) target(%dma_start3A_43 : memref<128x64xf32, #tpu.memory_space<vmem>>) offsets(%dma_start3A_45 : memref<128xi32, #tpu.memory_space<vmem>>) semaphore(%dma_start3A_50 : memref<!tpu.dma_semaphore, #tpu.memory_space<semaphore_mem>>)
    %scan3A_51 = arith.constant 0 : i32
    %scan3A_52 = arith.constant 0 : i32
    %scan3A_53 = arith.constant 79 : i32
    %scan3A_54 = arith.addi %scan3A_52, %scan3A_53 : i32
    %scan3A_55 = arith.constant 1 : i32
    %scan3A_56 = scf.for %scan3A_66 = %scan3A_52 to %scan3A_54 step %scan3A_55 iter_args(%scan3A_67 = %scan3A_51) -> (i32)  : i32 {
      %rem3A = arith.constant 2 : i32
      %rem3A_68 = arith.remsi %scan3A_66, %rem3A : i32
      %sub3A = arith.constant 1 : i32
      %sub3A_69 = arith.subi %sub3A, %rem3A_68 : i32
      %add3A_70 = arith.constant 1 : i32
      %add3A_71 = arith.addi %scan3A_66, %add3A_70 : i32
      %lt3A_72 = arith.constant 79 : i32
      %lt3A_73 = arith.cmpi slt, %add3A_71, %lt3A_72 : i32
      %convert_element_type3A_74 = arith.extui %lt3A_73 : i1 to i32
      %cond3A_75 = arith.constant 0 : i32
      %cond3A_76 = arith.cmpi ne, %convert_element_type3A_74, %cond3A_75 : i32
      scf.if %cond3A_76 {
        %add3A_243 = arith.constant 1 : i32
        %add3A_244 = arith.addi %scan3A_66, %add3A_243 : i32
        %mul3A_245 = arith.constant 128 : i32
        %mul3A_246 = arith.muli %add3A_244, %mul3A_245 : i32
        %dma_start3A_247 = arith.constant 0 : i32
        %dma_start3A_248 = arith.constant 0 : i32
        %dma_start3A_249 = tpu.memref_slice %arg8[%sub3A_69, %dma_start3A_247, %dma_start3A_248] : memref<2x128x64xf32, #tpu.memory_space<vmem>> -> memref<1x128x64xf32, #tpu.memory_space<vmem>>
        %dma_start3A_250 = tpu.memref_squeeze %dma_start3A_249 : memref<1x128x64xf32, #tpu.memory_space<vmem>> -> memref<128x64xf32, #tpu.memory_space<vmem>>
        %dma_start3A_251 = tpu.memref_slice %arg6[%mul3A_246] : memref<20224xi32, #tpu.memory_space<vmem>> -> memref<128xi32, #tpu.memory_space<vmem>>
        %dma_start3A_252 = arith.constant 0 : i32
        %dma_start3A_253 = arith.constant 0 : i32
        %dma_start3A_254 = tpu.memref_slice %arg12[%dma_start3A_252, %dma_start3A_253] : memref<10112x64xf32, #tpu.memory_space<vmem_shared>> -> memref<10112x64xf32, #tpu.memory_space<vmem_shared>>
        %dma_start3A_255 = tpu.memref_slice %arg9[%sub3A_69] : memref<2x!tpu.dma_semaphore, #tpu.memory_space<semaphore_mem>> -> memref<1x!tpu.dma_semaphore, #tpu.memory_space<semaphore_mem>>
        %dma_start3A_256 = tpu.memref_squeeze %dma_start3A_255 : memref<1x!tpu.dma_semaphore, #tpu.memory_space<semaphore_mem>> -> memref<!tpu.dma_semaphore, #tpu.memory_space<semaphore_mem>>
        tpu.enqueue_indirect_dma source(%dma_start3A_254 : memref<10112x64xf32, #tpu.memory_space<vmem_shared>>) target(%dma_start3A_250 : memref<128x64xf32, #tpu.memory_space<vmem>>) offsets(%dma_start3A_251 : memref<128xi32, #tpu.memory_space<vmem>>) semaphore(%dma_start3A_256 : memref<!tpu.dma_semaphore, #tpu.memory_space<semaphore_mem>>)
      } else {
      }
      %mul3A_77 = arith.constant 128 : i32
      %mul3A_78 = arith.muli %scan3A_66, %mul3A_77 : i32
      %dma_wait3A = arith.constant 0 : i32
      %dma_wait3A_79 = arith.constant 0 : i32
      %dma_wait3A_80 = tpu.memref_slice %arg8[%rem3A_68, %dma_wait3A, %dma_wait3A_79] : memref<2x128x64xf32, #tpu.memory_space<vmem>> -> memref<1x128x64xf32, #tpu.memory_space<vmem>>
      %dma_wait3A_81 = tpu.memref_squeeze %dma_wait3A_80 : memref<1x128x64xf32, #tpu.memory_space<vmem>> -> memref<128x64xf32, #tpu.memory_space<vmem>>
      %dma_wait3A_82 = tpu.memref_slice %arg6[%mul3A_78] : memref<20224xi32, #tpu.memory_space<vmem>> -> memref<128xi32, #tpu.memory_space<vmem>>
      %dma_wait3A_83 = arith.constant 0 : i32
      %dma_wait3A_84 = arith.constant 0 : i32
      %dma_wait3A_85 = tpu.memref_slice %arg12[%dma_wait3A_83, %dma_wait3A_84] : memref<10112x64xf32, #tpu.memory_space<vmem_shared>> -> memref<10112x64xf32, #tpu.memory_space<vmem_shared>>
      %dma_wait3A_86 = tpu.memref_slice %arg9[%rem3A_68] : memref<2x!tpu.dma_semaphore, #tpu.memory_space<semaphore_mem>> -> memref<1x!tpu.dma_semaphore, #tpu.memory_space<semaphore_mem>>
      %dma_wait3A_87 = tpu.memref_squeeze %dma_wait3A_86 : memref<1x!tpu.dma_semaphore, #tpu.memory_space<semaphore_mem>> -> memref<!tpu.dma_semaphore, #tpu.memory_space<semaphore_mem>>
      tpu.wait_indirect_dma semaphore(%dma_wait3A_87 : memref<!tpu.dma_semaphore, #tpu.memory_space<semaphore_mem>>) src(%dma_wait3A_85 : memref<10112x64xf32, #tpu.memory_space<vmem_shared>>) dst(%dma_wait3A_81 : memref<128x64xf32, #tpu.memory_space<vmem>>)
      %mul3A_88 = arith.constant 128 : i32
      %mul3A_89 = arith.muli %scan3A_66, %mul3A_88 : i32
      %add3A_90 = arith.constant 10112 : i32
      %add3A_91 = arith.addi %add3A_90, %mul3A_89 : i32
      %add3A_92 = arith.constant 0 : i32
      %add3A_93 = arith.addi %add3A_91, %add3A_92 : i32
      %add3A_94 = arith.constant 0 : i32
      %add3A_95 = arith.addi %add3A_93, %add3A_94 : i32
      %get3A = arith.index_cast %add3A_95 : i32 to index
      %get3A_96 = tpu.vector_load %arg6[%get3A] {strides = array<i32>} : memref<20224xi32, #tpu.memory_space<vmem>>, vector<16xi32>,
      %swap3A = arith.constant 0 : i32
      %swap3A_97 = arith.index_cast %swap3A : i32 to index
      %swap3A_98 = arith.constant 0 : index
      %swap3A_99 = tpu.vector_load %arg7[%swap3A_97, %swap3A_98] {strides = array<i32>} : memref<2x64xi32, #tpu.memory_space<vmem>>, vector<16xi32>,
      tpu.vector_store %arg7[%swap3A_97, %swap3A_98], %get3A_96 {strides = array<i32>} : memref<2x64xi32, #tpu.memory_space<vmem>>, vector<16xi32>,
      %mul3A_100 = arith.constant 128 : i32
      %mul3A_101 = arith.muli %scan3A_66, %mul3A_100 : i32
      %add3A_102 = arith.constant 10112 : i32
      %add3A_103 = arith.addi %add3A_102, %mul3A_101 : i32
      %add3A_104 = arith.constant 0 : i32
      %add3A_105 = arith.addi %add3A_103, %add3A_104 : i32
      %add3A_106 = arith.constant 16 : i32
      %add3A_107 = arith.addi %add3A_105, %add3A_106 : i32
      %get3A_108 = arith.index_cast %add3A_107 : i32 to index
      %get3A_109 = tpu.vector_load %arg6[%get3A_108] {strides = array<i32>} : memref<20224xi32, #tpu.memory_space<vmem>>, vector<16xi32>,
      %swap3A_110 = arith.constant 0 : i32
      %swap3A_111 = arith.index_cast %swap3A_110 : i32 to index
      %swap3A_112 = arith.constant 16 : index
      %swap3A_113 = tpu.vector_load %arg7[%swap3A_111, %swap3A_112] {strides = array<i32>} : memref<2x64xi32, #tpu.memory_space<vmem>>, vector<16xi32>,
      tpu.vector_store %arg7[%swap3A_111, %swap3A_112], %get3A_109 {strides = array<i32>} : memref<2x64xi32, #tpu.memory_space<vmem>>, vector<16xi32>,
      %mul3A_114 = arith.constant 128 : i32
      %mul3A_115 = arith.muli %scan3A_66, %mul3A_114 : i32
      %add3A_116 = arith.constant 10112 : i32
      %add3A_117 = arith.addi %add3A_116, %mul3A_115 : i32
      %add3A_118 = arith.constant 0 : i32
      %add3A_119 = arith.addi %add3A_117, %add3A_118 : i32
      %add3A_120 = arith.constant 32 : i32
      %add3A_121 = arith.addi %add3A_119, %add3A_120 : i32
      %get3A_122 = arith.index_cast %add3A_121 : i32 to index
      %get3A_123 = tpu.vector_load %arg6[%get3A_122] {strides = array<i32>} : memref<20224xi32, #tpu.memory_space<vmem>>, vector<16xi32>,
      %swap3A_124 = arith.constant 0 : i32
      %swap3A_125 = arith.index_cast %swap3A_124 : i32 to index
      %swap3A_126 = arith.constant 32 : index
      %swap3A_127 = tpu.vector_load %arg7[%swap3A_125, %swap3A_126] {strides = array<i32>} : memref<2x64xi32, #tpu.memory_space<vmem>>, vector<16xi32>,
      tpu.vector_store %arg7[%swap3A_125, %swap3A_126], %get3A_123 {strides = array<i32>} : memref<2x64xi32, #tpu.memory_space<vmem>>, vector<16xi32>,
      %mul3A_128 = arith.constant 128 : i32
      %mul3A_129 = arith.muli %scan3A_66, %mul3A_128 : i32
      %add3A_130 = arith.constant 10112 : i32
      %add3A_131 = arith.addi %add3A_130, %mul3A_129 : i32
      %add3A_132 = arith.constant 0 : i32
      %add3A_133 = arith.addi %add3A_131, %add3A_132 : i32
      %add3A_134 = arith.constant 48 : i32
      %add3A_135 = arith.addi %add3A_133, %add3A_134 : i32
      %get3A_136 = arith.index_cast %add3A_135 : i32 to index
      %get3A_137 = tpu.vector_load %arg6[%get3A_136] {strides = array<i32>} : memref<20224xi32, #tpu.memory_space<vmem>>, vector<16xi32>,
      %swap3A_138 = arith.constant 0 : i32
      %swap3A_139 = arith.index_cast %swap3A_138 : i32 to index
      %swap3A_140 = arith.constant 48 : index
      %swap3A_141 = tpu.vector_load %arg7[%swap3A_139, %swap3A_140] {strides = array<i32>} : memref<2x64xi32, #tpu.memory_space<vmem>>, vector<16xi32>,
      tpu.vector_store %arg7[%swap3A_139, %swap3A_140], %get3A_137 {strides = array<i32>} : memref<2x64xi32, #tpu.memory_space<vmem>>, vector<16xi32>,
      %dma_start3A_142 = arith.constant 0 : i32
      %dma_start3A_143 = arith.constant 0 : i32
      %dma_start3A_144 = arith.constant 0 : i32
      %dma_start3A_145 = tpu.memref_slice %arg8[%rem3A_68, %dma_start3A_143, %dma_start3A_144] : memref<2x128x64xf32, #tpu.memory_space<vmem>> -> memref<1x64x64xf32, #tpu.memory_space<vmem>>
      %dma_start3A_146 = tpu.memref_squeeze %dma_start3A_145 : memref<1x64x64xf32, #tpu.memory_space<vmem>> -> memref<64x64xf32, #tpu.memory_space<vmem>>
      %dma_start3A_147 = arith.constant 0 : i32
      %dma_start3A_148 = tpu.memref_slice %arg7[%dma_start3A_142, %dma_start3A_147] : memref<2x64xi32, #tpu.memory_space<vmem>> -> memref<1x64xi32, #tpu.memory_space<vmem>>
      %dma_start3A_149 = tpu.memref_squeeze %dma_start3A_148 : memref<1x64xi32, #tpu.memory_space<vmem>> -> memref<64xi32, #tpu.memory_space<vmem>>
      %dma_start3A_150 = arith.constant 0 : i32
      %dma_start3A_151 = arith.constant 0 : i32
      %dma_start3A_152 = tpu.memref_slice %arg11[%dma_start3A_150, %dma_start3A_151] : memref<10112x64xf32, #tpu.memory_space<vmem_shared>> -> memref<10112x64xf32, #tpu.memory_space<vmem_shared>>
      tpu.enqueue_indirect_dma source(%dma_start3A_146 : memref<64x64xf32, #tpu.memory_space<vmem>>) target(%dma_start3A_152 : memref<10112x64xf32, #tpu.memory_space<vmem_shared>>) offsets(%dma_start3A_149 : memref<64xi32, #tpu.memory_space<vmem>>) semaphore(%arg10 : memref<!tpu.dma_semaphore, #tpu.memory_space<semaphore_mem>>) {add = true}
      %mul3A_153 = arith.constant 128 : i32
      %mul3A_154 = arith.muli %scan3A_66, %mul3A_153 : i32
      %add3A_155 = arith.constant 10112 : i32
      %add3A_156 = arith.addi %add3A_155, %mul3A_154 : i32
      %add3A_157 = arith.constant 64 : i32
      %add3A_158 = arith.addi %add3A_156, %add3A_157 : i32
      %add3A_159 = arith.constant 0 : i32
      %add3A_160 = arith.addi %add3A_158, %add3A_159 : i32
      %get3A_161 = arith.index_cast %add3A_160 : i32 to index
      %get3A_162 = tpu.vector_load %arg6[%get3A_161] {strides = array<i32>} : memref<20224xi32, #tpu.memory_space<vmem>>, vector<16xi32>,
      %swap3A_163 = arith.constant 1 : i32
      %swap3A_164 = arith.index_cast %swap3A_163 : i32 to index
      %swap3A_165 = arith.constant 0 : index
      %swap3A_166 = tpu.vector_load %arg7[%swap3A_164, %swap3A_165] {strides = array<i32>} : memref<2x64xi32, #tpu.memory_space<vmem>>, vector<16xi32>,
      tpu.vector_store %arg7[%swap3A_164, %swap3A_165], %get3A_162 {strides = array<i32>} : memref<2x64xi32, #tpu.memory_space<vmem>>, vector<16xi32>,
      %mul3A_167 = arith.constant 128 : i32
      %mul3A_168 = arith.muli %scan3A_66, %mul3A_167 : i32
      %add3A_169 = arith.constant 10112 : i32
      %add3A_170 = arith.addi %add3A_169, %mul3A_168 : i32
      %add3A_171 = arith.constant 64 : i32
      %add3A_172 = arith.addi %add3A_170, %add3A_171 : i32
      %add3A_173 = arith.constant 16 : i32
      %add3A_174 = arith.addi %add3A_172, %add3A_173 : i32
      %get3A_175 = arith.index_cast %add3A_174 : i32 to index
      %get3A_176 = tpu.vector_load %arg6[%get3A_175] {strides = array<i32>} : memref<20224xi32, #tpu.memory_space<vmem>>, vector<16xi32>,
      %swap3A_177 = arith.constant 1 : i32
      %swap3A_178 = arith.index_cast %swap3A_177 : i32 to index
      %swap3A_179 = arith.constant 16 : index
      %swap3A_180 = tpu.vector_load %arg7[%swap3A_178, %swap3A_179] {strides = array<i32>} : memref<2x64xi32, #tpu.memory_space<vmem>>, vector<16xi32>,
      tpu.vector_store %arg7[%swap3A_178, %swap3A_179], %get3A_176 {strides = array<i32>} : memref<2x64xi32, #tpu.memory_space<vmem>>, vector<16xi32>,
      %mul3A_181 = arith.constant 128 : i32
      %mul3A_182 = arith.muli %scan3A_66, %mul3A_181 : i32
      %add3A_183 = arith.constant 10112 : i32
      %add3A_184 = arith.addi %add3A_183, %mul3A_182 : i32
      %add3A_185 = arith.constant 64 : i32
      %add3A_186 = arith.addi %add3A_184, %add3A_185 : i32
      %add3A_187 = arith.constant 32 : i32
      %add3A_188 = arith.addi %add3A_186, %add3A_187 : i32
      %get3A_189 = arith.index_cast %add3A_188 : i32 to index
      %get3A_190 = tpu.vector_load %arg6[%get3A_189] {strides = array<i32>} : memref<20224xi32, #tpu.memory_space<vmem>>, vector<16xi32>,
      %swap3A_191 = arith.constant 1 : i32
      %swap3A_192 = arith.index_cast %swap3A_191 : i32 to index
      %swap3A_193 = arith.constant 32 : index
      %swap3A_194 = tpu.vector_load %arg7[%swap3A_192, %swap3A_193] {strides = array<i32>} : memref<2x64xi32, #tpu.memory_space<vmem>>, vector<16xi32>,
      tpu.vector_store %arg7[%swap3A_192, %swap3A_193], %get3A_190 {strides = array<i32>} : memref<2x64xi32, #tpu.memory_space<vmem>>, vector<16xi32>,
      %mul3A_195 = arith.constant 128 : i32
      %mul3A_196 = arith.muli %scan3A_66, %mul3A_195 : i32
      %add3A_197 = arith.constant 10112 : i32
      %add3A_198 = arith.addi %add3A_197, %mul3A_196 : i32
      %add3A_199 = arith.constant 64 : i32
      %add3A_200 = arith.addi %add3A_198, %add3A_199 : i32
      %add3A_201 = arith.constant 48 : i32
      %add3A_202 = arith.addi %add3A_200, %add3A_201 : i32
      %get3A_203 = arith.index_cast %add3A_202 : i32 to index
      %get3A_204 = tpu.vector_load %arg6[%get3A_203] {strides = array<i32>} : memref<20224xi32, #tpu.memory_space<vmem>>, vector<16xi32>,
      %swap3A_205 = arith.constant 1 : i32
      %swap3A_206 = arith.index_cast %swap3A_205 : i32 to index
      %swap3A_207 = arith.constant 48 : index
      %swap3A_208 = tpu.vector_load %arg7[%swap3A_206, %swap3A_207] {strides = array<i32>} : memref<2x64xi32, #tpu.memory_space<vmem>>, vector<16xi32>,
      tpu.vector_store %arg7[%swap3A_206, %swap3A_207], %get3A_204 {strides = array<i32>} : memref<2x64xi32, #tpu.memory_space<vmem>>, vector<16xi32>,
      %dma_start3A_209 = arith.constant 1 : i32
      %dma_start3A_210 = arith.constant 64 : i32
      %dma_start3A_211 = arith.constant 0 : i32
      %dma_start3A_212 = tpu.memref_slice %arg8[%rem3A_68, %dma_start3A_210, %dma_start3A_211] : memref<2x128x64xf32, #tpu.memory_space<vmem>> -> memref<1x64x64xf32, #tpu.memory_space<vmem>>
      %dma_start3A_213 = tpu.memref_squeeze %dma_start3A_212 : memref<1x64x64xf32, #tpu.memory_space<vmem>> -> memref<64x64xf32, #tpu.memory_space<vmem>>
      %dma_start3A_214 = arith.constant 0 : i32
      %dma_start3A_215 = tpu.memref_slice %arg7[%dma_start3A_209, %dma_start3A_214] : memref<2x64xi32, #tpu.memory_space<vmem>> -> memref<1x64xi32, #tpu.memory_space<vmem>>
      %dma_start3A_216 = tpu.memref_squeeze %dma_start3A_215 : memref<1x64xi32, #tpu.memory_space<vmem>> -> memref<64xi32, #tpu.memory_space<vmem>>
      %dma_start3A_217 = arith.constant 0 : i32
      %dma_start3A_218 = arith.constant 0 : i32
      %dma_start3A_219 = tpu.memref_slice %arg11[%dma_start3A_217, %dma_start3A_218] : memref<10112x64xf32, #tpu.memory_space<vmem_shared>> -> memref<10112x64xf32, #tpu.memory_space<vmem_shared>>
      tpu.enqueue_indirect_dma source(%dma_start3A_213 : memref<64x64xf32, #tpu.memory_space<vmem>>) target(%dma_start3A_219 : memref<10112x64xf32, #tpu.memory_space<vmem_shared>>) offsets(%dma_start3A_216 : memref<64xi32, #tpu.memory_space<vmem>>) semaphore(%arg10 : memref<!tpu.dma_semaphore, #tpu.memory_space<semaphore_mem>>) {add = true}
      %dma_wait3A_220 = arith.constant 0 : i32
      %dma_wait3A_221 = arith.constant 0 : i32
      %dma_wait3A_222 = arith.constant 0 : i32
      %dma_wait3A_223 = tpu.memref_slice %arg8[%rem3A_68, %dma_wait3A_221, %dma_wait3A_222] : memref<2x128x64xf32, #tpu.memory_space<vmem>> -> memref<1x64x64xf32, #tpu.memory_space<vmem>>
      %dma_wait3A_224 = tpu.memref_squeeze %dma_wait3A_223 : memref<1x64x64xf32, #tpu.memory_space<vmem>> -> memref<64x64xf32, #tpu.memory_space<vmem>>
      %dma_wait3A_225 = arith.constant 0 : i32
      %dma_wait3A_226 = tpu.memref_slice %arg7[%dma_wait3A_220, %dma_wait3A_225] : memref<2x64xi32, #tpu.memory_space<vmem>> -> memref<1x64xi32, #tpu.memory_space<vmem>>
      %dma_wait3A_227 = tpu.memref_squeeze %dma_wait3A_226 : memref<1x64xi32, #tpu.memory_space<vmem>> -> memref<64xi32, #tpu.memory_space<vmem>>
      %dma_wait3A_228 = arith.constant 0 : i32
      %dma_wait3A_229 = arith.constant 0 : i32
      %dma_wait3A_230 = tpu.memref_slice %arg11[%dma_wait3A_228, %dma_wait3A_229] : memref<10112x64xf32, #tpu.memory_space<vmem_shared>> -> memref<10112x64xf32, #tpu.memory_space<vmem_shared>>
      tpu.wait_indirect_dma semaphore(%arg10 : memref<!tpu.dma_semaphore, #tpu.memory_space<semaphore_mem>>) src(%dma_wait3A_224 : memref<64x64xf32, #tpu.memory_space<vmem>>) dst(%dma_wait3A_230 : memref<10112x64xf32, #tpu.memory_space<vmem_shared>>)
      %dma_wait3A_231 = arith.constant 1 : i32
      %dma_wait3A_232 = arith.constant 64 : i32
      %dma_wait3A_233 = arith.constant 0 : i32
      %dma_wait3A_234 = tpu.memref_slice %arg8[%rem3A_68, %dma_wait3A_232, %dma_wait3A_233] : memref<2x128x64xf32, #tpu.memory_space<vmem>> -> memref<1x64x64xf32, #tpu.memory_space<vmem>>
      %dma_wait3A_235 = tpu.memref_squeeze %dma_wait3A_234 : memref<1x64x64xf32, #tpu.memory_space<vmem>> -> memref<64x64xf32, #tpu.memory_space<vmem>>
      %dma_wait3A_236 = arith.constant 0 : i32
      %dma_wait3A_237 = tpu.memref_slice %arg7[%dma_wait3A_231, %dma_wait3A_236] : memref<2x64xi32, #tpu.memory_space<vmem>> -> memref<1x64xi32, #tpu.memory_space<vmem>>
      %dma_wait3A_238 = tpu.memref_squeeze %dma_wait3A_237 : memref<1x64xi32, #tpu.memory_space<vmem>> -> memref<64xi32, #tpu.memory_space<vmem>>
      %dma_wait3A_239 = arith.constant 0 : i32
      %dma_wait3A_240 = arith.constant 0 : i32
      %dma_wait3A_241 = tpu.memref_slice %arg11[%dma_wait3A_239, %dma_wait3A_240] : memref<10112x64xf32, #tpu.memory_space<vmem_shared>> -> memref<10112x64xf32, #tpu.memory_space<vmem_shared>>
      tpu.wait_indirect_dma semaphore(%arg10 : memref<!tpu.dma_semaphore, #tpu.memory_space<semaphore_mem>>) src(%dma_wait3A_235 : memref<64x64xf32, #tpu.memory_space<vmem>>) dst(%dma_wait3A_241 : memref<10112x64xf32, #tpu.memory_space<vmem_shared>>)
      %scan3A_242 = arith.constant 0 : i32
      scf.yield %scan3A_242 : i32
    }
    %scan3A_57 = arith.constant 79 : i32
    %barrier3A_58 = arith.constant 0 : index
    tpu.barrier barrier_id(%barrier3A_58)
    %mul3A_59 = arith.constant 632 : i32
    %mul3A_60 = arith.muli %arg1, %mul3A_59 : i32
    %mul3A_61 = arith.constant 10112 : i32
    %mul3A_62 = arith.muli %arg0, %mul3A_61 : i32
    %mul3A_63 = arith.constant 632 : i32
    %mul3A_64 = arith.muli %arg1, %mul3A_63 : i32
    %add3A_65 = arith.addi %mul3A_62, %mul3A_64 : i32
    "tpu.region"() ({
      %run_scoped3A_66 = tpu.sem_alloc : memref<!tpu.dma_semaphore, #tpu.memory_space<semaphore_mem>>
      %dma_start3A_67 = arith.constant 0 : i32
      %dma_start3A_68 = tpu.memref_slice %arg5[%add3A_65, %dma_start3A_67] : memref<20224x64xf32, #tpu.memory_space<hbm>> -> memref<632x64xf32, #tpu.memory_space<hbm>>
      %dma_start3A_69 = arith.constant 0 : i32
      %dma_start3A_70 = tpu.memref_slice %arg11[%mul3A_60, %dma_start3A_69] : memref<10112x64xf32, #tpu.memory_space<vmem_shared>> -> memref<632x64xf32, #tpu.memory_space<vmem_shared>>
      tpu.enqueue_dma source(%dma_start3A_70 : memref<632x64xf32, #tpu.memory_space<vmem_shared>>) target(%dma_start3A_68 : memref<632x64xf32, #tpu.memory_space<hbm>>) target_semaphore(%run_scoped3A_66 : memref<!tpu.dma_semaphore, #tpu.memory_space<semaphore_mem>>)
      %dma_wait3A = arith.constant 0 : i32
      %dma_wait3A_71 = tpu.memref_slice %arg5[%add3A_65, %dma_wait3A] : memref<20224x64xf32, #tpu.memory_space<hbm>> -> memref<632x64xf32, #tpu.memory_space<hbm>>
      %dma_wait3A_72 = arith.constant 0 : i32
      %dma_wait3A_73 = tpu.memref_slice %arg11[%mul3A_60, %dma_wait3A_72] : memref<10112x64xf32, #tpu.memory_space<vmem_shared>> -> memref<632x64xf32, #tpu.memory_space<vmem_shared>>
      tpu.wait_dma2 semaphore(%run_scoped3A_66 : memref<!tpu.dma_semaphore, #tpu.memory_space<semaphore_mem>>) src(%dma_wait3A_73 : memref<632x64xf32, #tpu.memory_space<vmem_shared>>) dst(%dma_wait3A_71 : memref<632x64xf32, #tpu.memory_space<hbm>>)
      tpu.yield
    }) : () -> ()
    return
  }
}

#map = affine_map<(d0, d1) -> (0)>
#map1 = affine_map<(d0, d1) -> (0, 0)>
module attributes {stable_mosaic.version = 14 : i64} {
  func.func @_sc1_body(%arg0: i32, %arg1: i32, %arg2: memref<323584xi32, #tpu.memory_space<hbm>>, %arg3: memref<323584xi32, #tpu.memory_space<hbm>>, %arg4: memref<323584xi32, #tpu.memory_space<hbm>>, %arg5: memref<160000x64xf32, #tpu.memory_space<hbm>>, %arg6: memref<20224x64xf32, #tpu.memory_space<hbm>>, %arg7: memref<30336xi32, #tpu.memory_space<vmem>>, %arg8: memref<10112xi32, #tpu.memory_space<vmem>>, %arg9: memref<10112xi32, #tpu.memory_space<vmem>>, %arg10: memref<158x64xi32, #tpu.memory_space<vmem>>, %arg11: memref<64xf32, #tpu.memory_space<vmem>>, %arg12: memref<2x128xf32, #tpu.memory_space<vmem>>, %arg13: memref<2128xf32, #tpu.memory_space<vmem>>, %arg14: memref<2x128x64xf32, #tpu.memory_space<vmem>>, %arg15: memref<2x!tpu.dma_semaphore, #tpu.memory_space<semaphore_mem>>, %arg16: memref<2x!tpu.dma_semaphore, #tpu.memory_space<semaphore_mem>>, %arg17: memref<!tpu.dma_semaphore, #tpu.memory_space<semaphore_mem>>, %arg18: memref<170240xf32, #tpu.memory_space<vmem_shared>>, %arg19: memref<10112x64xf32, #tpu.memory_space<vmem_shared>>) attributes {dimension_semantics = [#tpu.dimension_semantics<core_parallel>, #tpu.dimension_semantics<subcore_parallel>], iteration_bounds = array<i64: 2, 16>, scalar_prefetch = 0 : i64, scratch_operands = 13 : i64, tpu.core_type = #tpu.core_type<sc_vector_subcore>, window_params = [{transform_indices = #map}, {transform_indices = #map}, {transform_indices = #map}, {transform_indices = #map1}, {transform_indices = #map1}]} {
    %iota3A = tpu.iota {dimensions = array<i32: 0>} : vector<16xi32>
    %scan3A = arith.constant 0 : i32
    %scan3A_0 = arith.constant 0 : i32
    %scan3A_1 = arith.constant 133 : i32
    %scan3A_2 = arith.addi %scan3A_0, %scan3A_1 : i32
    %scan3A_3 = arith.constant 1 : i32
    %scan3A_4 = scf.for %scan3A_215 = %scan3A_0 to %scan3A_2 step %scan3A_3 iter_args(%scan3A_216 = %scan3A) -> (i32)  : i32 {
      %broadcast_in_dim3A_217 = arith.constant 0.000000e+00 : f32
      %broadcast_in_dim3A_218 = vector.broadcast %broadcast_in_dim3A_217 : f32 to vector<16xf32>
      %mul3A_219 = arith.constant 16 : i32
      %mul3A_220 = arith.muli %scan3A_215, %mul3A_219 : i32
      %swap3A_221 = arith.index_cast %mul3A_220 : i32 to index
      %swap3A_222 = tpu.vector_load %arg13[%swap3A_221] {strides = array<i32>} : memref<2128xf32, #tpu.memory_space<vmem>>, vector<16xf32>,
      tpu.vector_store %arg13[%swap3A_221], %broadcast_in_dim3A_218 {strides = array<i32>} : memref<2128xf32, #tpu.memory_space<vmem>>, vector<16xf32>,
      %scan3A_223 = arith.constant 0 : i32
      scf.yield %scan3A_223 : i32
    }
    %scan3A_5 = arith.constant 133 : i32
    %broadcast_in_dim3A = arith.constant 1.000000e+00 : f32
    %broadcast_in_dim3A_6 = vector.broadcast %broadcast_in_dim3A : f32 to vector<16xf32>
    %swap3A = arith.constant 0 : index
    %swap3A_7 = tpu.vector_load %arg11[%swap3A] {strides = array<i32>} : memref<64xf32, #tpu.memory_space<vmem>>, vector<16xf32>,
    tpu.vector_store %arg11[%swap3A], %broadcast_in_dim3A_6 {strides = array<i32>} : memref<64xf32, #tpu.memory_space<vmem>>, vector<16xf32>,
    %broadcast_in_dim3A_8 = arith.constant 1.000000e+00 : f32
    %broadcast_in_dim3A_9 = vector.broadcast %broadcast_in_dim3A_8 : f32 to vector<16xf32>
    %swap3A_10 = arith.constant 16 : index
    %swap3A_11 = tpu.vector_load %arg11[%swap3A_10] {strides = array<i32>} : memref<64xf32, #tpu.memory_space<vmem>>, vector<16xf32>,
    tpu.vector_store %arg11[%swap3A_10], %broadcast_in_dim3A_9 {strides = array<i32>} : memref<64xf32, #tpu.memory_space<vmem>>, vector<16xf32>,
    %broadcast_in_dim3A_12 = arith.constant 1.000000e+00 : f32
    %broadcast_in_dim3A_13 = vector.broadcast %broadcast_in_dim3A_12 : f32 to vector<16xf32>
    %swap3A_14 = arith.constant 32 : index
    %swap3A_15 = tpu.vector_load %arg11[%swap3A_14] {strides = array<i32>} : memref<64xf32, #tpu.memory_space<vmem>>, vector<16xf32>,
    tpu.vector_store %arg11[%swap3A_14], %broadcast_in_dim3A_13 {strides = array<i32>} : memref<64xf32, #tpu.memory_space<vmem>>, vector<16xf32>,
    %broadcast_in_dim3A_16 = arith.constant 1.000000e+00 : f32
    %broadcast_in_dim3A_17 = vector.broadcast %broadcast_in_dim3A_16 : f32 to vector<16xf32>
    %swap3A_18 = arith.constant 48 : index
    %swap3A_19 = tpu.vector_load %arg11[%swap3A_18] {strides = array<i32>} : memref<64xf32, #tpu.memory_space<vmem>>, vector<16xf32>,
    tpu.vector_store %arg11[%swap3A_18], %broadcast_in_dim3A_17 {strides = array<i32>} : memref<64xf32, #tpu.memory_space<vmem>>, vector<16xf32>,
    %mul3A = arith.constant 10640 : i32
    %mul3A_20 = arith.muli %arg1, %mul3A : i32
    %add3A = arith.constant 0 : i32
    %add3A_21 = arith.addi %mul3A_20, %add3A : i32
    "tpu.region"() ({
      %run_scoped3A_215 = tpu.sem_alloc : memref<!tpu.dma_semaphore, #tpu.memory_space<semaphore_mem>>
      %dma_start3A_216 = tpu.memref_slice %arg18[%add3A_21] : memref<170240xf32, #tpu.memory_space<vmem_shared>> -> memref<2128xf32, #tpu.memory_space<vmem_shared>>
      %dma_start3A_217 = tpu.memref_slice %arg18[%add3A_21] : memref<170240xf32, #tpu.memory_space<vmem_shared>> -> memref<2128xf32, #tpu.memory_space<vmem_shared>>
      tpu.enqueue_dma source(%arg13 : memref<2128xf32, #tpu.memory_space<vmem>>) target(%dma_start3A_217 : memref<2128xf32, #tpu.memory_space<vmem_shared>>) target_semaphore(%run_scoped3A_215 : memref<!tpu.dma_semaphore, #tpu.memory_space<semaphore_mem>>)
      %dma_wait3A = tpu.memref_slice %arg18[%add3A_21] : memref<170240xf32, #tpu.memory_space<vmem_shared>> -> memref<2128xf32, #tpu.memory_space<vmem_shared>>
      %dma_wait3A_218 = tpu.memref_slice %arg18[%add3A_21] : memref<170240xf32, #tpu.memory_space<vmem_shared>> -> memref<2128xf32, #tpu.memory_space<vmem_shared>>
      tpu.wait_dma2 semaphore(%run_scoped3A_215 : memref<!tpu.dma_semaphore, #tpu.memory_space<semaphore_mem>>) src(%arg13 : memref<2128xf32, #tpu.memory_space<vmem>>) dst(%dma_wait3A_218 : memref<2128xf32, #tpu.memory_space<vmem_shared>>)
      tpu.yield
    }) : () -> ()
    %mul3A_22 = arith.constant 10640 : i32
    %mul3A_23 = arith.muli %arg1, %mul3A_22 : i32
    %add3A_24 = arith.constant 2128 : i32
    %add3A_25 = arith.addi %mul3A_23, %add3A_24 : i32
    "tpu.region"() ({
      %run_scoped3A_215 = tpu.sem_alloc : memref<!tpu.dma_semaphore, #tpu.memory_space<semaphore_mem>>
      %dma_start3A_216 = tpu.memref_slice %arg18[%add3A_25] : memref<170240xf32, #tpu.memory_space<vmem_shared>> -> memref<2128xf32, #tpu.memory_space<vmem_shared>>
      %dma_start3A_217 = tpu.memref_slice %arg18[%add3A_25] : memref<170240xf32, #tpu.memory_space<vmem_shared>> -> memref<2128xf32, #tpu.memory_space<vmem_shared>>
      tpu.enqueue_dma source(%arg13 : memref<2128xf32, #tpu.memory_space<vmem>>) target(%dma_start3A_217 : memref<2128xf32, #tpu.memory_space<vmem_shared>>) target_semaphore(%run_scoped3A_215 : memref<!tpu.dma_semaphore, #tpu.memory_space<semaphore_mem>>)
      %dma_wait3A = tpu.memref_slice %arg18[%add3A_25] : memref<170240xf32, #tpu.memory_space<vmem_shared>> -> memref<2128xf32, #tpu.memory_space<vmem_shared>>
      %dma_wait3A_218 = tpu.memref_slice %arg18[%add3A_25] : memref<170240xf32, #tpu.memory_space<vmem_shared>> -> memref<2128xf32, #tpu.memory_space<vmem_shared>>
      tpu.wait_dma2 semaphore(%run_scoped3A_215 : memref<!tpu.dma_semaphore, #tpu.memory_space<semaphore_mem>>) src(%arg13 : memref<2128xf32, #tpu.memory_space<vmem>>) dst(%dma_wait3A_218 : memref<2128xf32, #tpu.memory_space<vmem_shared>>)
      tpu.yield
    }) : () -> ()
    %mul3A_26 = arith.constant 10640 : i32
    %mul3A_27 = arith.muli %arg1, %mul3A_26 : i32
    %add3A_28 = arith.constant 4256 : i32
    %add3A_29 = arith.addi %mul3A_27, %add3A_28 : i32
    "tpu.region"() ({
      %run_scoped3A_215 = tpu.sem_alloc : memref<!tpu.dma_semaphore, #tpu.memory_space<semaphore_mem>>
      %dma_start3A_216 = tpu.memref_slice %arg18[%add3A_29] : memref<170240xf32, #tpu.memory_space<vmem_shared>> -> memref<2128xf32, #tpu.memory_space<vmem_shared>>
      %dma_start3A_217 = tpu.memref_slice %arg18[%add3A_29] : memref<170240xf32, #tpu.memory_space<vmem_shared>> -> memref<2128xf32, #tpu.memory_space<vmem_shared>>
      tpu.enqueue_dma source(%arg13 : memref<2128xf32, #tpu.memory_space<vmem>>) target(%dma_start3A_217 : memref<2128xf32, #tpu.memory_space<vmem_shared>>) target_semaphore(%run_scoped3A_215 : memref<!tpu.dma_semaphore, #tpu.memory_space<semaphore_mem>>)
      %dma_wait3A = tpu.memref_slice %arg18[%add3A_29] : memref<170240xf32, #tpu.memory_space<vmem_shared>> -> memref<2128xf32, #tpu.memory_space<vmem_shared>>
      %dma_wait3A_218 = tpu.memref_slice %arg18[%add3A_29] : memref<170240xf32, #tpu.memory_space<vmem_shared>> -> memref<2128xf32, #tpu.memory_space<vmem_shared>>
      tpu.wait_dma2 semaphore(%run_scoped3A_215 : memref<!tpu.dma_semaphore, #tpu.memory_space<semaphore_mem>>) src(%arg13 : memref<2128xf32, #tpu.memory_space<vmem>>) dst(%dma_wait3A_218 : memref<2128xf32, #tpu.memory_space<vmem_shared>>)
      tpu.yield
    }) : () -> ()
    %mul3A_30 = arith.constant 10640 : i32
    %mul3A_31 = arith.muli %arg1, %mul3A_30 : i32
    %add3A_32 = arith.constant 6384 : i32
    %add3A_33 = arith.addi %mul3A_31, %add3A_32 : i32
    "tpu.region"() ({
      %run_scoped3A_215 = tpu.sem_alloc : memref<!tpu.dma_semaphore, #tpu.memory_space<semaphore_mem>>
      %dma_start3A_216 = tpu.memref_slice %arg18[%add3A_33] : memref<170240xf32, #tpu.memory_space<vmem_shared>> -> memref<2128xf32, #tpu.memory_space<vmem_shared>>
      %dma_start3A_217 = tpu.memref_slice %arg18[%add3A_33] : memref<170240xf32, #tpu.memory_space<vmem_shared>> -> memref<2128xf32, #tpu.memory_space<vmem_shared>>
      tpu.enqueue_dma source(%arg13 : memref<2128xf32, #tpu.memory_space<vmem>>) target(%dma_start3A_217 : memref<2128xf32, #tpu.memory_space<vmem_shared>>) target_semaphore(%run_scoped3A_215 : memref<!tpu.dma_semaphore, #tpu.memory_space<semaphore_mem>>)
      %dma_wait3A = tpu.memref_slice %arg18[%add3A_33] : memref<170240xf32, #tpu.memory_space<vmem_shared>> -> memref<2128xf32, #tpu.memory_space<vmem_shared>>
      %dma_wait3A_218 = tpu.memref_slice %arg18[%add3A_33] : memref<170240xf32, #tpu.memory_space<vmem_shared>> -> memref<2128xf32, #tpu.memory_space<vmem_shared>>
      tpu.wait_dma2 semaphore(%run_scoped3A_215 : memref<!tpu.dma_semaphore, #tpu.memory_space<semaphore_mem>>) src(%arg13 : memref<2128xf32, #tpu.memory_space<vmem>>) dst(%dma_wait3A_218 : memref<2128xf32, #tpu.memory_space<vmem_shared>>)
      tpu.yield
    }) : () -> ()
    %mul3A_34 = arith.constant 10640 : i32
    %mul3A_35 = arith.muli %arg1, %mul3A_34 : i32
    %add3A_36 = arith.constant 8512 : i32
    %add3A_37 = arith.addi %mul3A_35, %add3A_36 : i32
    "tpu.region"() ({
      %run_scoped3A_215 = tpu.sem_alloc : memref<!tpu.dma_semaphore, #tpu.memory_space<semaphore_mem>>
      %dma_start3A_216 = tpu.memref_slice %arg18[%add3A_37] : memref<170240xf32, #tpu.memory_space<vmem_shared>> -> memref<2128xf32, #tpu.memory_space<vmem_shared>>
      %dma_start3A_217 = tpu.memref_slice %arg18[%add3A_37] : memref<170240xf32, #tpu.memory_space<vmem_shared>> -> memref<2128xf32, #tpu.memory_space<vmem_shared>>
      tpu.enqueue_dma source(%arg13 : memref<2128xf32, #tpu.memory_space<vmem>>) target(%dma_start3A_217 : memref<2128xf32, #tpu.memory_space<vmem_shared>>) target_semaphore(%run_scoped3A_215 : memref<!tpu.dma_semaphore, #tpu.memory_space<semaphore_mem>>)
      %dma_wait3A = tpu.memref_slice %arg18[%add3A_37] : memref<170240xf32, #tpu.memory_space<vmem_shared>> -> memref<2128xf32, #tpu.memory_space<vmem_shared>>
      %dma_wait3A_218 = tpu.memref_slice %arg18[%add3A_37] : memref<170240xf32, #tpu.memory_space<vmem_shared>> -> memref<2128xf32, #tpu.memory_space<vmem_shared>>
      tpu.wait_dma2 semaphore(%run_scoped3A_215 : memref<!tpu.dma_semaphore, #tpu.memory_space<semaphore_mem>>) src(%arg13 : memref<2128xf32, #tpu.memory_space<vmem>>) dst(%dma_wait3A_218 : memref<2128xf32, #tpu.memory_space<vmem_shared>>)
      tpu.yield
    }) : () -> ()
    %scan3A_38 = arith.constant 0 : i32
    %scan3A_39 = arith.constant 0 : i32
    %scan3A_40 = arith.constant 128 : i32
    %scan3A_41 = arith.addi %scan3A_39, %scan3A_40 : i32
    %scan3A_42 = arith.constant 1 : i32
    %scan3A_43 = scf.for %scan3A_215 = %scan3A_39 to %scan3A_41 step %scan3A_42 iter_args(%scan3A_216 = %scan3A_38) -> (i32)  : i32 {
      %broadcast_in_dim3A_217 = arith.constant 0.000000e+00 : f32
      %broadcast_in_dim3A_218 = vector.broadcast %broadcast_in_dim3A_217 : f32 to vector<16xf32>
      %swap3A_219 = arith.constant 0 : i32
      %swap3A_220 = arith.index_cast %swap3A_219 : i32 to index
      %swap3A_221 = arith.index_cast %scan3A_215 : i32 to index
      %swap3A_222 = arith.constant 0 : index
      %swap3A_223 = tpu.vector_load %arg14[%swap3A_220, %swap3A_221, %swap3A_222] {strides = array<i32>} : memref<2x128x64xf32, #tpu.memory_space<vmem>>, vector<16xf32>,
      tpu.vector_store %arg14[%swap3A_220, %swap3A_221, %swap3A_222], %broadcast_in_dim3A_218 {strides = array<i32>} : memref<2x128x64xf32, #tpu.memory_space<vmem>>, vector<16xf32>,
      %broadcast_in_dim3A_224 = arith.constant 0.000000e+00 : f32
      %broadcast_in_dim3A_225 = vector.broadcast %broadcast_in_dim3A_224 : f32 to vector<16xf32>
      %swap3A_226 = arith.constant 0 : i32
      %swap3A_227 = arith.index_cast %swap3A_226 : i32 to index
      %swap3A_228 = arith.index_cast %scan3A_215 : i32 to index
      %swap3A_229 = arith.constant 16 : index
      %swap3A_230 = tpu.vector_load %arg14[%swap3A_227, %swap3A_228, %swap3A_229] {strides = array<i32>} : memref<2x128x64xf32, #tpu.memory_space<vmem>>, vector<16xf32>,
      tpu.vector_store %arg14[%swap3A_227, %swap3A_228, %swap3A_229], %broadcast_in_dim3A_225 {strides = array<i32>} : memref<2x128x64xf32, #tpu.memory_space<vmem>>, vector<16xf32>,
      %broadcast_in_dim3A_231 = arith.constant 0.000000e+00 : f32
      %broadcast_in_dim3A_232 = vector.broadcast %broadcast_in_dim3A_231 : f32 to vector<16xf32>
      %swap3A_233 = arith.constant 0 : i32
      %swap3A_234 = arith.index_cast %swap3A_233 : i32 to index
      %swap3A_235 = arith.index_cast %scan3A_215 : i32 to index
      %swap3A_236 = arith.constant 32 : index
      %swap3A_237 = tpu.vector_load %arg14[%swap3A_234, %swap3A_235, %swap3A_236] {strides = array<i32>} : memref<2x128x64xf32, #tpu.memory_space<vmem>>, vector<16xf32>,
      tpu.vector_store %arg14[%swap3A_234, %swap3A_235, %swap3A_236], %broadcast_in_dim3A_232 {strides = array<i32>} : memref<2x128x64xf32, #tpu.memory_space<vmem>>, vector<16xf32>,
      %broadcast_in_dim3A_238 = arith.constant 0.000000e+00 : f32
      %broadcast_in_dim3A_239 = vector.broadcast %broadcast_in_dim3A_238 : f32 to vector<16xf32>
      %swap3A_240 = arith.constant 0 : i32
      %swap3A_241 = arith.index_cast %swap3A_240 : i32 to index
      %swap3A_242 = arith.index_cast %scan3A_215 : i32 to index
      %swap3A_243 = arith.constant 48 : index
      %swap3A_244 = tpu.vector_load %arg14[%swap3A_241, %swap3A_242, %swap3A_243] {strides = array<i32>} : memref<2x128x64xf32, #tpu.memory_space<vmem>>, vector<16xf32>,
      tpu.vector_store %arg14[%swap3A_241, %swap3A_242, %swap3A_243], %broadcast_in_dim3A_239 {strides = array<i32>} : memref<2x128x64xf32, #tpu.memory_space<vmem>>, vector<16xf32>,
      %scan3A_245 = arith.constant 0 : i32
      scf.yield %scan3A_245 : i32
    }
    %scan3A_44 = arith.constant 128 : i32
    %mul3A_45 = arith.constant 632 : i32
    %mul3A_46 = arith.muli %arg1, %mul3A_45 : i32
    %add3A_47 = arith.constant 0 : i32
    %add3A_48 = arith.addi %mul3A_46, %add3A_47 : i32
    %run_scoped3A = arith.constant 0 : i32
    "tpu.region"() ({
      %run_scoped3A_215 = tpu.sem_alloc : memref<!tpu.dma_semaphore, #tpu.memory_space<semaphore_mem>>
      %dma_start3A_216 = arith.constant 0 : i32
      %dma_start3A_217 = arith.constant 0 : i32
      %dma_start3A_218 = tpu.memref_slice %arg14[%run_scoped3A, %dma_start3A_216, %dma_start3A_217] : memref<2x128x64xf32, #tpu.memory_space<vmem>> -> memref<1x128x64xf32, #tpu.memory_space<vmem>>
      %dma_start3A_219 = tpu.memref_squeeze %dma_start3A_218 : memref<1x128x64xf32, #tpu.memory_space<vmem>> -> memref<128x64xf32, #tpu.memory_space<vmem>>
      %dma_start3A_220 = arith.constant 0 : i32
      %dma_start3A_221 = tpu.memref_slice %arg19[%add3A_48, %dma_start3A_220] : memref<10112x64xf32, #tpu.memory_space<vmem_shared>> -> memref<128x64xf32, #tpu.memory_space<vmem_shared>>
      %dma_start3A_222 = arith.constant 0 : i32
      %dma_start3A_223 = tpu.memref_slice %arg19[%add3A_48, %dma_start3A_222] : memref<10112x64xf32, #tpu.memory_space<vmem_shared>> -> memref<128x64xf32, #tpu.memory_space<vmem_shared>>
      %dma_start3A_224 = arith.constant 0 : i32
      %dma_start3A_225 = arith.constant 0 : i32
      %dma_start3A_226 = tpu.memref_slice %arg14[%run_scoped3A, %dma_start3A_224, %dma_start3A_225] : memref<2x128x64xf32, #tpu.memory_space<vmem>> -> memref<1x128x64xf32, #tpu.memory_space<vmem>>
      %dma_start3A_227 = tpu.memref_squeeze %dma_start3A_226 : memref<1x128x64xf32, #tpu.memory_space<vmem>> -> memref<128x64xf32, #tpu.memory_space<vmem>>
      tpu.enqueue_dma source(%dma_start3A_227 : memref<128x64xf32, #tpu.memory_space<vmem>>) target(%dma_start3A_223 : memref<128x64xf32, #tpu.memory_space<vmem_shared>>) target_semaphore(%run_scoped3A_215 : memref<!tpu.dma_semaphore, #tpu.memory_space<semaphore_mem>>)
      %dma_wait3A = arith.constant 0 : i32
      %dma_wait3A_228 = arith.constant 0 : i32
      %dma_wait3A_229 = tpu.memref_slice %arg14[%run_scoped3A, %dma_wait3A, %dma_wait3A_228] : memref<2x128x64xf32, #tpu.memory_space<vmem>> -> memref<1x128x64xf32, #tpu.memory_space<vmem>>
      %dma_wait3A_230 = tpu.memref_squeeze %dma_wait3A_229 : memref<1x128x64xf32, #tpu.memory_space<vmem>> -> memref<128x64xf32, #tpu.memory_space<vmem>>
      %dma_wait3A_231 = arith.constant 0 : i32
      %dma_wait3A_232 = tpu.memref_slice %arg19[%add3A_48, %dma_wait3A_231] : memref<10112x64xf32, #tpu.memory_space<vmem_shared>> -> memref<128x64xf32, #tpu.memory_space<vmem_shared>>
      %dma_wait3A_233 = arith.constant 0 : i32
      %dma_wait3A_234 = tpu.memref_slice %arg19[%add3A_48, %dma_wait3A_233] : memref<10112x64xf32, #tpu.memory_space<vmem_shared>> -> memref<128x64xf32, #tpu.memory_space<vmem_shared>>
      %dma_wait3A_235 = arith.constant 0 : i32
      %dma_wait3A_236 = arith.constant 0 : i32
      %dma_wait3A_237 = tpu.memref_slice %arg14[%run_scoped3A, %dma_wait3A_235, %dma_wait3A_236] : memref<2x128x64xf32, #tpu.memory_space<vmem>> -> memref<1x128x64xf32, #tpu.memory_space<vmem>>
      %dma_wait3A_238 = tpu.memref_squeeze %dma_wait3A_237 : memref<1x128x64xf32, #tpu.memory_space<vmem>> -> memref<128x64xf32, #tpu.memory_space<vmem>>
      tpu.wait_dma2 semaphore(%run_scoped3A_215 : memref<!tpu.dma_semaphore, #tpu.memory_space<semaphore_mem>>) src(%dma_wait3A_238 : memref<128x64xf32, #tpu.memory_space<vmem>>) dst(%dma_wait3A_234 : memref<128x64xf32, #tpu.memory_space<vmem_shared>>)
      tpu.yield
    }) : () -> ()
    %mul3A_49 = arith.constant 632 : i32
    %mul3A_50 = arith.muli %arg1, %mul3A_49 : i32
    %add3A_51 = arith.constant 128 : i32
    %add3A_52 = arith.addi %mul3A_50, %add3A_51 : i32
    %run_scoped3A_53 = arith.constant 0 : i32
    "tpu.region"() ({
      %run_scoped3A_215 = tpu.sem_alloc : memref<!tpu.dma_semaphore, #tpu.memory_space<semaphore_mem>>
      %dma_start3A_216 = arith.constant 0 : i32
      %dma_start3A_217 = arith.constant 0 : i32
      %dma_start3A_218 = tpu.memref_slice %arg14[%run_scoped3A_53, %dma_start3A_216, %dma_start3A_217] : memref<2x128x64xf32, #tpu.memory_space<vmem>> -> memref<1x128x64xf32, #tpu.memory_space<vmem>>
      %dma_start3A_219 = tpu.memref_squeeze %dma_start3A_218 : memref<1x128x64xf32, #tpu.memory_space<vmem>> -> memref<128x64xf32, #tpu.memory_space<vmem>>
      %dma_start3A_220 = arith.constant 0 : i32
      %dma_start3A_221 = tpu.memref_slice %arg19[%add3A_52, %dma_start3A_220] : memref<10112x64xf32, #tpu.memory_space<vmem_shared>> -> memref<128x64xf32, #tpu.memory_space<vmem_shared>>
      %dma_start3A_222 = arith.constant 0 : i32
      %dma_start3A_223 = tpu.memref_slice %arg19[%add3A_52, %dma_start3A_222] : memref<10112x64xf32, #tpu.memory_space<vmem_shared>> -> memref<128x64xf32, #tpu.memory_space<vmem_shared>>
      %dma_start3A_224 = arith.constant 0 : i32
      %dma_start3A_225 = arith.constant 0 : i32
      %dma_start3A_226 = tpu.memref_slice %arg14[%run_scoped3A_53, %dma_start3A_224, %dma_start3A_225] : memref<2x128x64xf32, #tpu.memory_space<vmem>> -> memref<1x128x64xf32, #tpu.memory_space<vmem>>
      %dma_start3A_227 = tpu.memref_squeeze %dma_start3A_226 : memref<1x128x64xf32, #tpu.memory_space<vmem>> -> memref<128x64xf32, #tpu.memory_space<vmem>>
      tpu.enqueue_dma source(%dma_start3A_227 : memref<128x64xf32, #tpu.memory_space<vmem>>) target(%dma_start3A_223 : memref<128x64xf32, #tpu.memory_space<vmem_shared>>) target_semaphore(%run_scoped3A_215 : memref<!tpu.dma_semaphore, #tpu.memory_space<semaphore_mem>>)
      %dma_wait3A = arith.constant 0 : i32
      %dma_wait3A_228 = arith.constant 0 : i32
      %dma_wait3A_229 = tpu.memref_slice %arg14[%run_scoped3A_53, %dma_wait3A, %dma_wait3A_228] : memref<2x128x64xf32, #tpu.memory_space<vmem>> -> memref<1x128x64xf32, #tpu.memory_space<vmem>>
      %dma_wait3A_230 = tpu.memref_squeeze %dma_wait3A_229 : memref<1x128x64xf32, #tpu.memory_space<vmem>> -> memref<128x64xf32, #tpu.memory_space<vmem>>
      %dma_wait3A_231 = arith.constant 0 : i32
      %dma_wait3A_232 = tpu.memref_slice %arg19[%add3A_52, %dma_wait3A_231] : memref<10112x64xf32, #tpu.memory_space<vmem_shared>> -> memref<128x64xf32, #tpu.memory_space<vmem_shared>>
      %dma_wait3A_233 = arith.constant 0 : i32
      %dma_wait3A_234 = tpu.memref_slice %arg19[%add3A_52, %dma_wait3A_233] : memref<10112x64xf32, #tpu.memory_space<vmem_shared>> -> memref<128x64xf32, #tpu.memory_space<vmem_shared>>
      %dma_wait3A_235 = arith.constant 0 : i32
      %dma_wait3A_236 = arith.constant 0 : i32
      %dma_wait3A_237 = tpu.memref_slice %arg14[%run_scoped3A_53, %dma_wait3A_235, %dma_wait3A_236] : memref<2x128x64xf32, #tpu.memory_space<vmem>> -> memref<1x128x64xf32, #tpu.memory_space<vmem>>
      %dma_wait3A_238 = tpu.memref_squeeze %dma_wait3A_237 : memref<1x128x64xf32, #tpu.memory_space<vmem>> -> memref<128x64xf32, #tpu.memory_space<vmem>>
      tpu.wait_dma2 semaphore(%run_scoped3A_215 : memref<!tpu.dma_semaphore, #tpu.memory_space<semaphore_mem>>) src(%dma_wait3A_238 : memref<128x64xf32, #tpu.memory_space<vmem>>) dst(%dma_wait3A_234 : memref<128x64xf32, #tpu.memory_space<vmem_shared>>)
      tpu.yield
    }) : () -> ()
    %mul3A_54 = arith.constant 632 : i32
    %mul3A_55 = arith.muli %arg1, %mul3A_54 : i32
    %add3A_56 = arith.constant 256 : i32
    %add3A_57 = arith.addi %mul3A_55, %add3A_56 : i32
    %run_scoped3A_58 = arith.constant 0 : i32
    "tpu.region"() ({
      %run_scoped3A_215 = tpu.sem_alloc : memref<!tpu.dma_semaphore, #tpu.memory_space<semaphore_mem>>
      %dma_start3A_216 = arith.constant 0 : i32
      %dma_start3A_217 = arith.constant 0 : i32
      %dma_start3A_218 = tpu.memref_slice %arg14[%run_scoped3A_58, %dma_start3A_216, %dma_start3A_217] : memref<2x128x64xf32, #tpu.memory_space<vmem>> -> memref<1x128x64xf32, #tpu.memory_space<vmem>>
      %dma_start3A_219 = tpu.memref_squeeze %dma_start3A_218 : memref<1x128x64xf32, #tpu.memory_space<vmem>> -> memref<128x64xf32, #tpu.memory_space<vmem>>
      %dma_start3A_220 = arith.constant 0 : i32
      %dma_start3A_221 = tpu.memref_slice %arg19[%add3A_57, %dma_start3A_220] : memref<10112x64xf32, #tpu.memory_space<vmem_shared>> -> memref<128x64xf32, #tpu.memory_space<vmem_shared>>
      %dma_start3A_222 = arith.constant 0 : i32
      %dma_start3A_223 = tpu.memref_slice %arg19[%add3A_57, %dma_start3A_222] : memref<10112x64xf32, #tpu.memory_space<vmem_shared>> -> memref<128x64xf32, #tpu.memory_space<vmem_shared>>
      %dma_start3A_224 = arith.constant 0 : i32
      %dma_start3A_225 = arith.constant 0 : i32
      %dma_start3A_226 = tpu.memref_slice %arg14[%run_scoped3A_58, %dma_start3A_224, %dma_start3A_225] : memref<2x128x64xf32, #tpu.memory_space<vmem>> -> memref<1x128x64xf32, #tpu.memory_space<vmem>>
      %dma_start3A_227 = tpu.memref_squeeze %dma_start3A_226 : memref<1x128x64xf32, #tpu.memory_space<vmem>> -> memref<128x64xf32, #tpu.memory_space<vmem>>
      tpu.enqueue_dma source(%dma_start3A_227 : memref<128x64xf32, #tpu.memory_space<vmem>>) target(%dma_start3A_223 : memref<128x64xf32, #tpu.memory_space<vmem_shared>>) target_semaphore(%run_scoped3A_215 : memref<!tpu.dma_semaphore, #tpu.memory_space<semaphore_mem>>)
      %dma_wait3A = arith.constant 0 : i32
      %dma_wait3A_228 = arith.constant 0 : i32
      %dma_wait3A_229 = tpu.memref_slice %arg14[%run_scoped3A_58, %dma_wait3A, %dma_wait3A_228] : memref<2x128x64xf32, #tpu.memory_space<vmem>> -> memref<1x128x64xf32, #tpu.memory_space<vmem>>
      %dma_wait3A_230 = tpu.memref_squeeze %dma_wait3A_229 : memref<1x128x64xf32, #tpu.memory_space<vmem>> -> memref<128x64xf32, #tpu.memory_space<vmem>>
      %dma_wait3A_231 = arith.constant 0 : i32
      %dma_wait3A_232 = tpu.memref_slice %arg19[%add3A_57, %dma_wait3A_231] : memref<10112x64xf32, #tpu.memory_space<vmem_shared>> -> memref<128x64xf32, #tpu.memory_space<vmem_shared>>
      %dma_wait3A_233 = arith.constant 0 : i32
      %dma_wait3A_234 = tpu.memref_slice %arg19[%add3A_57, %dma_wait3A_233] : memref<10112x64xf32, #tpu.memory_space<vmem_shared>> -> memref<128x64xf32, #tpu.memory_space<vmem_shared>>
      %dma_wait3A_235 = arith.constant 0 : i32
      %dma_wait3A_236 = arith.constant 0 : i32
      %dma_wait3A_237 = tpu.memref_slice %arg14[%run_scoped3A_58, %dma_wait3A_235, %dma_wait3A_236] : memref<2x128x64xf32, #tpu.memory_space<vmem>> -> memref<1x128x64xf32, #tpu.memory_space<vmem>>
      %dma_wait3A_238 = tpu.memref_squeeze %dma_wait3A_237 : memref<1x128x64xf32, #tpu.memory_space<vmem>> -> memref<128x64xf32, #tpu.memory_space<vmem>>
      tpu.wait_dma2 semaphore(%run_scoped3A_215 : memref<!tpu.dma_semaphore, #tpu.memory_space<semaphore_mem>>) src(%dma_wait3A_238 : memref<128x64xf32, #tpu.memory_space<vmem>>) dst(%dma_wait3A_234 : memref<128x64xf32, #tpu.memory_space<vmem_shared>>)
      tpu.yield
    }) : () -> ()
    %mul3A_59 = arith.constant 632 : i32
    %mul3A_60 = arith.muli %arg1, %mul3A_59 : i32
    %add3A_61 = arith.constant 384 : i32
    %add3A_62 = arith.addi %mul3A_60, %add3A_61 : i32
    %run_scoped3A_63 = arith.constant 0 : i32
    "tpu.region"() ({
      %run_scoped3A_215 = tpu.sem_alloc : memref<!tpu.dma_semaphore, #tpu.memory_space<semaphore_mem>>
      %dma_start3A_216 = arith.constant 0 : i32
      %dma_start3A_217 = arith.constant 0 : i32
      %dma_start3A_218 = tpu.memref_slice %arg14[%run_scoped3A_63, %dma_start3A_216, %dma_start3A_217] : memref<2x128x64xf32, #tpu.memory_space<vmem>> -> memref<1x128x64xf32, #tpu.memory_space<vmem>>
      %dma_start3A_219 = tpu.memref_squeeze %dma_start3A_218 : memref<1x128x64xf32, #tpu.memory_space<vmem>> -> memref<128x64xf32, #tpu.memory_space<vmem>>
      %dma_start3A_220 = arith.constant 0 : i32
      %dma_start3A_221 = tpu.memref_slice %arg19[%add3A_62, %dma_start3A_220] : memref<10112x64xf32, #tpu.memory_space<vmem_shared>> -> memref<128x64xf32, #tpu.memory_space<vmem_shared>>
      %dma_start3A_222 = arith.constant 0 : i32
      %dma_start3A_223 = tpu.memref_slice %arg19[%add3A_62, %dma_start3A_222] : memref<10112x64xf32, #tpu.memory_space<vmem_shared>> -> memref<128x64xf32, #tpu.memory_space<vmem_shared>>
      %dma_start3A_224 = arith.constant 0 : i32
      %dma_start3A_225 = arith.constant 0 : i32
      %dma_start3A_226 = tpu.memref_slice %arg14[%run_scoped3A_63, %dma_start3A_224, %dma_start3A_225] : memref<2x128x64xf32, #tpu.memory_space<vmem>> -> memref<1x128x64xf32, #tpu.memory_space<vmem>>
      %dma_start3A_227 = tpu.memref_squeeze %dma_start3A_226 : memref<1x128x64xf32, #tpu.memory_space<vmem>> -> memref<128x64xf32, #tpu.memory_space<vmem>>
      tpu.enqueue_dma source(%dma_start3A_227 : memref<128x64xf32, #tpu.memory_space<vmem>>) target(%dma_start3A_223 : memref<128x64xf32, #tpu.memory_space<vmem_shared>>) target_semaphore(%run_scoped3A_215 : memref<!tpu.dma_semaphore, #tpu.memory_space<semaphore_mem>>)
      %dma_wait3A = arith.constant 0 : i32
      %dma_wait3A_228 = arith.constant 0 : i32
      %dma_wait3A_229 = tpu.memref_slice %arg14[%run_scoped3A_63, %dma_wait3A, %dma_wait3A_228] : memref<2x128x64xf32, #tpu.memory_space<vmem>> -> memref<1x128x64xf32, #tpu.memory_space<vmem>>
      %dma_wait3A_230 = tpu.memref_squeeze %dma_wait3A_229 : memref<1x128x64xf32, #tpu.memory_space<vmem>> -> memref<128x64xf32, #tpu.memory_space<vmem>>
      %dma_wait3A_231 = arith.constant 0 : i32
      %dma_wait3A_232 = tpu.memref_slice %arg19[%add3A_62, %dma_wait3A_231] : memref<10112x64xf32, #tpu.memory_space<vmem_shared>> -> memref<128x64xf32, #tpu.memory_space<vmem_shared>>
      %dma_wait3A_233 = arith.constant 0 : i32
      %dma_wait3A_234 = tpu.memref_slice %arg19[%add3A_62, %dma_wait3A_233] : memref<10112x64xf32, #tpu.memory_space<vmem_shared>> -> memref<128x64xf32, #tpu.memory_space<vmem_shared>>
      %dma_wait3A_235 = arith.constant 0 : i32
      %dma_wait3A_236 = arith.constant 0 : i32
      %dma_wait3A_237 = tpu.memref_slice %arg14[%run_scoped3A_63, %dma_wait3A_235, %dma_wait3A_236] : memref<2x128x64xf32, #tpu.memory_space<vmem>> -> memref<1x128x64xf32, #tpu.memory_space<vmem>>
      %dma_wait3A_238 = tpu.memref_squeeze %dma_wait3A_237 : memref<1x128x64xf32, #tpu.memory_space<vmem>> -> memref<128x64xf32, #tpu.memory_space<vmem>>
      tpu.wait_dma2 semaphore(%run_scoped3A_215 : memref<!tpu.dma_semaphore, #tpu.memory_space<semaphore_mem>>) src(%dma_wait3A_238 : memref<128x64xf32, #tpu.memory_space<vmem>>) dst(%dma_wait3A_234 : memref<128x64xf32, #tpu.memory_space<vmem_shared>>)
      tpu.yield
    }) : () -> ()
    %mul3A_64 = arith.constant 632 : i32
    %mul3A_65 = arith.muli %arg1, %mul3A_64 : i32
    %add3A_66 = arith.constant 512 : i32
    %add3A_67 = arith.addi %mul3A_65, %add3A_66 : i32
    %run_scoped3A_68 = arith.constant 0 : i32
    "tpu.region"() ({
      %run_scoped3A_215 = tpu.sem_alloc : memref<!tpu.dma_semaphore, #tpu.memory_space<semaphore_mem>>
      %dma_start3A_216 = arith.constant 0 : i32
      %dma_start3A_217 = arith.constant 0 : i32
      %dma_start3A_218 = tpu.memref_slice %arg14[%run_scoped3A_68, %dma_start3A_216, %dma_start3A_217] : memref<2x128x64xf32, #tpu.memory_space<vmem>> -> memref<1x120x64xf32, #tpu.memory_space<vmem>>
      %dma_start3A_219 = tpu.memref_squeeze %dma_start3A_218 : memref<1x120x64xf32, #tpu.memory_space<vmem>> -> memref<120x64xf32, #tpu.memory_space<vmem>>
      %dma_start3A_220 = arith.constant 0 : i32
      %dma_start3A_221 = tpu.memref_slice %arg19[%add3A_67, %dma_start3A_220] : memref<10112x64xf32, #tpu.memory_space<vmem_shared>> -> memref<120x64xf32, #tpu.memory_space<vmem_shared>>
      %dma_start3A_222 = arith.constant 0 : i32
      %dma_start3A_223 = tpu.memref_slice %arg19[%add3A_67, %dma_start3A_222] : memref<10112x64xf32, #tpu.memory_space<vmem_shared>> -> memref<120x64xf32, #tpu.memory_space<vmem_shared>>
      %dma_start3A_224 = arith.constant 0 : i32
      %dma_start3A_225 = arith.constant 0 : i32
      %dma_start3A_226 = tpu.memref_slice %arg14[%run_scoped3A_68, %dma_start3A_224, %dma_start3A_225] : memref<2x128x64xf32, #tpu.memory_space<vmem>> -> memref<1x120x64xf32, #tpu.memory_space<vmem>>
      %dma_start3A_227 = tpu.memref_squeeze %dma_start3A_226 : memref<1x120x64xf32, #tpu.memory_space<vmem>> -> memref<120x64xf32, #tpu.memory_space<vmem>>
      tpu.enqueue_dma source(%dma_start3A_227 : memref<120x64xf32, #tpu.memory_space<vmem>>) target(%dma_start3A_223 : memref<120x64xf32, #tpu.memory_space<vmem_shared>>) target_semaphore(%run_scoped3A_215 : memref<!tpu.dma_semaphore, #tpu.memory_space<semaphore_mem>>)
      %dma_wait3A = arith.constant 0 : i32
      %dma_wait3A_228 = arith.constant 0 : i32
      %dma_wait3A_229 = tpu.memref_slice %arg14[%run_scoped3A_68, %dma_wait3A, %dma_wait3A_228] : memref<2x128x64xf32, #tpu.memory_space<vmem>> -> memref<1x120x64xf32, #tpu.memory_space<vmem>>
      %dma_wait3A_230 = tpu.memref_squeeze %dma_wait3A_229 : memref<1x120x64xf32, #tpu.memory_space<vmem>> -> memref<120x64xf32, #tpu.memory_space<vmem>>
      %dma_wait3A_231 = arith.constant 0 : i32
      %dma_wait3A_232 = tpu.memref_slice %arg19[%add3A_67, %dma_wait3A_231] : memref<10112x64xf32, #tpu.memory_space<vmem_shared>> -> memref<120x64xf32, #tpu.memory_space<vmem_shared>>
      %dma_wait3A_233 = arith.constant 0 : i32
      %dma_wait3A_234 = tpu.memref_slice %arg19[%add3A_67, %dma_wait3A_233] : memref<10112x64xf32, #tpu.memory_space<vmem_shared>> -> memref<120x64xf32, #tpu.memory_space<vmem_shared>>
      %dma_wait3A_235 = arith.constant 0 : i32
      %dma_wait3A_236 = arith.constant 0 : i32
      %dma_wait3A_237 = tpu.memref_slice %arg14[%run_scoped3A_68, %dma_wait3A_235, %dma_wait3A_236] : memref<2x128x64xf32, #tpu.memory_space<vmem>> -> memref<1x120x64xf32, #tpu.memory_space<vmem>>
      %dma_wait3A_238 = tpu.memref_squeeze %dma_wait3A_237 : memref<1x120x64xf32, #tpu.memory_space<vmem>> -> memref<120x64xf32, #tpu.memory_space<vmem>>
      tpu.wait_dma2 semaphore(%run_scoped3A_215 : memref<!tpu.dma_semaphore, #tpu.memory_space<semaphore_mem>>) src(%dma_wait3A_238 : memref<120x64xf32, #tpu.memory_space<vmem>>) dst(%dma_wait3A_234 : memref<120x64xf32, #tpu.memory_space<vmem_shared>>)
      tpu.yield
    }) : () -> ()
    %barrier3A = arith.constant 0 : index
    tpu.barrier barrier_id(%barrier3A)
    "tpu.trace_start"() <{level = 10 : i32, message = "sc1_pass_a"}> : () -> ()
    %scan3A_69 = arith.constant 0 : i32
    %scan3A_70 = arith.constant 0 : i32
    %scan3A_71 = arith.constant 2 : i32
    %scan3A_72 = arith.addi %scan3A_70, %scan3A_71 : i32
    %scan3A_73 = arith.constant 1 : i32
    %scan3A_74 = scf.for %scan3A_215 = %scan3A_70 to %scan3A_72 step %scan3A_73 iter_args(%scan3A_216 = %scan3A_69) -> (i32)  : i32 {
      %mul3A_217 = arith.constant 20224 : i32
      %mul3A_218 = arith.muli %arg1, %mul3A_217 : i32
      %mul3A_219 = arith.constant 10112 : i32
      %mul3A_220 = arith.muli %scan3A_215, %mul3A_219 : i32
      %add3A_221 = arith.addi %mul3A_218, %mul3A_220 : i32
      "tpu.region"() ({
        %run_scoped3A_244 = tpu.sem_alloc : memref<!tpu.dma_semaphore, #tpu.memory_space<semaphore_mem>>
        %dma_start3A_245 = arith.constant 0 : i32
        %dma_start3A_246 = tpu.memref_slice %arg7[%dma_start3A_245] : memref<30336xi32, #tpu.memory_space<vmem>> -> memref<10112xi32, #tpu.memory_space<vmem>>
        %dma_start3A_247 = tpu.memref_slice %arg2[%add3A_221] : memref<323584xi32, #tpu.memory_space<hbm>> -> memref<10112xi32, #tpu.memory_space<hbm>>
        %dma_start3A_248 = arith.constant 0 : i32
        %dma_start3A_249 = tpu.memref_slice %arg7[%dma_start3A_248] : memref<30336xi32, #tpu.memory_space<vmem>> -> memref<10112xi32, #tpu.memory_space<vmem>>
        %dma_start3A_250 = tpu.memref_slice %arg2[%add3A_221] : memref<323584xi32, #tpu.memory_space<hbm>> -> memref<10112xi32, #tpu.memory_space<hbm>>
        tpu.enqueue_dma source(%dma_start3A_250 : memref<10112xi32, #tpu.memory_space<hbm>>) target(%dma_start3A_249 : memref<10112xi32, #tpu.memory_space<vmem>>) target_semaphore(%run_scoped3A_244 : memref<!tpu.dma_semaphore, #tpu.memory_space<semaphore_mem>>)
        %dma_wait3A = arith.constant 0 : i32
        %dma_wait3A_251 = tpu.memref_slice %arg7[%dma_wait3A] : memref<30336xi32, #tpu.memory_space<vmem>> -> memref<10112xi32, #tpu.memory_space<vmem>>
        %dma_wait3A_252 = tpu.memref_slice %arg2[%add3A_221] : memref<323584xi32, #tpu.memory_space<hbm>> -> memref<10112xi32, #tpu.memory_space<hbm>>
        %dma_wait3A_253 = arith.constant 0 : i32
        %dma_wait3A_254 = tpu.memref_slice %arg7[%dma_wait3A_253] : memref<30336xi32, #tpu.memory_space<vmem>> -> memref<10112xi32, #tpu.memory_space<vmem>>
        %dma_wait3A_255 = tpu.memref_slice %arg2[%add3A_221] : memref<323584xi32, #tpu.memory_space<hbm>> -> memref<10112xi32, #tpu.memory_space<hbm>>
        tpu.wait_dma2 semaphore(%run_scoped3A_244 : memref<!tpu.dma_semaphore, #tpu.memory_space<semaphore_mem>>) src(%dma_wait3A_255 : memref<10112xi32, #tpu.memory_space<hbm>>) dst(%dma_wait3A_254 : memref<10112xi32, #tpu.memory_space<vmem>>)
        tpu.yield
      }) : () -> ()
      "tpu.region"() ({
        %run_scoped3A_244 = tpu.sem_alloc : memref<!tpu.dma_semaphore, #tpu.memory_space<semaphore_mem>>
        %dma_start3A_245 = arith.constant 10112 : i32
        %dma_start3A_246 = tpu.memref_slice %arg7[%dma_start3A_245] : memref<30336xi32, #tpu.memory_space<vmem>> -> memref<10112xi32, #tpu.memory_space<vmem>>
        %dma_start3A_247 = tpu.memref_slice %arg3[%add3A_221] : memref<323584xi32, #tpu.memory_space<hbm>> -> memref<10112xi32, #tpu.memory_space<hbm>>
        %dma_start3A_248 = arith.constant 10112 : i32
        %dma_start3A_249 = tpu.memref_slice %arg7[%dma_start3A_248] : memref<30336xi32, #tpu.memory_space<vmem>> -> memref<10112xi32, #tpu.memory_space<vmem>>
        %dma_start3A_250 = tpu.memref_slice %arg3[%add3A_221] : memref<323584xi32, #tpu.memory_space<hbm>> -> memref<10112xi32, #tpu.memory_space<hbm>>
        tpu.enqueue_dma source(%dma_start3A_250 : memref<10112xi32, #tpu.memory_space<hbm>>) target(%dma_start3A_249 : memref<10112xi32, #tpu.memory_space<vmem>>) target_semaphore(%run_scoped3A_244 : memref<!tpu.dma_semaphore, #tpu.memory_space<semaphore_mem>>)
        %dma_wait3A = arith.constant 10112 : i32
        %dma_wait3A_251 = tpu.memref_slice %arg7[%dma_wait3A] : memref<30336xi32, #tpu.memory_space<vmem>> -> memref<10112xi32, #tpu.memory_space<vmem>>
        %dma_wait3A_252 = tpu.memref_slice %arg3[%add3A_221] : memref<323584xi32, #tpu.memory_space<hbm>> -> memref<10112xi32, #tpu.memory_space<hbm>>
        %dma_wait3A_253 = arith.constant 10112 : i32
        %dma_wait3A_254 = tpu.memref_slice %arg7[%dma_wait3A_253] : memref<30336xi32, #tpu.memory_space<vmem>> -> memref<10112xi32, #tpu.memory_space<vmem>>
        %dma_wait3A_255 = tpu.memref_slice %arg3[%add3A_221] : memref<323584xi32, #tpu.memory_space<hbm>> -> memref<10112xi32, #tpu.memory_space<hbm>>
        tpu.wait_dma2 semaphore(%run_scoped3A_244 : memref<!tpu.dma_semaphore, #tpu.memory_space<semaphore_mem>>) src(%dma_wait3A_255 : memref<10112xi32, #tpu.memory_space<hbm>>) dst(%dma_wait3A_254 : memref<10112xi32, #tpu.memory_space<vmem>>)
        tpu.yield
      }) : () -> ()
      %scan3A_222 = arith.constant 0 : i32
      %scan3A_223 = arith.constant 0 : i32
      %scan3A_224 = arith.constant 158 : i32
      %scan3A_225 = arith.addi %scan3A_223, %scan3A_224 : i32
      %scan3A_226 = arith.constant 1 : i32
      %scan3A_227 = scf.for %scan3A_244 = %scan3A_223 to %scan3A_225 step %scan3A_226 iter_args(%scan3A_245 = %scan3A_222) -> (i32)  : i32 {
        %mul3A_246 = arith.constant 64 : i32
        %mul3A_247 = arith.muli %scan3A_244, %mul3A_246 : i32
        %add3A_248 = arith.constant 0 : i32
        %add3A_249 = arith.addi %mul3A_247, %add3A_248 : i32
        %get3A = arith.index_cast %add3A_249 : i32 to index
        %get3A_250 = tpu.vector_load %arg7[%get3A] {strides = array<i32>} : memref<30336xi32, #tpu.memory_space<vmem>>, vector<16xi32>,
        %add3A_251 = arith.constant 10112 : i32
        %add3A_252 = arith.addi %add3A_251, %add3A_249 : i32
        %get3A_253 = arith.index_cast %add3A_252 : i32 to index
        %get3A_254 = tpu.vector_load %arg7[%get3A_253] {strides = array<i32>} : memref<30336xi32, #tpu.memory_space<vmem>>, vector<16xi32>,
        %mul3A_255 = arith.constant 10000 : i32
        %mul3A_256 = vector.broadcast %mul3A_255 : i32 to vector<16xi32>
        %mul3A_257 = arith.muli %get3A_250, %mul3A_256 : vector<16xi32>
        %add3A_258 = arith.addi %mul3A_257, %get3A_254 : vector<16xi32>
        %swap3A_259 = arith.index_cast %scan3A_244 : i32 to index
        %swap3A_260 = arith.constant 0 : index
        %swap3A_261 = tpu.vector_load %arg10[%swap3A_259, %swap3A_260] {strides = array<i32>} : memref<158x64xi32, #tpu.memory_space<vmem>>, vector<16xi32>,
        tpu.vector_store %arg10[%swap3A_259, %swap3A_260], %add3A_258 {strides = array<i32>} : memref<158x64xi32, #tpu.memory_space<vmem>>, vector<16xi32>,
        %mul3A_262 = arith.constant 64 : i32
        %mul3A_263 = arith.muli %scan3A_244, %mul3A_262 : i32
        %add3A_264 = arith.constant 16 : i32
        %add3A_265 = arith.addi %mul3A_263, %add3A_264 : i32
        %get3A_266 = arith.index_cast %add3A_265 : i32 to index
        %get3A_267 = tpu.vector_load %arg7[%get3A_266] {strides = array<i32>} : memref<30336xi32, #tpu.memory_space<vmem>>, vector<16xi32>,
        %add3A_268 = arith.constant 10112 : i32
        %add3A_269 = arith.addi %add3A_268, %add3A_265 : i32
        %get3A_270 = arith.index_cast %add3A_269 : i32 to index
        %get3A_271 = tpu.vector_load %arg7[%get3A_270] {strides = array<i32>} : memref<30336xi32, #tpu.memory_space<vmem>>, vector<16xi32>,
        %mul3A_272 = arith.constant 10000 : i32
        %mul3A_273 = vector.broadcast %mul3A_272 : i32 to vector<16xi32>
        %mul3A_274 = arith.muli %get3A_267, %mul3A_273 : vector<16xi32>
        %add3A_275 = arith.addi %mul3A_274, %get3A_271 : vector<16xi32>
        %swap3A_276 = arith.index_cast %scan3A_244 : i32 to index
        %swap3A_277 = arith.constant 16 : index
        %swap3A_278 = tpu.vector_load %arg10[%swap3A_276, %swap3A_277] {strides = array<i32>} : memref<158x64xi32, #tpu.memory_space<vmem>>, vector<16xi32>,
        tpu.vector_store %arg10[%swap3A_276, %swap3A_277], %add3A_275 {strides = array<i32>} : memref<158x64xi32, #tpu.memory_space<vmem>>, vector<16xi32>,
        %mul3A_279 = arith.constant 64 : i32
        %mul3A_280 = arith.muli %scan3A_244, %mul3A_279 : i32
        %add3A_281 = arith.constant 32 : i32
        %add3A_282 = arith.addi %mul3A_280, %add3A_281 : i32
        %get3A_283 = arith.index_cast %add3A_282 : i32 to index
        %get3A_284 = tpu.vector_load %arg7[%get3A_283] {strides = array<i32>} : memref<30336xi32, #tpu.memory_space<vmem>>, vector<16xi32>,
        %add3A_285 = arith.constant 10112 : i32
        %add3A_286 = arith.addi %add3A_285, %add3A_282 : i32
        %get3A_287 = arith.index_cast %add3A_286 : i32 to index
        %get3A_288 = tpu.vector_load %arg7[%get3A_287] {strides = array<i32>} : memref<30336xi32, #tpu.memory_space<vmem>>, vector<16xi32>,
        %mul3A_289 = arith.constant 10000 : i32
        %mul3A_290 = vector.broadcast %mul3A_289 : i32 to vector<16xi32>
        %mul3A_291 = arith.muli %get3A_284, %mul3A_290 : vector<16xi32>
        %add3A_292 = arith.addi %mul3A_291, %get3A_288 : vector<16xi32>
        %swap3A_293 = arith.index_cast %scan3A_244 : i32 to index
        %swap3A_294 = arith.constant 32 : index
        %swap3A_295 = tpu.vector_load %arg10[%swap3A_293, %swap3A_294] {strides = array<i32>} : memref<158x64xi32, #tpu.memory_space<vmem>>, vector<16xi32>,
        tpu.vector_store %arg10[%swap3A_293, %swap3A_294], %add3A_292 {strides = array<i32>} : memref<158x64xi32, #tpu.memory_space<vmem>>, vector<16xi32>,
        %mul3A_296 = arith.constant 64 : i32
        %mul3A_297 = arith.muli %scan3A_244, %mul3A_296 : i32
        %add3A_298 = arith.constant 48 : i32
        %add3A_299 = arith.addi %mul3A_297, %add3A_298 : i32
        %get3A_300 = arith.index_cast %add3A_299 : i32 to index
        %get3A_301 = tpu.vector_load %arg7[%get3A_300] {strides = array<i32>} : memref<30336xi32, #tpu.memory_space<vmem>>, vector<16xi32>,
        %add3A_302 = arith.constant 10112 : i32
        %add3A_303 = arith.addi %add3A_302, %add3A_299 : i32
        %get3A_304 = arith.index_cast %add3A_303 : i32 to index
        %get3A_305 = tpu.vector_load %arg7[%get3A_304] {strides = array<i32>} : memref<30336xi32, #tpu.memory_space<vmem>>, vector<16xi32>,
        %mul3A_306 = arith.constant 10000 : i32
        %mul3A_307 = vector.broadcast %mul3A_306 : i32 to vector<16xi32>
        %mul3A_308 = arith.muli %get3A_301, %mul3A_307 : vector<16xi32>
        %add3A_309 = arith.addi %mul3A_308, %get3A_305 : vector<16xi32>
        %swap3A_310 = arith.index_cast %scan3A_244 : i32 to index
        %swap3A_311 = arith.constant 48 : index
        %swap3A_312 = tpu.vector_load %arg10[%swap3A_310, %swap3A_311] {strides = array<i32>} : memref<158x64xi32, #tpu.memory_space<vmem>>, vector<16xi32>,
        tpu.vector_store %arg10[%swap3A_310, %swap3A_311], %add3A_309 {strides = array<i32>} : memref<158x64xi32, #tpu.memory_space<vmem>>, vector<16xi32>,
        %scan3A_313 = arith.constant 0 : i32
        scf.yield %scan3A_313 : i32
      }
      %scan3A_228 = arith.constant 158 : i32
      %scan3A_229 = arith.constant 0 : i32
      %scan3A_230 = arith.constant 0 : i32
      %scan3A_231 = arith.constant 158 : i32
      %scan3A_232 = arith.addi %scan3A_230, %scan3A_231 : i32
      %scan3A_233 = arith.constant 1 : i32
      %scan3A_234 = scf.for %scan3A_244 = %scan3A_230 to %scan3A_232 step %scan3A_233 iter_args(%scan3A_245 = %scan3A_229) -> (i32)  : i32 {
        %dma_start3A_246 = arith.constant 0 : i32
        %dma_start3A_247 = tpu.memref_slice %arg10[%scan3A_244, %dma_start3A_246] : memref<158x64xi32, #tpu.memory_space<vmem>> -> memref<1x64xi32, #tpu.memory_space<vmem>>
        %dma_start3A_248 = tpu.memref_squeeze %dma_start3A_247 : memref<1x64xi32, #tpu.memory_space<vmem>> -> memref<64xi32, #tpu.memory_space<vmem>>
        %dma_start3A_249 = arith.constant 0 : i32
        %dma_start3A_250 = tpu.memref_slice %arg18[%dma_start3A_249] : memref<170240xf32, #tpu.memory_space<vmem_shared>> -> memref<170240xf32, #tpu.memory_space<vmem_shared>>
        tpu.enqueue_indirect_dma source(%arg11 : memref<64xf32, #tpu.memory_space<vmem>>) target(%dma_start3A_250 : memref<170240xf32, #tpu.memory_space<vmem_shared>>) offsets(%dma_start3A_248 : memref<64xi32, #tpu.memory_space<vmem>>) semaphore(%arg17 : memref<!tpu.dma_semaphore, #tpu.memory_space<semaphore_mem>>) {add = true}
        %scan3A_251 = arith.constant 0 : i32
        scf.yield %scan3A_251 : i32
      }
      %scan3A_235 = arith.constant 158 : i32
      %scan3A_236 = arith.constant 0 : i32
      %scan3A_237 = arith.constant 0 : i32
      %scan3A_238 = arith.constant 158 : i32
      %scan3A_239 = arith.addi %scan3A_237, %scan3A_238 : i32
      %scan3A_240 = arith.constant 1 : i32
      %scan3A_241 = scf.for %scan3A_244 = %scan3A_237 to %scan3A_239 step %scan3A_240 iter_args(%scan3A_245 = %scan3A_236) -> (i32)  : i32 {
        %dma_wait3A = arith.constant 0 : i32
        %dma_wait3A_246 = tpu.memref_slice %arg10[%scan3A_244, %dma_wait3A] : memref<158x64xi32, #tpu.memory_space<vmem>> -> memref<1x64xi32, #tpu.memory_space<vmem>>
        %dma_wait3A_247 = tpu.memref_squeeze %dma_wait3A_246 : memref<1x64xi32, #tpu.memory_space<vmem>> -> memref<64xi32, #tpu.memory_space<vmem>>
        %dma_wait3A_248 = arith.constant 0 : i32
        %dma_wait3A_249 = tpu.memref_slice %arg18[%dma_wait3A_248] : memref<170240xf32, #tpu.memory_space<vmem_shared>> -> memref<170240xf32, #tpu.memory_space<vmem_shared>>
        tpu.wait_indirect_dma semaphore(%arg17 : memref<!tpu.dma_semaphore, #tpu.memory_space<semaphore_mem>>) src(%arg11 : memref<64xf32, #tpu.memory_space<vmem>>) dst(%dma_wait3A_249 : memref<170240xf32, #tpu.memory_space<vmem_shared>>)
        %scan3A_250 = arith.constant 0 : i32
        scf.yield %scan3A_250 : i32
      }
      %scan3A_242 = arith.constant 158 : i32
      %scan3A_243 = arith.constant 0 : i32
      scf.yield %scan3A_243 : i32
    }
    %scan3A_75 = arith.constant 2 : i32
    %barrier3A_76 = arith.constant 0 : index
    tpu.barrier barrier_id(%barrier3A_76)
    "tpu.trace_stop"() : () -> ()
    %mul3A_77 = arith.constant 10640 : i32
    %mul3A_78 = arith.muli %arg1, %mul3A_77 : i32
    %add3A_79 = arith.constant 0 : i32
    %add3A_80 = arith.addi %mul3A_78, %add3A_79 : i32
    "tpu.region"() ({
      %run_scoped3A_215 = tpu.sem_alloc : memref<!tpu.dma_semaphore, #tpu.memory_space<semaphore_mem>>
      %dma_start3A_216 = tpu.memref_slice %arg18[%add3A_80] : memref<170240xf32, #tpu.memory_space<vmem_shared>> -> memref<2128xf32, #tpu.memory_space<vmem_shared>>
      %dma_start3A_217 = tpu.memref_slice %arg18[%add3A_80] : memref<170240xf32, #tpu.memory_space<vmem_shared>> -> memref<2128xf32, #tpu.memory_space<vmem_shared>>
      tpu.enqueue_dma source(%dma_start3A_217 : memref<2128xf32, #tpu.memory_space<vmem_shared>>) target(%arg13 : memref<2128xf32, #tpu.memory_space<vmem>>) target_semaphore(%run_scoped3A_215 : memref<!tpu.dma_semaphore, #tpu.memory_space<semaphore_mem>>)
      %dma_wait3A = tpu.memref_slice %arg18[%add3A_80] : memref<170240xf32, #tpu.memory_space<vmem_shared>> -> memref<2128xf32, #tpu.memory_space<vmem_shared>>
      %dma_wait3A_218 = tpu.memref_slice %arg18[%add3A_80] : memref<170240xf32, #tpu.memory_space<vmem_shared>> -> memref<2128xf32, #tpu.memory_space<vmem_shared>>
      tpu.wait_dma2 semaphore(%run_scoped3A_215 : memref<!tpu.dma_semaphore, #tpu.memory_space<semaphore_mem>>) src(%dma_wait3A_218 : memref<2128xf32, #tpu.memory_space<vmem_shared>>) dst(%arg13 : memref<2128xf32, #tpu.memory_space<vmem>>)
      tpu.yield
    }) : () -> ()
    %scan3A_81 = arith.constant 0 : i32
    %scan3A_82 = arith.constant 0 : i32
    %scan3A_83 = arith.constant 133 : i32
    %scan3A_84 = arith.addi %scan3A_82, %scan3A_83 : i32
    %scan3A_85 = arith.constant 1 : i32
    %scan3A_86 = scf.for %scan3A_215 = %scan3A_82 to %scan3A_84 step %scan3A_85 iter_args(%scan3A_216 = %scan3A_81) -> (i32)  : i32 {
      %mul3A_217 = arith.constant 16 : i32
      %mul3A_218 = arith.muli %scan3A_215, %mul3A_217 : i32
      %get3A = arith.index_cast %mul3A_218 : i32 to index
      %get3A_219 = tpu.vector_load %arg13[%get3A] {strides = array<i32>} : memref<2128xf32, #tpu.memory_space<vmem>>, vector<16xf32>,
      %max3A = arith.constant 1.000000e+00 : f32
      %max3A_220 = vector.broadcast %max3A : f32 to vector<16xf32>
      %max3A_221 = arith.maximumf %get3A_219, %max3A_220 : vector<16xf32>
      %div3A = arith.constant 1.000000e+00 : f32
      %div3A_222 = vector.broadcast %div3A : f32 to vector<16xf32>
      %div3A_223 = arith.divf %div3A_222, %max3A_221 : vector<16xf32>
      %mul3A_224 = arith.constant 16 : i32
      %mul3A_225 = arith.muli %scan3A_215, %mul3A_224 : i32
      %swap3A_226 = arith.index_cast %mul3A_225 : i32 to index
      %swap3A_227 = tpu.vector_load %arg13[%swap3A_226] {strides = array<i32>} : memref<2128xf32, #tpu.memory_space<vmem>>, vector<16xf32>,
      tpu.vector_store %arg13[%swap3A_226], %div3A_223 {strides = array<i32>} : memref<2128xf32, #tpu.memory_space<vmem>>, vector<16xf32>,
      %scan3A_228 = arith.constant 0 : i32
      scf.yield %scan3A_228 : i32
    }
    %scan3A_87 = arith.constant 133 : i32
    %mul3A_88 = arith.constant 10640 : i32
    %mul3A_89 = arith.muli %arg1, %mul3A_88 : i32
    %add3A_90 = arith.constant 0 : i32
    %add3A_91 = arith.addi %mul3A_89, %add3A_90 : i32
    "tpu.region"() ({
      %run_scoped3A_215 = tpu.sem_alloc : memref<!tpu.dma_semaphore, #tpu.memory_space<semaphore_mem>>
      %dma_start3A_216 = tpu.memref_slice %arg18[%add3A_91] : memref<170240xf32, #tpu.memory_space<vmem_shared>> -> memref<2128xf32, #tpu.memory_space<vmem_shared>>
      %dma_start3A_217 = tpu.memref_slice %arg18[%add3A_91] : memref<170240xf32, #tpu.memory_space<vmem_shared>> -> memref<2128xf32, #tpu.memory_space<vmem_shared>>
      tpu.enqueue_dma source(%arg13 : memref<2128xf32, #tpu.memory_space<vmem>>) target(%dma_start3A_217 : memref<2128xf32, #tpu.memory_space<vmem_shared>>) target_semaphore(%run_scoped3A_215 : memref<!tpu.dma_semaphore, #tpu.memory_space<semaphore_mem>>)
      %dma_wait3A = tpu.memref_slice %arg18[%add3A_91] : memref<170240xf32, #tpu.memory_space<vmem_shared>> -> memref<2128xf32, #tpu.memory_space<vmem_shared>>
      %dma_wait3A_218 = tpu.memref_slice %arg18[%add3A_91] : memref<170240xf32, #tpu.memory_space<vmem_shared>> -> memref<2128xf32, #tpu.memory_space<vmem_shared>>
      tpu.wait_dma2 semaphore(%run_scoped3A_215 : memref<!tpu.dma_semaphore, #tpu.memory_space<semaphore_mem>>) src(%arg13 : memref<2128xf32, #tpu.memory_space<vmem>>) dst(%dma_wait3A_218 : memref<2128xf32, #tpu.memory_space<vmem_shared>>)
      tpu.yield
    }) : () -> ()
    %mul3A_92 = arith.constant 10640 : i32
    %mul3A_93 = arith.muli %arg1, %mul3A_92 : i32
    %add3A_94 = arith.constant 2128 : i32
    %add3A_95 = arith.addi %mul3A_93, %add3A_94 : i32
    "tpu.region"() ({
      %run_scoped3A_215 = tpu.sem_alloc : memref<!tpu.dma_semaphore, #tpu.memory_space<semaphore_mem>>
      %dma_start3A_216 = tpu.memref_slice %arg18[%add3A_95] : memref<170240xf32, #tpu.memory_space<vmem_shared>> -> memref<2128xf32, #tpu.memory_space<vmem_shared>>
      %dma_start3A_217 = tpu.memref_slice %arg18[%add3A_95] : memref<170240xf32, #tpu.memory_space<vmem_shared>> -> memref<2128xf32, #tpu.memory_space<vmem_shared>>
      tpu.enqueue_dma source(%dma_start3A_217 : memref<2128xf32, #tpu.memory_space<vmem_shared>>) target(%arg13 : memref<2128xf32, #tpu.memory_space<vmem>>) target_semaphore(%run_scoped3A_215 : memref<!tpu.dma_semaphore, #tpu.memory_space<semaphore_mem>>)
      %dma_wait3A = tpu.memref_slice %arg18[%add3A_95] : memref<170240xf32, #tpu.memory_space<vmem_shared>> -> memref<2128xf32, #tpu.memory_space<vmem_shared>>
      %dma_wait3A_218 = tpu.memref_slice %arg18[%add3A_95] : memref<170240xf32, #tpu.memory_space<vmem_shared>> -> memref<2128xf32, #tpu.memory_space<vmem_shared>>
      tpu.wait_dma2 semaphore(%run_scoped3A_215 : memref<!tpu.dma_semaphore, #tpu.memory_space<semaphore_mem>>) src(%dma_wait3A_218 : memref<2128xf32, #tpu.memory_space<vmem_shared>>) dst(%arg13 : memref<2128xf32, #tpu.memory_space<vmem>>)
      tpu.yield
    }) : () -> ()
    %scan3A_96 = arith.constant 0 : i32
    %scan3A_97 = arith.constant 0 : i32
    %scan3A_98 = arith.constant 133 : i32
    %scan3A_99 = arith.addi %scan3A_97, %scan3A_98 : i32
    %scan3A_100 = arith.constant 1 : i32
    %scan3A_101 = scf.for %scan3A_215 = %scan3A_97 to %scan3A_99 step %scan3A_100 iter_args(%scan3A_216 = %scan3A_96) -> (i32)  : i32 {
      %mul3A_217 = arith.constant 16 : i32
      %mul3A_218 = arith.muli %scan3A_215, %mul3A_217 : i32
      %get3A = arith.index_cast %mul3A_218 : i32 to index
      %get3A_219 = tpu.vector_load %arg13[%get3A] {strides = array<i32>} : memref<2128xf32, #tpu.memory_space<vmem>>, vector<16xf32>,
      %max3A = arith.constant 1.000000e+00 : f32
      %max3A_220 = vector.broadcast %max3A : f32 to vector<16xf32>
      %max3A_221 = arith.maximumf %get3A_219, %max3A_220 : vector<16xf32>
      %div3A = arith.constant 1.000000e+00 : f32
      %div3A_222 = vector.broadcast %div3A : f32 to vector<16xf32>
      %div3A_223 = arith.divf %div3A_222, %max3A_221 : vector<16xf32>
      %mul3A_224 = arith.constant 16 : i32
      %mul3A_225 = arith.muli %scan3A_215, %mul3A_224 : i32
      %swap3A_226 = arith.index_cast %mul3A_225 : i32 to index
      %swap3A_227 = tpu.vector_load %arg13[%swap3A_226] {strides = array<i32>} : memref<2128xf32, #tpu.memory_space<vmem>>, vector<16xf32>,
      tpu.vector_store %arg13[%swap3A_226], %div3A_223 {strides = array<i32>} : memref<2128xf32, #tpu.memory_space<vmem>>, vector<16xf32>,
      %scan3A_228 = arith.constant 0 : i32
      scf.yield %scan3A_228 : i32
    }
    %scan3A_102 = arith.constant 133 : i32
    %mul3A_103 = arith.constant 10640 : i32
    %mul3A_104 = arith.muli %arg1, %mul3A_103 : i32
    %add3A_105 = arith.constant 2128 : i32
    %add3A_106 = arith.addi %mul3A_104, %add3A_105 : i32
    "tpu.region"() ({
      %run_scoped3A_215 = tpu.sem_alloc : memref<!tpu.dma_semaphore, #tpu.memory_space<semaphore_mem>>
      %dma_start3A_216 = tpu.memref_slice %arg18[%add3A_106] : memref<170240xf32, #tpu.memory_space<vmem_shared>> -> memref<2128xf32, #tpu.memory_space<vmem_shared>>
      %dma_start3A_217 = tpu.memref_slice %arg18[%add3A_106] : memref<170240xf32, #tpu.memory_space<vmem_shared>> -> memref<2128xf32, #tpu.memory_space<vmem_shared>>
      tpu.enqueue_dma source(%arg13 : memref<2128xf32, #tpu.memory_space<vmem>>) target(%dma_start3A_217 : memref<2128xf32, #tpu.memory_space<vmem_shared>>) target_semaphore(%run_scoped3A_215 : memref<!tpu.dma_semaphore, #tpu.memory_space<semaphore_mem>>)
      %dma_wait3A = tpu.memref_slice %arg18[%add3A_106] : memref<170240xf32, #tpu.memory_space<vmem_shared>> -> memref<2128xf32, #tpu.memory_space<vmem_shared>>
      %dma_wait3A_218 = tpu.memref_slice %arg18[%add3A_106] : memref<170240xf32, #tpu.memory_space<vmem_shared>> -> memref<2128xf32, #tpu.memory_space<vmem_shared>>
      tpu.wait_dma2 semaphore(%run_scoped3A_215 : memref<!tpu.dma_semaphore, #tpu.memory_space<semaphore_mem>>) src(%arg13 : memref<2128xf32, #tpu.memory_space<vmem>>) dst(%dma_wait3A_218 : memref<2128xf32, #tpu.memory_space<vmem_shared>>)
      tpu.yield
    }) : () -> ()
    %mul3A_107 = arith.constant 10640 : i32
    %mul3A_108 = arith.muli %arg1, %mul3A_107 : i32
    %add3A_109 = arith.constant 4256 : i32
    %add3A_110 = arith.addi %mul3A_108, %add3A_109 : i32
    "tpu.region"() ({
      %run_scoped3A_215 = tpu.sem_alloc : memref<!tpu.dma_semaphore, #tpu.memory_space<semaphore_mem>>
      %dma_start3A_216 = tpu.memref_slice %arg18[%add3A_110] : memref<170240xf32, #tpu.memory_space<vmem_shared>> -> memref<2128xf32, #tpu.memory_space<vmem_shared>>
      %dma_start3A_217 = tpu.memref_slice %arg18[%add3A_110] : memref<170240xf32, #tpu.memory_space<vmem_shared>> -> memref<2128xf32, #tpu.memory_space<vmem_shared>>
      tpu.enqueue_dma source(%dma_start3A_217 : memref<2128xf32, #tpu.memory_space<vmem_shared>>) target(%arg13 : memref<2128xf32, #tpu.memory_space<vmem>>) target_semaphore(%run_scoped3A_215 : memref<!tpu.dma_semaphore, #tpu.memory_space<semaphore_mem>>)
      %dma_wait3A = tpu.memref_slice %arg18[%add3A_110] : memref<170240xf32, #tpu.memory_space<vmem_shared>> -> memref<2128xf32, #tpu.memory_space<vmem_shared>>
      %dma_wait3A_218 = tpu.memref_slice %arg18[%add3A_110] : memref<170240xf32, #tpu.memory_space<vmem_shared>> -> memref<2128xf32, #tpu.memory_space<vmem_shared>>
      tpu.wait_dma2 semaphore(%run_scoped3A_215 : memref<!tpu.dma_semaphore, #tpu.memory_space<semaphore_mem>>) src(%dma_wait3A_218 : memref<2128xf32, #tpu.memory_space<vmem_shared>>) dst(%arg13 : memref<2128xf32, #tpu.memory_space<vmem>>)
      tpu.yield
    }) : () -> ()
    %scan3A_111 = arith.constant 0 : i32
    %scan3A_112 = arith.constant 0 : i32
    %scan3A_113 = arith.constant 133 : i32
    %scan3A_114 = arith.addi %scan3A_112, %scan3A_113 : i32
    %scan3A_115 = arith.constant 1 : i32
    %scan3A_116 = scf.for %scan3A_215 = %scan3A_112 to %scan3A_114 step %scan3A_115 iter_args(%scan3A_216 = %scan3A_111) -> (i32)  : i32 {
      %mul3A_217 = arith.constant 16 : i32
      %mul3A_218 = arith.muli %scan3A_215, %mul3A_217 : i32
      %get3A = arith.index_cast %mul3A_218 : i32 to index
      %get3A_219 = tpu.vector_load %arg13[%get3A] {strides = array<i32>} : memref<2128xf32, #tpu.memory_space<vmem>>, vector<16xf32>,
      %max3A = arith.constant 1.000000e+00 : f32
      %max3A_220 = vector.broadcast %max3A : f32 to vector<16xf32>
      %max3A_221 = arith.maximumf %get3A_219, %max3A_220 : vector<16xf32>
      %div3A = arith.constant 1.000000e+00 : f32
      %div3A_222 = vector.broadcast %div3A : f32 to vector<16xf32>
      %div3A_223 = arith.divf %div3A_222, %max3A_221 : vector<16xf32>
      %mul3A_224 = arith.constant 16 : i32
      %mul3A_225 = arith.muli %scan3A_215, %mul3A_224 : i32
      %swap3A_226 = arith.index_cast %mul3A_225 : i32 to index
      %swap3A_227 = tpu.vector_load %arg13[%swap3A_226] {strides = array<i32>} : memref<2128xf32, #tpu.memory_space<vmem>>, vector<16xf32>,
      tpu.vector_store %arg13[%swap3A_226], %div3A_223 {strides = array<i32>} : memref<2128xf32, #tpu.memory_space<vmem>>, vector<16xf32>,
      %scan3A_228 = arith.constant 0 : i32
      scf.yield %scan3A_228 : i32
    }
    %scan3A_117 = arith.constant 133 : i32
    %mul3A_118 = arith.constant 10640 : i32
    %mul3A_119 = arith.muli %arg1, %mul3A_118 : i32
    %add3A_120 = arith.constant 4256 : i32
    %add3A_121 = arith.addi %mul3A_119, %add3A_120 : i32
    "tpu.region"() ({
      %run_scoped3A_215 = tpu.sem_alloc : memref<!tpu.dma_semaphore, #tpu.memory_space<semaphore_mem>>
      %dma_start3A_216 = tpu.memref_slice %arg18[%add3A_121] : memref<170240xf32, #tpu.memory_space<vmem_shared>> -> memref<2128xf32, #tpu.memory_space<vmem_shared>>
      %dma_start3A_217 = tpu.memref_slice %arg18[%add3A_121] : memref<170240xf32, #tpu.memory_space<vmem_shared>> -> memref<2128xf32, #tpu.memory_space<vmem_shared>>
      tpu.enqueue_dma source(%arg13 : memref<2128xf32, #tpu.memory_space<vmem>>) target(%dma_start3A_217 : memref<2128xf32, #tpu.memory_space<vmem_shared>>) target_semaphore(%run_scoped3A_215 : memref<!tpu.dma_semaphore, #tpu.memory_space<semaphore_mem>>)
      %dma_wait3A = tpu.memref_slice %arg18[%add3A_121] : memref<170240xf32, #tpu.memory_space<vmem_shared>> -> memref<2128xf32, #tpu.memory_space<vmem_shared>>
      %dma_wait3A_218 = tpu.memref_slice %arg18[%add3A_121] : memref<170240xf32, #tpu.memory_space<vmem_shared>> -> memref<2128xf32, #tpu.memory_space<vmem_shared>>
      tpu.wait_dma2 semaphore(%run_scoped3A_215 : memref<!tpu.dma_semaphore, #tpu.memory_space<semaphore_mem>>) src(%arg13 : memref<2128xf32, #tpu.memory_space<vmem>>) dst(%dma_wait3A_218 : memref<2128xf32, #tpu.memory_space<vmem_shared>>)
      tpu.yield
    }) : () -> ()
    %mul3A_122 = arith.constant 10640 : i32
    %mul3A_123 = arith.muli %arg1, %mul3A_122 : i32
    %add3A_124 = arith.constant 6384 : i32
    %add3A_125 = arith.addi %mul3A_123, %add3A_124 : i32
    "tpu.region"() ({
      %run_scoped3A_215 = tpu.sem_alloc : memref<!tpu.dma_semaphore, #tpu.memory_space<semaphore_mem>>
      %dma_start3A_216 = tpu.memref_slice %arg18[%add3A_125] : memref<170240xf32, #tpu.memory_space<vmem_shared>> -> memref<2128xf32, #tpu.memory_space<vmem_shared>>
      %dma_start3A_217 = tpu.memref_slice %arg18[%add3A_125] : memref<170240xf32, #tpu.memory_space<vmem_shared>> -> memref<2128xf32, #tpu.memory_space<vmem_shared>>
      tpu.enqueue_dma source(%dma_start3A_217 : memref<2128xf32, #tpu.memory_space<vmem_shared>>) target(%arg13 : memref<2128xf32, #tpu.memory_space<vmem>>) target_semaphore(%run_scoped3A_215 : memref<!tpu.dma_semaphore, #tpu.memory_space<semaphore_mem>>)
      %dma_wait3A = tpu.memref_slice %arg18[%add3A_125] : memref<170240xf32, #tpu.memory_space<vmem_shared>> -> memref<2128xf32, #tpu.memory_space<vmem_shared>>
      %dma_wait3A_218 = tpu.memref_slice %arg18[%add3A_125] : memref<170240xf32, #tpu.memory_space<vmem_shared>> -> memref<2128xf32, #tpu.memory_space<vmem_shared>>
      tpu.wait_dma2 semaphore(%run_scoped3A_215 : memref<!tpu.dma_semaphore, #tpu.memory_space<semaphore_mem>>) src(%dma_wait3A_218 : memref<2128xf32, #tpu.memory_space<vmem_shared>>) dst(%arg13 : memref<2128xf32, #tpu.memory_space<vmem>>)
      tpu.yield
    }) : () -> ()
    %scan3A_126 = arith.constant 0 : i32
    %scan3A_127 = arith.constant 0 : i32
    %scan3A_128 = arith.constant 133 : i32
    %scan3A_129 = arith.addi %scan3A_127, %scan3A_128 : i32
    %scan3A_130 = arith.constant 1 : i32
    %scan3A_131 = scf.for %scan3A_215 = %scan3A_127 to %scan3A_129 step %scan3A_130 iter_args(%scan3A_216 = %scan3A_126) -> (i32)  : i32 {
      %mul3A_217 = arith.constant 16 : i32
      %mul3A_218 = arith.muli %scan3A_215, %mul3A_217 : i32
      %get3A = arith.index_cast %mul3A_218 : i32 to index
      %get3A_219 = tpu.vector_load %arg13[%get3A] {strides = array<i32>} : memref<2128xf32, #tpu.memory_space<vmem>>, vector<16xf32>,
      %max3A = arith.constant 1.000000e+00 : f32
      %max3A_220 = vector.broadcast %max3A : f32 to vector<16xf32>
      %max3A_221 = arith.maximumf %get3A_219, %max3A_220 : vector<16xf32>
      %div3A = arith.constant 1.000000e+00 : f32
      %div3A_222 = vector.broadcast %div3A : f32 to vector<16xf32>
      %div3A_223 = arith.divf %div3A_222, %max3A_221 : vector<16xf32>
      %mul3A_224 = arith.constant 16 : i32
      %mul3A_225 = arith.muli %scan3A_215, %mul3A_224 : i32
      %swap3A_226 = arith.index_cast %mul3A_225 : i32 to index
      %swap3A_227 = tpu.vector_load %arg13[%swap3A_226] {strides = array<i32>} : memref<2128xf32, #tpu.memory_space<vmem>>, vector<16xf32>,
      tpu.vector_store %arg13[%swap3A_226], %div3A_223 {strides = array<i32>} : memref<2128xf32, #tpu.memory_space<vmem>>, vector<16xf32>,
      %scan3A_228 = arith.constant 0 : i32
      scf.yield %scan3A_228 : i32
    }
    %scan3A_132 = arith.constant 133 : i32
    %mul3A_133 = arith.constant 10640 : i32
    %mul3A_134 = arith.muli %arg1, %mul3A_133 : i32
    %add3A_135 = arith.constant 6384 : i32
    %add3A_136 = arith.addi %mul3A_134, %add3A_135 : i32
    "tpu.region"() ({
      %run_scoped3A_215 = tpu.sem_alloc : memref<!tpu.dma_semaphore, #tpu.memory_space<semaphore_mem>>
      %dma_start3A_216 = tpu.memref_slice %arg18[%add3A_136] : memref<170240xf32, #tpu.memory_space<vmem_shared>> -> memref<2128xf32, #tpu.memory_space<vmem_shared>>
      %dma_start3A_217 = tpu.memref_slice %arg18[%add3A_136] : memref<170240xf32, #tpu.memory_space<vmem_shared>> -> memref<2128xf32, #tpu.memory_space<vmem_shared>>
      tpu.enqueue_dma source(%arg13 : memref<2128xf32, #tpu.memory_space<vmem>>) target(%dma_start3A_217 : memref<2128xf32, #tpu.memory_space<vmem_shared>>) target_semaphore(%run_scoped3A_215 : memref<!tpu.dma_semaphore, #tpu.memory_space<semaphore_mem>>)
      %dma_wait3A = tpu.memref_slice %arg18[%add3A_136] : memref<170240xf32, #tpu.memory_space<vmem_shared>> -> memref<2128xf32, #tpu.memory_space<vmem_shared>>
      %dma_wait3A_218 = tpu.memref_slice %arg18[%add3A_136] : memref<170240xf32, #tpu.memory_space<vmem_shared>> -> memref<2128xf32, #tpu.memory_space<vmem_shared>>
      tpu.wait_dma2 semaphore(%run_scoped3A_215 : memref<!tpu.dma_semaphore, #tpu.memory_space<semaphore_mem>>) src(%arg13 : memref<2128xf32, #tpu.memory_space<vmem>>) dst(%dma_wait3A_218 : memref<2128xf32, #tpu.memory_space<vmem_shared>>)
      tpu.yield
    }) : () -> ()
    %mul3A_137 = arith.constant 10640 : i32
    %mul3A_138 = arith.muli %arg1, %mul3A_137 : i32
    %add3A_139 = arith.constant 8512 : i32
    %add3A_140 = arith.addi %mul3A_138, %add3A_139 : i32
    "tpu.region"() ({
      %run_scoped3A_215 = tpu.sem_alloc : memref<!tpu.dma_semaphore, #tpu.memory_space<semaphore_mem>>
      %dma_start3A_216 = tpu.memref_slice %arg18[%add3A_140] : memref<170240xf32, #tpu.memory_space<vmem_shared>> -> memref<2128xf32, #tpu.memory_space<vmem_shared>>
      %dma_start3A_217 = tpu.memref_slice %arg18[%add3A_140] : memref<170240xf32, #tpu.memory_space<vmem_shared>> -> memref<2128xf32, #tpu.memory_space<vmem_shared>>
      tpu.enqueue_dma source(%dma_start3A_217 : memref<2128xf32, #tpu.memory_space<vmem_shared>>) target(%arg13 : memref<2128xf32, #tpu.memory_space<vmem>>) target_semaphore(%run_scoped3A_215 : memref<!tpu.dma_semaphore, #tpu.memory_space<semaphore_mem>>)
      %dma_wait3A = tpu.memref_slice %arg18[%add3A_140] : memref<170240xf32, #tpu.memory_space<vmem_shared>> -> memref<2128xf32, #tpu.memory_space<vmem_shared>>
      %dma_wait3A_218 = tpu.memref_slice %arg18[%add3A_140] : memref<170240xf32, #tpu.memory_space<vmem_shared>> -> memref<2128xf32, #tpu.memory_space<vmem_shared>>
      tpu.wait_dma2 semaphore(%run_scoped3A_215 : memref<!tpu.dma_semaphore, #tpu.memory_space<semaphore_mem>>) src(%dma_wait3A_218 : memref<2128xf32, #tpu.memory_space<vmem_shared>>) dst(%arg13 : memref<2128xf32, #tpu.memory_space<vmem>>)
      tpu.yield
    }) : () -> ()
    %scan3A_141 = arith.constant 0 : i32
    %scan3A_142 = arith.constant 0 : i32
    %scan3A_143 = arith.constant 133 : i32
    %scan3A_144 = arith.addi %scan3A_142, %scan3A_143 : i32
    %scan3A_145 = arith.constant 1 : i32
    %scan3A_146 = scf.for %scan3A_215 = %scan3A_142 to %scan3A_144 step %scan3A_145 iter_args(%scan3A_216 = %scan3A_141) -> (i32)  : i32 {
      %mul3A_217 = arith.constant 16 : i32
      %mul3A_218 = arith.muli %scan3A_215, %mul3A_217 : i32
      %get3A = arith.index_cast %mul3A_218 : i32 to index
      %get3A_219 = tpu.vector_load %arg13[%get3A] {strides = array<i32>} : memref<2128xf32, #tpu.memory_space<vmem>>, vector<16xf32>,
      %max3A = arith.constant 1.000000e+00 : f32
      %max3A_220 = vector.broadcast %max3A : f32 to vector<16xf32>
      %max3A_221 = arith.maximumf %get3A_219, %max3A_220 : vector<16xf32>
      %div3A = arith.constant 1.000000e+00 : f32
      %div3A_222 = vector.broadcast %div3A : f32 to vector<16xf32>
      %div3A_223 = arith.divf %div3A_222, %max3A_221 : vector<16xf32>
      %mul3A_224 = arith.constant 16 : i32
      %mul3A_225 = arith.muli %scan3A_215, %mul3A_224 : i32
      %swap3A_226 = arith.index_cast %mul3A_225 : i32 to index
      %swap3A_227 = tpu.vector_load %arg13[%swap3A_226] {strides = array<i32>} : memref<2128xf32, #tpu.memory_space<vmem>>, vector<16xf32>,
      tpu.vector_store %arg13[%swap3A_226], %div3A_223 {strides = array<i32>} : memref<2128xf32, #tpu.memory_space<vmem>>, vector<16xf32>,
      %scan3A_228 = arith.constant 0 : i32
      scf.yield %scan3A_228 : i32
    }
    %scan3A_147 = arith.constant 133 : i32
    %mul3A_148 = arith.constant 10640 : i32
    %mul3A_149 = arith.muli %arg1, %mul3A_148 : i32
    %add3A_150 = arith.constant 8512 : i32
    %add3A_151 = arith.addi %mul3A_149, %add3A_150 : i32
    "tpu.region"() ({
      %run_scoped3A_215 = tpu.sem_alloc : memref<!tpu.dma_semaphore, #tpu.memory_space<semaphore_mem>>
      %dma_start3A_216 = tpu.memref_slice %arg18[%add3A_151] : memref<170240xf32, #tpu.memory_space<vmem_shared>> -> memref<2128xf32, #tpu.memory_space<vmem_shared>>
      %dma_start3A_217 = tpu.memref_slice %arg18[%add3A_151] : memref<170240xf32, #tpu.memory_space<vmem_shared>> -> memref<2128xf32, #tpu.memory_space<vmem_shared>>
      tpu.enqueue_dma source(%arg13 : memref<2128xf32, #tpu.memory_space<vmem>>) target(%dma_start3A_217 : memref<2128xf32, #tpu.memory_space<vmem_shared>>) target_semaphore(%run_scoped3A_215 : memref<!tpu.dma_semaphore, #tpu.memory_space<semaphore_mem>>)
      %dma_wait3A = tpu.memref_slice %arg18[%add3A_151] : memref<170240xf32, #tpu.memory_space<vmem_shared>> -> memref<2128xf32, #tpu.memory_space<vmem_shared>>
      %dma_wait3A_218 = tpu.memref_slice %arg18[%add3A_151] : memref<170240xf32, #tpu.memory_space<vmem_shared>> -> memref<2128xf32, #tpu.memory_space<vmem_shared>>
      tpu.wait_dma2 semaphore(%run_scoped3A_215 : memref<!tpu.dma_semaphore, #tpu.memory_space<semaphore_mem>>) src(%arg13 : memref<2128xf32, #tpu.memory_space<vmem>>) dst(%dma_wait3A_218 : memref<2128xf32, #tpu.memory_space<vmem_shared>>)
      tpu.yield
    }) : () -> ()
    %barrier3A_152 = arith.constant 0 : index
    tpu.barrier barrier_id(%barrier3A_152)
    "tpu.trace_start"() <{level = 10 : i32, message = "sc1_pass_b"}> : () -> ()
    %mul3A_153 = arith.constant 161792 : i32
    %mul3A_154 = arith.muli %arg0, %mul3A_153 : i32
    %mul3A_155 = arith.constant 10112 : i32
    %mul3A_156 = arith.muli %arg1, %mul3A_155 : i32
    %add3A_157 = arith.addi %mul3A_154, %mul3A_156 : i32
    "tpu.region"() ({
      %run_scoped3A_215 = tpu.sem_alloc : memref<!tpu.dma_semaphore, #tpu.memory_space<semaphore_mem>>
      %dma_start3A_216 = arith.constant 0 : i32
      %dma_start3A_217 = tpu.memref_slice %arg7[%dma_start3A_216] : memref<30336xi32, #tpu.memory_space<vmem>> -> memref<10112xi32, #tpu.memory_space<vmem>>
      %dma_start3A_218 = tpu.memref_slice %arg2[%add3A_157] : memref<323584xi32, #tpu.memory_space<hbm>> -> memref<10112xi32, #tpu.memory_space<hbm>>
      %dma_start3A_219 = arith.constant 0 : i32
      %dma_start3A_220 = tpu.memref_slice %arg7[%dma_start3A_219] : memref<30336xi32, #tpu.memory_space<vmem>> -> memref<10112xi32, #tpu.memory_space<vmem>>
      %dma_start3A_221 = tpu.memref_slice %arg2[%add3A_157] : memref<323584xi32, #tpu.memory_space<hbm>> -> memref<10112xi32, #tpu.memory_space<hbm>>
      tpu.enqueue_dma source(%dma_start3A_221 : memref<10112xi32, #tpu.memory_space<hbm>>) target(%dma_start3A_220 : memref<10112xi32, #tpu.memory_space<vmem>>) target_semaphore(%run_scoped3A_215 : memref<!tpu.dma_semaphore, #tpu.memory_space<semaphore_mem>>)
      %dma_wait3A = arith.constant 0 : i32
      %dma_wait3A_222 = tpu.memref_slice %arg7[%dma_wait3A] : memref<30336xi32, #tpu.memory_space<vmem>> -> memref<10112xi32, #tpu.memory_space<vmem>>
      %dma_wait3A_223 = tpu.memref_slice %arg2[%add3A_157] : memref<323584xi32, #tpu.memory_space<hbm>> -> memref<10112xi32, #tpu.memory_space<hbm>>
      %dma_wait3A_224 = arith.constant 0 : i32
      %dma_wait3A_225 = tpu.memref_slice %arg7[%dma_wait3A_224] : memref<30336xi32, #tpu.memory_space<vmem>> -> memref<10112xi32, #tpu.memory_space<vmem>>
      %dma_wait3A_226 = tpu.memref_slice %arg2[%add3A_157] : memref<323584xi32, #tpu.memory_space<hbm>> -> memref<10112xi32, #tpu.memory_space<hbm>>
      tpu.wait_dma2 semaphore(%run_scoped3A_215 : memref<!tpu.dma_semaphore, #tpu.memory_space<semaphore_mem>>) src(%dma_wait3A_226 : memref<10112xi32, #tpu.memory_space<hbm>>) dst(%dma_wait3A_225 : memref<10112xi32, #tpu.memory_space<vmem>>)
      tpu.yield
    }) : () -> ()
    "tpu.region"() ({
      %run_scoped3A_215 = tpu.sem_alloc : memref<!tpu.dma_semaphore, #tpu.memory_space<semaphore_mem>>
      %dma_start3A_216 = arith.constant 10112 : i32
      %dma_start3A_217 = tpu.memref_slice %arg7[%dma_start3A_216] : memref<30336xi32, #tpu.memory_space<vmem>> -> memref<10112xi32, #tpu.memory_space<vmem>>
      %dma_start3A_218 = tpu.memref_slice %arg3[%add3A_157] : memref<323584xi32, #tpu.memory_space<hbm>> -> memref<10112xi32, #tpu.memory_space<hbm>>
      %dma_start3A_219 = arith.constant 10112 : i32
      %dma_start3A_220 = tpu.memref_slice %arg7[%dma_start3A_219] : memref<30336xi32, #tpu.memory_space<vmem>> -> memref<10112xi32, #tpu.memory_space<vmem>>
      %dma_start3A_221 = tpu.memref_slice %arg3[%add3A_157] : memref<323584xi32, #tpu.memory_space<hbm>> -> memref<10112xi32, #tpu.memory_space<hbm>>
      tpu.enqueue_dma source(%dma_start3A_221 : memref<10112xi32, #tpu.memory_space<hbm>>) target(%dma_start3A_220 : memref<10112xi32, #tpu.memory_space<vmem>>) target_semaphore(%run_scoped3A_215 : memref<!tpu.dma_semaphore, #tpu.memory_space<semaphore_mem>>)
      %dma_wait3A = arith.constant 10112 : i32
      %dma_wait3A_222 = tpu.memref_slice %arg7[%dma_wait3A] : memref<30336xi32, #tpu.memory_space<vmem>> -> memref<10112xi32, #tpu.memory_space<vmem>>
      %dma_wait3A_223 = tpu.memref_slice %arg3[%add3A_157] : memref<323584xi32, #tpu.memory_space<hbm>> -> memref<10112xi32, #tpu.memory_space<hbm>>
      %dma_wait3A_224 = arith.constant 10112 : i32
      %dma_wait3A_225 = tpu.memref_slice %arg7[%dma_wait3A_224] : memref<30336xi32, #tpu.memory_space<vmem>> -> memref<10112xi32, #tpu.memory_space<vmem>>
      %dma_wait3A_226 = tpu.memref_slice %arg3[%add3A_157] : memref<323584xi32, #tpu.memory_space<hbm>> -> memref<10112xi32, #tpu.memory_space<hbm>>
      tpu.wait_dma2 semaphore(%run_scoped3A_215 : memref<!tpu.dma_semaphore, #tpu.memory_space<semaphore_mem>>) src(%dma_wait3A_226 : memref<10112xi32, #tpu.memory_space<hbm>>) dst(%dma_wait3A_225 : memref<10112xi32, #tpu.memory_space<vmem>>)
      tpu.yield
    }) : () -> ()
    "tpu.region"() ({
      %run_scoped3A_215 = tpu.sem_alloc : memref<!tpu.dma_semaphore, #tpu.memory_space<semaphore_mem>>
      %dma_start3A_216 = arith.constant 20224 : i32
      %dma_start3A_217 = tpu.memref_slice %arg7[%dma_start3A_216] : memref<30336xi32, #tpu.memory_space<vmem>> -> memref<10112xi32, #tpu.memory_space<vmem>>
      %dma_start3A_218 = tpu.memref_slice %arg4[%add3A_157] : memref<323584xi32, #tpu.memory_space<hbm>> -> memref<10112xi32, #tpu.memory_space<hbm>>
      %dma_start3A_219 = arith.constant 20224 : i32
      %dma_start3A_220 = tpu.memref_slice %arg7[%dma_start3A_219] : memref<30336xi32, #tpu.memory_space<vmem>> -> memref<10112xi32, #tpu.memory_space<vmem>>
      %dma_start3A_221 = tpu.memref_slice %arg4[%add3A_157] : memref<323584xi32, #tpu.memory_space<hbm>> -> memref<10112xi32, #tpu.memory_space<hbm>>
      tpu.enqueue_dma source(%dma_start3A_221 : memref<10112xi32, #tpu.memory_space<hbm>>) target(%dma_start3A_220 : memref<10112xi32, #tpu.memory_space<vmem>>) target_semaphore(%run_scoped3A_215 : memref<!tpu.dma_semaphore, #tpu.memory_space<semaphore_mem>>)
      %dma_wait3A = arith.constant 20224 : i32
      %dma_wait3A_222 = tpu.memref_slice %arg7[%dma_wait3A] : memref<30336xi32, #tpu.memory_space<vmem>> -> memref<10112xi32, #tpu.memory_space<vmem>>
      %dma_wait3A_223 = tpu.memref_slice %arg4[%add3A_157] : memref<323584xi32, #tpu.memory_space<hbm>> -> memref<10112xi32, #tpu.memory_space<hbm>>
      %dma_wait3A_224 = arith.constant 20224 : i32
      %dma_wait3A_225 = tpu.memref_slice %arg7[%dma_wait3A_224] : memref<30336xi32, #tpu.memory_space<vmem>> -> memref<10112xi32, #tpu.memory_space<vmem>>
      %dma_wait3A_226 = tpu.memref_slice %arg4[%add3A_157] : memref<323584xi32, #tpu.memory_space<hbm>> -> memref<10112xi32, #tpu.memory_space<hbm>>
      tpu.wait_dma2 semaphore(%run_scoped3A_215 : memref<!tpu.dma_semaphore, #tpu.memory_space<semaphore_mem>>) src(%dma_wait3A_226 : memref<10112xi32, #tpu.memory_space<hbm>>) dst(%dma_wait3A_225 : memref<10112xi32, #tpu.memory_space<vmem>>)
      tpu.yield
    }) : () -> ()
    %scan3A_158 = arith.constant 0 : i32
    %scan3A_159 = arith.constant 0 : i32
    %scan3A_160 = arith.constant 158 : i32
    %scan3A_161 = arith.addi %scan3A_159, %scan3A_160 : i32
    %scan3A_162 = arith.constant 1 : i32
    %scan3A_163 = scf.for %scan3A_215 = %scan3A_159 to %scan3A_161 step %scan3A_162 iter_args(%scan3A_216 = %scan3A_158) -> (i32)  : i32 {
      %mul3A_217 = arith.constant 64 : i32
      %mul3A_218 = arith.muli %scan3A_215, %mul3A_217 : i32
      %add3A_219 = arith.constant 0 : i32
      %add3A_220 = arith.addi %mul3A_218, %add3A_219 : i32
      %get3A = arith.index_cast %add3A_220 : i32 to index
      %get3A_221 = tpu.vector_load %arg7[%get3A] {strides = array<i32>} : memref<30336xi32, #tpu.memory_space<vmem>>, vector<16xi32>,
      %add3A_222 = arith.constant 10112 : i32
      %add3A_223 = arith.addi %add3A_222, %add3A_220 : i32
      %get3A_224 = arith.index_cast %add3A_223 : i32 to index
      %get3A_225 = tpu.vector_load %arg7[%get3A_224] {strides = array<i32>} : memref<30336xi32, #tpu.memory_space<vmem>>, vector<16xi32>,
      %add3A_226 = arith.constant 20224 : i32
      %add3A_227 = arith.addi %add3A_226, %add3A_220 : i32
      %get3A_228 = arith.index_cast %add3A_227 : i32 to index
      %get3A_229 = tpu.vector_load %arg7[%get3A_228] {strides = array<i32>} : memref<30336xi32, #tpu.memory_space<vmem>>, vector<16xi32>,
      %mul3A_230 = arith.constant 10000 : i32
      %mul3A_231 = vector.broadcast %mul3A_230 : i32 to vector<16xi32>
      %mul3A_232 = arith.muli %get3A_221, %mul3A_231 : vector<16xi32>
      %add3A_233 = arith.addi %mul3A_232, %get3A_225 : vector<16xi32>
      %swap3A_234 = arith.index_cast %add3A_220 : i32 to index
      %swap3A_235 = tpu.vector_load %arg8[%swap3A_234] {strides = array<i32>} : memref<10112xi32, #tpu.memory_space<vmem>>, vector<16xi32>,
      tpu.vector_store %arg8[%swap3A_234], %add3A_233 {strides = array<i32>} : memref<10112xi32, #tpu.memory_space<vmem>>, vector<16xi32>,
      %mul3A_236 = arith.constant 10000 : i32
      %mul3A_237 = vector.broadcast %mul3A_236 : i32 to vector<16xi32>
      %mul3A_238 = arith.muli %get3A_221, %mul3A_237 : vector<16xi32>
      %add3A_239 = arith.addi %mul3A_238, %get3A_229 : vector<16xi32>
      %min3A = arith.constant 159999 : i32
      %min3A_240 = vector.broadcast %min3A : i32 to vector<16xi32>
      %min3A_241 = arith.minsi %add3A_239, %min3A_240 : vector<16xi32>
      %swap3A_242 = arith.index_cast %add3A_220 : i32 to index
      %swap3A_243 = tpu.vector_load %arg9[%swap3A_242] {strides = array<i32>} : memref<10112xi32, #tpu.memory_space<vmem>>, vector<16xi32>,
      tpu.vector_store %arg9[%swap3A_242], %min3A_241 {strides = array<i32>} : memref<10112xi32, #tpu.memory_space<vmem>>, vector<16xi32>,
      %swap3A_244 = arith.index_cast %scan3A_215 : i32 to index
      %swap3A_245 = arith.constant 0 : index
      %swap3A_246 = tpu.vector_load %arg10[%swap3A_244, %swap3A_245] {strides = array<i32>} : memref<158x64xi32, #tpu.memory_space<vmem>>, vector<16xi32>,
      tpu.vector_store %arg10[%swap3A_244, %swap3A_245], %get3A_225 {strides = array<i32>} : memref<158x64xi32, #tpu.memory_space<vmem>>, vector<16xi32>,
      %mul3A_247 = arith.constant 64 : i32
      %mul3A_248 = arith.muli %scan3A_215, %mul3A_247 : i32
      %add3A_249 = arith.constant 16 : i32
      %add3A_250 = arith.addi %mul3A_248, %add3A_249 : i32
      %get3A_251 = arith.index_cast %add3A_250 : i32 to index
      %get3A_252 = tpu.vector_load %arg7[%get3A_251] {strides = array<i32>} : memref<30336xi32, #tpu.memory_space<vmem>>, vector<16xi32>,
      %add3A_253 = arith.constant 10112 : i32
      %add3A_254 = arith.addi %add3A_253, %add3A_250 : i32
      %get3A_255 = arith.index_cast %add3A_254 : i32 to index
      %get3A_256 = tpu.vector_load %arg7[%get3A_255] {strides = array<i32>} : memref<30336xi32, #tpu.memory_space<vmem>>, vector<16xi32>,
      %add3A_257 = arith.constant 20224 : i32
      %add3A_258 = arith.addi %add3A_257, %add3A_250 : i32
      %get3A_259 = arith.index_cast %add3A_258 : i32 to index
      %get3A_260 = tpu.vector_load %arg7[%get3A_259] {strides = array<i32>} : memref<30336xi32, #tpu.memory_space<vmem>>, vector<16xi32>,
      %mul3A_261 = arith.constant 10000 : i32
      %mul3A_262 = vector.broadcast %mul3A_261 : i32 to vector<16xi32>
      %mul3A_263 = arith.muli %get3A_252, %mul3A_262 : vector<16xi32>
      %add3A_264 = arith.addi %mul3A_263, %get3A_256 : vector<16xi32>
      %swap3A_265 = arith.index_cast %add3A_250 : i32 to index
      %swap3A_266 = tpu.vector_load %arg8[%swap3A_265] {strides = array<i32>} : memref<10112xi32, #tpu.memory_space<vmem>>, vector<16xi32>,
      tpu.vector_store %arg8[%swap3A_265], %add3A_264 {strides = array<i32>} : memref<10112xi32, #tpu.memory_space<vmem>>, vector<16xi32>,
      %mul3A_267 = arith.constant 10000 : i32
      %mul3A_268 = vector.broadcast %mul3A_267 : i32 to vector<16xi32>
      %mul3A_269 = arith.muli %get3A_252, %mul3A_268 : vector<16xi32>
      %add3A_270 = arith.addi %mul3A_269, %get3A_260 : vector<16xi32>
      %min3A_271 = arith.constant 159999 : i32
      %min3A_272 = vector.broadcast %min3A_271 : i32 to vector<16xi32>
      %min3A_273 = arith.minsi %add3A_270, %min3A_272 : vector<16xi32>
      %swap3A_274 = arith.index_cast %add3A_250 : i32 to index
      %swap3A_275 = tpu.vector_load %arg9[%swap3A_274] {strides = array<i32>} : memref<10112xi32, #tpu.memory_space<vmem>>, vector<16xi32>,
      tpu.vector_store %arg9[%swap3A_274], %min3A_273 {strides = array<i32>} : memref<10112xi32, #tpu.memory_space<vmem>>, vector<16xi32>,
      %swap3A_276 = arith.index_cast %scan3A_215 : i32 to index
      %swap3A_277 = arith.constant 16 : index
      %swap3A_278 = tpu.vector_load %arg10[%swap3A_276, %swap3A_277] {strides = array<i32>} : memref<158x64xi32, #tpu.memory_space<vmem>>, vector<16xi32>,
      tpu.vector_store %arg10[%swap3A_276, %swap3A_277], %get3A_256 {strides = array<i32>} : memref<158x64xi32, #tpu.memory_space<vmem>>, vector<16xi32>,
      %mul3A_279 = arith.constant 64 : i32
      %mul3A_280 = arith.muli %scan3A_215, %mul3A_279 : i32
      %add3A_281 = arith.constant 32 : i32
      %add3A_282 = arith.addi %mul3A_280, %add3A_281 : i32
      %get3A_283 = arith.index_cast %add3A_282 : i32 to index
      %get3A_284 = tpu.vector_load %arg7[%get3A_283] {strides = array<i32>} : memref<30336xi32, #tpu.memory_space<vmem>>, vector<16xi32>,
      %add3A_285 = arith.constant 10112 : i32
      %add3A_286 = arith.addi %add3A_285, %add3A_282 : i32
      %get3A_287 = arith.index_cast %add3A_286 : i32 to index
      %get3A_288 = tpu.vector_load %arg7[%get3A_287] {strides = array<i32>} : memref<30336xi32, #tpu.memory_space<vmem>>, vector<16xi32>,
      %add3A_289 = arith.constant 20224 : i32
      %add3A_290 = arith.addi %add3A_289, %add3A_282 : i32
      %get3A_291 = arith.index_cast %add3A_290 : i32 to index
      %get3A_292 = tpu.vector_load %arg7[%get3A_291] {strides = array<i32>} : memref<30336xi32, #tpu.memory_space<vmem>>, vector<16xi32>,
      %mul3A_293 = arith.constant 10000 : i32
      %mul3A_294 = vector.broadcast %mul3A_293 : i32 to vector<16xi32>
      %mul3A_295 = arith.muli %get3A_284, %mul3A_294 : vector<16xi32>
      %add3A_296 = arith.addi %mul3A_295, %get3A_288 : vector<16xi32>
      %swap3A_297 = arith.index_cast %add3A_282 : i32 to index
      %swap3A_298 = tpu.vector_load %arg8[%swap3A_297] {strides = array<i32>} : memref<10112xi32, #tpu.memory_space<vmem>>, vector<16xi32>,
      tpu.vector_store %arg8[%swap3A_297], %add3A_296 {strides = array<i32>} : memref<10112xi32, #tpu.memory_space<vmem>>, vector<16xi32>,
      %mul3A_299 = arith.constant 10000 : i32
      %mul3A_300 = vector.broadcast %mul3A_299 : i32 to vector<16xi32>
      %mul3A_301 = arith.muli %get3A_284, %mul3A_300 : vector<16xi32>
      %add3A_302 = arith.addi %mul3A_301, %get3A_292 : vector<16xi32>
      %min3A_303 = arith.constant 159999 : i32
      %min3A_304 = vector.broadcast %min3A_303 : i32 to vector<16xi32>
      %min3A_305 = arith.minsi %add3A_302, %min3A_304 : vector<16xi32>
      %swap3A_306 = arith.index_cast %add3A_282 : i32 to index
      %swap3A_307 = tpu.vector_load %arg9[%swap3A_306] {strides = array<i32>} : memref<10112xi32, #tpu.memory_space<vmem>>, vector<16xi32>,
      tpu.vector_store %arg9[%swap3A_306], %min3A_305 {strides = array<i32>} : memref<10112xi32, #tpu.memory_space<vmem>>, vector<16xi32>,
      %swap3A_308 = arith.index_cast %scan3A_215 : i32 to index
      %swap3A_309 = arith.constant 32 : index
      %swap3A_310 = tpu.vector_load %arg10[%swap3A_308, %swap3A_309] {strides = array<i32>} : memref<158x64xi32, #tpu.memory_space<vmem>>, vector<16xi32>,
      tpu.vector_store %arg10[%swap3A_308, %swap3A_309], %get3A_288 {strides = array<i32>} : memref<158x64xi32, #tpu.memory_space<vmem>>, vector<16xi32>,
      %mul3A_311 = arith.constant 64 : i32
      %mul3A_312 = arith.muli %scan3A_215, %mul3A_311 : i32
      %add3A_313 = arith.constant 48 : i32
      %add3A_314 = arith.addi %mul3A_312, %add3A_313 : i32
      %get3A_315 = arith.index_cast %add3A_314 : i32 to index
      %get3A_316 = tpu.vector_load %arg7[%get3A_315] {strides = array<i32>} : memref<30336xi32, #tpu.memory_space<vmem>>, vector<16xi32>,
      %add3A_317 = arith.constant 10112 : i32
      %add3A_318 = arith.addi %add3A_317, %add3A_314 : i32
      %get3A_319 = arith.index_cast %add3A_318 : i32 to index
      %get3A_320 = tpu.vector_load %arg7[%get3A_319] {strides = array<i32>} : memref<30336xi32, #tpu.memory_space<vmem>>, vector<16xi32>,
      %add3A_321 = arith.constant 20224 : i32
      %add3A_322 = arith.addi %add3A_321, %add3A_314 : i32
      %get3A_323 = arith.index_cast %add3A_322 : i32 to index
      %get3A_324 = tpu.vector_load %arg7[%get3A_323] {strides = array<i32>} : memref<30336xi32, #tpu.memory_space<vmem>>, vector<16xi32>,
      %mul3A_325 = arith.constant 10000 : i32
      %mul3A_326 = vector.broadcast %mul3A_325 : i32 to vector<16xi32>
      %mul3A_327 = arith.muli %get3A_316, %mul3A_326 : vector<16xi32>
      %add3A_328 = arith.addi %mul3A_327, %get3A_320 : vector<16xi32>
      %swap3A_329 = arith.index_cast %add3A_314 : i32 to index
      %swap3A_330 = tpu.vector_load %arg8[%swap3A_329] {strides = array<i32>} : memref<10112xi32, #tpu.memory_space<vmem>>, vector<16xi32>,
      tpu.vector_store %arg8[%swap3A_329], %add3A_328 {strides = array<i32>} : memref<10112xi32, #tpu.memory_space<vmem>>, vector<16xi32>,
      %mul3A_331 = arith.constant 10000 : i32
      %mul3A_332 = vector.broadcast %mul3A_331 : i32 to vector<16xi32>
      %mul3A_333 = arith.muli %get3A_316, %mul3A_332 : vector<16xi32>
      %add3A_334 = arith.addi %mul3A_333, %get3A_324 : vector<16xi32>
      %min3A_335 = arith.constant 159999 : i32
      %min3A_336 = vector.broadcast %min3A_335 : i32 to vector<16xi32>
      %min3A_337 = arith.minsi %add3A_334, %min3A_336 : vector<16xi32>
      %swap3A_338 = arith.index_cast %add3A_314 : i32 to index
      %swap3A_339 = tpu.vector_load %arg9[%swap3A_338] {strides = array<i32>} : memref<10112xi32, #tpu.memory_space<vmem>>, vector<16xi32>,
      tpu.vector_store %arg9[%swap3A_338], %min3A_337 {strides = array<i32>} : memref<10112xi32, #tpu.memory_space<vmem>>, vector<16xi32>,
      %swap3A_340 = arith.index_cast %scan3A_215 : i32 to index
      %swap3A_341 = arith.constant 48 : index
      %swap3A_342 = tpu.vector_load %arg10[%swap3A_340, %swap3A_341] {strides = array<i32>} : memref<158x64xi32, #tpu.memory_space<vmem>>, vector<16xi32>,
      tpu.vector_store %arg10[%swap3A_340, %swap3A_341], %get3A_320 {strides = array<i32>} : memref<158x64xi32, #tpu.memory_space<vmem>>, vector<16xi32>,
      %scan3A_343 = arith.constant 0 : i32
      scf.yield %scan3A_343 : i32
    }
    %scan3A_164 = arith.constant 158 : i32
    %add3A_165 = arith.constant 0 : i32
    %add3A_166 = vector.broadcast %add3A_165 : i32 to vector<16xi32>
    %add3A_167 = arith.addi %iota3A, %add3A_166 : vector<16xi32>
    %add3A_168 = arith.constant 16 : i32
    %add3A_169 = vector.broadcast %add3A_168 : i32 to vector<16xi32>
    %add3A_170 = arith.addi %iota3A, %add3A_169 : vector<16xi32>
    %add3A_171 = arith.constant 32 : i32
    %add3A_172 = vector.broadcast %add3A_171 : i32 to vector<16xi32>
    %add3A_173 = arith.addi %iota3A, %add3A_172 : vector<16xi32>
    %add3A_174 = arith.constant 48 : i32
    %add3A_175 = vector.broadcast %add3A_174 : i32 to vector<16xi32>
    %add3A_176 = arith.addi %iota3A, %add3A_175 : vector<16xi32>
    %dma_start3A = arith.constant 0 : i32
    %dma_start3A_177 = arith.constant 0 : i32
    %dma_start3A_178 = arith.constant 0 : i32
    %dma_start3A_179 = arith.constant 0 : i32
    %dma_start3A_180 = tpu.memref_slice %arg14[%dma_start3A, %dma_start3A_178, %dma_start3A_179] : memref<2x128x64xf32, #tpu.memory_space<vmem>> -> memref<1x128x64xf32, #tpu.memory_space<vmem>>
    %dma_start3A_181 = tpu.memref_squeeze %dma_start3A_180 : memref<1x128x64xf32, #tpu.memory_space<vmem>> -> memref<128x64xf32, #tpu.memory_space<vmem>>
    %dma_start3A_182 = arith.constant 0 : i32
    %dma_start3A_183 = tpu.memref_slice %arg9[%dma_start3A_182] : memref<10112xi32, #tpu.memory_space<vmem>> -> memref<128xi32, #tpu.memory_space<vmem>>
    %dma_start3A_184 = arith.constant 0 : i32
    %dma_start3A_185 = arith.constant 0 : i32
    %dma_start3A_186 = tpu.memref_slice %arg5[%dma_start3A_184, %dma_start3A_185] : memref<160000x64xf32, #tpu.memory_space<hbm>> -> memref<160000x64xf32, #tpu.memory_space<hbm>>
    %dma_start3A_187 = tpu.memref_slice %arg15[%dma_start3A_177] : memref<2x!tpu.dma_semaphore, #tpu.memory_space<semaphore_mem>> -> memref<1x!tpu.dma_semaphore, #tpu.memory_space<semaphore_mem>>
    %dma_start3A_188 = tpu.memref_squeeze %dma_start3A_187 : memref<1x!tpu.dma_semaphore, #tpu.memory_space<semaphore_mem>> -> memref<!tpu.dma_semaphore, #tpu.memory_space<semaphore_mem>>
    tpu.enqueue_indirect_dma source(%dma_start3A_186 : memref<160000x64xf32, #tpu.memory_space<hbm>>) target(%dma_start3A_181 : memref<128x64xf32, #tpu.memory_space<vmem>>) offsets(%dma_start3A_183 : memref<128xi32, #tpu.memory_space<vmem>>) semaphore(%dma_start3A_188 : memref<!tpu.dma_semaphore, #tpu.memory_space<semaphore_mem>>)
    %dma_start3A_189 = arith.constant 0 : i32
    %dma_start3A_190 = arith.constant 0 : i32
    %dma_start3A_191 = arith.constant 0 : i32
    %dma_start3A_192 = tpu.memref_slice %arg12[%dma_start3A_189, %dma_start3A_191] : memref<2x128xf32, #tpu.memory_space<vmem>> -> memref<1x128xf32, #tpu.memory_space<vmem>>
    %dma_start3A_193 = tpu.memref_squeeze %dma_start3A_192 : memref<1x128xf32, #tpu.memory_space<vmem>> -> memref<128xf32, #tpu.memory_space<vmem>>
    %dma_start3A_194 = arith.constant 0 : i32
    %dma_start3A_195 = tpu.memref_slice %arg8[%dma_start3A_194] : memref<10112xi32, #tpu.memory_space<vmem>> -> memref<128xi32, #tpu.memory_space<vmem>>
    %dma_start3A_196 = arith.constant 0 : i32
    %dma_start3A_197 = tpu.memref_slice %arg18[%dma_start3A_196] : memref<170240xf32, #tpu.memory_space<vmem_shared>> -> memref<170240xf32, #tpu.memory_space<vmem_shared>>
    %dma_start3A_198 = tpu.memref_slice %arg16[%dma_start3A_190] : memref<2x!tpu.dma_semaphore, #tpu.memory_space<semaphore_mem>> -> memref<1x!tpu.dma_semaphore, #tpu.memory_space<semaphore_mem>>
    %dma_start3A_199 = tpu.memref_squeeze %dma_start3A_198 : memref<1x!tpu.dma_semaphore, #tpu.memory_space<semaphore_mem>> -> memref<!tpu.dma_semaphore, #tpu.memory_space<semaphore_mem>>
    tpu.enqueue_indirect_dma source(%dma_start3A_197 : memref<170240xf32, #tpu.memory_space<vmem_shared>>) target(%dma_start3A_193 : memref<128xf32, #tpu.memory_space<vmem>>) offsets(%dma_start3A_195 : memref<128xi32, #tpu.memory_space<vmem>>) semaphore(%dma_start3A_199 : memref<!tpu.dma_semaphore, #tpu.memory_space<semaphore_mem>>)
    %scan3A_200 = arith.constant 0 : i32
    %scan3A_201 = arith.constant 0 : i32
    %scan3A_202 = arith.constant 79 : i32
    %scan3A_203 = arith.addi %scan3A_201, %scan3A_202 : i32
    %scan3A_204 = arith.constant 1 : i32
    %scan3A_205 = scf.for %scan3A_215 = %scan3A_201 to %scan3A_203 step %scan3A_204 iter_args(%scan3A_216 = %scan3A_200) -> (i32)  : i32 {
      %rem3A = arith.constant 2 : i32
      %rem3A_217 = arith.remsi %scan3A_215, %rem3A : i32
      %sub3A = arith.constant 1 : i32
      %sub3A_218 = arith.subi %sub3A, %rem3A_217 : i32
      %add3A_219 = arith.constant 1 : i32
      %add3A_220 = arith.addi %scan3A_215, %add3A_219 : i32
      %lt3A = arith.constant 79 : i32
      %lt3A_221 = arith.cmpi slt, %add3A_220, %lt3A : i32
      %convert_element_type3A = arith.extui %lt3A_221 : i1 to i32
      %cond3A = arith.constant 0 : i32
      %cond3A_222 = arith.cmpi ne, %convert_element_type3A, %cond3A : i32
      scf.if %cond3A_222 {
        %add3A_308 = arith.constant 1 : i32
        %add3A_309 = arith.addi %scan3A_215, %add3A_308 : i32
        %mul3A_310 = arith.constant 128 : i32
        %mul3A_311 = arith.muli %add3A_309, %mul3A_310 : i32
        %dma_start3A_312 = arith.constant 0 : i32
        %dma_start3A_313 = arith.constant 0 : i32
        %dma_start3A_314 = tpu.memref_slice %arg14[%sub3A_218, %dma_start3A_312, %dma_start3A_313] : memref<2x128x64xf32, #tpu.memory_space<vmem>> -> memref<1x128x64xf32, #tpu.memory_space<vmem>>
        %dma_start3A_315 = tpu.memref_squeeze %dma_start3A_314 : memref<1x128x64xf32, #tpu.memory_space<vmem>> -> memref<128x64xf32, #tpu.memory_space<vmem>>
        %dma_start3A_316 = tpu.memref_slice %arg9[%mul3A_311] : memref<10112xi32, #tpu.memory_space<vmem>> -> memref<128xi32, #tpu.memory_space<vmem>>
        %dma_start3A_317 = arith.constant 0 : i32
        %dma_start3A_318 = arith.constant 0 : i32
        %dma_start3A_319 = tpu.memref_slice %arg5[%dma_start3A_317, %dma_start3A_318] : memref<160000x64xf32, #tpu.memory_space<hbm>> -> memref<160000x64xf32, #tpu.memory_space<hbm>>
        %dma_start3A_320 = tpu.memref_slice %arg15[%sub3A_218] : memref<2x!tpu.dma_semaphore, #tpu.memory_space<semaphore_mem>> -> memref<1x!tpu.dma_semaphore, #tpu.memory_space<semaphore_mem>>
        %dma_start3A_321 = tpu.memref_squeeze %dma_start3A_320 : memref<1x!tpu.dma_semaphore, #tpu.memory_space<semaphore_mem>> -> memref<!tpu.dma_semaphore, #tpu.memory_space<semaphore_mem>>
        tpu.enqueue_indirect_dma source(%dma_start3A_319 : memref<160000x64xf32, #tpu.memory_space<hbm>>) target(%dma_start3A_315 : memref<128x64xf32, #tpu.memory_space<vmem>>) offsets(%dma_start3A_316 : memref<128xi32, #tpu.memory_space<vmem>>) semaphore(%dma_start3A_321 : memref<!tpu.dma_semaphore, #tpu.memory_space<semaphore_mem>>)
        %mul3A_322 = arith.constant 128 : i32
        %mul3A_323 = arith.muli %add3A_309, %mul3A_322 : i32
        %dma_start3A_324 = arith.constant 0 : i32
        %dma_start3A_325 = tpu.memref_slice %arg12[%sub3A_218, %dma_start3A_324] : memref<2x128xf32, #tpu.memory_space<vmem>> -> memref<1x128xf32, #tpu.memory_space<vmem>>
        %dma_start3A_326 = tpu.memref_squeeze %dma_start3A_325 : memref<1x128xf32, #tpu.memory_space<vmem>> -> memref<128xf32, #tpu.memory_space<vmem>>
        %dma_start3A_327 = tpu.memref_slice %arg8[%mul3A_323] : memref<10112xi32, #tpu.memory_space<vmem>> -> memref<128xi32, #tpu.memory_space<vmem>>
        %dma_start3A_328 = arith.constant 0 : i32
        %dma_start3A_329 = tpu.memref_slice %arg18[%dma_start3A_328] : memref<170240xf32, #tpu.memory_space<vmem_shared>> -> memref<170240xf32, #tpu.memory_space<vmem_shared>>
        %dma_start3A_330 = tpu.memref_slice %arg16[%sub3A_218] : memref<2x!tpu.dma_semaphore, #tpu.memory_space<semaphore_mem>> -> memref<1x!tpu.dma_semaphore, #tpu.memory_space<semaphore_mem>>
        %dma_start3A_331 = tpu.memref_squeeze %dma_start3A_330 : memref<1x!tpu.dma_semaphore, #tpu.memory_space<semaphore_mem>> -> memref<!tpu.dma_semaphore, #tpu.memory_space<semaphore_mem>>
        tpu.enqueue_indirect_dma source(%dma_start3A_329 : memref<170240xf32, #tpu.memory_space<vmem_shared>>) target(%dma_start3A_326 : memref<128xf32, #tpu.memory_space<vmem>>) offsets(%dma_start3A_327 : memref<128xi32, #tpu.memory_space<vmem>>) semaphore(%dma_start3A_331 : memref<!tpu.dma_semaphore, #tpu.memory_space<semaphore_mem>>)
      } else {
      }
      %mul3A_223 = arith.constant 128 : i32
      %mul3A_224 = arith.muli %scan3A_215, %mul3A_223 : i32
      %dma_wait3A = arith.constant 0 : i32
      %dma_wait3A_225 = arith.constant 0 : i32
      %dma_wait3A_226 = tpu.memref_slice %arg14[%rem3A_217, %dma_wait3A, %dma_wait3A_225] : memref<2x128x64xf32, #tpu.memory_space<vmem>> -> memref<1x128x64xf32, #tpu.memory_space<vmem>>
      %dma_wait3A_227 = tpu.memref_squeeze %dma_wait3A_226 : memref<1x128x64xf32, #tpu.memory_space<vmem>> -> memref<128x64xf32, #tpu.memory_space<vmem>>
      %dma_wait3A_228 = tpu.memref_slice %arg9[%mul3A_224] : memref<10112xi32, #tpu.memory_space<vmem>> -> memref<128xi32, #tpu.memory_space<vmem>>
      %dma_wait3A_229 = arith.constant 0 : i32
      %dma_wait3A_230 = arith.constant 0 : i32
      %dma_wait3A_231 = tpu.memref_slice %arg5[%dma_wait3A_229, %dma_wait3A_230] : memref<160000x64xf32, #tpu.memory_space<hbm>> -> memref<160000x64xf32, #tpu.memory_space<hbm>>
      %dma_wait3A_232 = tpu.memref_slice %arg15[%rem3A_217] : memref<2x!tpu.dma_semaphore, #tpu.memory_space<semaphore_mem>> -> memref<1x!tpu.dma_semaphore, #tpu.memory_space<semaphore_mem>>
      %dma_wait3A_233 = tpu.memref_squeeze %dma_wait3A_232 : memref<1x!tpu.dma_semaphore, #tpu.memory_space<semaphore_mem>> -> memref<!tpu.dma_semaphore, #tpu.memory_space<semaphore_mem>>
      tpu.wait_indirect_dma semaphore(%dma_wait3A_233 : memref<!tpu.dma_semaphore, #tpu.memory_space<semaphore_mem>>) src(%dma_wait3A_231 : memref<160000x64xf32, #tpu.memory_space<hbm>>) dst(%dma_wait3A_227 : memref<128x64xf32, #tpu.memory_space<vmem>>)
      %mul3A_234 = arith.constant 128 : i32
      %mul3A_235 = arith.muli %scan3A_215, %mul3A_234 : i32
      %dma_wait3A_236 = arith.constant 0 : i32
      %dma_wait3A_237 = tpu.memref_slice %arg12[%rem3A_217, %dma_wait3A_236] : memref<2x128xf32, #tpu.memory_space<vmem>> -> memref<1x128xf32, #tpu.memory_space<vmem>>
      %dma_wait3A_238 = tpu.memref_squeeze %dma_wait3A_237 : memref<1x128xf32, #tpu.memory_space<vmem>> -> memref<128xf32, #tpu.memory_space<vmem>>
      %dma_wait3A_239 = tpu.memref_slice %arg8[%mul3A_235] : memref<10112xi32, #tpu.memory_space<vmem>> -> memref<128xi32, #tpu.memory_space<vmem>>
      %dma_wait3A_240 = arith.constant 0 : i32
      %dma_wait3A_241 = tpu.memref_slice %arg18[%dma_wait3A_240] : memref<170240xf32, #tpu.memory_space<vmem_shared>> -> memref<170240xf32, #tpu.memory_space<vmem_shared>>
      %dma_wait3A_242 = tpu.memref_slice %arg16[%rem3A_217] : memref<2x!tpu.dma_semaphore, #tpu.memory_space<semaphore_mem>> -> memref<1x!tpu.dma_semaphore, #tpu.memory_space<semaphore_mem>>
      %dma_wait3A_243 = tpu.memref_squeeze %dma_wait3A_242 : memref<1x!tpu.dma_semaphore, #tpu.memory_space<semaphore_mem>> -> memref<!tpu.dma_semaphore, #tpu.memory_space<semaphore_mem>>
      tpu.wait_indirect_dma semaphore(%dma_wait3A_243 : memref<!tpu.dma_semaphore, #tpu.memory_space<semaphore_mem>>) src(%dma_wait3A_241 : memref<170240xf32, #tpu.memory_space<vmem_shared>>) dst(%dma_wait3A_238 : memref<128xf32, #tpu.memory_space<vmem>>)
      %scan3A_244 = arith.constant 0 : i32
      %scan3A_245 = arith.constant 0 : i32
      %scan3A_246 = arith.constant 8 : i32
      %scan3A_247 = arith.addi %scan3A_245, %scan3A_246 : i32
      %scan3A_248 = arith.constant 1 : i32
      %scan3A_249 = scf.for %scan3A_308 = %scan3A_245 to %scan3A_247 step %scan3A_248 iter_args(%scan3A_309 = %scan3A_244) -> (i32)  : i32 {
        %mul3A_310 = arith.constant 16 : i32
        %mul3A_311 = arith.muli %scan3A_308, %mul3A_310 : i32
        %get3A = arith.index_cast %rem3A_217 : i32 to index
        %get3A_312 = arith.index_cast %mul3A_311 : i32 to index
        %get3A_313 = tpu.vector_load %arg12[%get3A, %get3A_312] {strides = array<i32>} : memref<2x128xf32, #tpu.memory_space<vmem>>, vector<16xf32>,
        %mul3A_314 = arith.constant 16 : i32
        %mul3A_315 = arith.muli %scan3A_308, %mul3A_314 : i32
        %add3A_316 = arith.constant 0 : i32
        %add3A_317 = arith.addi %mul3A_315, %add3A_316 : i32
        %slice3A = vector.extract_strided_slice %get3A_313 {offsets = [0], sizes = [1], strides = [1]} : vector<16xf32> to vector<1xf32>
        %squeeze3A = vector.extract %slice3A[0] : f32 from vector<1xf32>
        %get3A_318 = arith.index_cast %rem3A_217 : i32 to index
        %get3A_319 = arith.index_cast %add3A_317 : i32 to index
        %get3A_320 = arith.constant 0 : index
        %get3A_321 = tpu.vector_load %arg14[%get3A_318, %get3A_319, %get3A_320] {strides = array<i32>} : memref<2x128x64xf32, #tpu.memory_space<vmem>>, vector<16xf32>,
        %mul3A_322 = vector.broadcast %squeeze3A : f32 to vector<16xf32>
        %mul3A_323 = arith.mulf %get3A_321, %mul3A_322 : vector<16xf32>
        %swap3A_324 = arith.index_cast %rem3A_217 : i32 to index
        %swap3A_325 = arith.index_cast %add3A_317 : i32 to index
        %swap3A_326 = arith.constant 0 : index
        %swap3A_327 = tpu.vector_load %arg14[%swap3A_324, %swap3A_325, %swap3A_326] {strides = array<i32>} : memref<2x128x64xf32, #tpu.memory_space<vmem>>, vector<16xf32>,
        tpu.vector_store %arg14[%swap3A_324, %swap3A_325, %swap3A_326], %mul3A_323 {strides = array<i32>} : memref<2x128x64xf32, #tpu.memory_space<vmem>>, vector<16xf32>,
        %get3A_328 = arith.index_cast %rem3A_217 : i32 to index
        %get3A_329 = arith.index_cast %add3A_317 : i32 to index
        %get3A_330 = arith.constant 16 : index
        %get3A_331 = tpu.vector_load %arg14[%get3A_328, %get3A_329, %get3A_330] {strides = array<i32>} : memref<2x128x64xf32, #tpu.memory_space<vmem>>, vector<16xf32>,
        %mul3A_332 = vector.broadcast %squeeze3A : f32 to vector<16xf32>
        %mul3A_333 = arith.mulf %get3A_331, %mul3A_332 : vector<16xf32>
        %swap3A_334 = arith.index_cast %rem3A_217 : i32 to index
        %swap3A_335 = arith.index_cast %add3A_317 : i32 to index
        %swap3A_336 = arith.constant 16 : index
        %swap3A_337 = tpu.vector_load %arg14[%swap3A_334, %swap3A_335, %swap3A_336] {strides = array<i32>} : memref<2x128x64xf32, #tpu.memory_space<vmem>>, vector<16xf32>,
        tpu.vector_store %arg14[%swap3A_334, %swap3A_335, %swap3A_336], %mul3A_333 {strides = array<i32>} : memref<2x128x64xf32, #tpu.memory_space<vmem>>, vector<16xf32>,
        %get3A_338 = arith.index_cast %rem3A_217 : i32 to index
        %get3A_339 = arith.index_cast %add3A_317 : i32 to index
        %get3A_340 = arith.constant 32 : index
        %get3A_341 = tpu.vector_load %arg14[%get3A_338, %get3A_339, %get3A_340] {strides = array<i32>} : memref<2x128x64xf32, #tpu.memory_space<vmem>>, vector<16xf32>,
        %mul3A_342 = vector.broadcast %squeeze3A : f32 to vector<16xf32>
        %mul3A_343 = arith.mulf %get3A_341, %mul3A_342 : vector<16xf32>
        %swap3A_344 = arith.index_cast %rem3A_217 : i32 to index
        %swap3A_345 = arith.index_cast %add3A_317 : i32 to index
        %swap3A_346 = arith.constant 32 : index
        %swap3A_347 = tpu.vector_load %arg14[%swap3A_344, %swap3A_345, %swap3A_346] {strides = array<i32>} : memref<2x128x64xf32, #tpu.memory_space<vmem>>, vector<16xf32>,
        tpu.vector_store %arg14[%swap3A_344, %swap3A_345, %swap3A_346], %mul3A_343 {strides = array<i32>} : memref<2x128x64xf32, #tpu.memory_space<vmem>>, vector<16xf32>,
        %get3A_348 = arith.index_cast %rem3A_217 : i32 to index
        %get3A_349 = arith.index_cast %add3A_317 : i32 to index
        %get3A_350 = arith.constant 48 : index
        %get3A_351 = tpu.vector_load %arg14[%get3A_348, %get3A_349, %get3A_350] {strides = array<i32>} : memref<2x128x64xf32, #tpu.memory_space<vmem>>, vector<16xf32>,
        %mul3A_352 = vector.broadcast %squeeze3A : f32 to vector<16xf32>
        %mul3A_353 = arith.mulf %get3A_351, %mul3A_352 : vector<16xf32>
        %swap3A_354 = arith.index_cast %rem3A_217 : i32 to index
        %swap3A_355 = arith.index_cast %add3A_317 : i32 to index
        %swap3A_356 = arith.constant 48 : index
        %swap3A_357 = tpu.vector_load %arg14[%swap3A_354, %swap3A_355, %swap3A_356] {strides = array<i32>} : memref<2x128x64xf32, #tpu.memory_space<vmem>>, vector<16xf32>,
        tpu.vector_store %arg14[%swap3A_354, %swap3A_355, %swap3A_356], %mul3A_353 {strides = array<i32>} : memref<2x128x64xf32, #tpu.memory_space<vmem>>, vector<16xf32>,
        %mul3A_358 = arith.constant 16 : i32
        %mul3A_359 = arith.muli %scan3A_308, %mul3A_358 : i32
        %add3A_360 = arith.constant 1 : i32
        %add3A_361 = arith.addi %mul3A_359, %add3A_360 : i32
        %slice3A_362 = vector.extract_strided_slice %get3A_313 {offsets = [1], sizes = [1], strides = [1]} : vector<16xf32> to vector<1xf32>
        %squeeze3A_363 = vector.extract %slice3A_362[0] : f32 from vector<1xf32>
        %get3A_364 = arith.index_cast %rem3A_217 : i32 to index
        %get3A_365 = arith.index_cast %add3A_361 : i32 to index
        %get3A_366 = arith.constant 0 : index
        %get3A_367 = tpu.vector_load %arg14[%get3A_364, %get3A_365, %get3A_366] {strides = array<i32>} : memref<2x128x64xf32, #tpu.memory_space<vmem>>, vector<16xf32>,
        %mul3A_368 = vector.broadcast %squeeze3A_363 : f32 to vector<16xf32>
        %mul3A_369 = arith.mulf %get3A_367, %mul3A_368 : vector<16xf32>
        %swap3A_370 = arith.index_cast %rem3A_217 : i32 to index
        %swap3A_371 = arith.index_cast %add3A_361 : i32 to index
        %swap3A_372 = arith.constant 0 : index
        %swap3A_373 = tpu.vector_load %arg14[%swap3A_370, %swap3A_371, %swap3A_372] {strides = array<i32>} : memref<2x128x64xf32, #tpu.memory_space<vmem>>, vector<16xf32>,
        tpu.vector_store %arg14[%swap3A_370, %swap3A_371, %swap3A_372], %mul3A_369 {strides = array<i32>} : memref<2x128x64xf32, #tpu.memory_space<vmem>>, vector<16xf32>,
        %get3A_374 = arith.index_cast %rem3A_217 : i32 to index
        %get3A_375 = arith.index_cast %add3A_361 : i32 to index
        %get3A_376 = arith.constant 16 : index
        %get3A_377 = tpu.vector_load %arg14[%get3A_374, %get3A_375, %get3A_376] {strides = array<i32>} : memref<2x128x64xf32, #tpu.memory_space<vmem>>, vector<16xf32>,
        %mul3A_378 = vector.broadcast %squeeze3A_363 : f32 to vector<16xf32>
        %mul3A_379 = arith.mulf %get3A_377, %mul3A_378 : vector<16xf32>
        %swap3A_380 = arith.index_cast %rem3A_217 : i32 to index
        %swap3A_381 = arith.index_cast %add3A_361 : i32 to index
        %swap3A_382 = arith.constant 16 : index
        %swap3A_383 = tpu.vector_load %arg14[%swap3A_380, %swap3A_381, %swap3A_382] {strides = array<i32>} : memref<2x128x64xf32, #tpu.memory_space<vmem>>, vector<16xf32>,
        tpu.vector_store %arg14[%swap3A_380, %swap3A_381, %swap3A_382], %mul3A_379 {strides = array<i32>} : memref<2x128x64xf32, #tpu.memory_space<vmem>>, vector<16xf32>,
        %get3A_384 = arith.index_cast %rem3A_217 : i32 to index
        %get3A_385 = arith.index_cast %add3A_361 : i32 to index
        %get3A_386 = arith.constant 32 : index
        %get3A_387 = tpu.vector_load %arg14[%get3A_384, %get3A_385, %get3A_386] {strides = array<i32>} : memref<2x128x64xf32, #tpu.memory_space<vmem>>, vector<16xf32>,
        %mul3A_388 = vector.broadcast %squeeze3A_363 : f32 to vector<16xf32>
        %mul3A_389 = arith.mulf %get3A_387, %mul3A_388 : vector<16xf32>
        %swap3A_390 = arith.index_cast %rem3A_217 : i32 to index
        %swap3A_391 = arith.index_cast %add3A_361 : i32 to index
        %swap3A_392 = arith.constant 32 : index
        %swap3A_393 = tpu.vector_load %arg14[%swap3A_390, %swap3A_391, %swap3A_392] {strides = array<i32>} : memref<2x128x64xf32, #tpu.memory_space<vmem>>, vector<16xf32>,
        tpu.vector_store %arg14[%swap3A_390, %swap3A_391, %swap3A_392], %mul3A_389 {strides = array<i32>} : memref<2x128x64xf32, #tpu.memory_space<vmem>>, vector<16xf32>,
        %get3A_394 = arith.index_cast %rem3A_217 : i32 to index
        %get3A_395 = arith.index_cast %add3A_361 : i32 to index
        %get3A_396 = arith.constant 48 : index
        %get3A_397 = tpu.vector_load %arg14[%get3A_394, %get3A_395, %get3A_396] {strides = array<i32>} : memref<2x128x64xf32, #tpu.memory_space<vmem>>, vector<16xf32>,
        %mul3A_398 = vector.broadcast %squeeze3A_363 : f32 to vector<16xf32>
        %mul3A_399 = arith.mulf %get3A_397, %mul3A_398 : vector<16xf32>
        %swap3A_400 = arith.index_cast %rem3A_217 : i32 to index
        %swap3A_401 = arith.index_cast %add3A_361 : i32 to index
        %swap3A_402 = arith.constant 48 : index
        %swap3A_403 = tpu.vector_load %arg14[%swap3A_400, %swap3A_401, %swap3A_402] {strides = array<i32>} : memref<2x128x64xf32, #tpu.memory_space<vmem>>, vector<16xf32>,
        tpu.vector_store %arg14[%swap3A_400, %swap3A_401, %swap3A_402], %mul3A_399 {strides = array<i32>} : memref<2x128x64xf32, #tpu.memory_space<vmem>>, vector<16xf32>,
        %mul3A_404 = arith.constant 16 : i32
        %mul3A_405 = arith.muli %scan3A_308, %mul3A_404 : i32
        %add3A_406 = arith.constant 2 : i32
        %add3A_407 = arith.addi %mul3A_405, %add3A_406 : i32
        %slice3A_408 = vector.extract_strided_slice %get3A_313 {offsets = [2], sizes = [1], strides = [1]} : vector<16xf32> to vector<1xf32>
        %squeeze3A_409 = vector.extract %slice3A_408[0] : f32 from vector<1xf32>
        %get3A_410 = arith.index_cast %rem3A_217 : i32 to index
        %get3A_411 = arith.index_cast %add3A_407 : i32 to index
        %get3A_412 = arith.constant 0 : index
        %get3A_413 = tpu.vector_load %arg14[%get3A_410, %get3A_411, %get3A_412] {strides = array<i32>} : memref<2x128x64xf32, #tpu.memory_space<vmem>>, vector<16xf32>,
        %mul3A_414 = vector.broadcast %squeeze3A_409 : f32 to vector<16xf32>
        %mul3A_415 = arith.mulf %get3A_413, %mul3A_414 : vector<16xf32>
        %swap3A_416 = arith.index_cast %rem3A_217 : i32 to index
        %swap3A_417 = arith.index_cast %add3A_407 : i32 to index
        %swap3A_418 = arith.constant 0 : index
        %swap3A_419 = tpu.vector_load %arg14[%swap3A_416, %swap3A_417, %swap3A_418] {strides = array<i32>} : memref<2x128x64xf32, #tpu.memory_space<vmem>>, vector<16xf32>,
        tpu.vector_store %arg14[%swap3A_416, %swap3A_417, %swap3A_418], %mul3A_415 {strides = array<i32>} : memref<2x128x64xf32, #tpu.memory_space<vmem>>, vector<16xf32>,
        %get3A_420 = arith.index_cast %rem3A_217 : i32 to index
        %get3A_421 = arith.index_cast %add3A_407 : i32 to index
        %get3A_422 = arith.constant 16 : index
        %get3A_423 = tpu.vector_load %arg14[%get3A_420, %get3A_421, %get3A_422] {strides = array<i32>} : memref<2x128x64xf32, #tpu.memory_space<vmem>>, vector<16xf32>,
        %mul3A_424 = vector.broadcast %squeeze3A_409 : f32 to vector<16xf32>
        %mul3A_425 = arith.mulf %get3A_423, %mul3A_424 : vector<16xf32>
        %swap3A_426 = arith.index_cast %rem3A_217 : i32 to index
        %swap3A_427 = arith.index_cast %add3A_407 : i32 to index
        %swap3A_428 = arith.constant 16 : index
        %swap3A_429 = tpu.vector_load %arg14[%swap3A_426, %swap3A_427, %swap3A_428] {strides = array<i32>} : memref<2x128x64xf32, #tpu.memory_space<vmem>>, vector<16xf32>,
        tpu.vector_store %arg14[%swap3A_426, %swap3A_427, %swap3A_428], %mul3A_425 {strides = array<i32>} : memref<2x128x64xf32, #tpu.memory_space<vmem>>, vector<16xf32>,
        %get3A_430 = arith.index_cast %rem3A_217 : i32 to index
        %get3A_431 = arith.index_cast %add3A_407 : i32 to index
        %get3A_432 = arith.constant 32 : index
        %get3A_433 = tpu.vector_load %arg14[%get3A_430, %get3A_431, %get3A_432] {strides = array<i32>} : memref<2x128x64xf32, #tpu.memory_space<vmem>>, vector<16xf32>,
        %mul3A_434 = vector.broadcast %squeeze3A_409 : f32 to vector<16xf32>
        %mul3A_435 = arith.mulf %get3A_433, %mul3A_434 : vector<16xf32>
        %swap3A_436 = arith.index_cast %rem3A_217 : i32 to index
        %swap3A_437 = arith.index_cast %add3A_407 : i32 to index
        %swap3A_438 = arith.constant 32 : index
        %swap3A_439 = tpu.vector_load %arg14[%swap3A_436, %swap3A_437, %swap3A_438] {strides = array<i32>} : memref<2x128x64xf32, #tpu.memory_space<vmem>>, vector<16xf32>,
        tpu.vector_store %arg14[%swap3A_436, %swap3A_437, %swap3A_438], %mul3A_435 {strides = array<i32>} : memref<2x128x64xf32, #tpu.memory_space<vmem>>, vector<16xf32>,
        %get3A_440 = arith.index_cast %rem3A_217 : i32 to index
        %get3A_441 = arith.index_cast %add3A_407 : i32 to index
        %get3A_442 = arith.constant 48 : index
        %get3A_443 = tpu.vector_load %arg14[%get3A_440, %get3A_441, %get3A_442] {strides = array<i32>} : memref<2x128x64xf32, #tpu.memory_space<vmem>>, vector<16xf32>,
        %mul3A_444 = vector.broadcast %squeeze3A_409 : f32 to vector<16xf32>
        %mul3A_445 = arith.mulf %get3A_443, %mul3A_444 : vector<16xf32>
        %swap3A_446 = arith.index_cast %rem3A_217 : i32 to index
        %swap3A_447 = arith.index_cast %add3A_407 : i32 to index
        %swap3A_448 = arith.constant 48 : index
        %swap3A_449 = tpu.vector_load %arg14[%swap3A_446, %swap3A_447, %swap3A_448] {strides = array<i32>} : memref<2x128x64xf32, #tpu.memory_space<vmem>>, vector<16xf32>,
        tpu.vector_store %arg14[%swap3A_446, %swap3A_447, %swap3A_448], %mul3A_445 {strides = array<i32>} : memref<2x128x64xf32, #tpu.memory_space<vmem>>, vector<16xf32>,
        %mul3A_450 = arith.constant 16 : i32
        %mul3A_451 = arith.muli %scan3A_308, %mul3A_450 : i32
        %add3A_452 = arith.constant 3 : i32
        %add3A_453 = arith.addi %mul3A_451, %add3A_452 : i32
        %slice3A_454 = vector.extract_strided_slice %get3A_313 {offsets = [3], sizes = [1], strides = [1]} : vector<16xf32> to vector<1xf32>
        %squeeze3A_455 = vector.extract %slice3A_454[0] : f32 from vector<1xf32>
        %get3A_456 = arith.index_cast %rem3A_217 : i32 to index
        %get3A_457 = arith.index_cast %add3A_453 : i32 to index
        %get3A_458 = arith.constant 0 : index
        %get3A_459 = tpu.vector_load %arg14[%get3A_456, %get3A_457, %get3A_458] {strides = array<i32>} : memref<2x128x64xf32, #tpu.memory_space<vmem>>, vector<16xf32>,
        %mul3A_460 = vector.broadcast %squeeze3A_455 : f32 to vector<16xf32>
        %mul3A_461 = arith.mulf %get3A_459, %mul3A_460 : vector<16xf32>
        %swap3A_462 = arith.index_cast %rem3A_217 : i32 to index
        %swap3A_463 = arith.index_cast %add3A_453 : i32 to index
        %swap3A_464 = arith.constant 0 : index
        %swap3A_465 = tpu.vector_load %arg14[%swap3A_462, %swap3A_463, %swap3A_464] {strides = array<i32>} : memref<2x128x64xf32, #tpu.memory_space<vmem>>, vector<16xf32>,
        tpu.vector_store %arg14[%swap3A_462, %swap3A_463, %swap3A_464], %mul3A_461 {strides = array<i32>} : memref<2x128x64xf32, #tpu.memory_space<vmem>>, vector<16xf32>,
        %get3A_466 = arith.index_cast %rem3A_217 : i32 to index
        %get3A_467 = arith.index_cast %add3A_453 : i32 to index
        %get3A_468 = arith.constant 16 : index
        %get3A_469 = tpu.vector_load %arg14[%get3A_466, %get3A_467, %get3A_468] {strides = array<i32>} : memref<2x128x64xf32, #tpu.memory_space<vmem>>, vector<16xf32>,
        %mul3A_470 = vector.broadcast %squeeze3A_455 : f32 to vector<16xf32>
        %mul3A_471 = arith.mulf %get3A_469, %mul3A_470 : vector<16xf32>
        %swap3A_472 = arith.index_cast %rem3A_217 : i32 to index
        %swap3A_473 = arith.index_cast %add3A_453 : i32 to index
        %swap3A_474 = arith.constant 16 : index
        %swap3A_475 = tpu.vector_load %arg14[%swap3A_472, %swap3A_473, %swap3A_474] {strides = array<i32>} : memref<2x128x64xf32, #tpu.memory_space<vmem>>, vector<16xf32>,
        tpu.vector_store %arg14[%swap3A_472, %swap3A_473, %swap3A_474], %mul3A_471 {strides = array<i32>} : memref<2x128x64xf32, #tpu.memory_space<vmem>>, vector<16xf32>,
        %get3A_476 = arith.index_cast %rem3A_217 : i32 to index
        %get3A_477 = arith.index_cast %add3A_453 : i32 to index
        %get3A_478 = arith.constant 32 : index
        %get3A_479 = tpu.vector_load %arg14[%get3A_476, %get3A_477, %get3A_478] {strides = array<i32>} : memref<2x128x64xf32, #tpu.memory_space<vmem>>, vector<16xf32>,
        %mul3A_480 = vector.broadcast %squeeze3A_455 : f32 to vector<16xf32>
        %mul3A_481 = arith.mulf %get3A_479, %mul3A_480 : vector<16xf32>
        %swap3A_482 = arith.index_cast %rem3A_217 : i32 to index
        %swap3A_483 = arith.index_cast %add3A_453 : i32 to index
        %swap3A_484 = arith.constant 32 : index
        %swap3A_485 = tpu.vector_load %arg14[%swap3A_482, %swap3A_483, %swap3A_484] {strides = array<i32>} : memref<2x128x64xf32, #tpu.memory_space<vmem>>, vector<16xf32>,
        tpu.vector_store %arg14[%swap3A_482, %swap3A_483, %swap3A_484], %mul3A_481 {strides = array<i32>} : memref<2x128x64xf32, #tpu.memory_space<vmem>>, vector<16xf32>,
        %get3A_486 = arith.index_cast %rem3A_217 : i32 to index
        %get3A_487 = arith.index_cast %add3A_453 : i32 to index
        %get3A_488 = arith.constant 48 : index
        %get3A_489 = tpu.vector_load %arg14[%get3A_486, %get3A_487, %get3A_488] {strides = array<i32>} : memref<2x128x64xf32, #tpu.memory_space<vmem>>, vector<16xf32>,
        %mul3A_490 = vector.broadcast %squeeze3A_455 : f32 to vector<16xf32>
        %mul3A_491 = arith.mulf %get3A_489, %mul3A_490 : vector<16xf32>
        %swap3A_492 = arith.index_cast %rem3A_217 : i32 to index
        %swap3A_493 = arith.index_cast %add3A_453 : i32 to index
        %swap3A_494 = arith.constant 48 : index
        %swap3A_495 = tpu.vector_load %arg14[%swap3A_492, %swap3A_493, %swap3A_494] {strides = array<i32>} : memref<2x128x64xf32, #tpu.memory_space<vmem>>, vector<16xf32>,
        tpu.vector_store %arg14[%swap3A_492, %swap3A_493, %swap3A_494], %mul3A_491 {strides = array<i32>} : memref<2x128x64xf32, #tpu.memory_space<vmem>>, vector<16xf32>,
        %mul3A_496 = arith.constant 16 : i32
        %mul3A_497 = arith.muli %scan3A_308, %mul3A_496 : i32
        %add3A_498 = arith.constant 4 : i32
        %add3A_499 = arith.addi %mul3A_497, %add3A_498 : i32
        %slice3A_500 = vector.extract_strided_slice %get3A_313 {offsets = [4], sizes = [1], strides = [1]} : vector<16xf32> to vector<1xf32>
        %squeeze3A_501 = vector.extract %slice3A_500[0] : f32 from vector<1xf32>
        %get3A_502 = arith.index_cast %rem3A_217 : i32 to index
        %get3A_503 = arith.index_cast %add3A_499 : i32 to index
        %get3A_504 = arith.constant 0 : index
        %get3A_505 = tpu.vector_load %arg14[%get3A_502, %get3A_503, %get3A_504] {strides = array<i32>} : memref<2x128x64xf32, #tpu.memory_space<vmem>>, vector<16xf32>,
        %mul3A_506 = vector.broadcast %squeeze3A_501 : f32 to vector<16xf32>
        %mul3A_507 = arith.mulf %get3A_505, %mul3A_506 : vector<16xf32>
        %swap3A_508 = arith.index_cast %rem3A_217 : i32 to index
        %swap3A_509 = arith.index_cast %add3A_499 : i32 to index
        %swap3A_510 = arith.constant 0 : index
        %swap3A_511 = tpu.vector_load %arg14[%swap3A_508, %swap3A_509, %swap3A_510] {strides = array<i32>} : memref<2x128x64xf32, #tpu.memory_space<vmem>>, vector<16xf32>,
        tpu.vector_store %arg14[%swap3A_508, %swap3A_509, %swap3A_510], %mul3A_507 {strides = array<i32>} : memref<2x128x64xf32, #tpu.memory_space<vmem>>, vector<16xf32>,
        %get3A_512 = arith.index_cast %rem3A_217 : i32 to index
        %get3A_513 = arith.index_cast %add3A_499 : i32 to index
        %get3A_514 = arith.constant 16 : index
        %get3A_515 = tpu.vector_load %arg14[%get3A_512, %get3A_513, %get3A_514] {strides = array<i32>} : memref<2x128x64xf32, #tpu.memory_space<vmem>>, vector<16xf32>,
        %mul3A_516 = vector.broadcast %squeeze3A_501 : f32 to vector<16xf32>
        %mul3A_517 = arith.mulf %get3A_515, %mul3A_516 : vector<16xf32>
        %swap3A_518 = arith.index_cast %rem3A_217 : i32 to index
        %swap3A_519 = arith.index_cast %add3A_499 : i32 to index
        %swap3A_520 = arith.constant 16 : index
        %swap3A_521 = tpu.vector_load %arg14[%swap3A_518, %swap3A_519, %swap3A_520] {strides = array<i32>} : memref<2x128x64xf32, #tpu.memory_space<vmem>>, vector<16xf32>,
        tpu.vector_store %arg14[%swap3A_518, %swap3A_519, %swap3A_520], %mul3A_517 {strides = array<i32>} : memref<2x128x64xf32, #tpu.memory_space<vmem>>, vector<16xf32>,
        %get3A_522 = arith.index_cast %rem3A_217 : i32 to index
        %get3A_523 = arith.index_cast %add3A_499 : i32 to index
        %get3A_524 = arith.constant 32 : index
        %get3A_525 = tpu.vector_load %arg14[%get3A_522, %get3A_523, %get3A_524] {strides = array<i32>} : memref<2x128x64xf32, #tpu.memory_space<vmem>>, vector<16xf32>,
        %mul3A_526 = vector.broadcast %squeeze3A_501 : f32 to vector<16xf32>
        %mul3A_527 = arith.mulf %get3A_525, %mul3A_526 : vector<16xf32>
        %swap3A_528 = arith.index_cast %rem3A_217 : i32 to index
        %swap3A_529 = arith.index_cast %add3A_499 : i32 to index
        %swap3A_530 = arith.constant 32 : index
        %swap3A_531 = tpu.vector_load %arg14[%swap3A_528, %swap3A_529, %swap3A_530] {strides = array<i32>} : memref<2x128x64xf32, #tpu.memory_space<vmem>>, vector<16xf32>,
        tpu.vector_store %arg14[%swap3A_528, %swap3A_529, %swap3A_530], %mul3A_527 {strides = array<i32>} : memref<2x128x64xf32, #tpu.memory_space<vmem>>, vector<16xf32>,
        %get3A_532 = arith.index_cast %rem3A_217 : i32 to index
        %get3A_533 = arith.index_cast %add3A_499 : i32 to index
        %get3A_534 = arith.constant 48 : index
        %get3A_535 = tpu.vector_load %arg14[%get3A_532, %get3A_533, %get3A_534] {strides = array<i32>} : memref<2x128x64xf32, #tpu.memory_space<vmem>>, vector<16xf32>,
        %mul3A_536 = vector.broadcast %squeeze3A_501 : f32 to vector<16xf32>
        %mul3A_537 = arith.mulf %get3A_535, %mul3A_536 : vector<16xf32>
        %swap3A_538 = arith.index_cast %rem3A_217 : i32 to index
        %swap3A_539 = arith.index_cast %add3A_499 : i32 to index
        %swap3A_540 = arith.constant 48 : index
        %swap3A_541 = tpu.vector_load %arg14[%swap3A_538, %swap3A_539, %swap3A_540] {strides = array<i32>} : memref<2x128x64xf32, #tpu.memory_space<vmem>>, vector<16xf32>,
        tpu.vector_store %arg14[%swap3A_538, %swap3A_539, %swap3A_540], %mul3A_537 {strides = array<i32>} : memref<2x128x64xf32, #tpu.memory_space<vmem>>, vector<16xf32>,
        %mul3A_542 = arith.constant 16 : i32
        %mul3A_543 = arith.muli %scan3A_308, %mul3A_542 : i32
        %add3A_544 = arith.constant 5 : i32
        %add3A_545 = arith.addi %mul3A_543, %add3A_544 : i32
        %slice3A_546 = vector.extract_strided_slice %get3A_313 {offsets = [5], sizes = [1], strides = [1]} : vector<16xf32> to vector<1xf32>
        %squeeze3A_547 = vector.extract %slice3A_546[0] : f32 from vector<1xf32>
        %get3A_548 = arith.index_cast %rem3A_217 : i32 to index
        %get3A_549 = arith.index_cast %add3A_545 : i32 to index
        %get3A_550 = arith.constant 0 : index
        %get3A_551 = tpu.vector_load %arg14[%get3A_548, %get3A_549, %get3A_550] {strides = array<i32>} : memref<2x128x64xf32, #tpu.memory_space<vmem>>, vector<16xf32>,
        %mul3A_552 = vector.broadcast %squeeze3A_547 : f32 to vector<16xf32>
        %mul3A_553 = arith.mulf %get3A_551, %mul3A_552 : vector<16xf32>
        %swap3A_554 = arith.index_cast %rem3A_217 : i32 to index
        %swap3A_555 = arith.index_cast %add3A_545 : i32 to index
        %swap3A_556 = arith.constant 0 : index
        %swap3A_557 = tpu.vector_load %arg14[%swap3A_554, %swap3A_555, %swap3A_556] {strides = array<i32>} : memref<2x128x64xf32, #tpu.memory_space<vmem>>, vector<16xf32>,
        tpu.vector_store %arg14[%swap3A_554, %swap3A_555, %swap3A_556], %mul3A_553 {strides = array<i32>} : memref<2x128x64xf32, #tpu.memory_space<vmem>>, vector<16xf32>,
        %get3A_558 = arith.index_cast %rem3A_217 : i32 to index
        %get3A_559 = arith.index_cast %add3A_545 : i32 to index
        %get3A_560 = arith.constant 16 : index
        %get3A_561 = tpu.vector_load %arg14[%get3A_558, %get3A_559, %get3A_560] {strides = array<i32>} : memref<2x128x64xf32, #tpu.memory_space<vmem>>, vector<16xf32>,
        %mul3A_562 = vector.broadcast %squeeze3A_547 : f32 to vector<16xf32>
        %mul3A_563 = arith.mulf %get3A_561, %mul3A_562 : vector<16xf32>
        %swap3A_564 = arith.index_cast %rem3A_217 : i32 to index
        %swap3A_565 = arith.index_cast %add3A_545 : i32 to index
        %swap3A_566 = arith.constant 16 : index
        %swap3A_567 = tpu.vector_load %arg14[%swap3A_564, %swap3A_565, %swap3A_566] {strides = array<i32>} : memref<2x128x64xf32, #tpu.memory_space<vmem>>, vector<16xf32>,
        tpu.vector_store %arg14[%swap3A_564, %swap3A_565, %swap3A_566], %mul3A_563 {strides = array<i32>} : memref<2x128x64xf32, #tpu.memory_space<vmem>>, vector<16xf32>,
        %get3A_568 = arith.index_cast %rem3A_217 : i32 to index
        %get3A_569 = arith.index_cast %add3A_545 : i32 to index
        %get3A_570 = arith.constant 32 : index
        %get3A_571 = tpu.vector_load %arg14[%get3A_568, %get3A_569, %get3A_570] {strides = array<i32>} : memref<2x128x64xf32, #tpu.memory_space<vmem>>, vector<16xf32>,
        %mul3A_572 = vector.broadcast %squeeze3A_547 : f32 to vector<16xf32>
        %mul3A_573 = arith.mulf %get3A_571, %mul3A_572 : vector<16xf32>
        %swap3A_574 = arith.index_cast %rem3A_217 : i32 to index
        %swap3A_575 = arith.index_cast %add3A_545 : i32 to index
        %swap3A_576 = arith.constant 32 : index
        %swap3A_577 = tpu.vector_load %arg14[%swap3A_574, %swap3A_575, %swap3A_576] {strides = array<i32>} : memref<2x128x64xf32, #tpu.memory_space<vmem>>, vector<16xf32>,
        tpu.vector_store %arg14[%swap3A_574, %swap3A_575, %swap3A_576], %mul3A_573 {strides = array<i32>} : memref<2x128x64xf32, #tpu.memory_space<vmem>>, vector<16xf32>,
        %get3A_578 = arith.index_cast %rem3A_217 : i32 to index
        %get3A_579 = arith.index_cast %add3A_545 : i32 to index
        %get3A_580 = arith.constant 48 : index
        %get3A_581 = tpu.vector_load %arg14[%get3A_578, %get3A_579, %get3A_580] {strides = array<i32>} : memref<2x128x64xf32, #tpu.memory_space<vmem>>, vector<16xf32>,
        %mul3A_582 = vector.broadcast %squeeze3A_547 : f32 to vector<16xf32>
        %mul3A_583 = arith.mulf %get3A_581, %mul3A_582 : vector<16xf32>
        %swap3A_584 = arith.index_cast %rem3A_217 : i32 to index
        %swap3A_585 = arith.index_cast %add3A_545 : i32 to index
        %swap3A_586 = arith.constant 48 : index
        %swap3A_587 = tpu.vector_load %arg14[%swap3A_584, %swap3A_585, %swap3A_586] {strides = array<i32>} : memref<2x128x64xf32, #tpu.memory_space<vmem>>, vector<16xf32>,
        tpu.vector_store %arg14[%swap3A_584, %swap3A_585, %swap3A_586], %mul3A_583 {strides = array<i32>} : memref<2x128x64xf32, #tpu.memory_space<vmem>>, vector<16xf32>,
        %mul3A_588 = arith.constant 16 : i32
        %mul3A_589 = arith.muli %scan3A_308, %mul3A_588 : i32
        %add3A_590 = arith.constant 6 : i32
        %add3A_591 = arith.addi %mul3A_589, %add3A_590 : i32
        %slice3A_592 = vector.extract_strided_slice %get3A_313 {offsets = [6], sizes = [1], strides = [1]} : vector<16xf32> to vector<1xf32>
        %squeeze3A_593 = vector.extract %slice3A_592[0] : f32 from vector<1xf32>
        %get3A_594 = arith.index_cast %rem3A_217 : i32 to index
        %get3A_595 = arith.index_cast %add3A_591 : i32 to index
        %get3A_596 = arith.constant 0 : index
        %get3A_597 = tpu.vector_load %arg14[%get3A_594, %get3A_595, %get3A_596] {strides = array<i32>} : memref<2x128x64xf32, #tpu.memory_space<vmem>>, vector<16xf32>,
        %mul3A_598 = vector.broadcast %squeeze3A_593 : f32 to vector<16xf32>
        %mul3A_599 = arith.mulf %get3A_597, %mul3A_598 : vector<16xf32>
        %swap3A_600 = arith.index_cast %rem3A_217 : i32 to index
        %swap3A_601 = arith.index_cast %add3A_591 : i32 to index
        %swap3A_602 = arith.constant 0 : index
        %swap3A_603 = tpu.vector_load %arg14[%swap3A_600, %swap3A_601, %swap3A_602] {strides = array<i32>} : memref<2x128x64xf32, #tpu.memory_space<vmem>>, vector<16xf32>,
        tpu.vector_store %arg14[%swap3A_600, %swap3A_601, %swap3A_602], %mul3A_599 {strides = array<i32>} : memref<2x128x64xf32, #tpu.memory_space<vmem>>, vector<16xf32>,
        %get3A_604 = arith.index_cast %rem3A_217 : i32 to index
        %get3A_605 = arith.index_cast %add3A_591 : i32 to index
        %get3A_606 = arith.constant 16 : index
        %get3A_607 = tpu.vector_load %arg14[%get3A_604, %get3A_605, %get3A_606] {strides = array<i32>} : memref<2x128x64xf32, #tpu.memory_space<vmem>>, vector<16xf32>,
        %mul3A_608 = vector.broadcast %squeeze3A_593 : f32 to vector<16xf32>
        %mul3A_609 = arith.mulf %get3A_607, %mul3A_608 : vector<16xf32>
        %swap3A_610 = arith.index_cast %rem3A_217 : i32 to index
        %swap3A_611 = arith.index_cast %add3A_591 : i32 to index
        %swap3A_612 = arith.constant 16 : index
        %swap3A_613 = tpu.vector_load %arg14[%swap3A_610, %swap3A_611, %swap3A_612] {strides = array<i32>} : memref<2x128x64xf32, #tpu.memory_space<vmem>>, vector<16xf32>,
        tpu.vector_store %arg14[%swap3A_610, %swap3A_611, %swap3A_612], %mul3A_609 {strides = array<i32>} : memref<2x128x64xf32, #tpu.memory_space<vmem>>, vector<16xf32>,
        %get3A_614 = arith.index_cast %rem3A_217 : i32 to index
        %get3A_615 = arith.index_cast %add3A_591 : i32 to index
        %get3A_616 = arith.constant 32 : index
        %get3A_617 = tpu.vector_load %arg14[%get3A_614, %get3A_615, %get3A_616] {strides = array<i32>} : memref<2x128x64xf32, #tpu.memory_space<vmem>>, vector<16xf32>,
        %mul3A_618 = vector.broadcast %squeeze3A_593 : f32 to vector<16xf32>
        %mul3A_619 = arith.mulf %get3A_617, %mul3A_618 : vector<16xf32>
        %swap3A_620 = arith.index_cast %rem3A_217 : i32 to index
        %swap3A_621 = arith.index_cast %add3A_591 : i32 to index
        %swap3A_622 = arith.constant 32 : index
        %swap3A_623 = tpu.vector_load %arg14[%swap3A_620, %swap3A_621, %swap3A_622] {strides = array<i32>} : memref<2x128x64xf32, #tpu.memory_space<vmem>>, vector<16xf32>,
        tpu.vector_store %arg14[%swap3A_620, %swap3A_621, %swap3A_622], %mul3A_619 {strides = array<i32>} : memref<2x128x64xf32, #tpu.memory_space<vmem>>, vector<16xf32>,
        %get3A_624 = arith.index_cast %rem3A_217 : i32 to index
        %get3A_625 = arith.index_cast %add3A_591 : i32 to index
        %get3A_626 = arith.constant 48 : index
        %get3A_627 = tpu.vector_load %arg14[%get3A_624, %get3A_625, %get3A_626] {strides = array<i32>} : memref<2x128x64xf32, #tpu.memory_space<vmem>>, vector<16xf32>,
        %mul3A_628 = vector.broadcast %squeeze3A_593 : f32 to vector<16xf32>
        %mul3A_629 = arith.mulf %get3A_627, %mul3A_628 : vector<16xf32>
        %swap3A_630 = arith.index_cast %rem3A_217 : i32 to index
        %swap3A_631 = arith.index_cast %add3A_591 : i32 to index
        %swap3A_632 = arith.constant 48 : index
        %swap3A_633 = tpu.vector_load %arg14[%swap3A_630, %swap3A_631, %swap3A_632] {strides = array<i32>} : memref<2x128x64xf32, #tpu.memory_space<vmem>>, vector<16xf32>,
        tpu.vector_store %arg14[%swap3A_630, %swap3A_631, %swap3A_632], %mul3A_629 {strides = array<i32>} : memref<2x128x64xf32, #tpu.memory_space<vmem>>, vector<16xf32>,
        %mul3A_634 = arith.constant 16 : i32
        %mul3A_635 = arith.muli %scan3A_308, %mul3A_634 : i32
        %add3A_636 = arith.constant 7 : i32
        %add3A_637 = arith.addi %mul3A_635, %add3A_636 : i32
        %slice3A_638 = vector.extract_strided_slice %get3A_313 {offsets = [7], sizes = [1], strides = [1]} : vector<16xf32> to vector<1xf32>
        %squeeze3A_639 = vector.extract %slice3A_638[0] : f32 from vector<1xf32>
        %get3A_640 = arith.index_cast %rem3A_217 : i32 to index
        %get3A_641 = arith.index_cast %add3A_637 : i32 to index
        %get3A_642 = arith.constant 0 : index
        %get3A_643 = tpu.vector_load %arg14[%get3A_640, %get3A_641, %get3A_642] {strides = array<i32>} : memref<2x128x64xf32, #tpu.memory_space<vmem>>, vector<16xf32>,
        %mul3A_644 = vector.broadcast %squeeze3A_639 : f32 to vector<16xf32>
        %mul3A_645 = arith.mulf %get3A_643, %mul3A_644 : vector<16xf32>
        %swap3A_646 = arith.index_cast %rem3A_217 : i32 to index
        %swap3A_647 = arith.index_cast %add3A_637 : i32 to index
        %swap3A_648 = arith.constant 0 : index
        %swap3A_649 = tpu.vector_load %arg14[%swap3A_646, %swap3A_647, %swap3A_648] {strides = array<i32>} : memref<2x128x64xf32, #tpu.memory_space<vmem>>, vector<16xf32>,
        tpu.vector_store %arg14[%swap3A_646, %swap3A_647, %swap3A_648], %mul3A_645 {strides = array<i32>} : memref<2x128x64xf32, #tpu.memory_space<vmem>>, vector<16xf32>,
        %get3A_650 = arith.index_cast %rem3A_217 : i32 to index
        %get3A_651 = arith.index_cast %add3A_637 : i32 to index
        %get3A_652 = arith.constant 16 : index
        %get3A_653 = tpu.vector_load %arg14[%get3A_650, %get3A_651, %get3A_652] {strides = array<i32>} : memref<2x128x64xf32, #tpu.memory_space<vmem>>, vector<16xf32>,
        %mul3A_654 = vector.broadcast %squeeze3A_639 : f32 to vector<16xf32>
        %mul3A_655 = arith.mulf %get3A_653, %mul3A_654 : vector<16xf32>
        %swap3A_656 = arith.index_cast %rem3A_217 : i32 to index
        %swap3A_657 = arith.index_cast %add3A_637 : i32 to index
        %swap3A_658 = arith.constant 16 : index
        %swap3A_659 = tpu.vector_load %arg14[%swap3A_656, %swap3A_657, %swap3A_658] {strides = array<i32>} : memref<2x128x64xf32, #tpu.memory_space<vmem>>, vector<16xf32>,
        tpu.vector_store %arg14[%swap3A_656, %swap3A_657, %swap3A_658], %mul3A_655 {strides = array<i32>} : memref<2x128x64xf32, #tpu.memory_space<vmem>>, vector<16xf32>,
        %get3A_660 = arith.index_cast %rem3A_217 : i32 to index
        %get3A_661 = arith.index_cast %add3A_637 : i32 to index
        %get3A_662 = arith.constant 32 : index
        %get3A_663 = tpu.vector_load %arg14[%get3A_660, %get3A_661, %get3A_662] {strides = array<i32>} : memref<2x128x64xf32, #tpu.memory_space<vmem>>, vector<16xf32>,
        %mul3A_664 = vector.broadcast %squeeze3A_639 : f32 to vector<16xf32>
        %mul3A_665 = arith.mulf %get3A_663, %mul3A_664 : vector<16xf32>
        %swap3A_666 = arith.index_cast %rem3A_217 : i32 to index
        %swap3A_667 = arith.index_cast %add3A_637 : i32 to index
        %swap3A_668 = arith.constant 32 : index
        %swap3A_669 = tpu.vector_load %arg14[%swap3A_666, %swap3A_667, %swap3A_668] {strides = array<i32>} : memref<2x128x64xf32, #tpu.memory_space<vmem>>, vector<16xf32>,
        tpu.vector_store %arg14[%swap3A_666, %swap3A_667, %swap3A_668], %mul3A_665 {strides = array<i32>} : memref<2x128x64xf32, #tpu.memory_space<vmem>>, vector<16xf32>,
        %get3A_670 = arith.index_cast %rem3A_217 : i32 to index
        %get3A_671 = arith.index_cast %add3A_637 : i32 to index
        %get3A_672 = arith.constant 48 : index
        %get3A_673 = tpu.vector_load %arg14[%get3A_670, %get3A_671, %get3A_672] {strides = array<i32>} : memref<2x128x64xf32, #tpu.memory_space<vmem>>, vector<16xf32>,
        %mul3A_674 = vector.broadcast %squeeze3A_639 : f32 to vector<16xf32>
        %mul3A_675 = arith.mulf %get3A_673, %mul3A_674 : vector<16xf32>
        %swap3A_676 = arith.index_cast %rem3A_217 : i32 to index
        %swap3A_677 = arith.index_cast %add3A_637 : i32 to index
        %swap3A_678 = arith.constant 48 : index
        %swap3A_679 = tpu.vector_load %arg14[%swap3A_676, %swap3A_677, %swap3A_678] {strides = array<i32>} : memref<2x128x64xf32, #tpu.memory_space<vmem>>, vector<16xf32>,
        tpu.vector_store %arg14[%swap3A_676, %swap3A_677, %swap3A_678], %mul3A_675 {strides = array<i32>} : memref<2x128x64xf32, #tpu.memory_space<vmem>>, vector<16xf32>,
        %mul3A_680 = arith.constant 16 : i32
        %mul3A_681 = arith.muli %scan3A_308, %mul3A_680 : i32
        %add3A_682 = arith.constant 8 : i32
        %add3A_683 = arith.addi %mul3A_681, %add3A_682 : i32
        %slice3A_684 = vector.extract_strided_slice %get3A_313 {offsets = [8], sizes = [1], strides = [1]} : vector<16xf32> to vector<1xf32>
        %squeeze3A_685 = vector.extract %slice3A_684[0] : f32 from vector<1xf32>
        %get3A_686 = arith.index_cast %rem3A_217 : i32 to index
        %get3A_687 = arith.index_cast %add3A_683 : i32 to index
        %get3A_688 = arith.constant 0 : index
        %get3A_689 = tpu.vector_load %arg14[%get3A_686, %get3A_687, %get3A_688] {strides = array<i32>} : memref<2x128x64xf32, #tpu.memory_space<vmem>>, vector<16xf32>,
        %mul3A_690 = vector.broadcast %squeeze3A_685 : f32 to vector<16xf32>
        %mul3A_691 = arith.mulf %get3A_689, %mul3A_690 : vector<16xf32>
        %swap3A_692 = arith.index_cast %rem3A_217 : i32 to index
        %swap3A_693 = arith.index_cast %add3A_683 : i32 to index
        %swap3A_694 = arith.constant 0 : index
        %swap3A_695 = tpu.vector_load %arg14[%swap3A_692, %swap3A_693, %swap3A_694] {strides = array<i32>} : memref<2x128x64xf32, #tpu.memory_space<vmem>>, vector<16xf32>,
        tpu.vector_store %arg14[%swap3A_692, %swap3A_693, %swap3A_694], %mul3A_691 {strides = array<i32>} : memref<2x128x64xf32, #tpu.memory_space<vmem>>, vector<16xf32>,
        %get3A_696 = arith.index_cast %rem3A_217 : i32 to index
        %get3A_697 = arith.index_cast %add3A_683 : i32 to index
        %get3A_698 = arith.constant 16 : index
        %get3A_699 = tpu.vector_load %arg14[%get3A_696, %get3A_697, %get3A_698] {strides = array<i32>} : memref<2x128x64xf32, #tpu.memory_space<vmem>>, vector<16xf32>,
        %mul3A_700 = vector.broadcast %squeeze3A_685 : f32 to vector<16xf32>
        %mul3A_701 = arith.mulf %get3A_699, %mul3A_700 : vector<16xf32>
        %swap3A_702 = arith.index_cast %rem3A_217 : i32 to index
        %swap3A_703 = arith.index_cast %add3A_683 : i32 to index
        %swap3A_704 = arith.constant 16 : index
        %swap3A_705 = tpu.vector_load %arg14[%swap3A_702, %swap3A_703, %swap3A_704] {strides = array<i32>} : memref<2x128x64xf32, #tpu.memory_space<vmem>>, vector<16xf32>,
        tpu.vector_store %arg14[%swap3A_702, %swap3A_703, %swap3A_704], %mul3A_701 {strides = array<i32>} : memref<2x128x64xf32, #tpu.memory_space<vmem>>, vector<16xf32>,
        %get3A_706 = arith.index_cast %rem3A_217 : i32 to index
        %get3A_707 = arith.index_cast %add3A_683 : i32 to index
        %get3A_708 = arith.constant 32 : index
        %get3A_709 = tpu.vector_load %arg14[%get3A_706, %get3A_707, %get3A_708] {strides = array<i32>} : memref<2x128x64xf32, #tpu.memory_space<vmem>>, vector<16xf32>,
        %mul3A_710 = vector.broadcast %squeeze3A_685 : f32 to vector<16xf32>
        %mul3A_711 = arith.mulf %get3A_709, %mul3A_710 : vector<16xf32>
        %swap3A_712 = arith.index_cast %rem3A_217 : i32 to index
        %swap3A_713 = arith.index_cast %add3A_683 : i32 to index
        %swap3A_714 = arith.constant 32 : index
        %swap3A_715 = tpu.vector_load %arg14[%swap3A_712, %swap3A_713, %swap3A_714] {strides = array<i32>} : memref<2x128x64xf32, #tpu.memory_space<vmem>>, vector<16xf32>,
        tpu.vector_store %arg14[%swap3A_712, %swap3A_713, %swap3A_714], %mul3A_711 {strides = array<i32>} : memref<2x128x64xf32, #tpu.memory_space<vmem>>, vector<16xf32>,
        %get3A_716 = arith.index_cast %rem3A_217 : i32 to index
        %get3A_717 = arith.index_cast %add3A_683 : i32 to index
        %get3A_718 = arith.constant 48 : index
        %get3A_719 = tpu.vector_load %arg14[%get3A_716, %get3A_717, %get3A_718] {strides = array<i32>} : memref<2x128x64xf32, #tpu.memory_space<vmem>>, vector<16xf32>,
        %mul3A_720 = vector.broadcast %squeeze3A_685 : f32 to vector<16xf32>
        %mul3A_721 = arith.mulf %get3A_719, %mul3A_720 : vector<16xf32>
        %swap3A_722 = arith.index_cast %rem3A_217 : i32 to index
        %swap3A_723 = arith.index_cast %add3A_683 : i32 to index
        %swap3A_724 = arith.constant 48 : index
        %swap3A_725 = tpu.vector_load %arg14[%swap3A_722, %swap3A_723, %swap3A_724] {strides = array<i32>} : memref<2x128x64xf32, #tpu.memory_space<vmem>>, vector<16xf32>,
        tpu.vector_store %arg14[%swap3A_722, %swap3A_723, %swap3A_724], %mul3A_721 {strides = array<i32>} : memref<2x128x64xf32, #tpu.memory_space<vmem>>, vector<16xf32>,
        %mul3A_726 = arith.constant 16 : i32
        %mul3A_727 = arith.muli %scan3A_308, %mul3A_726 : i32
        %add3A_728 = arith.constant 9 : i32
        %add3A_729 = arith.addi %mul3A_727, %add3A_728 : i32
        %slice3A_730 = vector.extract_strided_slice %get3A_313 {offsets = [9], sizes = [1], strides = [1]} : vector<16xf32> to vector<1xf32>
        %squeeze3A_731 = vector.extract %slice3A_730[0] : f32 from vector<1xf32>
        %get3A_732 = arith.index_cast %rem3A_217 : i32 to index
        %get3A_733 = arith.index_cast %add3A_729 : i32 to index
        %get3A_734 = arith.constant 0 : index
        %get3A_735 = tpu.vector_load %arg14[%get3A_732, %get3A_733, %get3A_734] {strides = array<i32>} : memref<2x128x64xf32, #tpu.memory_space<vmem>>, vector<16xf32>,
        %mul3A_736 = vector.broadcast %squeeze3A_731 : f32 to vector<16xf32>
        %mul3A_737 = arith.mulf %get3A_735, %mul3A_736 : vector<16xf32>
        %swap3A_738 = arith.index_cast %rem3A_217 : i32 to index
        %swap3A_739 = arith.index_cast %add3A_729 : i32 to index
        %swap3A_740 = arith.constant 0 : index
        %swap3A_741 = tpu.vector_load %arg14[%swap3A_738, %swap3A_739, %swap3A_740] {strides = array<i32>} : memref<2x128x64xf32, #tpu.memory_space<vmem>>, vector<16xf32>,
        tpu.vector_store %arg14[%swap3A_738, %swap3A_739, %swap3A_740], %mul3A_737 {strides = array<i32>} : memref<2x128x64xf32, #tpu.memory_space<vmem>>, vector<16xf32>,
        %get3A_742 = arith.index_cast %rem3A_217 : i32 to index
        %get3A_743 = arith.index_cast %add3A_729 : i32 to index
        %get3A_744 = arith.constant 16 : index
        %get3A_745 = tpu.vector_load %arg14[%get3A_742, %get3A_743, %get3A_744] {strides = array<i32>} : memref<2x128x64xf32, #tpu.memory_space<vmem>>, vector<16xf32>,
        %mul3A_746 = vector.broadcast %squeeze3A_731 : f32 to vector<16xf32>
        %mul3A_747 = arith.mulf %get3A_745, %mul3A_746 : vector<16xf32>
        %swap3A_748 = arith.index_cast %rem3A_217 : i32 to index
        %swap3A_749 = arith.index_cast %add3A_729 : i32 to index
        %swap3A_750 = arith.constant 16 : index
        %swap3A_751 = tpu.vector_load %arg14[%swap3A_748, %swap3A_749, %swap3A_750] {strides = array<i32>} : memref<2x128x64xf32, #tpu.memory_space<vmem>>, vector<16xf32>,
        tpu.vector_store %arg14[%swap3A_748, %swap3A_749, %swap3A_750], %mul3A_747 {strides = array<i32>} : memref<2x128x64xf32, #tpu.memory_space<vmem>>, vector<16xf32>,
        %get3A_752 = arith.index_cast %rem3A_217 : i32 to index
        %get3A_753 = arith.index_cast %add3A_729 : i32 to index
        %get3A_754 = arith.constant 32 : index
        %get3A_755 = tpu.vector_load %arg14[%get3A_752, %get3A_753, %get3A_754] {strides = array<i32>} : memref<2x128x64xf32, #tpu.memory_space<vmem>>, vector<16xf32>,
        %mul3A_756 = vector.broadcast %squeeze3A_731 : f32 to vector<16xf32>
        %mul3A_757 = arith.mulf %get3A_755, %mul3A_756 : vector<16xf32>
        %swap3A_758 = arith.index_cast %rem3A_217 : i32 to index
        %swap3A_759 = arith.index_cast %add3A_729 : i32 to index
        %swap3A_760 = arith.constant 32 : index
        %swap3A_761 = tpu.vector_load %arg14[%swap3A_758, %swap3A_759, %swap3A_760] {strides = array<i32>} : memref<2x128x64xf32, #tpu.memory_space<vmem>>, vector<16xf32>,
        tpu.vector_store %arg14[%swap3A_758, %swap3A_759, %swap3A_760], %mul3A_757 {strides = array<i32>} : memref<2x128x64xf32, #tpu.memory_space<vmem>>, vector<16xf32>,
        %get3A_762 = arith.index_cast %rem3A_217 : i32 to index
        %get3A_763 = arith.index_cast %add3A_729 : i32 to index
        %get3A_764 = arith.constant 48 : index
        %get3A_765 = tpu.vector_load %arg14[%get3A_762, %get3A_763, %get3A_764] {strides = array<i32>} : memref<2x128x64xf32, #tpu.memory_space<vmem>>, vector<16xf32>,
        %mul3A_766 = vector.broadcast %squeeze3A_731 : f32 to vector<16xf32>
        %mul3A_767 = arith.mulf %get3A_765, %mul3A_766 : vector<16xf32>
        %swap3A_768 = arith.index_cast %rem3A_217 : i32 to index
        %swap3A_769 = arith.index_cast %add3A_729 : i32 to index
        %swap3A_770 = arith.constant 48 : index
        %swap3A_771 = tpu.vector_load %arg14[%swap3A_768, %swap3A_769, %swap3A_770] {strides = array<i32>} : memref<2x128x64xf32, #tpu.memory_space<vmem>>, vector<16xf32>,
        tpu.vector_store %arg14[%swap3A_768, %swap3A_769, %swap3A_770], %mul3A_767 {strides = array<i32>} : memref<2x128x64xf32, #tpu.memory_space<vmem>>, vector<16xf32>,
        %mul3A_772 = arith.constant 16 : i32
        %mul3A_773 = arith.muli %scan3A_308, %mul3A_772 : i32
        %add3A_774 = arith.constant 10 : i32
        %add3A_775 = arith.addi %mul3A_773, %add3A_774 : i32
        %slice3A_776 = vector.extract_strided_slice %get3A_313 {offsets = [10], sizes = [1], strides = [1]} : vector<16xf32> to vector<1xf32>
        %squeeze3A_777 = vector.extract %slice3A_776[0] : f32 from vector<1xf32>
        %get3A_778 = arith.index_cast %rem3A_217 : i32 to index
        %get3A_779 = arith.index_cast %add3A_775 : i32 to index
        %get3A_780 = arith.constant 0 : index
        %get3A_781 = tpu.vector_load %arg14[%get3A_778, %get3A_779, %get3A_780] {strides = array<i32>} : memref<2x128x64xf32, #tpu.memory_space<vmem>>, vector<16xf32>,
        %mul3A_782 = vector.broadcast %squeeze3A_777 : f32 to vector<16xf32>
        %mul3A_783 = arith.mulf %get3A_781, %mul3A_782 : vector<16xf32>
        %swap3A_784 = arith.index_cast %rem3A_217 : i32 to index
        %swap3A_785 = arith.index_cast %add3A_775 : i32 to index
        %swap3A_786 = arith.constant 0 : index
        %swap3A_787 = tpu.vector_load %arg14[%swap3A_784, %swap3A_785, %swap3A_786] {strides = array<i32>} : memref<2x128x64xf32, #tpu.memory_space<vmem>>, vector<16xf32>,
        tpu.vector_store %arg14[%swap3A_784, %swap3A_785, %swap3A_786], %mul3A_783 {strides = array<i32>} : memref<2x128x64xf32, #tpu.memory_space<vmem>>, vector<16xf32>,
        %get3A_788 = arith.index_cast %rem3A_217 : i32 to index
        %get3A_789 = arith.index_cast %add3A_775 : i32 to index
        %get3A_790 = arith.constant 16 : index
        %get3A_791 = tpu.vector_load %arg14[%get3A_788, %get3A_789, %get3A_790] {strides = array<i32>} : memref<2x128x64xf32, #tpu.memory_space<vmem>>, vector<16xf32>,
        %mul3A_792 = vector.broadcast %squeeze3A_777 : f32 to vector<16xf32>
        %mul3A_793 = arith.mulf %get3A_791, %mul3A_792 : vector<16xf32>
        %swap3A_794 = arith.index_cast %rem3A_217 : i32 to index
        %swap3A_795 = arith.index_cast %add3A_775 : i32 to index
        %swap3A_796 = arith.constant 16 : index
        %swap3A_797 = tpu.vector_load %arg14[%swap3A_794, %swap3A_795, %swap3A_796] {strides = array<i32>} : memref<2x128x64xf32, #tpu.memory_space<vmem>>, vector<16xf32>,
        tpu.vector_store %arg14[%swap3A_794, %swap3A_795, %swap3A_796], %mul3A_793 {strides = array<i32>} : memref<2x128x64xf32, #tpu.memory_space<vmem>>, vector<16xf32>,
        %get3A_798 = arith.index_cast %rem3A_217 : i32 to index
        %get3A_799 = arith.index_cast %add3A_775 : i32 to index
        %get3A_800 = arith.constant 32 : index
        %get3A_801 = tpu.vector_load %arg14[%get3A_798, %get3A_799, %get3A_800] {strides = array<i32>} : memref<2x128x64xf32, #tpu.memory_space<vmem>>, vector<16xf32>,
        %mul3A_802 = vector.broadcast %squeeze3A_777 : f32 to vector<16xf32>
        %mul3A_803 = arith.mulf %get3A_801, %mul3A_802 : vector<16xf32>
        %swap3A_804 = arith.index_cast %rem3A_217 : i32 to index
        %swap3A_805 = arith.index_cast %add3A_775 : i32 to index
        %swap3A_806 = arith.constant 32 : index
        %swap3A_807 = tpu.vector_load %arg14[%swap3A_804, %swap3A_805, %swap3A_806] {strides = array<i32>} : memref<2x128x64xf32, #tpu.memory_space<vmem>>, vector<16xf32>,
        tpu.vector_store %arg14[%swap3A_804, %swap3A_805, %swap3A_806], %mul3A_803 {strides = array<i32>} : memref<2x128x64xf32, #tpu.memory_space<vmem>>, vector<16xf32>,
        %get3A_808 = arith.index_cast %rem3A_217 : i32 to index
        %get3A_809 = arith.index_cast %add3A_775 : i32 to index
        %get3A_810 = arith.constant 48 : index
        %get3A_811 = tpu.vector_load %arg14[%get3A_808, %get3A_809, %get3A_810] {strides = array<i32>} : memref<2x128x64xf32, #tpu.memory_space<vmem>>, vector<16xf32>,
        %mul3A_812 = vector.broadcast %squeeze3A_777 : f32 to vector<16xf32>
        %mul3A_813 = arith.mulf %get3A_811, %mul3A_812 : vector<16xf32>
        %swap3A_814 = arith.index_cast %rem3A_217 : i32 to index
        %swap3A_815 = arith.index_cast %add3A_775 : i32 to index
        %swap3A_816 = arith.constant 48 : index
        %swap3A_817 = tpu.vector_load %arg14[%swap3A_814, %swap3A_815, %swap3A_816] {strides = array<i32>} : memref<2x128x64xf32, #tpu.memory_space<vmem>>, vector<16xf32>,
        tpu.vector_store %arg14[%swap3A_814, %swap3A_815, %swap3A_816], %mul3A_813 {strides = array<i32>} : memref<2x128x64xf32, #tpu.memory_space<vmem>>, vector<16xf32>,
        %mul3A_818 = arith.constant 16 : i32
        %mul3A_819 = arith.muli %scan3A_308, %mul3A_818 : i32
        %add3A_820 = arith.constant 11 : i32
        %add3A_821 = arith.addi %mul3A_819, %add3A_820 : i32
        %slice3A_822 = vector.extract_strided_slice %get3A_313 {offsets = [11], sizes = [1], strides = [1]} : vector<16xf32> to vector<1xf32>
        %squeeze3A_823 = vector.extract %slice3A_822[0] : f32 from vector<1xf32>
        %get3A_824 = arith.index_cast %rem3A_217 : i32 to index
        %get3A_825 = arith.index_cast %add3A_821 : i32 to index
        %get3A_826 = arith.constant 0 : index
        %get3A_827 = tpu.vector_load %arg14[%get3A_824, %get3A_825, %get3A_826] {strides = array<i32>} : memref<2x128x64xf32, #tpu.memory_space<vmem>>, vector<16xf32>,
        %mul3A_828 = vector.broadcast %squeeze3A_823 : f32 to vector<16xf32>
        %mul3A_829 = arith.mulf %get3A_827, %mul3A_828 : vector<16xf32>
        %swap3A_830 = arith.index_cast %rem3A_217 : i32 to index
        %swap3A_831 = arith.index_cast %add3A_821 : i32 to index
        %swap3A_832 = arith.constant 0 : index
        %swap3A_833 = tpu.vector_load %arg14[%swap3A_830, %swap3A_831, %swap3A_832] {strides = array<i32>} : memref<2x128x64xf32, #tpu.memory_space<vmem>>, vector<16xf32>,
        tpu.vector_store %arg14[%swap3A_830, %swap3A_831, %swap3A_832], %mul3A_829 {strides = array<i32>} : memref<2x128x64xf32, #tpu.memory_space<vmem>>, vector<16xf32>,
        %get3A_834 = arith.index_cast %rem3A_217 : i32 to index
        %get3A_835 = arith.index_cast %add3A_821 : i32 to index
        %get3A_836 = arith.constant 16 : index
        %get3A_837 = tpu.vector_load %arg14[%get3A_834, %get3A_835, %get3A_836] {strides = array<i32>} : memref<2x128x64xf32, #tpu.memory_space<vmem>>, vector<16xf32>,
        %mul3A_838 = vector.broadcast %squeeze3A_823 : f32 to vector<16xf32>
        %mul3A_839 = arith.mulf %get3A_837, %mul3A_838 : vector<16xf32>
        %swap3A_840 = arith.index_cast %rem3A_217 : i32 to index
        %swap3A_841 = arith.index_cast %add3A_821 : i32 to index
        %swap3A_842 = arith.constant 16 : index
        %swap3A_843 = tpu.vector_load %arg14[%swap3A_840, %swap3A_841, %swap3A_842] {strides = array<i32>} : memref<2x128x64xf32, #tpu.memory_space<vmem>>, vector<16xf32>,
        tpu.vector_store %arg14[%swap3A_840, %swap3A_841, %swap3A_842], %mul3A_839 {strides = array<i32>} : memref<2x128x64xf32, #tpu.memory_space<vmem>>, vector<16xf32>,
        %get3A_844 = arith.index_cast %rem3A_217 : i32 to index
        %get3A_845 = arith.index_cast %add3A_821 : i32 to index
        %get3A_846 = arith.constant 32 : index
        %get3A_847 = tpu.vector_load %arg14[%get3A_844, %get3A_845, %get3A_846] {strides = array<i32>} : memref<2x128x64xf32, #tpu.memory_space<vmem>>, vector<16xf32>,
        %mul3A_848 = vector.broadcast %squeeze3A_823 : f32 to vector<16xf32>
        %mul3A_849 = arith.mulf %get3A_847, %mul3A_848 : vector<16xf32>
        %swap3A_850 = arith.index_cast %rem3A_217 : i32 to index
        %swap3A_851 = arith.index_cast %add3A_821 : i32 to index
        %swap3A_852 = arith.constant 32 : index
        %swap3A_853 = tpu.vector_load %arg14[%swap3A_850, %swap3A_851, %swap3A_852] {strides = array<i32>} : memref<2x128x64xf32, #tpu.memory_space<vmem>>, vector<16xf32>,
        tpu.vector_store %arg14[%swap3A_850, %swap3A_851, %swap3A_852], %mul3A_849 {strides = array<i32>} : memref<2x128x64xf32, #tpu.memory_space<vmem>>, vector<16xf32>,
        %get3A_854 = arith.index_cast %rem3A_217 : i32 to index
        %get3A_855 = arith.index_cast %add3A_821 : i32 to index
        %get3A_856 = arith.constant 48 : index
        %get3A_857 = tpu.vector_load %arg14[%get3A_854, %get3A_855, %get3A_856] {strides = array<i32>} : memref<2x128x64xf32, #tpu.memory_space<vmem>>, vector<16xf32>,
        %mul3A_858 = vector.broadcast %squeeze3A_823 : f32 to vector<16xf32>
        %mul3A_859 = arith.mulf %get3A_857, %mul3A_858 : vector<16xf32>
        %swap3A_860 = arith.index_cast %rem3A_217 : i32 to index
        %swap3A_861 = arith.index_cast %add3A_821 : i32 to index
        %swap3A_862 = arith.constant 48 : index
        %swap3A_863 = tpu.vector_load %arg14[%swap3A_860, %swap3A_861, %swap3A_862] {strides = array<i32>} : memref<2x128x64xf32, #tpu.memory_space<vmem>>, vector<16xf32>,
        tpu.vector_store %arg14[%swap3A_860, %swap3A_861, %swap3A_862], %mul3A_859 {strides = array<i32>} : memref<2x128x64xf32, #tpu.memory_space<vmem>>, vector<16xf32>,
        %mul3A_864 = arith.constant 16 : i32
        %mul3A_865 = arith.muli %scan3A_308, %mul3A_864 : i32
        %add3A_866 = arith.constant 12 : i32
        %add3A_867 = arith.addi %mul3A_865, %add3A_866 : i32
        %slice3A_868 = vector.extract_strided_slice %get3A_313 {offsets = [12], sizes = [1], strides = [1]} : vector<16xf32> to vector<1xf32>
        %squeeze3A_869 = vector.extract %slice3A_868[0] : f32 from vector<1xf32>
        %get3A_870 = arith.index_cast %rem3A_217 : i32 to index
        %get3A_871 = arith.index_cast %add3A_867 : i32 to index
        %get3A_872 = arith.constant 0 : index
        %get3A_873 = tpu.vector_load %arg14[%get3A_870, %get3A_871, %get3A_872] {strides = array<i32>} : memref<2x128x64xf32, #tpu.memory_space<vmem>>, vector<16xf32>,
        %mul3A_874 = vector.broadcast %squeeze3A_869 : f32 to vector<16xf32>
        %mul3A_875 = arith.mulf %get3A_873, %mul3A_874 : vector<16xf32>
        %swap3A_876 = arith.index_cast %rem3A_217 : i32 to index
        %swap3A_877 = arith.index_cast %add3A_867 : i32 to index
        %swap3A_878 = arith.constant 0 : index
        %swap3A_879 = tpu.vector_load %arg14[%swap3A_876, %swap3A_877, %swap3A_878] {strides = array<i32>} : memref<2x128x64xf32, #tpu.memory_space<vmem>>, vector<16xf32>,
        tpu.vector_store %arg14[%swap3A_876, %swap3A_877, %swap3A_878], %mul3A_875 {strides = array<i32>} : memref<2x128x64xf32, #tpu.memory_space<vmem>>, vector<16xf32>,
        %get3A_880 = arith.index_cast %rem3A_217 : i32 to index
        %get3A_881 = arith.index_cast %add3A_867 : i32 to index
        %get3A_882 = arith.constant 16 : index
        %get3A_883 = tpu.vector_load %arg14[%get3A_880, %get3A_881, %get3A_882] {strides = array<i32>} : memref<2x128x64xf32, #tpu.memory_space<vmem>>, vector<16xf32>,
        %mul3A_884 = vector.broadcast %squeeze3A_869 : f32 to vector<16xf32>
        %mul3A_885 = arith.mulf %get3A_883, %mul3A_884 : vector<16xf32>
        %swap3A_886 = arith.index_cast %rem3A_217 : i32 to index
        %swap3A_887 = arith.index_cast %add3A_867 : i32 to index
        %swap3A_888 = arith.constant 16 : index
        %swap3A_889 = tpu.vector_load %arg14[%swap3A_886, %swap3A_887, %swap3A_888] {strides = array<i32>} : memref<2x128x64xf32, #tpu.memory_space<vmem>>, vector<16xf32>,
        tpu.vector_store %arg14[%swap3A_886, %swap3A_887, %swap3A_888], %mul3A_885 {strides = array<i32>} : memref<2x128x64xf32, #tpu.memory_space<vmem>>, vector<16xf32>,
        %get3A_890 = arith.index_cast %rem3A_217 : i32 to index
        %get3A_891 = arith.index_cast %add3A_867 : i32 to index
        %get3A_892 = arith.constant 32 : index
        %get3A_893 = tpu.vector_load %arg14[%get3A_890, %get3A_891, %get3A_892] {strides = array<i32>} : memref<2x128x64xf32, #tpu.memory_space<vmem>>, vector<16xf32>,
        %mul3A_894 = vector.broadcast %squeeze3A_869 : f32 to vector<16xf32>
        %mul3A_895 = arith.mulf %get3A_893, %mul3A_894 : vector<16xf32>
        %swap3A_896 = arith.index_cast %rem3A_217 : i32 to index
        %swap3A_897 = arith.index_cast %add3A_867 : i32 to index
        %swap3A_898 = arith.constant 32 : index
        %swap3A_899 = tpu.vector_load %arg14[%swap3A_896, %swap3A_897, %swap3A_898] {strides = array<i32>} : memref<2x128x64xf32, #tpu.memory_space<vmem>>, vector<16xf32>,
        tpu.vector_store %arg14[%swap3A_896, %swap3A_897, %swap3A_898], %mul3A_895 {strides = array<i32>} : memref<2x128x64xf32, #tpu.memory_space<vmem>>, vector<16xf32>,
        %get3A_900 = arith.index_cast %rem3A_217 : i32 to index
        %get3A_901 = arith.index_cast %add3A_867 : i32 to index
        %get3A_902 = arith.constant 48 : index
        %get3A_903 = tpu.vector_load %arg14[%get3A_900, %get3A_901, %get3A_902] {strides = array<i32>} : memref<2x128x64xf32, #tpu.memory_space<vmem>>, vector<16xf32>,
        %mul3A_904 = vector.broadcast %squeeze3A_869 : f32 to vector<16xf32>
        %mul3A_905 = arith.mulf %get3A_903, %mul3A_904 : vector<16xf32>
        %swap3A_906 = arith.index_cast %rem3A_217 : i32 to index
        %swap3A_907 = arith.index_cast %add3A_867 : i32 to index
        %swap3A_908 = arith.constant 48 : index
        %swap3A_909 = tpu.vector_load %arg14[%swap3A_906, %swap3A_907, %swap3A_908] {strides = array<i32>} : memref<2x128x64xf32, #tpu.memory_space<vmem>>, vector<16xf32>,
        tpu.vector_store %arg14[%swap3A_906, %swap3A_907, %swap3A_908], %mul3A_905 {strides = array<i32>} : memref<2x128x64xf32, #tpu.memory_space<vmem>>, vector<16xf32>,
        %mul3A_910 = arith.constant 16 : i32
        %mul3A_911 = arith.muli %scan3A_308, %mul3A_910 : i32
        %add3A_912 = arith.constant 13 : i32
        %add3A_913 = arith.addi %mul3A_911, %add3A_912 : i32
        %slice3A_914 = vector.extract_strided_slice %get3A_313 {offsets = [13], sizes = [1], strides = [1]} : vector<16xf32> to vector<1xf32>
        %squeeze3A_915 = vector.extract %slice3A_914[0] : f32 from vector<1xf32>
        %get3A_916 = arith.index_cast %rem3A_217 : i32 to index
        %get3A_917 = arith.index_cast %add3A_913 : i32 to index
        %get3A_918 = arith.constant 0 : index
        %get3A_919 = tpu.vector_load %arg14[%get3A_916, %get3A_917, %get3A_918] {strides = array<i32>} : memref<2x128x64xf32, #tpu.memory_space<vmem>>, vector<16xf32>,
        %mul3A_920 = vector.broadcast %squeeze3A_915 : f32 to vector<16xf32>
        %mul3A_921 = arith.mulf %get3A_919, %mul3A_920 : vector<16xf32>
        %swap3A_922 = arith.index_cast %rem3A_217 : i32 to index
        %swap3A_923 = arith.index_cast %add3A_913 : i32 to index
        %swap3A_924 = arith.constant 0 : index
        %swap3A_925 = tpu.vector_load %arg14[%swap3A_922, %swap3A_923, %swap3A_924] {strides = array<i32>} : memref<2x128x64xf32, #tpu.memory_space<vmem>>, vector<16xf32>,
        tpu.vector_store %arg14[%swap3A_922, %swap3A_923, %swap3A_924], %mul3A_921 {strides = array<i32>} : memref<2x128x64xf32, #tpu.memory_space<vmem>>, vector<16xf32>,
        %get3A_926 = arith.index_cast %rem3A_217 : i32 to index
        %get3A_927 = arith.index_cast %add3A_913 : i32 to index
        %get3A_928 = arith.constant 16 : index
        %get3A_929 = tpu.vector_load %arg14[%get3A_926, %get3A_927, %get3A_928] {strides = array<i32>} : memref<2x128x64xf32, #tpu.memory_space<vmem>>, vector<16xf32>,
        %mul3A_930 = vector.broadcast %squeeze3A_915 : f32 to vector<16xf32>
        %mul3A_931 = arith.mulf %get3A_929, %mul3A_930 : vector<16xf32>
        %swap3A_932 = arith.index_cast %rem3A_217 : i32 to index
        %swap3A_933 = arith.index_cast %add3A_913 : i32 to index
        %swap3A_934 = arith.constant 16 : index
        %swap3A_935 = tpu.vector_load %arg14[%swap3A_932, %swap3A_933, %swap3A_934] {strides = array<i32>} : memref<2x128x64xf32, #tpu.memory_space<vmem>>, vector<16xf32>,
        tpu.vector_store %arg14[%swap3A_932, %swap3A_933, %swap3A_934], %mul3A_931 {strides = array<i32>} : memref<2x128x64xf32, #tpu.memory_space<vmem>>, vector<16xf32>,
        %get3A_936 = arith.index_cast %rem3A_217 : i32 to index
        %get3A_937 = arith.index_cast %add3A_913 : i32 to index
        %get3A_938 = arith.constant 32 : index
        %get3A_939 = tpu.vector_load %arg14[%get3A_936, %get3A_937, %get3A_938] {strides = array<i32>} : memref<2x128x64xf32, #tpu.memory_space<vmem>>, vector<16xf32>,
        %mul3A_940 = vector.broadcast %squeeze3A_915 : f32 to vector<16xf32>
        %mul3A_941 = arith.mulf %get3A_939, %mul3A_940 : vector<16xf32>
        %swap3A_942 = arith.index_cast %rem3A_217 : i32 to index
        %swap3A_943 = arith.index_cast %add3A_913 : i32 to index
        %swap3A_944 = arith.constant 32 : index
        %swap3A_945 = tpu.vector_load %arg14[%swap3A_942, %swap3A_943, %swap3A_944] {strides = array<i32>} : memref<2x128x64xf32, #tpu.memory_space<vmem>>, vector<16xf32>,
        tpu.vector_store %arg14[%swap3A_942, %swap3A_943, %swap3A_944], %mul3A_941 {strides = array<i32>} : memref<2x128x64xf32, #tpu.memory_space<vmem>>, vector<16xf32>,
        %get3A_946 = arith.index_cast %rem3A_217 : i32 to index
        %get3A_947 = arith.index_cast %add3A_913 : i32 to index
        %get3A_948 = arith.constant 48 : index
        %get3A_949 = tpu.vector_load %arg14[%get3A_946, %get3A_947, %get3A_948] {strides = array<i32>} : memref<2x128x64xf32, #tpu.memory_space<vmem>>, vector<16xf32>,
        %mul3A_950 = vector.broadcast %squeeze3A_915 : f32 to vector<16xf32>
        %mul3A_951 = arith.mulf %get3A_949, %mul3A_950 : vector<16xf32>
        %swap3A_952 = arith.index_cast %rem3A_217 : i32 to index
        %swap3A_953 = arith.index_cast %add3A_913 : i32 to index
        %swap3A_954 = arith.constant 48 : index
        %swap3A_955 = tpu.vector_load %arg14[%swap3A_952, %swap3A_953, %swap3A_954] {strides = array<i32>} : memref<2x128x64xf32, #tpu.memory_space<vmem>>, vector<16xf32>,
        tpu.vector_store %arg14[%swap3A_952, %swap3A_953, %swap3A_954], %mul3A_951 {strides = array<i32>} : memref<2x128x64xf32, #tpu.memory_space<vmem>>, vector<16xf32>,
        %mul3A_956 = arith.constant 16 : i32
        %mul3A_957 = arith.muli %scan3A_308, %mul3A_956 : i32
        %add3A_958 = arith.constant 14 : i32
        %add3A_959 = arith.addi %mul3A_957, %add3A_958 : i32
        %slice3A_960 = vector.extract_strided_slice %get3A_313 {offsets = [14], sizes = [1], strides = [1]} : vector<16xf32> to vector<1xf32>
        %squeeze3A_961 = vector.extract %slice3A_960[0] : f32 from vector<1xf32>
        %get3A_962 = arith.index_cast %rem3A_217 : i32 to index
        %get3A_963 = arith.index_cast %add3A_959 : i32 to index
        %get3A_964 = arith.constant 0 : index
        %get3A_965 = tpu.vector_load %arg14[%get3A_962, %get3A_963, %get3A_964] {strides = array<i32>} : memref<2x128x64xf32, #tpu.memory_space<vmem>>, vector<16xf32>,
        %mul3A_966 = vector.broadcast %squeeze3A_961 : f32 to vector<16xf32>
        %mul3A_967 = arith.mulf %get3A_965, %mul3A_966 : vector<16xf32>
        %swap3A_968 = arith.index_cast %rem3A_217 : i32 to index
        %swap3A_969 = arith.index_cast %add3A_959 : i32 to index
        %swap3A_970 = arith.constant 0 : index
        %swap3A_971 = tpu.vector_load %arg14[%swap3A_968, %swap3A_969, %swap3A_970] {strides = array<i32>} : memref<2x128x64xf32, #tpu.memory_space<vmem>>, vector<16xf32>,
        tpu.vector_store %arg14[%swap3A_968, %swap3A_969, %swap3A_970], %mul3A_967 {strides = array<i32>} : memref<2x128x64xf32, #tpu.memory_space<vmem>>, vector<16xf32>,
        %get3A_972 = arith.index_cast %rem3A_217 : i32 to index
        %get3A_973 = arith.index_cast %add3A_959 : i32 to index
        %get3A_974 = arith.constant 16 : index
        %get3A_975 = tpu.vector_load %arg14[%get3A_972, %get3A_973, %get3A_974] {strides = array<i32>} : memref<2x128x64xf32, #tpu.memory_space<vmem>>, vector<16xf32>,
        %mul3A_976 = vector.broadcast %squeeze3A_961 : f32 to vector<16xf32>
        %mul3A_977 = arith.mulf %get3A_975, %mul3A_976 : vector<16xf32>
        %swap3A_978 = arith.index_cast %rem3A_217 : i32 to index
        %swap3A_979 = arith.index_cast %add3A_959 : i32 to index
        %swap3A_980 = arith.constant 16 : index
        %swap3A_981 = tpu.vector_load %arg14[%swap3A_978, %swap3A_979, %swap3A_980] {strides = array<i32>} : memref<2x128x64xf32, #tpu.memory_space<vmem>>, vector<16xf32>,
        tpu.vector_store %arg14[%swap3A_978, %swap3A_979, %swap3A_980], %mul3A_977 {strides = array<i32>} : memref<2x128x64xf32, #tpu.memory_space<vmem>>, vector<16xf32>,
        %get3A_982 = arith.index_cast %rem3A_217 : i32 to index
        %get3A_983 = arith.index_cast %add3A_959 : i32 to index
        %get3A_984 = arith.constant 32 : index
        %get3A_985 = tpu.vector_load %arg14[%get3A_982, %get3A_983, %get3A_984] {strides = array<i32>} : memref<2x128x64xf32, #tpu.memory_space<vmem>>, vector<16xf32>,
        %mul3A_986 = vector.broadcast %squeeze3A_961 : f32 to vector<16xf32>
        %mul3A_987 = arith.mulf %get3A_985, %mul3A_986 : vector<16xf32>
        %swap3A_988 = arith.index_cast %rem3A_217 : i32 to index
        %swap3A_989 = arith.index_cast %add3A_959 : i32 to index
        %swap3A_990 = arith.constant 32 : index
        %swap3A_991 = tpu.vector_load %arg14[%swap3A_988, %swap3A_989, %swap3A_990] {strides = array<i32>} : memref<2x128x64xf32, #tpu.memory_space<vmem>>, vector<16xf32>,
        tpu.vector_store %arg14[%swap3A_988, %swap3A_989, %swap3A_990], %mul3A_987 {strides = array<i32>} : memref<2x128x64xf32, #tpu.memory_space<vmem>>, vector<16xf32>,
        %get3A_992 = arith.index_cast %rem3A_217 : i32 to index
        %get3A_993 = arith.index_cast %add3A_959 : i32 to index
        %get3A_994 = arith.constant 48 : index
        %get3A_995 = tpu.vector_load %arg14[%get3A_992, %get3A_993, %get3A_994] {strides = array<i32>} : memref<2x128x64xf32, #tpu.memory_space<vmem>>, vector<16xf32>,
        %mul3A_996 = vector.broadcast %squeeze3A_961 : f32 to vector<16xf32>
        %mul3A_997 = arith.mulf %get3A_995, %mul3A_996 : vector<16xf32>
        %swap3A_998 = arith.index_cast %rem3A_217 : i32 to index
        %swap3A_999 = arith.index_cast %add3A_959 : i32 to index
        %swap3A_1000 = arith.constant 48 : index
        %swap3A_1001 = tpu.vector_load %arg14[%swap3A_998, %swap3A_999, %swap3A_1000] {strides = array<i32>} : memref<2x128x64xf32, #tpu.memory_space<vmem>>, vector<16xf32>,
        tpu.vector_store %arg14[%swap3A_998, %swap3A_999, %swap3A_1000], %mul3A_997 {strides = array<i32>} : memref<2x128x64xf32, #tpu.memory_space<vmem>>, vector<16xf32>,
        %mul3A_1002 = arith.constant 16 : i32
        %mul3A_1003 = arith.muli %scan3A_308, %mul3A_1002 : i32
        %add3A_1004 = arith.constant 15 : i32
        %add3A_1005 = arith.addi %mul3A_1003, %add3A_1004 : i32
        %slice3A_1006 = vector.extract_strided_slice %get3A_313 {offsets = [15], sizes = [1], strides = [1]} : vector<16xf32> to vector<1xf32>
        %squeeze3A_1007 = vector.extract %slice3A_1006[0] : f32 from vector<1xf32>
        %get3A_1008 = arith.index_cast %rem3A_217 : i32 to index
        %get3A_1009 = arith.index_cast %add3A_1005 : i32 to index
        %get3A_1010 = arith.constant 0 : index
        %get3A_1011 = tpu.vector_load %arg14[%get3A_1008, %get3A_1009, %get3A_1010] {strides = array<i32>} : memref<2x128x64xf32, #tpu.memory_space<vmem>>, vector<16xf32>,
        %mul3A_1012 = vector.broadcast %squeeze3A_1007 : f32 to vector<16xf32>
        %mul3A_1013 = arith.mulf %get3A_1011, %mul3A_1012 : vector<16xf32>
        %swap3A_1014 = arith.index_cast %rem3A_217 : i32 to index
        %swap3A_1015 = arith.index_cast %add3A_1005 : i32 to index
        %swap3A_1016 = arith.constant 0 : index
        %swap3A_1017 = tpu.vector_load %arg14[%swap3A_1014, %swap3A_1015, %swap3A_1016] {strides = array<i32>} : memref<2x128x64xf32, #tpu.memory_space<vmem>>, vector<16xf32>,
        tpu.vector_store %arg14[%swap3A_1014, %swap3A_1015, %swap3A_1016], %mul3A_1013 {strides = array<i32>} : memref<2x128x64xf32, #tpu.memory_space<vmem>>, vector<16xf32>,
        %get3A_1018 = arith.index_cast %rem3A_217 : i32 to index
        %get3A_1019 = arith.index_cast %add3A_1005 : i32 to index
        %get3A_1020 = arith.constant 16 : index
        %get3A_1021 = tpu.vector_load %arg14[%get3A_1018, %get3A_1019, %get3A_1020] {strides = array<i32>} : memref<2x128x64xf32, #tpu.memory_space<vmem>>, vector<16xf32>,
        %mul3A_1022 = vector.broadcast %squeeze3A_1007 : f32 to vector<16xf32>
        %mul3A_1023 = arith.mulf %get3A_1021, %mul3A_1022 : vector<16xf32>
        %swap3A_1024 = arith.index_cast %rem3A_217 : i32 to index
        %swap3A_1025 = arith.index_cast %add3A_1005 : i32 to index
        %swap3A_1026 = arith.constant 16 : index
        %swap3A_1027 = tpu.vector_load %arg14[%swap3A_1024, %swap3A_1025, %swap3A_1026] {strides = array<i32>} : memref<2x128x64xf32, #tpu.memory_space<vmem>>, vector<16xf32>,
        tpu.vector_store %arg14[%swap3A_1024, %swap3A_1025, %swap3A_1026], %mul3A_1023 {strides = array<i32>} : memref<2x128x64xf32, #tpu.memory_space<vmem>>, vector<16xf32>,
        %get3A_1028 = arith.index_cast %rem3A_217 : i32 to index
        %get3A_1029 = arith.index_cast %add3A_1005 : i32 to index
        %get3A_1030 = arith.constant 32 : index
        %get3A_1031 = tpu.vector_load %arg14[%get3A_1028, %get3A_1029, %get3A_1030] {strides = array<i32>} : memref<2x128x64xf32, #tpu.memory_space<vmem>>, vector<16xf32>,
        %mul3A_1032 = vector.broadcast %squeeze3A_1007 : f32 to vector<16xf32>
        %mul3A_1033 = arith.mulf %get3A_1031, %mul3A_1032 : vector<16xf32>
        %swap3A_1034 = arith.index_cast %rem3A_217 : i32 to index
        %swap3A_1035 = arith.index_cast %add3A_1005 : i32 to index
        %swap3A_1036 = arith.constant 32 : index
        %swap3A_1037 = tpu.vector_load %arg14[%swap3A_1034, %swap3A_1035, %swap3A_1036] {strides = array<i32>} : memref<2x128x64xf32, #tpu.memory_space<vmem>>, vector<16xf32>,
        tpu.vector_store %arg14[%swap3A_1034, %swap3A_1035, %swap3A_1036], %mul3A_1033 {strides = array<i32>} : memref<2x128x64xf32, #tpu.memory_space<vmem>>, vector<16xf32>,
        %get3A_1038 = arith.index_cast %rem3A_217 : i32 to index
        %get3A_1039 = arith.index_cast %add3A_1005 : i32 to index
        %get3A_1040 = arith.constant 48 : index
        %get3A_1041 = tpu.vector_load %arg14[%get3A_1038, %get3A_1039, %get3A_1040] {strides = array<i32>} : memref<2x128x64xf32, #tpu.memory_space<vmem>>, vector<16xf32>,
        %mul3A_1042 = vector.broadcast %squeeze3A_1007 : f32 to vector<16xf32>
        %mul3A_1043 = arith.mulf %get3A_1041, %mul3A_1042 : vector<16xf32>
        %swap3A_1044 = arith.index_cast %rem3A_217 : i32 to index
        %swap3A_1045 = arith.index_cast %add3A_1005 : i32 to index
        %swap3A_1046 = arith.constant 48 : index
        %swap3A_1047 = tpu.vector_load %arg14[%swap3A_1044, %swap3A_1045, %swap3A_1046] {strides = array<i32>} : memref<2x128x64xf32, #tpu.memory_space<vmem>>, vector<16xf32>,
        tpu.vector_store %arg14[%swap3A_1044, %swap3A_1045, %swap3A_1046], %mul3A_1043 {strides = array<i32>} : memref<2x128x64xf32, #tpu.memory_space<vmem>>, vector<16xf32>,
        %scan3A_1048 = arith.constant 0 : i32
        scf.yield %scan3A_1048 : i32
      }
      %scan3A_250 = arith.constant 8 : i32
      %mul3A_251 = arith.constant 2 : i32
      %mul3A_252 = arith.muli %scan3A_215, %mul3A_251 : i32
      %add3A_253 = arith.constant 0 : i32
      %add3A_254 = arith.addi %mul3A_252, %add3A_253 : i32
      %dma_start3A_255 = arith.constant 0 : i32
      %dma_start3A_256 = arith.constant 0 : i32
      %dma_start3A_257 = tpu.memref_slice %arg14[%rem3A_217, %dma_start3A_255, %dma_start3A_256] : memref<2x128x64xf32, #tpu.memory_space<vmem>> -> memref<1x64x64xf32, #tpu.memory_space<vmem>>
      %dma_start3A_258 = tpu.memref_squeeze %dma_start3A_257 : memref<1x64x64xf32, #tpu.memory_space<vmem>> -> memref<64x64xf32, #tpu.memory_space<vmem>>
      %dma_start3A_259 = arith.constant 0 : i32
      %dma_start3A_260 = tpu.memref_slice %arg10[%add3A_254, %dma_start3A_259] : memref<158x64xi32, #tpu.memory_space<vmem>> -> memref<1x64xi32, #tpu.memory_space<vmem>>
      %dma_start3A_261 = tpu.memref_squeeze %dma_start3A_260 : memref<1x64xi32, #tpu.memory_space<vmem>> -> memref<64xi32, #tpu.memory_space<vmem>>
      %dma_start3A_262 = arith.constant 0 : i32
      %dma_start3A_263 = arith.constant 0 : i32
      %dma_start3A_264 = tpu.memref_slice %arg19[%dma_start3A_262, %dma_start3A_263] : memref<10112x64xf32, #tpu.memory_space<vmem_shared>> -> memref<10112x64xf32, #tpu.memory_space<vmem_shared>>
      tpu.enqueue_indirect_dma source(%dma_start3A_258 : memref<64x64xf32, #tpu.memory_space<vmem>>) target(%dma_start3A_264 : memref<10112x64xf32, #tpu.memory_space<vmem_shared>>) offsets(%dma_start3A_261 : memref<64xi32, #tpu.memory_space<vmem>>) semaphore(%arg17 : memref<!tpu.dma_semaphore, #tpu.memory_space<semaphore_mem>>) {add = true}
      %mul3A_265 = arith.constant 2 : i32
      %mul3A_266 = arith.muli %scan3A_215, %mul3A_265 : i32
      %add3A_267 = arith.constant 1 : i32
      %add3A_268 = arith.addi %mul3A_266, %add3A_267 : i32
      %dma_start3A_269 = arith.constant 64 : i32
      %dma_start3A_270 = arith.constant 0 : i32
      %dma_start3A_271 = tpu.memref_slice %arg14[%rem3A_217, %dma_start3A_269, %dma_start3A_270] : memref<2x128x64xf32, #tpu.memory_space<vmem>> -> memref<1x64x64xf32, #tpu.memory_space<vmem>>
      %dma_start3A_272 = tpu.memref_squeeze %dma_start3A_271 : memref<1x64x64xf32, #tpu.memory_space<vmem>> -> memref<64x64xf32, #tpu.memory_space<vmem>>
      %dma_start3A_273 = arith.constant 0 : i32
      %dma_start3A_274 = tpu.memref_slice %arg10[%add3A_268, %dma_start3A_273] : memref<158x64xi32, #tpu.memory_space<vmem>> -> memref<1x64xi32, #tpu.memory_space<vmem>>
      %dma_start3A_275 = tpu.memref_squeeze %dma_start3A_274 : memref<1x64xi32, #tpu.memory_space<vmem>> -> memref<64xi32, #tpu.memory_space<vmem>>
      %dma_start3A_276 = arith.constant 0 : i32
      %dma_start3A_277 = arith.constant 0 : i32
      %dma_start3A_278 = tpu.memref_slice %arg19[%dma_start3A_276, %dma_start3A_277] : memref<10112x64xf32, #tpu.memory_space<vmem_shared>> -> memref<10112x64xf32, #tpu.memory_space<vmem_shared>>
      tpu.enqueue_indirect_dma source(%dma_start3A_272 : memref<64x64xf32, #tpu.memory_space<vmem>>) target(%dma_start3A_278 : memref<10112x64xf32, #tpu.memory_space<vmem_shared>>) offsets(%dma_start3A_275 : memref<64xi32, #tpu.memory_space<vmem>>) semaphore(%arg17 : memref<!tpu.dma_semaphore, #tpu.memory_space<semaphore_mem>>) {add = true}
      %mul3A_279 = arith.constant 2 : i32
      %mul3A_280 = arith.muli %scan3A_215, %mul3A_279 : i32
      %add3A_281 = arith.constant 0 : i32
      %add3A_282 = arith.addi %mul3A_280, %add3A_281 : i32
      %dma_wait3A_283 = arith.constant 0 : i32
      %dma_wait3A_284 = arith.constant 0 : i32
      %dma_wait3A_285 = tpu.memref_slice %arg14[%rem3A_217, %dma_wait3A_283, %dma_wait3A_284] : memref<2x128x64xf32, #tpu.memory_space<vmem>> -> memref<1x64x64xf32, #tpu.memory_space<vmem>>
      %dma_wait3A_286 = tpu.memref_squeeze %dma_wait3A_285 : memref<1x64x64xf32, #tpu.memory_space<vmem>> -> memref<64x64xf32, #tpu.memory_space<vmem>>
      %dma_wait3A_287 = arith.constant 0 : i32
      %dma_wait3A_288 = tpu.memref_slice %arg10[%add3A_282, %dma_wait3A_287] : memref<158x64xi32, #tpu.memory_space<vmem>> -> memref<1x64xi32, #tpu.memory_space<vmem>>
      %dma_wait3A_289 = tpu.memref_squeeze %dma_wait3A_288 : memref<1x64xi32, #tpu.memory_space<vmem>> -> memref<64xi32, #tpu.memory_space<vmem>>
      %dma_wait3A_290 = arith.constant 0 : i32
      %dma_wait3A_291 = arith.constant 0 : i32
      %dma_wait3A_292 = tpu.memref_slice %arg19[%dma_wait3A_290, %dma_wait3A_291] : memref<10112x64xf32, #tpu.memory_space<vmem_shared>> -> memref<10112x64xf32, #tpu.memory_space<vmem_shared>>
      tpu.wait_indirect_dma semaphore(%arg17 : memref<!tpu.dma_semaphore, #tpu.memory_space<semaphore_mem>>) src(%dma_wait3A_286 : memref<64x64xf32, #tpu.memory_space<vmem>>) dst(%dma_wait3A_292 : memref<10112x64xf32, #tpu.memory_space<vmem_shared>>)
      %mul3A_293 = arith.constant 2 : i32
      %mul3A_294 = arith.muli %scan3A_215, %mul3A_293 : i32
      %add3A_295 = arith.constant 1 : i32
      %add3A_296 = arith.addi %mul3A_294, %add3A_295 : i32
      %dma_wait3A_297 = arith.constant 64 : i32
      %dma_wait3A_298 = arith.constant 0 : i32
      %dma_wait3A_299 = tpu.memref_slice %arg14[%rem3A_217, %dma_wait3A_297, %dma_wait3A_298] : memref<2x128x64xf32, #tpu.memory_space<vmem>> -> memref<1x64x64xf32, #tpu.memory_space<vmem>>
      %dma_wait3A_300 = tpu.memref_squeeze %dma_wait3A_299 : memref<1x64x64xf32, #tpu.memory_space<vmem>> -> memref<64x64xf32, #tpu.memory_space<vmem>>
      %dma_wait3A_301 = arith.constant 0 : i32
      %dma_wait3A_302 = tpu.memref_slice %arg10[%add3A_296, %dma_wait3A_301] : memref<158x64xi32, #tpu.memory_space<vmem>> -> memref<1x64xi32, #tpu.memory_space<vmem>>
      %dma_wait3A_303 = tpu.memref_squeeze %dma_wait3A_302 : memref<1x64xi32, #tpu.memory_space<vmem>> -> memref<64xi32, #tpu.memory_space<vmem>>
      %dma_wait3A_304 = arith.constant 0 : i32
      %dma_wait3A_305 = arith.constant 0 : i32
      %dma_wait3A_306 = tpu.memref_slice %arg19[%dma_wait3A_304, %dma_wait3A_305] : memref<10112x64xf32, #tpu.memory_space<vmem_shared>> -> memref<10112x64xf32, #tpu.memory_space<vmem_shared>>
      tpu.wait_indirect_dma semaphore(%arg17 : memref<!tpu.dma_semaphore, #tpu.memory_space<semaphore_mem>>) src(%dma_wait3A_300 : memref<64x64xf32, #tpu.memory_space<vmem>>) dst(%dma_wait3A_306 : memref<10112x64xf32, #tpu.memory_space<vmem_shared>>)
      %scan3A_307 = arith.constant 0 : i32
      scf.yield %scan3A_307 : i32
    }
    %scan3A_206 = arith.constant 79 : i32
    %barrier3A_207 = arith.constant 0 : index
    tpu.barrier barrier_id(%barrier3A_207)
    "tpu.trace_stop"() : () -> ()
    %mul3A_208 = arith.constant 632 : i32
    %mul3A_209 = arith.muli %arg1, %mul3A_208 : i32
    %mul3A_210 = arith.constant 10112 : i32
    %mul3A_211 = arith.muli %arg0, %mul3A_210 : i32
    %mul3A_212 = arith.constant 632 : i32
    %mul3A_213 = arith.muli %arg1, %mul3A_212 : i32
    %add3A_214 = arith.addi %mul3A_211, %mul3A_213 : i32
    "tpu.region"() ({
      %run_scoped3A_215 = tpu.sem_alloc : memref<!tpu.dma_semaphore, #tpu.memory_space<semaphore_mem>>
      %dma_start3A_216 = arith.constant 0 : i32
      %dma_start3A_217 = tpu.memref_slice %arg6[%add3A_214, %dma_start3A_216] : memref<20224x64xf32, #tpu.memory_space<hbm>> -> memref<632x64xf32, #tpu.memory_space<hbm>>
      %dma_start3A_218 = arith.constant 0 : i32
      %dma_start3A_219 = tpu.memref_slice %arg19[%mul3A_209, %dma_start3A_218] : memref<10112x64xf32, #tpu.memory_space<vmem_shared>> -> memref<632x64xf32, #tpu.memory_space<vmem_shared>>
      tpu.enqueue_dma source(%dma_start3A_219 : memref<632x64xf32, #tpu.memory_space<vmem_shared>>) target(%dma_start3A_217 : memref<632x64xf32, #tpu.memory_space<hbm>>) target_semaphore(%run_scoped3A_215 : memref<!tpu.dma_semaphore, #tpu.memory_space<semaphore_mem>>)
      %dma_wait3A = arith.constant 0 : i32
      %dma_wait3A_220 = tpu.memref_slice %arg6[%add3A_214, %dma_wait3A] : memref<20224x64xf32, #tpu.memory_space<hbm>> -> memref<632x64xf32, #tpu.memory_space<hbm>>
      %dma_wait3A_221 = arith.constant 0 : i32
      %dma_wait3A_222 = tpu.memref_slice %arg19[%mul3A_209, %dma_wait3A_221] : memref<10112x64xf32, #tpu.memory_space<vmem_shared>> -> memref<632x64xf32, #tpu.memory_space<vmem_shared>>
      tpu.wait_dma2 semaphore(%run_scoped3A_215 : memref<!tpu.dma_semaphore, #tpu.memory_space<semaphore_mem>>) src(%dma_wait3A_222 : memref<632x64xf32, #tpu.memory_space<vmem_shared>>) dst(%dma_wait3A_220 : memref<632x64xf32, #tpu.memory_space<hbm>>)
      tpu.yield
    }) : () -> ()
    return
  }
}

module attributes {stable_mosaic.version = 14 : i64} {
  func.func @_w_body(%arg0: memref<16x30xf32, #tpu.memory_space<vmem>>, %arg1: memref<30x8192xf32, #tpu.memory_space<vmem>>, %arg2: memref<16x8192xf32, #tpu.memory_space<vmem>>) attributes {dimension_semantics = [], scalar_prefetch = 0 : i64, scratch_operands = 0 : i64, tpu.core_type = #tpu.core_type<tc>} {
    %get3A = arith.constant 0 : index
    %get3A_0 = arith.constant 0 : index
    %get3A_1 = vector.load %arg0[%get3A, %get3A_0] : memref<16x30xf32, #tpu.memory_space<vmem>>, vector<16x30xf32>
    %get3A_2 = arith.constant 0 : index
    %get3A_3 = arith.constant 0 : index
    %get3A_4 = vector.load %arg1[%get3A_2, %get3A_3] : memref<30x8192xf32, #tpu.memory_space<vmem>>, vector<30x8192xf32>
    %dot_general3A = arith.constant dense<0.000000e+00> : vector<16x8192xf32>
    %dot_general3A_5 = tpu.matmul %get3A_1, %get3A_4, %dot_general3A {dimension_numbers = #tpu.dot_dimension_numbers<[1], [0], [0], [1], [0, 0, 1, 1], [], []>, transpose_lhs_hint = false} : vector<16x30xf32>, vector<30x8192xf32>, vector<16x8192xf32> -> vector<16x8192xf32>
    %swap3A = arith.constant 0 : index
    %swap3A_6 = arith.constant 0 : index
    %swap3A_7 = vector.load %arg2[%swap3A, %swap3A_6] : memref<16x8192xf32, #tpu.memory_space<vmem>>, vector<16x8192xf32>
    tpu.vector_store %arg2[%swap3A, %swap3A_6], %dot_general3A_5 {strides = array<i32>} : memref<16x8192xf32, #tpu.memory_space<vmem>>, vector<16x8192xf32>,
    return
  }
}

module attributes {stable_mosaic.version = 14 : i64} {
  func.func @_xw_body(%arg0: i32, %arg1: memref<10000x128xf32, #tpu.memory_space<vmem>>, %arg2: memref<1x128x64xf32, #tpu.memory_space<vmem>>, %arg3: memref<1x10000x64xf32, #tpu.memory_space<vmem>>) attributes {dimension_semantics = [#tpu.dimension_semantics<arbitrary>], iteration_bounds = array<i64: 16>, scalar_prefetch = 0 : i64, scratch_operands = 0 : i64, tpu.core_type = #tpu.core_type<tc>, window_params = [{pipeline_mode = #tpu.pipeline_mode<synchronous>, transform_indices = @transform_0, window_bounds = array<i64: 10000, 128>}, {transform_indices = @transform_1, window_bounds = array<i64: 1, 128, 64>}, {transform_indices = @transform_2, window_bounds = array<i64: 1, 10000, 64>}]} {
    %get3A = arith.constant 0 : index
    %get3A_0 = arith.constant 0 : index
    %get3A_1 = vector.load %arg1[%get3A, %get3A_0] : memref<10000x128xf32, #tpu.memory_space<vmem>>, vector<10000x128xf32>
    %get3A_2 = arith.constant 0 : index
    %get3A_3 = arith.constant 0 : index
    %get3A_4 = arith.constant 0 : index
    %get3A_5 = vector.load %arg2[%get3A_2, %get3A_3, %get3A_4] : memref<1x128x64xf32, #tpu.memory_space<vmem>>, vector<1x128x64xf32>
    %get3A_6 = vector.shape_cast %get3A_5 : vector<1x128x64xf32> to vector<128x64xf32>
    %dot_general3A = arith.constant dense<0.000000e+00> : vector<10000x64xf32>
    %dot_general3A_7 = tpu.matmul %get3A_1, %get3A_6, %dot_general3A {dimension_numbers = #tpu.dot_dimension_numbers<[1], [0], [0], [1], [0, 0, 1, 1], [], []>, transpose_lhs_hint = false} : vector<10000x128xf32>, vector<128x64xf32>, vector<10000x64xf32> -> vector<10000x64xf32>
    %broadcast_in_dim3A = vector.shape_cast %dot_general3A_7 : vector<10000x64xf32> to vector<1x10000x64xf32>
    %swap3A = arith.constant 0 : index
    %swap3A_8 = arith.constant 0 : index
    %swap3A_9 = arith.constant 0 : index
    %swap3A_10 = vector.load %arg3[%swap3A, %swap3A_8, %swap3A_9] : memref<1x10000x64xf32, #tpu.memory_space<vmem>>, vector<1x10000x64xf32>
    tpu.vector_store %arg3[%swap3A, %swap3A_8, %swap3A_9], %broadcast_in_dim3A {strides = array<i32>} : memref<1x10000x64xf32, #tpu.memory_space<vmem>>, vector<1x10000x64xf32>,
    return
  }
  func.func @transform_0(%arg0: i32) -> (i32, i32) {
    %c0_i32 = arith.constant 0 : i32
    %c0_i32_0 = arith.constant 0 : i32
    %c0_i32_1 = arith.constant 0 : i32
    return %c0_i32, %c0_i32_0 : i32, i32
  }
  func.func @transform_1(%arg0: i32) -> (i32, i32, i32) {
    %c0_i32 = arith.constant 0 : i32
    %c0_i32_0 = arith.constant 0 : i32
    %c0_i32_1 = arith.constant 0 : i32
    return %arg0, %c0_i32, %c0_i32_0 : i32, i32, i32
  }
  func.func @transform_2(%arg0: i32) -> (i32, i32, i32) {
    %c0_i32 = arith.constant 0 : i32
    %c0_i32_0 = arith.constant 0 : i32
    %c0_i32_1 = arith.constant 0 : i32
    return %arg0, %c0_i32, %c0_i32_0 : i32, i32, i32
  }
}

module attributes {stable_mosaic.version = 14 : i64} {
  func.func @_out1_body(%arg0: memref<10000x128xf32, #tpu.memory_space<vmem>>, %arg1: memref<10000x64xf32, #tpu.memory_space<vmem>>, %arg2: memref<10000x64xf32, #tpu.memory_space<vmem>>, %arg3: memref<128x64xf32, #tpu.memory_space<vmem>>, %arg4: memref<1x64xf32, #tpu.memory_space<vmem>>, %arg5: memref<10000x64xf32, #tpu.memory_space<vmem>>) attributes {dimension_semantics = [], scalar_prefetch = 0 : i64, scratch_operands = 0 : i64, tpu.core_type = #tpu.core_type<tc>} {
    %get3A = arith.constant 0 : index
    %get3A_0 = arith.constant 0 : index
    %get3A_1 = vector.load %arg1[%get3A, %get3A_0] : memref<10000x64xf32, #tpu.memory_space<vmem>>, vector<10000x64xf32>
    %get3A_2 = arith.constant 0 : index
    %get3A_3 = arith.constant 0 : index
    %get3A_4 = vector.load %arg2[%get3A_2, %get3A_3] : memref<10000x64xf32, #tpu.memory_space<vmem>>, vector<10000x64xf32>
    %add3A = arith.addf %get3A_1, %get3A_4 : vector<10000x64xf32>
    %get3A_5 = arith.constant 0 : index
    %get3A_6 = arith.constant 0 : index
    %get3A_7 = vector.load %arg4[%get3A_5, %get3A_6] : memref<1x64xf32, #tpu.memory_space<vmem>>, vector<1x64xf32>
    %add3A_8 = vector.broadcast %get3A_7 : vector<1x64xf32> to vector<10000x64xf32>
    %add3A_9 = arith.addf %add3A, %add3A_8 : vector<10000x64xf32>
    %get3A_10 = arith.constant 0 : index
    %get3A_11 = arith.constant 0 : index
    %get3A_12 = vector.load %arg0[%get3A_10, %get3A_11] : memref<10000x128xf32, #tpu.memory_space<vmem>>, vector<10000x128xf32>
    %get3A_13 = arith.constant 0 : index
    %get3A_14 = arith.constant 0 : index
    %get3A_15 = vector.load %arg3[%get3A_13, %get3A_14] : memref<128x64xf32, #tpu.memory_space<vmem>>, vector<128x64xf32>
    %dot_general3A = arith.constant dense<0.000000e+00> : vector<10000x64xf32>
    %dot_general3A_16 = tpu.matmul %get3A_12, %get3A_15, %dot_general3A {dimension_numbers = #tpu.dot_dimension_numbers<[1], [0], [0], [1], [0, 0, 1, 1], [], []>, transpose_lhs_hint = false} : vector<10000x128xf32>, vector<128x64xf32>, vector<10000x64xf32> -> vector<10000x64xf32>
    %add3A_17 = arith.addf %add3A_9, %dot_general3A_16 : vector<10000x64xf32>
    %swap3A = arith.constant 0 : index
    %swap3A_18 = arith.constant 0 : index
    %swap3A_19 = vector.load %arg5[%swap3A, %swap3A_18] : memref<10000x64xf32, #tpu.memory_space<vmem>>, vector<10000x64xf32>
    tpu.vector_store %arg5[%swap3A, %swap3A_18], %add3A_17 {strides = array<i32>} : memref<10000x64xf32, #tpu.memory_space<vmem>>, vector<10000x64xf32>,
    return
  }
}

module attributes {stable_mosaic.version = 14 : i64} {
  func.func @_head_body(%arg0: memref<10000x128xf32, #tpu.memory_space<vmem>>, %arg1: memref<10000x64xf32, #tpu.memory_space<vmem>>, %arg2: memref<10000x64xf32, #tpu.memory_space<vmem>>, %arg3: memref<10000x64xf32, #tpu.memory_space<vmem>>, %arg4: memref<64x64xf32, #tpu.memory_space<vmem>>, %arg5: memref<64x64xf32, #tpu.memory_space<vmem>>, %arg6: memref<1x64xf32, #tpu.memory_space<vmem>>, %arg7: memref<128x64xf32, #tpu.memory_space<vmem>>, %arg8: memref<64x64xf32, #tpu.memory_space<vmem>>, %arg9: memref<1x64xf32, #tpu.memory_space<vmem>>, %arg10: memref<64x7xf32, #tpu.memory_space<vmem>>, %arg11: memref<1x7xf32, #tpu.memory_space<vmem>>, %arg12: memref<10000x7xf32, #tpu.memory_space<vmem>>) attributes {dimension_semantics = [], scalar_prefetch = 0 : i64, scratch_operands = 0 : i64, tpu.core_type = #tpu.core_type<tc>} {
    %get3A = arith.constant 0 : index
    %get3A_0 = arith.constant 0 : index
    %get3A_1 = vector.load %arg2[%get3A, %get3A_0] : memref<10000x64xf32, #tpu.memory_space<vmem>>, vector<10000x64xf32>
    %get3A_2 = arith.constant 0 : index
    %get3A_3 = arith.constant 0 : index
    %get3A_4 = vector.load %arg3[%get3A_2, %get3A_3] : memref<10000x64xf32, #tpu.memory_space<vmem>>, vector<10000x64xf32>
    %add3A = arith.addf %get3A_1, %get3A_4 : vector<10000x64xf32>
    %get3A_5 = arith.constant 0 : index
    %get3A_6 = arith.constant 0 : index
    %get3A_7 = vector.load %arg4[%get3A_5, %get3A_6] : memref<64x64xf32, #tpu.memory_space<vmem>>, vector<64x64xf32>
    %dot_general3A = arith.constant dense<0.000000e+00> : vector<10000x64xf32>
    %dot_general3A_8 = tpu.matmul %add3A, %get3A_7, %dot_general3A {dimension_numbers = #tpu.dot_dimension_numbers<[1], [0], [0], [1], [0, 0, 1, 1], [], []>, transpose_lhs_hint = false} : vector<10000x64xf32>, vector<64x64xf32>, vector<10000x64xf32> -> vector<10000x64xf32>
    %get3A_9 = arith.constant 0 : index
    %get3A_10 = arith.constant 0 : index
    %get3A_11 = vector.load %arg1[%get3A_9, %get3A_10] : memref<10000x64xf32, #tpu.memory_space<vmem>>, vector<10000x64xf32>
    %get3A_12 = arith.constant 0 : index
    %get3A_13 = arith.constant 0 : index
    %get3A_14 = vector.load %arg5[%get3A_12, %get3A_13] : memref<64x64xf32, #tpu.memory_space<vmem>>, vector<64x64xf32>
    %dot_general3A_15 = arith.constant dense<0.000000e+00> : vector<10000x64xf32>
    %dot_general3A_16 = tpu.matmul %get3A_11, %get3A_14, %dot_general3A_15 {dimension_numbers = #tpu.dot_dimension_numbers<[1], [0], [0], [1], [0, 0, 1, 1], [], []>, transpose_lhs_hint = false} : vector<10000x64xf32>, vector<64x64xf32>, vector<10000x64xf32> -> vector<10000x64xf32>
    %add3A_17 = arith.addf %dot_general3A_8, %dot_general3A_16 : vector<10000x64xf32>
    %get3A_18 = arith.constant 0 : index
    %get3A_19 = arith.constant 0 : index
    %get3A_20 = vector.load %arg6[%get3A_18, %get3A_19] : memref<1x64xf32, #tpu.memory_space<vmem>>, vector<1x64xf32>
    %add3A_21 = vector.broadcast %get3A_20 : vector<1x64xf32> to vector<10000x64xf32>
    %add3A_22 = arith.addf %add3A_17, %add3A_21 : vector<10000x64xf32>
    %get3A_23 = arith.constant 0 : index
    %get3A_24 = arith.constant 0 : index
    %get3A_25 = vector.load %arg0[%get3A_23, %get3A_24] : memref<10000x128xf32, #tpu.memory_space<vmem>>, vector<10000x128xf32>
    %get3A_26 = arith.constant 0 : index
    %get3A_27 = arith.constant 0 : index
    %get3A_28 = vector.load %arg7[%get3A_26, %get3A_27] : memref<128x64xf32, #tpu.memory_space<vmem>>, vector<128x64xf32>
    %dot_general3A_29 = arith.constant dense<0.000000e+00> : vector<10000x64xf32>
    %dot_general3A_30 = tpu.matmul %get3A_25, %get3A_28, %dot_general3A_29 {dimension_numbers = #tpu.dot_dimension_numbers<[1], [0], [0], [1], [0, 0, 1, 1], [], []>, transpose_lhs_hint = false} : vector<10000x128xf32>, vector<128x64xf32>, vector<10000x64xf32> -> vector<10000x64xf32>
    %get3A_31 = arith.constant 0 : index
    %get3A_32 = arith.constant 0 : index
    %get3A_33 = vector.load %arg8[%get3A_31, %get3A_32] : memref<64x64xf32, #tpu.memory_space<vmem>>, vector<64x64xf32>
    %dot_general3A_34 = arith.constant dense<0.000000e+00> : vector<10000x64xf32>
    %dot_general3A_35 = tpu.matmul %add3A_22, %get3A_33, %dot_general3A_34 {dimension_numbers = #tpu.dot_dimension_numbers<[1], [0], [0], [1], [0, 0, 1, 1], [], []>, transpose_lhs_hint = false} : vector<10000x64xf32>, vector<64x64xf32>, vector<10000x64xf32> -> vector<10000x64xf32>
    %add3A_36 = arith.addf %dot_general3A_30, %dot_general3A_35 : vector<10000x64xf32>
    %get3A_37 = arith.constant 0 : index
    %get3A_38 = arith.constant 0 : index
    %get3A_39 = vector.load %arg9[%get3A_37, %get3A_38] : memref<1x64xf32, #tpu.memory_space<vmem>>, vector<1x64xf32>
    %add3A_40 = vector.broadcast %get3A_39 : vector<1x64xf32> to vector<10000x64xf32>
    %add3A_41 = arith.addf %add3A_36, %add3A_40 : vector<10000x64xf32>
    %max3A = arith.constant 0.000000e+00 : f32
    %max3A_42 = vector.broadcast %max3A : f32 to vector<10000x64xf32>
    %max3A_43 = arith.maximumf %add3A_41, %max3A_42 : vector<10000x64xf32>
    %get3A_44 = arith.constant 0 : index
    %get3A_45 = arith.constant 0 : index
    %get3A_46 = vector.load %arg10[%get3A_44, %get3A_45] : memref<64x7xf32, #tpu.memory_space<vmem>>, vector<64x7xf32>
    %dot_general3A_47 = arith.constant dense<0.000000e+00> : vector<10000x7xf32>
    %dot_general3A_48 = tpu.matmul %max3A_43, %get3A_46, %dot_general3A_47 {dimension_numbers = #tpu.dot_dimension_numbers<[1], [0], [0], [1], [0, 0, 1, 1], [], []>, transpose_lhs_hint = false} : vector<10000x64xf32>, vector<64x7xf32>, vector<10000x7xf32> -> vector<10000x7xf32>
    %get3A_49 = arith.constant 0 : index
    %get3A_50 = arith.constant 0 : index
    %get3A_51 = vector.load %arg11[%get3A_49, %get3A_50] : memref<1x7xf32, #tpu.memory_space<vmem>>, vector<1x7xf32>
    %add3A_52 = vector.broadcast %get3A_51 : vector<1x7xf32> to vector<10000x7xf32>
    %add3A_53 = arith.addf %dot_general3A_48, %add3A_52 : vector<10000x7xf32>
    %reduce_max3A = arith.constant dense<0xFF800000> : vector<10000xf32>
    %reduce_max3A_54 = vector.multi_reduction <maximumf>, %add3A_53, %reduce_max3A [1] : vector<10000x7xf32> to vector<10000xf32>
    %broadcast_in_dim3A = vector.shape_cast %reduce_max3A_54 : vector<10000xf32> to vector<10000x1xf32>
    %sub3A = vector.broadcast %broadcast_in_dim3A : vector<10000x1xf32> to vector<10000x7xf32>
    %sub3A_55 = arith.subf %add3A_53, %sub3A : vector<10000x7xf32>
    %exp3A = math.exp %sub3A_55 : vector<10000x7xf32>
    %reduce_sum3A = arith.constant dense<0.000000e+00> : vector<10000xf32>
    %reduce_sum3A_56 = vector.multi_reduction <add>, %exp3A, %reduce_sum3A [1] : vector<10000x7xf32> to vector<10000xf32>
    %broadcast_in_dim3A_57 = vector.shape_cast %reduce_sum3A_56 : vector<10000xf32> to vector<10000x1xf32>
    %log3A = math.log %broadcast_in_dim3A_57 : vector<10000x1xf32>
    %sub3A_58 = vector.broadcast %log3A : vector<10000x1xf32> to vector<10000x7xf32>
    %sub3A_59 = arith.subf %sub3A_55, %sub3A_58 : vector<10000x7xf32>
    %swap3A = arith.constant 0 : index
    %swap3A_60 = arith.constant 0 : index
    %swap3A_61 = vector.load %arg12[%swap3A, %swap3A_60] : memref<10000x7xf32, #tpu.memory_space<vmem>>, vector<10000x7xf32>
    tpu.vector_store %arg12[%swap3A, %swap3A_60], %sub3A_59 {strides = array<i32>} : memref<10000x7xf32, #tpu.memory_space<vmem>>, vector<10000x7xf32>,
    return
  }
}

</mosaic_0001>

<sc_bundles>
// kernel: kernel.11.cloned.1.call-start
scs
__scs_entry_jumppad:
0x0: {  	(pc) =	sbr.rel $0x88, $3  }
0x1: {  	(tag) =	ssettag $0x0;
	lr =	simm.s32 $0x1  }
0x2: {  	[smem:$0x3F93] =	sst lr;
	_ =	strace $0xD0000000  }
0x3: {  	_ = 	snop  }
0x4: {  	_ = 	snop  }
0x5: {  	_ = 	snop  }
0x6: {  	_ = 	snop  }
0x7: {  	_ = 	snop  }
__scs_overlays_trampoline_lowered:
0x8: {  	[smem:$0x3FA2] =	sst s0  }
0x9: {  	[smem:$0x3FA3] =	sst s1  }
0xa: {  	[smem:$0x3FA4] =	sst s2  }
0xb: {  	[smem:$0x3FA5] =	sst s3  }
0xc: {  	[smem:$0x3FA6] =	sst s4  }
0xd: {  	[smem:$0x3FA7] =	sst s5  }
0xe: {  	[smem:$0x3FA8] =	sst s6  }
0xf: {  	[smem:$0x3FA9] =	sst s7  }
0x10: {  	[smem:$0x3FAA] =	sst s8  }
0x11: {  	[smem:$0x3FAB] =	sst s9;
	s0 =	simm.s32 @!p0 $0x0  }
0x12: {  	s1 =	sld [smem:$0x3F91];
	s0 =	simm.s32 @p0 $0x1  }
0x13: {  	[smem:$0x3FAC] =	sst s0;
	s0 =	simm.s32 @!p1 $0x0  }
0x14: {  	s2 =	sld [smem:$0x3F90];
	s0 =	simm.s32 @p1 $0x1  }
0x15: {  	[smem:$0x3FAD] =	sst s0;
	s0 =	simm.s32 @!p2 $0x0  }
0x16: {  	s3 =	sld [smem:$0x3FDB];
	s0 =	simm.s32 @p2 $0x1  }
0x17: {  	s4 =	simm.s32 $0x1BF5;
	[smem:$0x3FAF] =	sst s0  }
0x18: {  	s0 =	sld [smem:$0x3F92];
	_ =	swait.ge [sflag:s4], $0x0  }
0x19: {  	s7 =	sld [smem:$0x3F93]  }
0x1a: {  	s8 =	sadd.s32 $0xFFFFE003, lr  }
0x1b: {  	s9 =	sadd.s32 $0xFFFFFEF7, lr;
	s5 =	simm.s32 $0xFFFFFFFF;
	p2 =	slt.u32 s8, $0xFFFFF086  }
0x1c: {  	p1 =	slt.u32 s9, $0xF7A;
	s5 =	simm.s32 @!p2 $0x0  }
0x1d: {  	s5 =	simm.s32 @p1 $0x1;
	p0 =	seq.s32 s7, s2  }
0x1e: {  	s7 =	smul.u32 @!p0 $0xF7A, s2;
	p2 =	seq.s32 @!p0 s5, $0x0  }
0x1f: {  	s9 =	smul.u32 $0xF7A, s1;
	s8 =	simm.s32 @!p0 $0x1BF5;
	p2 =	por !p2, p0  }
0x20: {  	[sflag:s8] =	ssyncset.s32 @!p0 $0xFFFFF086;
	s6 =	sadd.s32 @!p0 s3, s7;
	s7 =	simm.s32 @!p0 $0x108  }
0x21: {  	s3 =	sadd.s32 s3, s9;
	s6 =	sadd.s32 @!p0 $0x88, s6;
	s7 =	simm.s32 @p2 $0x1082  }
0x22: {  	[simem:s7], [sflag:s8] =	dma.local @!p0 [hbm:s6], $0xF7A  }
0x23: {  	s9 =	sor.u32 $0xD0000000, s2;
	s6 =	simm.s32 $0x108;
	_ =	swait.ge @!p0 [sflag:s8], $0x0  }
0x24: {  	s3 =	sadd.s32 $0x88, s3;
	s6 =	simm.s32 @!p1 $0x1082;
	[sflag:s4] =	ssyncset.s32 $0xFFFFF086  }
0x25: {  	[simem:s6], [sflag:s4] =	dma.local [hbm:s3], $0xF7A  }
0x26: {  	[smem:$0x3F93] =	sst s1;
	(tag) =	ssettag s2;
	_ =	strace s9  }
0x27: {  	s1 =	sld [smem:$0x3FA3]  }
0x28: {  	s2 =	sld [smem:$0x3FA4]  }
0x29: {  	s4 =	sld [smem:$0x3FA6]  }
0x2a: {  	p0 =	seq.s32 s5, $0x0;
	s5 =	sld [smem:$0x3FA7]  }
0x2b: {  	s6 =	sld [smem:$0x3FA8]  }
0x2c: {  	s7 =	sld [smem:$0x3FA9]  }
0x2d: {  	s3 =	simm.s32 $0x108;
	s8 =	sld [smem:$0x3FAA]  }
0x2e: {  	s3 =	simm.s32 @!p0 $0x1082;
	s9 =	sld [smem:$0x3FAB]  }
0x2f: {  	lr =	sadd.s32 s0, s3;
	s0 =	sld [smem:$0x3FA2]  }
0x30: {  	s3 =	sld [smem:$0x3FA5]  }
0x31: {  	[smem:$0x3FAE] =	sst s10  }
0x32: {  	s10 =	sld [smem:$0x3FAC];
	_ =	sdelay $0x3  }
0x33: {  	p0 =	seq.s32 s10, $0x1;
	s10 =	sld [smem:$0x3FAE];
	_ =	sdelay $0x3  }
0x34: {  	[smem:$0x3FAE] =	sst s10  }
0x35: {  	s10 =	sld [smem:$0x3FAD];
	_ =	sdelay $0x3  }
0x36: {  	p1 =	seq.s32 s10, $0x1;
	s10 =	sld [smem:$0x3FAE];
	_ =	sdelay $0x3  }
0x37: {  	[smem:$0x3FAE] =	sst s10  }
0x38: {  	s10 =	sld [smem:$0x3FAF]  }
0x39: {  	_ = 	snop;
	(pc) =	sbr.ind lr, $3  }
0x3a: {  	_ = 	snop  }
0x3b: {  	_ = 	snop  }
0x3c: {  	p2 =	seq.s32 s10, $0x1;
	s10 =	sld [smem:$0x3FAE]  }
0x3d: {  	_ =	shalt  }
0x3e: {  	_ =	shalt  }
0x3f: {  	_ =	shalt  }
0x40: {  	_ =	shalt  }
0x41: {  	_ =	shalt  }
0x42: {  	_ =	shalt  }
0x43: {  	_ =	shalt  }
0x44: {  	_ =	shalt  }
0x45: {  	_ =	shalt  }
0x46: {  	_ =	shalt  }
0x47: {  	_ =	shalt  }
0x48: {  	_ =	shalt  }
0x49: {  	_ =	shalt  }
0x4a: {  	_ =	shalt  }
0x4b: {  	_ =	shalt  }
0x4c: {  	_ =	shalt  }
0x4d: {  	_ =	shalt  }
0x4e: {  	_ =	shalt  }
0x4f: {  	_ =	shalt  }
0x50: {  	_ =	shalt  }
0x51: {  	_ =	shalt  }
0x52: {  	_ =	shalt  }
0x53: {  	_ =	shalt  }
0x54: {  	_ =	shalt  }
0x55: {  	_ =	shalt  }
0x56: {  	_ =	shalt  }
0x57: {  	_ =	shalt  }
0x58: {  	_ =	shalt  }
0x59: {  	_ =	shalt  }
0x5a: {  	_ =	shalt  }
0x5b: {  	_ =	shalt  }
0x5c: {  	_ =	shalt  }
0x5d: {  	_ =	shalt  }
0x5e: {  	_ =	shalt  }
0x5f: {  	_ =	shalt  }
0x60: {  	_ =	shalt  }
0x61: {  	_ =	shalt  }
0x62: {  	_ =	shalt  }
0x63: {  	_ =	shalt  }
0x64: {  	_ =	shalt  }
0x65: {  	_ =	shalt  }
0x66: {  	_ =	shalt  }
0x67: {  	_ =	shalt  }
0x68: {  	_ =	shalt  }
0x69: {  	_ =	shalt  }
0x6a: {  	_ =	shalt  }
0x6b: {  	_ =	shalt  }
0x6c: {  	_ =	shalt  }
0x6d: {  	_ =	shalt  }
0x6e: {  	_ =	shalt  }
0x6f: {  	_ =	shalt  }
0x70: {  	_ =	shalt  }
0x71: {  	_ =	shalt  }
0x72: {  	_ =	shalt  }
0x73: {  	_ =	shalt  }
0x74: {  	_ =	shalt  }
0x75: {  	_ =	shalt  }
0x76: {  	_ =	shalt  }
0x77: {  	_ =	shalt  }
0x78: {  	_ =	shalt  }
0x79: {  	_ =	shalt  }
0x7a: {  	_ =	shalt  }
0x7b: {  	_ =	shalt  }
0x7c: {  	_ =	shalt  }
0x7d: {  	_ =	shalt  }
0x7e: {  	_ =	shalt  }
0x7f: {  	_ =	shalt  }
0x80: {  	_ =	shalt  }
0x81: {  	_ =	shalt  }
0x82: {  	_ =	shalt  }
0x83: {  	_ =	shalt  }
0x84: {  	_ =	shalt  }
0x85: {  	_ =	shalt  }
0x86: {  	_ =	shalt  }
0x87: {  	_ =	shalt  }
.Lfunc_end0:
.L_simem_size_0:
called_computation.1_lowered:
.L_overlay_start_0:
0x88: {  	s2 =	sld [smem:$0x3FD9]  }
0x89: {  	s3 =	sld [smem:$0x3FFE];
	_ =	sdelay $0x1  }
0x8a: {  	s1 =	srdreg.scid  }
0x8b: {  	s0 =	sand.u32 $0x1, s1  }
0x8c: {  	s16 =	sshll.u32 s0, $0xA;
	s2 =	sadd.s32 s3, s2  }
0x8d: {  	s2 =	sadd.s32 s2, s16  }
0x8e: {  	[smem:$0x3FBA] =	sst s2  }
0x8f: {  	_ = 	snop  }
0x90: {  	(tm) =	ssettm $0x1  }
0x91: {  	s17 =	sld [smem:$0x3FFB];
	_ =	sdelay $0x3  }
0x92: {  	_ =	strace s17  }
0x93: {  	s2 =	sld [smem:$0x3FFC];
	_ =	sdelay $0x3  }
0x94: {  	_ =	strace s2  }
0x95: {  	s2 =	sld [smem:$0x3FFD];
	_ =	sdelay $0x3  }
0x96: {  	_ =	strace s2  }
0x97: {  	_ =	strace $0x8FFFFFFF  }
0x98: {  	s18 =	sld [smem:$0x3FDB];
	_ =	sdelay $0x1  }
0x99: {  	s19 =	simm.s32 $_scs_section_size  }
0x9a: {  	s4 =	simm.s32 $_size__tile_overlayer_lowered;
	s5 =	simm.s32 $_tile_overlayer_lowered  }
0x9b: {  	s22 =	simm.s32 $0x1BFF;
	s21 =	sshll.u32 s5, $0x1;
	s2 =	sadd.s32 s19, s18  }
0x9c: {  	s6 =	simm.s32 $0x0;
	s20 =	sshll.u32 s4, $0x1;
	s4 =	sadd.s32 s21, s2  }
0x9d: {  	[timem:s6], [sflag:s22] =	dma.local [hbm:s4], s20  }
0x9e: {  	_ =	swait.ge [sflag:s22], s20  }
0x9f: {  	s3 =	ssub.s32 $0x0, s20;
	[sflag:s22] =	ssyncset.done $0x0  }
0xa0: {  	[sflag:s22] =	ssyncadd.s32 s3;
	_ =	sdelay $0x1  }
0xa1: {  	s23 =	simm.s32 $0x1B8B  }
0xa2: {  	_ =	swait.ge [sflag:s23], $0x1  }
0xa3: {  	[sflag:s23] =	ssyncset.done $0x0  }
0xa4: {  	s25 =	simm.s32 $0x1B8E;
	s24 =	sld [smem:$0x3FFE];
	[sflag:s23] =	ssyncadd.s32 $0xFFFFFFFF  }
0xa5: {  	s26 =	simm.s32 $execute0_lowered;
	[smem:$0x3FD2] =	sst s25  }
0xa6: {  	s4 =	sshll.u32 s26, $0x1;
	_ =	strace $0x8000004B;
	[dreg:$0x1] =	wrdreg $0xFFFFFFFF  }
0xa7: {  	s28 =	simm.s32 $_size_execute0_lowered;
	s2 =	sadd.s32 s2, s4;
	[dreg:$0x0] =	wrdreg $0x0  }
0xa8: {  	s4 =	sshll.u32 s28, $0x1;
	[dreg:$0x2] =	wrdreg s2  }
0xa9: {  	[dreg:$0x3] =	wrdreg s4  }
0xaa: {  	[dreg:$0x4] =	wrdreg $0xC0  }
0xab: {  	_ =	task [dreg:s6], $0x5FFFF  }
0xac: {  	[dreg:$0x1] =	wrdreg $0xFFFFFFFF  }
0xad: {  	[dreg:$0x0] =	wrdreg $0x60  }
0xae: {  	[dreg:$0x2] =	wrdreg s24  }
0xaf: {  	[dreg:$0x3] =	wrdreg $0x12D800  }
0xb0: {  	[dreg:$0x4] =	wrdreg $0x8F800  }
0xb1: {  	[dreg:$0x5] =	wrdreg $0x9  }
0xb2: {  	_ =	task.clear_ibuf [dreg:s6], $0x6FFFF;
	_ =	strace $0x9000004B  }
0xb3: {  	s29 =	simm.s32 $0x9;
	_ =	strace $0x8000004D  }
0xb4: {  	_ =	swait.ge [sflag:s29], $0x1  }
0xb5: {  	[sflag:s29] =	ssyncadd.s32 $0xFFFFFFFF  }
0xb6: {  	_ =	strace $0x9000004D  }
0xb7: {  	_ =	sfence  }
0xb8: {  	s30 =	sld [smem:$0x0];
	_ =	sdelay $0x2  }
0xb9: {  	s31 =	sshll.u32 s1, $0xD;
	s1 =	sshrl.u32 s1, $0x2  }
0xba: {  	s3 =	sand.u32 $0x4000, s31;
	s1 =	sadd.s32 s1, s30  }
0xbb: {  	s0 =	sor.u32 s3, s0;
	s1 =	sshll.u32 s1, $0x11  }
0xbc: {  	s0 =	sor.u32 s1, s0  }
0xbd: {  	s0 =	sadd.s32 $0x8F2B, s0  }
0xbe: {  	[sflag:s0] =	ssyncadd.remote.s32 $0x1  }
0xbf: {  	_ =	sfence.sel $0xFFFF  }
0xc0: {  	[dreg:$0x0] =	wrdreg $0xFFFFFFFF;
	(pc) =	sbr.abs _section_cstart, $3  }
0xc1: {  	[dreg:$0x1] =	wrdreg $0xFFFFFFFF  }
0xc2: {  	_ =	task.clear_ibuf [dreg:s6], $0x2FFFF;
	_ =	strace $0x9FFFFFFF  }
0xc3: {  	(tm) =	ssettm $0x7FFFFFFF  }
tec
execute0_lowered:
.L_overlay_start_1:
0x0: {  	(tag) =	ssettag $0x1  }
0x1: {  	s0 =	rddreg [dreg:$0x0];
	s1 =	srdreg.scid  }
0x2: {  	s2 =	rddreg [dreg:$0x1];
	s17 =	stileid.u32  }
0x3: {  	s3 =	rddreg [dreg:$0x2];
	s4 =	simm.s32 $0x0;
	s6 =	smul.u32 $0x2780, s17  }
0x4: {  	s19 =	simm.s32 $0x4F80;
	s20 =	simm.s32 $0x4;
	s7 =	smul.u32 $0x9E00, s17  }
0x5: {  	s22 =	simm.s32 $0x80;
	s23 =	simm.s32 $0x40;
	s24 =	smul.u32 $0x13C0, s17  }
0x6: {  	s28 =	simm.s32 $0x1;
	s1 =	sand.u32 $0x1, s1;
	s25 =	smul.u32 $0x27800, s17  }
0x7: {  	[smem:$0x7FF] =	sst s4;
	p0 =	seq.s32 s17, $0xF;
	s5 =	smul.u32 $0x27800, s1  }
0x8: {  	s8 =	smul.u32 $0x13C00, s1;
	_ =	strace $0x8000004C;
	s1 =	ssub.s32 $0x2, s1  }
0x9: {  	s9 =	sshrl.u32 s7, $0x3;
	s26 =	sshrl.u32 s1, $0x1;
	s7 =	sadd.s32 s7, s2  }
0xa: {  	s29 =	sshrl.u32 s25, $0x2;
	s25 =	simm.s32 $0x4F40;
	s5 =	sadd.s32 s6, s5  }
0xb: {  	s6 =	sadd.s32 s24, s8;
	s9 =	sadd.s32 s9, s0;
	s1 =	ssub.s32 s1, s26  }
0xc: {  	s8 =	sadd.s32 $0x94200, s2;
	s18 =	sshrl.u32 @!p0 s7, $0x3;
	s24 =	simm.s32 $0x4F00  }
0xd: {  	s26 =	simm.s32 $0x3;
	s5 =	sshrl.u32 s5, $0x3;
	s14 =	sadd.s32 s6, s0  }
0xe: {  	s30 =	sadd.s32 $0x16600, s9;
	s6 =	sadd.s32 s29, s3;
	s15 =	smax.u32 s1, $0x1  }
0xf: {  	s16 =	sshrl.u32 @p0 s8, $0x3;
	s5 =	sadd.s32 s5, s0;
	[dreg:$0x4] =	wrdreg s30  }
0x10: {  	s0 =	sadd.s32 $0x28E40, s0;
	s31 =	sadd.s32 $0x2000, s6;
	s9 =	sadd.s32 $0x4000, s6  }
0x11: {  	s10 =	sadd.s32 $0x6000, s6;
	s11 =	sadd.s32 $0x8000, s6;
	[dreg:$0x5] =	wrdreg s0  }
0x12: {  	s14 =	sadd.s32 $0x2A000, s14;
	[dreg:$0x6] =	wrdreg s31;
	s0 =	sshll.u32 @!p0 s17, $0x6  }
0x13: {  	v0 =	vimm.f32 $0.0e+00;
	s12 =	sadd.s32 $0x2A00, s5;
	s13 =	sadd.s32 $0xC800, s5;
	s17 =	sor.u32 @!p0 $0x1C04, s0  }
.LBB2_1:
0x14: {  	s0 =	simm.s32 @p0 $0x1FC4;
	s1 =	rddreg [dreg:$0x5]  }
0x15: {  	[spmem:s16], [sflag:s0] =	dma.local @p0 [hbm:s1], $0x1040  }
0x16: {  	s0 =	simm.s32 @p0 $0x4  }
0x17: {  	_ =	swait.ge @p0 [sflag:s0], $0x1040  }
0x18: {  	[sflag:s0] =	ssyncset.done @p0 $0x0  }
0x19: {  	[sflag:s0] =	ssyncadd.s32 @p0 $0xFFFFEFC0;
	s0 =	rddreg [dreg:$0x4]  }
0x1a: {  	[spmem:s18], [sflag:s17] =	dma.local @!p0 [hbm:s0], $0x13C0  }
0x1b: {  	s0 =	simm.s32 @!p0 $0x4  }
0x1c: {  	_ =	swait.ge @!p0 [sflag:s0], $0x13C0  }
0x1d: {  	[sflag:s0] =	ssyncset.done @!p0 $0x0  }
0x1e: {  	s1 =	simm.s32 $0x100;
	[sflag:s0] =	ssyncadd.s32 @!p0 $0xFFFFEC40;
	s0 =	simm.s32 $0x0  }
.LBB2_2:
0x1f: {  	p1 =	sne.s32 s1, $0x7F00;
	[tilespmem:s0+$0x4FB0] =	vst v0;
	s5 =	smov.u32 s1;
	s1 =	sadd.s32 $0x100, s1  }
.Ltmp0:
0x20: {  	[tilespmem:s0+$0x4FA0] =	vst v0;
	(pc) =	sbr.rel @p1 .LBB2_2-.Ltmp0, $3  }
0x21: {  	[tilespmem:s0+$0x4F80] =	vst v0  }
0x22: {  	[tilespmem:s0+$0x4F90] =	vst v0;
	_ =	sdelay $0x1  }
0x23: {  	s0 =	sshra.s32 s5, $0x2  }
0x24: {  	[tilespmem:s0+$0x4FB0] =	vst v0  }
0x25: {  	[tilespmem:s0+$0x4FA0] =	vst v0  }
0x26: {  	[tilespmem:s0+$0x4F80] =	vst v0  }
0x27: {  	[tilespmem:s0+$0x4F90] =	vst v0  }
0x28: {  	[spmem:s6] =	stream.linear.scatter [tilespmem:s19], [sflag:$0x4], $0x2000, $0x38;
	[tilespmem:$0x1CB80] =	vst v63  }
0x29: {  	_ =	swait.ge [sflag:s20], $0x2000  }
0x2a: {  	[sflag:s20] =	ssyncset.done $0x0  }
0x2b: {  	s7 =	rddreg [dreg:$0x6];
	[sflag:s20] =	ssyncadd.s32 $0xFFFFE000  }
0x2c: {  	[spmem:s7] =	stream.linear.scatter [tilespmem:s19], [sflag:$0x4], $0x2000, $0x38;
	[tilespmem:$0x1CB80] =	vst v63  }
0x2d: {  	_ =	swait.ge [sflag:s20], $0x2000  }
0x2e: {  	[sflag:s20] =	ssyncset.done $0x0  }
0x2f: {  	[sflag:s20] =	ssyncadd.s32 $0xFFFFE000  }
0x30: {  	[spmem:s9] =	stream.linear.scatter [tilespmem:s19], [sflag:$0x4], $0x2000, $0x38;
	[tilespmem:$0x1CB80] =	vst v63  }
0x31: {  	_ =	swait.ge [sflag:s20], $0x2000  }
0x32: {  	[sflag:s20] =	ssyncset.done $0x0  }
0x33: {  	[sflag:s20] =	ssyncadd.s32 $0xFFFFE000  }
0x34: {  	[spmem:s10] =	stream.linear.scatter [tilespmem:s19], [sflag:$0x4], $0x2000, $0x38;
	[tilespmem:$0x1CB80] =	vst v63  }
0x35: {  	_ =	swait.ge [sflag:s20], $0x2000  }
0x36: {  	[sflag:s20] =	ssyncset.done $0x0  }
0x37: {  	[sflag:s20] =	ssyncadd.s32 $0xFFFFE000  }
0x38: {  	[spmem:s11] =	stream.linear.scatter [tilespmem:s19], [sflag:$0x4], $0x1E00, $0x38;
	[tilespmem:$0x1CB80] =	vst v63  }
0x39: {  	_ =	swait.ge [sflag:s20], $0x1E00  }
0x3a: {  	[sflag:s20] =	ssyncset.done $0x0  }
0x3b: {  	[sflag:s20] =	ssyncadd.s32 $0xFFFFE200  }
0x3c: {  	s8 =	simm.s32 $0x0;
	[bflag:$0x0] =	sbarrier.arrive $0xFFFF  }
0x3d: {  	[tilespmem:s8], [sflag:$0x4] =	stream.linear.gather [hbm4b:s12+s8], $0x2780, $0x38;
	[tilespmem:$0x1CB80] =	vst v63  }
0x3e: {  	_ =	swait.ge [sflag:s20], $0x2780  }
0x3f: {  	[sflag:s20] =	ssyncset.done $0x0  }
0x40: {  	s1 =	simm.s32 $0x2780;
	[sflag:s20] =	ssyncadd.s32 $0xFFFFD880  }
0x41: {  	[tilespmem:s1], [sflag:$0x4] =	stream.linear.gather [hbm4b:s13+s8], $0x2780, $0x38;
	[tilespmem:$0x1CB80] =	vst v63  }
0x42: {  	s0 =	sand.u32 $0x1, s8;
	_ =	swait.ge [sflag:s20], $0x2780  }
0x43: {  	s21 =	sxor.u32 $0x1, s0;
	[sflag:s20] =	ssyncset.done $0x0  }
0x44: {  	s5 =	simm.s32 $0x80;
	s7 =	sshll.u32 s21, $0xD;
	[sflag:s20] =	ssyncadd.s32 $0xFFFFD880  }
0x45: {  	[tilespmem:s19], [sflag:$0x1] =	stream.indirect.gather [spmem:s2], $0x40, s8, s22, $0xb8;
	[tilespmem:$0x1CB80] =	vst v63  }
0x46: {  	s7 =	sor.u32 $0x4F80, s7;
	s1 =	sadd.s32 $0x1, s21;
	s8 =	sadd.s32 $0x1, s0  }
0x47: {  	[tilespmem:s7], [sflag:s1] =	stream.indirect.gather [spmem:s2], $0x40, s5, s22, $0xb8;
	[tilespmem:$0x1CB80] =	vst v63  }
0x48: {  	_ =	swait.ge [sflag:s8], $0x2000  }
0x49: {  	[sflag:s8] =	ssyncset.done $0x0  }
0x4a: {  	s7 =	simm.s32 $0x27F0;
	[sflag:s8] =	ssyncadd.s32 $0xFFFFE000  }
0x4b: {  	v1 =	vld [tilespmem:s7+$0xFFFFFF90];
	_ =	sdelay $0x4  }
0x4c: {  	[tilespmem:$0x4F00] =	vst v1  }
0x4d: {  	v1 =	vld [tilespmem:s7+$0xFFFFFFA0];
	_ =	sdelay $0x4  }
0x4e: {  	[tilespmem:$0x4F10] =	vst v1  }
0x4f: {  	v1 =	vld [tilespmem:s7+$0xFFFFFFB0];
	_ =	sdelay $0x4  }
0x50: {  	[tilespmem:$0x4F20] =	vst v1  }
0x51: {  	v1 =	vld [tilespmem:s7+$0xFFFFFFC0];
	_ =	sdelay $0x3  }
0x52: {  	s0 =	sshll.u32 s0, $0xD  }
0x53: {  	s21 =	sor.u32 $0x4F80, s0;
	[tilespmem:$0x4F30] =	vst v1  }
0x54: {  	[spmem:s3] =	stream.indirect.scatter.add.f32 [tilespmem:s21], [sflag:$0x3], $0x40, s24, s23, $0xb8;
	[tilespmem:$0x1CB80] =	vst v63  }
0x55: {  	v1 =	vld [tilespmem:s7+$0xFFFFFFD0];
	_ =	sdelay $0x4  }
0x56: {  	[tilespmem:$0x4F40] =	vst v1  }
0x57: {  	v1 =	vld [tilespmem:s7+$0xFFFFFFE0];
	_ =	sdelay $0x4  }
0x58: {  	[tilespmem:$0x4F50] =	vst v1  }
0x59: {  	v1 =	vld [tilespmem:s7+$0xFFFFFFF0];
	_ =	sdelay $0x4  }
0x5a: {  	[tilespmem:$0x4F60] =	vst v1  }
0x5b: {  	v1 =	vld [tilespmem:s7+$0x0];
	_ =	sdelay $0x4  }
0x5c: {  	s0 =	sor.u32 $0x5F80, s0;
	[tilespmem:$0x4F70] =	vst v1  }
0x5d: {  	[spmem:s3] =	stream.indirect.scatter.add.f32 [tilespmem:s0], [sflag:$0x3], $0x40, s25, s23, $0xb8;
	[tilespmem:$0x1CB80] =	vst v63  }
0x5e: {  	s30 =	simm.s32 $0x2870;
	s29 =	simm.s32 $0x2;
	_ =	swait.ge [sflag:s26], $0x1000  }
0x5f: {  	s5 =	simm.s32 $0x1;
	s1 =	simm.s32 $0x100;
	[sflag:s26] =	ssyncset.done $0x0  }
0x60: {  	s21 =	simm.s32 $0x28F0;
	s0 =	sand.u32 $0x1, s5;
	[sflag:s26] =	ssyncadd.s32 $0xFFFFF000  }
0x61: {  	s7 =	sxor.u32 $0x1, s0;
	s31 =	sshll.u32 s0, $0xD;
	_ =	swait.ge [sflag:s26], $0x1000  }
0x62: {  	s8 =	sshll.u32 s7, $0xD;
	s7 =	sadd.s32 $0x1, s7;
	[sflag:s26] =	ssyncset.done $0x0  }
.LBB2_4:
0x63: {  	s5 =	sor.u32 $0x4F80, s8  }
0x64: {  	s8 =	sadd.s32 $0x1, s0;
	[sflag:s26] =	ssyncadd.s32 $0xFFFFF000;
	s0 =	smov.u32 s29  }
0x65: {  	[tilespmem:s5], [sflag:s7] =	stream.indirect.gather [spmem:s2], $0x40, s1, s22, $0xb8;
	[tilespmem:$0x1CB80] =	vst v63  }
0x66: {  	s1 =	sadd.s32 $0xFFFFD890, s21;
	s5 =	sadd.s32 $0x1, s29;
	_ =	swait.ge [sflag:s8], $0x2000  }
0x67: {  	p1 =	sne.s32 s29, $0x4D;
	[sflag:s8] =	ssyncset.done $0x0  }
0x68: {  	[sflag:s8] =	ssyncadd.s32 $0xFFFFE000  }
0x69: {  	v1 =	vld [tilespmem:s30+$0xFFFFFF90];
	_ =	sdelay $0x4  }
0x6a: {  	[tilespmem:$0x4F00] =	vst v1  }
0x6b: {  	v1 =	vld [tilespmem:s30+$0xFFFFFFA0];
	_ =	sdelay $0x4  }
0x6c: {  	[tilespmem:$0x4F10] =	vst v1  }
0x6d: {  	v1 =	vld [tilespmem:s30+$0xFFFFFFB0];
	_ =	sdelay $0x4  }
0x6e: {  	[tilespmem:$0x4F20] =	vst v1  }
0x6f: {  	v1 =	vld [tilespmem:s30+$0xFFFFFFC0];
	_ =	sdelay $0x4  }
0x70: {  	s7 =	sor.u32 $0x4F80, s31;
	[tilespmem:$0x4F30] =	vst v1  }
0x71: {  	[spmem:s3] =	stream.indirect.scatter.add.f32 [tilespmem:s7], [sflag:$0x3], $0x40, s24, s23, $0xb8;
	[tilespmem:$0x1CB80] =	vst v63  }
0x72: {  	v1 =	vld [tilespmem:s30+$0xFFFFFFD0];
	_ =	sdelay $0x4  }
0x73: {  	[tilespmem:$0x4F40] =	vst v1  }
0x74: {  	v1 =	vld [tilespmem:s30+$0xFFFFFFE0];
	_ =	sdelay $0x4  }
0x75: {  	[tilespmem:$0x4F50] =	vst v1  }
0x76: {  	v1 =	vld [tilespmem:s30+$0xFFFFFFF0];
	_ =	sdelay $0x4  }
0x77: {  	[tilespmem:$0x4F60] =	vst v1  }
0x78: {  	v1 =	vld [tilespmem:s30+$0x0];
	s30 =	smov.u32 s21;
	_ =	sdelay $0x4  }
0x79: {  	s7 =	sor.u32 $0x5F80, s31;
	[tilespmem:$0x4F70] =	vst v1  }
0x7a: {  	[spmem:s3] =	stream.indirect.scatter.add.f32 [tilespmem:s7], [sflag:$0x3], $0x40, s25, s23, $0xb8;
	[tilespmem:$0x1CB80] =	vst v63  }
.Ltmp1:
0x7b: {  	_ =	swait.ge [sflag:s26], $0x1000;
	(pc) =	sbr.rel @p1 .LBB2_4-.Ltmp1, $4  }
0x7c: {  	s0 =	sand.u32 $0x1, s0;
	[sflag:s26] =	ssyncset.done $0x0  }
0x7d: {  	s29 =	smov.u32 s5;
	s21 =	sadd.s32 $0x80, s21;
	[sflag:s26] =	ssyncadd.s32 $0xFFFFF000  }
0x7e: {  	s31 =	sshll.u32 s0, $0xD;
	s7 =	sxor.u32 $0x1, s0;
	_ =	swait.ge [sflag:s26], $0x1000  }
0x7f: {  	s8 =	sshll.u32 s7, $0xD;
	s7 =	sadd.s32 $0x1, s7;
	[sflag:s26] =	ssyncset.done $0x0  }
0x80: {  	s5 =	sor.u32 $0x4F80, s8;
	s0 =	sadd.s32 $0x1, s0;
	[sflag:s26] =	ssyncadd.s32 $0xFFFFF000  }
0x81: {  	[tilespmem:s5], [sflag:s7] =	stream.indirect.gather [spmem:s2], $0x40, s1, s22, $0xb8;
	[tilespmem:$0x1CB80] =	vst v63  }
0x82: {  	_ =	swait.ge [sflag:s0], $0x2000  }
0x83: {  	[sflag:s0] =	ssyncset.done $0x0  }
0x84: {  	[sflag:s0] =	ssyncadd.s32 $0xFFFFE000  }
0x85: {  	v1 =	vld [tilespmem:s30+$0xFFFFFF90];
	_ =	sdelay $0x4  }
0x86: {  	[tilespmem:$0x4F00] =	vst v1  }
0x87: {  	v1 =	vld [tilespmem:s30+$0xFFFFFFA0];
	_ =	sdelay $0x4  }
0x88: {  	[tilespmem:$0x4F10] =	vst v1  }
0x89: {  	v1 =	vld [tilespmem:s30+$0xFFFFFFB0];
	_ =	sdelay $0x4  }
0x8a: {  	[tilespmem:$0x4F20] =	vst v1  }
0x8b: {  	v1 =	vld [tilespmem:s30+$0xFFFFFFC0];
	_ =	sdelay $0x4  }
0x8c: {  	s8 =	sor.u32 $0x4F80, s31;
	[tilespmem:$0x4F30] =	vst v1  }
0x8d: {  	[spmem:s3] =	stream.indirect.scatter.add.f32 [tilespmem:s8], [sflag:$0x3], $0x40, s24, s23, $0xb8;
	[tilespmem:$0x1CB80] =	vst v63  }
0x8e: {  	v1 =	vld [tilespmem:s30+$0xFFFFFFD0];
	_ =	sdelay $0x4  }
0x8f: {  	[tilespmem:$0x4F40] =	vst v1  }
0x90: {  	v1 =	vld [tilespmem:s30+$0xFFFFFFE0];
	_ =	sdelay $0x4  }
0x91: {  	[tilespmem:$0x4F50] =	vst v1  }
0x92: {  	v1 =	vld [tilespmem:s30+$0xFFFFFFF0];
	_ =	sdelay $0x4  }
0x93: {  	[tilespmem:$0x4F60] =	vst v1  }
0x94: {  	v1 =	vld [tilespmem:s30+$0x0];
	_ =	sdelay $0x4  }
0x95: {  	s21 =	sor.u32 $0x5F80, s31;
	[tilespmem:$0x4F70] =	vst v1  }
0x96: {  	[spmem:s3] =	stream.indirect.scatter.add.f32 [tilespmem:s21], [sflag:$0x3], $0x40, s25, s23, $0xb8;
	[tilespmem:$0x1CB80] =	vst v63  }
0x97: {  	_ =	swait.ge [sflag:s26], $0x1000  }
0x98: {  	[sflag:s26] =	ssyncset.done $0x0  }
0x99: {  	[sflag:s26] =	ssyncadd.s32 $0xFFFFF000  }
0x9a: {  	_ =	swait.ge [sflag:s26], $0x1000  }
0x9b: {  	[sflag:s26] =	ssyncset.done $0x0  }
0x9c: {  	[sflag:s26] =	ssyncadd.s32 $0xFFFFF000  }
0x9d: {  	_ =	swait.ge [sflag:s28], $0x2000  }
0x9e: {  	[sflag:s28] =	ssyncset.done $0x0  }
0x9f: {  	[sflag:s28] =	ssyncadd.s32 $0xFFFFE000  }
0xa0: {  	v1 =	vld [tilespmem:$0x4E80]  }
0xa1: {  	v2 =	vld [tilespmem:$0x4E90]  }
0xa2: {  	v3 =	vld [tilespmem:$0x4EA0]  }
0xa3: {  	v4 =	vld [tilespmem:$0x4EB0];
	_ =	sdelay $0x1  }
0xa4: {  	[tilespmem:$0x4F00] =	vst v1  }
0xa5: {  	[tilespmem:$0x4F10] =	vst v2  }
0xa6: {  	[tilespmem:$0x4F20] =	vst v3  }
0xa7: {  	[tilespmem:$0x4F30] =	vst v4  }
0xa8: {  	[spmem:s3] =	stream.indirect.scatter.add.f32 [tilespmem:s19], [sflag:$0x3], $0x40, s24, s23, $0xb8;
	[tilespmem:$0x1CB80] =	vst v63  }
0xa9: {  	v1 =	vld [tilespmem:$0x4EC0]  }
0xaa: {  	v2 =	vld [tilespmem:$0x4ED0]  }
0xab: {  	v3 =	vld [tilespmem:$0x4EE0]  }
0xac: {  	v63 =	vld [tilespmem:$0x4EF0];
	_ =	sdelay $0x1  }
0xad: {  	[tilespmem:$0x4F40] =	vst v1  }
0xae: {  	[tilespmem:$0x4F50] =	vst v2  }
0xaf: {  	[tilespmem:$0x4F60] =	vst v3  }
0xb0: {  	s29 =	simm.s32 $0x5F80;
	[tilespmem:$0x4F70] =	vst v63  }
0xb1: {  	[spmem:s3] =	stream.indirect.scatter.add.f32 [tilespmem:s29], [sflag:$0x3], $0x40, s25, s23, $0xb8;
	[tilespmem:$0x1CB80] =	vst v63  }
0xb2: {  	_ =	swait.ge [sflag:s26], $0x1000  }
0xb3: {  	[sflag:s26] =	ssyncset.done $0x0  }
0xb4: {  	[sflag:s26] =	ssyncadd.s32 $0xFFFFF000  }
0xb5: {  	s31 =	sshrl.u32 s6, $0x3;
	_ =	swait.ge [sflag:s26], $0x1000  }
0xb6: {  	s4 =	sadd.s32 $0x1, s4;
	s30 =	stileid.u32;
	[sflag:s26] =	ssyncset.done $0x0  }
0xb7: {  	p1 =	sne.s32 s4, s15;
	s0 =	sshll.u32 s30, $0x6;
	[sflag:s26] =	ssyncadd.s32 $0xFFFFF000  }
.Ltmp2:
0xb8: {  	s0 =	sor.u32 $0x1C04, s0;
	[bflag:$0x0] =	sbarrier.arrive $0xFFFF;
	(pc) =	sbr.rel @p1 .LBB2_1-.Ltmp2, $4  }
0xb9: {  	[hbm:s14], [sflag:s0] =	dma.local [spmem:s31], $0x13C0  }
0xba: {  	_ =	swait.ge [sflag:s20], $0x13C0  }
0xbb: {  	[sflag:s20] =	ssyncset.done $0x0  }
0xbc: {  	[sflag:s20] =	ssyncadd.s32 $0xFFFFEC40  }
0xbd: {  	_ =	sfence.sel $0x180000  }
0xbe: {  	[bflag:$0x0] =	sbarrier.arrive $0xFFFF  }
0xbf: {  	_ =	strace $0x9000004C  }
0xc0: {  	s0 =	stileid.u32;
	[bflag:$0x2] =	sbarrier.arrive $0xFFFF  }
0xc1: {  	p0 =	sne.s32 s0, $0x0;
	s0 =	rddreg [dreg:$0x3]  }
0xc2: {  	s0 =	sadd.s32 @!p0 $0x100000, s0  }
0xc3: {  	[sflag:s0] =	ssyncadd.tile.s32 @!p0 $0x1;
	_ =	shalt  }
.Lfunc_end2:
_tile_overlayer_lowered:
.L_overlay_start_2:
0xc4: {  	(tag) =	ssettag $0x2  }
0xc5: {  	s0 =	rddreg [dreg:$0x0];
	s2 =	stileid.u32  }
0xc6: {  	s1 =	rddreg [dreg:$0x1];
	p0 =	sne.s32 s2, $0x0  }
0xc7: {  	s3 =	rddreg [dreg:$0x2];
	[bflag:$0x3] =	sbarrier.arrive $0xFFFF;
	s2 =	simm.s32 @!p0 $0x1C04  }
0xc8: {  	[timem:s3], [sflag:s2] =	dma.local @!p0 [hbm:s0], s1  }
0xc9: {  	s0 =	simm.s32 @!p0 $0x4  }
0xca: {  	_ =	swait.ge @!p0 [sflag:s0], s1  }
0xcb: {  	s1 =	ssub.s32 @!p0 $0x0, s1;
	[sflag:s0] =	ssyncset.done @!p0 $0x0  }
0xcc: {  	[sflag:s0] =	ssyncadd.s32 @!p0 s1  }
0xcd: {  	[bflag:$0x3] =	sbarrier.arrive $0xFFFF  }
0xce: {  	_ =	shalt  }

// kernel: kernel.8.cloned.1.call-start
scs
__scs_entry_jumppad:
0x0: {  	(pc) =	sbr.rel $0x88, $3  }
0x1: {  	(tag) =	ssettag $0x0;
	lr =	simm.s32 $0x1  }
0x2: {  	[smem:$0x3F93] =	sst lr;
	_ =	strace $0xD0000000  }
0x3: {  	_ = 	snop  }
0x4: {  	_ = 	snop  }
0x5: {  	_ = 	snop  }
0x6: {  	_ = 	snop  }
0x7: {  	_ = 	snop  }
__scs_overlays_trampoline_lowered:
0x8: {  	[smem:$0x3FA2] =	sst s0  }
0x9: {  	[smem:$0x3FA3] =	sst s1  }
0xa: {  	[smem:$0x3FA4] =	sst s2  }
0xb: {  	[smem:$0x3FA5] =	sst s3  }
0xc: {  	[smem:$0x3FA6] =	sst s4  }
0xd: {  	[smem:$0x3FA7] =	sst s5  }
0xe: {  	[smem:$0x3FA8] =	sst s6  }
0xf: {  	[smem:$0x3FA9] =	sst s7  }
0x10: {  	[smem:$0x3FAA] =	sst s8  }
0x11: {  	[smem:$0x3FAB] =	sst s9;
	s0 =	simm.s32 @!p0 $0x0  }
0x12: {  	s1 =	sld [smem:$0x3F91];
	s0 =	simm.s32 @p0 $0x1  }
0x13: {  	[smem:$0x3FAC] =	sst s0;
	s0 =	simm.s32 @!p1 $0x0  }
0x14: {  	s2 =	sld [smem:$0x3F90];
	s0 =	simm.s32 @p1 $0x1  }
0x15: {  	[smem:$0x3FAD] =	sst s0;
	s0 =	simm.s32 @!p2 $0x0  }
0x16: {  	s3 =	sld [smem:$0x3FDB];
	s0 =	simm.s32 @p2 $0x1  }
0x17: {  	s4 =	simm.s32 $0x1BF5;
	[smem:$0x3FAF] =	sst s0  }
0x18: {  	s0 =	sld [smem:$0x3F92];
	_ =	swait.ge [sflag:s4], $0x0  }
0x19: {  	s7 =	sld [smem:$0x3F93]  }
0x1a: {  	s8 =	sadd.s32 $0xFFFFE003, lr  }
0x1b: {  	s9 =	sadd.s32 $0xFFFFFEF7, lr;
	s5 =	simm.s32 $0xFFFFFFFF;
	p2 =	slt.u32 s8, $0xFFFFF086  }
0x1c: {  	p1 =	slt.u32 s9, $0xF7A;
	s5 =	simm.s32 @!p2 $0x0  }
0x1d: {  	s5 =	simm.s32 @p1 $0x1;
	p0 =	seq.s32 s7, s2  }
0x1e: {  	s7 =	smul.u32 @!p0 $0xF7A, s2;
	p2 =	seq.s32 @!p0 s5, $0x0  }
0x1f: {  	s9 =	smul.u32 $0xF7A, s1;
	s8 =	simm.s32 @!p0 $0x1BF5;
	p2 =	por !p2, p0  }
0x20: {  	[sflag:s8] =	ssyncset.s32 @!p0 $0xFFFFF086;
	s6 =	sadd.s32 @!p0 s3, s7;
	s7 =	simm.s32 @!p0 $0x108  }
0x21: {  	s3 =	sadd.s32 s3, s9;
	s6 =	sadd.s32 @!p0 $0x88, s6;
	s7 =	simm.s32 @p2 $0x1082  }
0x22: {  	[simem:s7], [sflag:s8] =	dma.local @!p0 [hbm:s6], $0xF7A  }
0x23: {  	s9 =	sor.u32 $0xD0000000, s2;
	s6 =	simm.s32 $0x108;
	_ =	swait.ge @!p0 [sflag:s8], $0x0  }
0x24: {  	s3 =	sadd.s32 $0x88, s3;
	s6 =	simm.s32 @!p1 $0x1082;
	[sflag:s4] =	ssyncset.s32 $0xFFFFF086  }
0x25: {  	[simem:s6], [sflag:s4] =	dma.local [hbm:s3], $0xF7A  }
0x26: {  	[smem:$0x3F93] =	sst s1;
	(tag) =	ssettag s2;
	_ =	strace s9  }
0x27: {  	s1 =	sld [smem:$0x3FA3]  }
0x28: {  	s2 =	sld [smem:$0x3FA4]  }
0x29: {  	s4 =	sld [smem:$0x3FA6]  }
0x2a: {  	p0 =	seq.s32 s5, $0x0;
	s5 =	sld [smem:$0x3FA7]  }
0x2b: {  	s6 =	sld [smem:$0x3FA8]  }
0x2c: {  	s7 =	sld [smem:$0x3FA9]  }
0x2d: {  	s3 =	simm.s32 $0x108;
	s8 =	sld [smem:$0x3FAA]  }
0x2e: {  	s3 =	simm.s32 @!p0 $0x1082;
	s9 =	sld [smem:$0x3FAB]  }
0x2f: {  	lr =	sadd.s32 s0, s3;
	s0 =	sld [smem:$0x3FA2]  }
0x30: {  	s3 =	sld [smem:$0x3FA5]  }
0x31: {  	[smem:$0x3FAE] =	sst s10  }
0x32: {  	s10 =	sld [smem:$0x3FAC];
	_ =	sdelay $0x3  }
0x33: {  	p0 =	seq.s32 s10, $0x1;
	s10 =	sld [smem:$0x3FAE];
	_ =	sdelay $0x3  }
0x34: {  	[smem:$0x3FAE] =	sst s10  }
0x35: {  	s10 =	sld [smem:$0x3FAD];
	_ =	sdelay $0x3  }
0x36: {  	p1 =	seq.s32 s10, $0x1;
	s10 =	sld [smem:$0x3FAE];
	_ =	sdelay $0x3  }
0x37: {  	[smem:$0x3FAE] =	sst s10  }
0x38: {  	s10 =	sld [smem:$0x3FAF]  }
0x39: {  	_ = 	snop;
	(pc) =	sbr.ind lr, $3  }
0x3a: {  	_ = 	snop  }
0x3b: {  	_ = 	snop  }
0x3c: {  	p2 =	seq.s32 s10, $0x1;
	s10 =	sld [smem:$0x3FAE]  }
0x3d: {  	_ =	shalt  }
0x3e: {  	_ =	shalt  }
0x3f: {  	_ =	shalt  }
0x40: {  	_ =	shalt  }
0x41: {  	_ =	shalt  }
0x42: {  	_ =	shalt  }
0x43: {  	_ =	shalt  }
0x44: {  	_ =	shalt  }
0x45: {  	_ =	shalt  }
0x46: {  	_ =	shalt  }
0x47: {  	_ =	shalt  }
0x48: {  	_ =	shalt  }
0x49: {  	_ =	shalt  }
0x4a: {  	_ =	shalt  }
0x4b: {  	_ =	shalt  }
0x4c: {  	_ =	shalt  }
0x4d: {  	_ =	shalt  }
0x4e: {  	_ =	shalt  }
0x4f: {  	_ =	shalt  }
0x50: {  	_ =	shalt  }
0x51: {  	_ =	shalt  }
0x52: {  	_ =	shalt  }
0x53: {  	_ =	shalt  }
0x54: {  	_ =	shalt  }
0x55: {  	_ =	shalt  }
0x56: {  	_ =	shalt  }
0x57: {  	_ =	shalt  }
0x58: {  	_ =	shalt  }
0x59: {  	_ =	shalt  }
0x5a: {  	_ =	shalt  }
0x5b: {  	_ =	shalt  }
0x5c: {  	_ =	shalt  }
0x5d: {  	_ =	shalt  }
0x5e: {  	_ =	shalt  }
0x5f: {  	_ =	shalt  }
0x60: {  	_ =	shalt  }
0x61: {  	_ =	shalt  }
0x62: {  	_ =	shalt  }
0x63: {  	_ =	shalt  }
0x64: {  	_ =	shalt  }
0x65: {  	_ =	shalt  }
0x66: {  	_ =	shalt  }
0x67: {  	_ =	shalt  }
0x68: {  	_ =	shalt  }
0x69: {  	_ =	shalt  }
0x6a: {  	_ =	shalt  }
0x6b: {  	_ =	shalt  }
0x6c: {  	_ =	shalt  }
0x6d: {  	_ =	shalt  }
0x6e: {  	_ =	shalt  }
0x6f: {  	_ =	shalt  }
0x70: {  	_ =	shalt  }
0x71: {  	_ =	shalt  }
0x72: {  	_ =	shalt  }
0x73: {  	_ =	shalt  }
0x74: {  	_ =	shalt  }
0x75: {  	_ =	shalt  }
0x76: {  	_ =	shalt  }
0x77: {  	_ =	shalt  }
0x78: {  	_ =	shalt  }
0x79: {  	_ =	shalt  }
0x7a: {  	_ =	shalt  }
0x7b: {  	_ =	shalt  }
0x7c: {  	_ =	shalt  }
0x7d: {  	_ =	shalt  }
0x7e: {  	_ =	shalt  }
0x7f: {  	_ =	shalt  }
0x80: {  	_ =	shalt  }
0x81: {  	_ =	shalt  }
0x82: {  	_ =	shalt  }
0x83: {  	_ =	shalt  }
0x84: {  	_ =	shalt  }
0x85: {  	_ =	shalt  }
0x86: {  	_ =	shalt  }
0x87: {  	_ =	shalt  }
.Lfunc_end0:
.L_simem_size_0:
called_computation_lowered:
.L_overlay_start_0:
0x88: {  	s2 =	sld [smem:$0x3FD9]  }
0x89: {  	s3 =	sld [smem:$0x3FFE];
	_ =	sdelay $0x1  }
0x8a: {  	s1 =	srdreg.scid  }
0x8b: {  	s0 =	sand.u32 $0x1, s1  }
0x8c: {  	s16 =	sshll.u32 s0, $0xA;
	s2 =	sadd.s32 s3, s2  }
0x8d: {  	s2 =	sadd.s32 s2, s16  }
0x8e: {  	[smem:$0x3FBA] =	sst s2  }
0x8f: {  	_ = 	snop  }
0x90: {  	(tm) =	ssettm $0x1  }
0x91: {  	s17 =	sld [smem:$0x3FFB];
	_ =	sdelay $0x3  }
0x92: {  	_ =	strace s17  }
0x93: {  	s2 =	sld [smem:$0x3FFC];
	_ =	sdelay $0x3  }
0x94: {  	_ =	strace s2  }
0x95: {  	s2 =	sld [smem:$0x3FFD];
	_ =	sdelay $0x3  }
0x96: {  	_ =	strace s2  }
0x97: {  	_ =	strace $0x8FFFFFFF  }
0x98: {  	s18 =	sld [smem:$0x3FDB];
	_ =	sdelay $0x1  }
0x99: {  	s19 =	simm.s32 $_scs_section_size  }
0x9a: {  	s4 =	simm.s32 $_size__tile_overlayer_lowered;
	s5 =	simm.s32 $_tile_overlayer_lowered  }
0x9b: {  	s22 =	simm.s32 $0x1BFF;
	s21 =	sshll.u32 s5, $0x1;
	s2 =	sadd.s32 s19, s18  }
0x9c: {  	s6 =	simm.s32 $0x0;
	s20 =	sshll.u32 s4, $0x1;
	s4 =	sadd.s32 s21, s2  }
0x9d: {  	[timem:s6], [sflag:s22] =	dma.local [hbm:s4], s20  }
0x9e: {  	_ =	swait.ge [sflag:s22], s20  }
0x9f: {  	s3 =	ssub.s32 $0x0, s20;
	[sflag:s22] =	ssyncset.done $0x0  }
0xa0: {  	[sflag:s22] =	ssyncadd.s32 s3;
	_ =	sdelay $0x1  }
0xa1: {  	s23 =	simm.s32 $0x1B8B  }
0xa2: {  	_ =	swait.ge [sflag:s23], $0x1  }
0xa3: {  	[sflag:s23] =	ssyncset.done $0x0  }
0xa4: {  	s25 =	simm.s32 $0x1B8E;
	s24 =	sld [smem:$0x3FFE];
	[sflag:s23] =	ssyncadd.s32 $0xFFFFFFFF  }
0xa5: {  	s26 =	simm.s32 $execute0_lowered;
	[smem:$0x3FD2] =	sst s25  }
0xa6: {  	s4 =	sshll.u32 s26, $0x1;
	_ =	strace $0x80000046;
	[dreg:$0x1] =	wrdreg $0xFFFFFFFF  }
0xa7: {  	s28 =	simm.s32 $_size_execute0_lowered;
	s2 =	sadd.s32 s2, s4;
	[dreg:$0x0] =	wrdreg $0x0  }
0xa8: {  	s4 =	sshll.u32 s28, $0x1;
	[dreg:$0x2] =	wrdreg s2  }
0xa9: {  	[dreg:$0x3] =	wrdreg s4  }
0xaa: {  	[dreg:$0x4] =	wrdreg $0xC0  }
0xab: {  	_ =	task [dreg:s6], $0x5FFFF  }
0xac: {  	[dreg:$0x1] =	wrdreg $0xFFFFFFFF  }
0xad: {  	[dreg:$0x0] =	wrdreg $0x60  }
0xae: {  	[dreg:$0x2] =	wrdreg s24  }
0xaf: {  	[dreg:$0x3] =	wrdreg $0x136900  }
0xb0: {  	[dreg:$0x4] =	wrdreg $0x160200  }
0xb1: {  	[dreg:$0x5] =	wrdreg $0x9  }
0xb2: {  	_ =	task.clear_ibuf [dreg:s6], $0x6FFFF;
	_ =	strace $0x90000046  }
0xb3: {  	s29 =	simm.s32 $0x9;
	_ =	strace $0x8000004A  }
0xb4: {  	_ =	swait.ge [sflag:s29], $0x1  }
0xb5: {  	[sflag:s29] =	ssyncadd.s32 $0xFFFFFFFF  }
0xb6: {  	_ =	strace $0x9000004A  }
0xb7: {  	_ =	sfence  }
0xb8: {  	s30 =	sld [smem:$0x0];
	_ =	sdelay $0x2  }
0xb9: {  	s31 =	sshll.u32 s1, $0xD;
	s1 =	sshrl.u32 s1, $0x2  }
0xba: {  	s3 =	sand.u32 $0x4000, s31;
	s1 =	sadd.s32 s1, s30  }
0xbb: {  	s0 =	sor.u32 s3, s0;
	s1 =	sshll.u32 s1, $0x11  }
0xbc: {  	s0 =	sor.u32 s1, s0  }
0xbd: {  	s0 =	sadd.s32 $0x8F2B, s0  }
0xbe: {  	[sflag:s0] =	ssyncadd.remote.s32 $0x1  }
0xbf: {  	_ =	sfence.sel $0xFFFF  }
0xc0: {  	[dreg:$0x0] =	wrdreg $0xFFFFFFFF;
	(pc) =	sbr.abs _section_cstart, $3  }
0xc1: {  	[dreg:$0x1] =	wrdreg $0xFFFFFFFF  }
0xc2: {  	_ =	task.clear_ibuf [dreg:s6], $0x2FFFF;
	_ =	strace $0x9FFFFFFF  }
0xc3: {  	(tm) =	ssettm $0x7FFFFFFF  }
tec
execute0_lowered:
.L_overlay_start_1:
0x0: {  	(tag) =	ssettag $0x1  }
0x1: {  	s0 =	rddreg [dreg:$0x0]  }
0x2: {  	s1 =	rddreg [dreg:$0x1];
	s16 =	stileid.u32  }
0x3: {  	s2 =	rddreg [dreg:$0x2];
	s6 =	smul.u32 $0x2780, s16  }
0x4: {  	s3 =	srdreg.scid;
	s4 =	simm.s32 $0x0;
	s17 =	smul.u32 $0x13C0, s16  }
0x5: {  	s28 =	simm.s32 $0xF690;
	s29 =	simm.s32 $0x2780;
	s8 =	smul.u32 $0xA640, s16  }
0x6: {  	s30 =	simm.s32 $0x40;
	s31 =	simm.s32 $0xED00;
	s18 =	smul.u32 $0x27800, s16  }
0x7: {  	s3 =	sand.u32 $0x1, s3;
	[smem:$0x7FF] =	sst s4;
	s16 =	smul.u32 $0x4F00, s16  }
0x8: {  	s12 =	sadd.s32 $0x16600, s0;
	s13 =	sadd.s32 $0xC800, s0;
	s5 =	smul.u32 $0x27800, s3  }
0x9: {  	_ =	strace $0x80000047;
	s7 =	smul.u32 $0x13C00, s3;
	s3 =	ssub.s32 $0x2, s3  }
0xa: {  	s19 =	sshrl.u32 s3, $0x1;
	s8 =	sshrl.u32 s8, $0x2;
	s9 =	sshrl.u32 s18, $0x2  }
0xb: {  	s25 =	sshrl.u32 s16, $0x3;
	s5 =	sadd.s32 s6, s5;
	s6 =	sadd.s32 s17, s7  }
0xc: {  	s3 =	ssub.s32 s3, s19;
	s9 =	sadd.s32 s9, s2;
	s26 =	sadd.s32 $0x4F0, s25  }
0xd: {  	s14 =	sshrl.u32 s5, $0x3;
	s5 =	sadd.s32 $0x273A00, s0;
	s17 =	sadd.s32 $0x2000, s9  }
0xe: {  	s20 =	sadd.s32 $0x4000, s9;
	s21 =	sadd.s32 $0x6000, s9;
	[dreg:$0x4] =	wrdreg s17  }
0xf: {  	s22 =	sadd.s32 $0x8000, s9;
	s15 =	sadd.s32 s14, s0;
	[dreg:$0x5] =	wrdreg s20  }
0x10: {  	s0 =	sadd.s32 s6, s0;
	s6 =	sadd.s32 s8, s1;
	[dreg:$0x6] =	wrdreg s21  }
0x11: {  	[dreg:$0x7] =	wrdreg s22;
	s23 =	sadd.s32 s12, s14;
	s14 =	sadd.s32 s13, s14  }
0x12: {  	s20 =	smax.u32 s3, $0x1;
	s21 =	sadd.s32 s12, s25;
	s22 =	sadd.s32 s13, s25  }
0x13: {  	s25 =	simm.s32 $0xEE40;
	s7 =	sadd.s32 $0x850, s6;
	[dreg:$0x8] =	wrdreg s23  }
0x14: {  	s8 =	sadd.s32 $0x10A0, s6;
	[dreg:$0x9] =	wrdreg s14;
	s24 =	sadd.s32 $0x2A00, s15  }
0x15: {  	s10 =	sadd.s32 $0x18F0, s6;
	s0 =	sadd.s32 $0x20400, s0;
	[dreg:$0xa] =	wrdreg s24  }
0x16: {  	s11 =	sadd.s32 $0x2140, s6;
	s23 =	sadd.s32 s12, s26;
	[dreg:$0xb] =	wrdreg s0  }
0x17: {  	v0 =	vimm.f32 $0.0e+00;
	v1 =	vimm.f32 $1.000000000e+00;
	s24 =	sadd.s32 s13, s26;
	s26 =	simm.s32 $0x6;
	s0 =	simm.s32 $0x5  }
.LBB2_1:
0x18: {  	s12 =	simm.s32 $0x40;
	s13 =	simm.s32 $0x0  }
.LBB2_2:
0x19: {  	p0 =	sne.s32 s12, $0x2100;
	[tilespmem:s13+$0xEE40] =	vst v0;
	s13 =	smov.u32 s12;
	s12 =	sadd.s32 $0x40, s12  }
.Ltmp0:
0x1a: {  	(pc) =	sbr.rel @p0 .LBB2_2-.Ltmp0, $2  }
0x1b: {  	_ =	sdelay $0x2  }
0x1c: {  	s13 =	sshra.s32 s13, $0x2  }
0x1d: {  	[tilespmem:s13+$0xEE40] =	vst v0  }
0x1e: {  	[tilespmem:$0xED00] =	vst v1  }
0x1f: {  	[tilespmem:$0xED10] =	vst v1  }
0x20: {  	[tilespmem:$0xED20] =	vst v1  }
0x21: {  	[tilespmem:$0xED30] =	vst v1  }
0x22: {  	[spmem:s6] =	stream.linear.scatter [tilespmem:s25], [sflag:$0x6], $0x850, $0x38;
	[tilespmem:$0x1FE20] =	vst v63  }
0x23: {  	_ =	swait.ge [sflag:s26], $0x850  }
0x24: {  	[sflag:s26] =	ssyncset.done $0x0  }
0x25: {  	[sflag:s26] =	ssyncadd.s32 $0xFFFFF7B0  }
0x26: {  	[spmem:s7] =	stream.linear.scatter [tilespmem:s25], [sflag:$0x6], $0x850, $0x38;
	[tilespmem:$0x1FE20] =	vst v63  }
0x27: {  	_ =	swait.ge [sflag:s26], $0x850  }
0x28: {  	[sflag:s26] =	ssyncset.done $0x0  }
0x29: {  	[sflag:s26] =	ssyncadd.s32 $0xFFFFF7B0  }
0x2a: {  	[spmem:s8] =	stream.linear.scatter [tilespmem:s25], [sflag:$0x6], $0x850, $0x38;
	[tilespmem:$0x1FE20] =	vst v63  }
0x2b: {  	_ =	swait.ge [sflag:s26], $0x850  }
0x2c: {  	[sflag:s26] =	ssyncset.done $0x0  }
0x2d: {  	[sflag:s26] =	ssyncadd.s32 $0xFFFFF7B0  }
0x2e: {  	[spmem:s10] =	stream.linear.scatter [tilespmem:s25], [sflag:$0x6], $0x850, $0x38;
	[tilespmem:$0x1FE20] =	vst v63  }
0x2f: {  	_ =	swait.ge [sflag:s26], $0x850  }
0x30: {  	[sflag:s26] =	ssyncset.done $0x0  }
0x31: {  	[sflag:s26] =	ssyncadd.s32 $0xFFFFF7B0  }
0x32: {  	[spmem:s11] =	stream.linear.scatter [tilespmem:s25], [sflag:$0x6], $0x850, $0x38;
	[tilespmem:$0x1FE20] =	vst v63  }
0x33: {  	_ =	swait.ge [sflag:s26], $0x850  }
0x34: {  	[sflag:s26] =	ssyncset.done $0x0  }
0x35: {  	s13 =	simm.s32 $0x100;
	s12 =	simm.s32 $0x0;
	[sflag:s26] =	ssyncadd.s32 $0xFFFFF7B0  }
.LBB2_4:
0x36: {  	p0 =	sne.s32 s13, $0x7F00;
	[tilespmem:s12+$0xF6C0] =	vst v0;
	s14 =	smov.u32 s13;
	s13 =	sadd.s32 $0x100, s13  }
.Ltmp1:
0x37: {  	[tilespmem:s12+$0xF6B0] =	vst v0;
	(pc) =	sbr.rel @p0 .LBB2_4-.Ltmp1, $3  }
0x38: {  	[tilespmem:s12+$0xF690] =	vst v0  }
0x39: {  	[tilespmem:s12+$0xF6A0] =	vst v0;
	_ =	sdelay $0x1  }
0x3a: {  	s12 =	sshra.s32 s14, $0x2  }
0x3b: {  	[tilespmem:s12+$0xF6C0] =	vst v0  }
0x3c: {  	[tilespmem:s12+$0xF6B0] =	vst v0  }
0x3d: {  	[tilespmem:s12+$0xF690] =	vst v0  }
0x3e: {  	[tilespmem:s12+$0xF6A0] =	vst v0  }
0x3f: {  	[spmem:s9] =	stream.linear.scatter [tilespmem:s28], [sflag:$0x6], $0x2000, $0x38;
	[tilespmem:$0x1FE20] =	vst v63  }
0x40: {  	_ =	swait.ge [sflag:s26], $0x2000  }
0x41: {  	[sflag:s26] =	ssyncset.done $0x0  }
0x42: {  	s3 =	rddreg [dreg:$0x4];
	[sflag:s26] =	ssyncadd.s32 $0xFFFFE000  }
0x43: {  	[spmem:s3] =	stream.linear.scatter [tilespmem:s28], [sflag:$0x6], $0x2000, $0x38;
	[tilespmem:$0x1FE20] =	vst v63  }
0x44: {  	_ =	swait.ge [sflag:s26], $0x2000  }
0x45: {  	[sflag:s26] =	ssyncset.done $0x0  }
0x46: {  	s17 =	rddreg [dreg:$0x5];
	[sflag:s26] =	ssyncadd.s32 $0xFFFFE000  }
0x47: {  	[spmem:s17] =	stream.linear.scatter [tilespmem:s28], [sflag:$0x6], $0x2000, $0x38;
	[tilespmem:$0x1FE20] =	vst v63  }
0x48: {  	_ =	swait.ge [sflag:s26], $0x2000  }
0x49: {  	[sflag:s26] =	ssyncset.done $0x0  }
0x4a: {  	s18 =	rddreg [dreg:$0x6];
	[sflag:s26] =	ssyncadd.s32 $0xFFFFE000  }
0x4b: {  	[spmem:s18] =	stream.linear.scatter [tilespmem:s28], [sflag:$0x6], $0x2000, $0x38;
	[tilespmem:$0x1FE20] =	vst v63  }
0x4c: {  	_ =	swait.ge [sflag:s26], $0x2000  }
0x4d: {  	[sflag:s26] =	ssyncset.done $0x0  }
0x4e: {  	s19 =	rddreg [dreg:$0x7];
	[sflag:s26] =	ssyncadd.s32 $0xFFFFE000  }
0x4f: {  	[spmem:s19] =	stream.linear.scatter [tilespmem:s28], [sflag:$0x6], $0x1E00, $0x38;
	[tilespmem:$0x1FE20] =	vst v63  }
0x50: {  	_ =	swait.ge [sflag:s26], $0x1E00  }
0x51: {  	[sflag:s26] =	ssyncset.done $0x0  }
0x52: {  	[sflag:s26] =	ssyncadd.s32 $0xFFFFE200  }
0x53: {  	[bflag:$0x0] =	sbarrier.arrive $0xFFFF  }
0x54: {  	s12 =	simm.s32 $0x0;
	_ =	strace $0x80000048  }
0x55: {  	[tilespmem:s12], [sflag:$0x6] =	stream.linear.gather [hbm4b:s21+s12], $0x2780, $0x200038;
	[tilespmem:$0x1FE20] =	vst v63  }
0x56: {  	_ =	swait.ge [sflag:s26], $0x2780  }
0x57: {  	[sflag:s26] =	ssyncset.done $0x0  }
0x58: {  	[sflag:s26] =	ssyncadd.s32 $0xFFFFD880  }
0x59: {  	[tilespmem:s29], [sflag:$0x6] =	stream.linear.gather [hbm4b:s22+s12], $0x2780, $0x200038;
	[tilespmem:$0x1FE20] =	vst v63  }
0x5a: {  	_ =	swait.ge [sflag:s26], $0x2780  }
0x5b: {  	[sflag:s26] =	ssyncset.done $0x0  }
0x5c: {  	s13 =	simm.s32 $0x0;
	[sflag:s26] =	ssyncadd.s32 $0xFFFFD880  }
0x5d: {  	v5 =	vld [tilespmem:s13+$0x30]  }
0x5e: {  	v6 =	vld [tilespmem:s13+$0x0]  }
0x5f: {  	v8 =	vld [tilespmem:s13+$0x27B0]  }
0x60: {  	v3 =	vld [tilespmem:s13+$0x10]  }
0x61: {  	v2 =	vld [tilespmem:s13+$0x20]  }
0x62: {  	v4 =	vld [tilespmem:s13+$0x2780];
	v9 =	vmul.u32 $0x2710, v5  }
0x63: {  	v5 =	vld [tilespmem:s13+$0x2790]  }
0x64: {  	s14 =	simm.s32 $0x40;
	s15 =	simm.s32 $0x200;
	v7 =	vmul.u32 $0x2710, v6;
	v6 =	vld [tilespmem:s13+$0x27A0];
	v8 =	vadd.s32 v8, v9  }
.LBB2_6:
0x65: {  	p0 =	sne.s32 s15, $0x9D00;
	v9 =	vld [tilespmem:s14+$0x30];
	v10 =	vmul.u32 $0x2710, v3;
	[tilespmem:s13+$0xC5B0] =	vst v8  }
0x66: {  	v8 =	vld [tilespmem:s14+$0x0];
	v11 =	vmul.u32 $0x2710, v2  }
0x67: {  	v12 =	vld [tilespmem:s14+$0x27B0];
	v2 =	vadd.s32 v4, v7  }
.Ltmp2:
0x68: {  	v3 =	vld [tilespmem:s14+$0x10];
	[tilespmem:s13+$0xC580] =	vst v2;
	v4 =	vadd.s32 v5, v10;
	(pc) =	sbr.rel @p0 .LBB2_6-.Ltmp2, $4  }
0x69: {  	v2 =	vld [tilespmem:s14+$0x20];
	[tilespmem:s13+$0xC590] =	vst v4;
	v5 =	vadd.s32 v6, v11  }
0x6a: {  	v4 =	vld [tilespmem:s14+$0x2780];
	v9 =	vmul.u32 $0x2710, v9;
	[tilespmem:s13+$0xC5A0] =	vst v5;
	s13 =	smov.u32 s14  }
0x6b: {  	v7 =	vmul.u32 $0x2710, v8;
	v5 =	vld [tilespmem:s13+$0x2790]  }
0x6c: {  	s14 =	sshra.s32 s15, $0x2;
	s15 =	sadd.s32 $0x100, s15;
	v6 =	vld [tilespmem:s13+$0x27A0];
	v8 =	vadd.s32 v12, v9  }
0x6d: {  	v9 =	vld [tilespmem:s14+$0x30];
	[tilespmem:s13+$0xC5B0] =	vst v8  }
0x6e: {  	v3 =	vmul.u32 $0x2710, v3;
	v8 =	vld [tilespmem:s14+$0x0]  }
0x6f: {  	v10 =	vld [tilespmem:s14+$0x27B0];
	v2 =	vmul.u32 $0x2710, v2;
	v4 =	vadd.s32 v4, v7  }
0x70: {  	v61 =	vld [tilespmem:s14+$0x10];
	[tilespmem:s13+$0xC580] =	vst v4;
	v3 =	vadd.s32 v5, v3  }
0x71: {  	v4 =	vld [tilespmem:s14+$0x20];
	[tilespmem:s13+$0xC590] =	vst v3;
	v2 =	vadd.s32 v6, v2  }
0x72: {  	v3 =	vld [tilespmem:s14+$0x2780];
	[tilespmem:s13+$0xC5A0] =	vst v2  }
0x73: {  	v2 =	vld [tilespmem:s14+$0x2790]  }
0x74: {  	v62 =	vmul.u32 $0x2710, v9;
	v63 =	vld [tilespmem:s14+$0x27A0]  }
0x75: {  	v8 =	vmul.u32 $0x2710, v8  }
0x76: {  	v7 =	vmul.u32 $0x2710, v61;
	v5 =	vadd.s32 v10, v62  }
0x77: {  	[tilespmem:s14+$0xC5B0] =	vst v5;
	v4 =	vmul.u32 $0x2710, v4;
	v3 =	vadd.s32 v3, v8  }
0x78: {  	[tilespmem:s14+$0xC580] =	vst v3;
	v2 =	vadd.s32 v2, v7  }
0x79: {  	[tilespmem:s14+$0xC590] =	vst v2;
	v2 =	vadd.s32 v63, v4  }
0x7a: {  	[tilespmem:s14+$0xC5A0] =	vst v2  }
.LBB2_8:
0x7b: {  	p0 =	sne.s32 s12, $0x9D00  }
.Ltmp3:
0x7c: {  	_ = 	snop;
	(pc) =	sbr.rel @p0 .LBB2_8-.Ltmp3, $4  }
0x7d: {  	_ = 	snop  }
0x7e: {  	s13 =	sshra.s32 s12, $0x2  }
0x7f: {  	s12 =	sadd.s32 $0x100, s12;
	s13 =	sadd.s32 $0xC580, s13  }
0x80: {  	[spmem:s1] =	stream.indirect.scatter.add.f32 [tilespmem:s31], [sflag:$0x5], $0x1, s13, s30, $0x2000b8;
	[tilespmem:$0x1FE20] =	vst v63  }
0x81: {  	_ =	swait.ge [sflag:s0], $0x40  }
0x82: {  	s12 =	simm.s32 $0x9D;
	[sflag:s0] =	ssyncset.done $0x0  }
.LBB2_10:
0x83: {  	p0 =	sne.s32 s12, $0x1;
	s12 =	sadd.s32 $0xFFFFFFFF, s12;
	[sflag:s0] =	ssyncadd.s32 $0xFFFFFFC0  }
.Ltmp4:
0x84: {  	(pc) =	sbr.rel @p0 .LBB2_10-.Ltmp4, $3  }
0x85: {  	_ =	sdelay $0x1  }
0x86: {  	_ =	swait.ge [sflag:s0], $0x40  }
0x87: {  	[sflag:s0] =	ssyncset.done $0x0  }
0x88: {  	[sflag:s0] =	ssyncadd.s32 $0xFFFFFFC0;
	s12 =	simm.s32 $0x0  }
0x89: {  	[tilespmem:s12], [sflag:$0x6] =	stream.linear.gather [hbm4b:s23+s12], $0x2780, $0x200038;
	[tilespmem:$0x1FE20] =	vst v63  }
0x8a: {  	_ =	swait.ge [sflag:s26], $0x2780  }
0x8b: {  	[sflag:s26] =	ssyncset.done $0x0  }
0x8c: {  	[sflag:s26] =	ssyncadd.s32 $0xFFFFD880  }
0x8d: {  	[tilespmem:s29], [sflag:$0x6] =	stream.linear.gather [hbm4b:s24+s12], $0x2780, $0x200038;
	[tilespmem:$0x1FE20] =	vst v63  }
0x8e: {  	_ =	swait.ge [sflag:s26], $0x2780  }
0x8f: {  	[sflag:s26] =	ssyncset.done $0x0  }
0x90: {  	s13 =	simm.s32 $0x0;
	[sflag:s26] =	ssyncadd.s32 $0xFFFFD880  }
0x91: {  	v5 =	vld [tilespmem:s13+$0x30]  }
0x92: {  	v6 =	vld [tilespmem:s13+$0x0]  }
0x93: {  	v8 =	vld [tilespmem:s13+$0x27B0]  }
0x94: {  	v3 =	vld [tilespmem:s13+$0x10]  }
0x95: {  	v2 =	vld [tilespmem:s13+$0x20]  }
0x96: {  	v4 =	vld [tilespmem:s13+$0x2780];
	v9 =	vmul.u32 $0x2710, v5  }
0x97: {  	v5 =	vld [tilespmem:s13+$0x2790]  }
0x98: {  	s14 =	simm.s32 $0x40;
	s15 =	simm.s32 $0x200;
	v7 =	vmul.u32 $0x2710, v6;
	v6 =	vld [tilespmem:s13+$0x27A0];
	v8 =	vadd.s32 v8, v9  }
.LBB2_12:
0x99: {  	p0 =	sne.s32 s15, $0x9D00;
	v9 =	vld [tilespmem:s14+$0x30];
	v10 =	vmul.u32 $0x2710, v3;
	[tilespmem:s13+$0xC5B0] =	vst v8  }
0x9a: {  	v8 =	vld [tilespmem:s14+$0x0];
	v11 =	vmul.u32 $0x2710, v2  }
0x9b: {  	v12 =	vld [tilespmem:s14+$0x27B0];
	v2 =	vadd.s32 v4, v7  }
.Ltmp5:
0x9c: {  	v3 =	vld [tilespmem:s14+$0x10];
	[tilespmem:s13+$0xC580] =	vst v2;
	v4 =	vadd.s32 v5, v10;
	(pc) =	sbr.rel @p0 .LBB2_12-.Ltmp5, $4  }
0x9d: {  	v2 =	vld [tilespmem:s14+$0x20];
	[tilespmem:s13+$0xC590] =	vst v4;
	v5 =	vadd.s32 v6, v11  }
0x9e: {  	v4 =	vld [tilespmem:s14+$0x2780];
	v9 =	vmul.u32 $0x2710, v9;
	[tilespmem:s13+$0xC5A0] =	vst v5;
	s13 =	smov.u32 s14  }
0x9f: {  	v7 =	vmul.u32 $0x2710, v8;
	v5 =	vld [tilespmem:s13+$0x2790]  }
0xa0: {  	s14 =	sshra.s32 s15, $0x2;
	s15 =	sadd.s32 $0x100, s15;
	v6 =	vld [tilespmem:s13+$0x27A0];
	v8 =	vadd.s32 v12, v9  }
0xa1: {  	v9 =	vld [tilespmem:s14+$0x30];
	[tilespmem:s13+$0xC5B0] =	vst v8  }
0xa2: {  	v3 =	vmul.u32 $0x2710, v3;
	v8 =	vld [tilespmem:s14+$0x0]  }
0xa3: {  	v10 =	vld [tilespmem:s14+$0x27B0];
	v2 =	vmul.u32 $0x2710, v2;
	v4 =	vadd.s32 v4, v7  }
0xa4: {  	v61 =	vld [tilespmem:s14+$0x10];
	[tilespmem:s13+$0xC580] =	vst v4;
	v3 =	vadd.s32 v5, v3  }
0xa5: {  	v4 =	vld [tilespmem:s14+$0x20];
	[tilespmem:s13+$0xC590] =	vst v3;
	v2 =	vadd.s32 v6, v2  }
0xa6: {  	v3 =	vld [tilespmem:s14+$0x2780];
	[tilespmem:s13+$0xC5A0] =	vst v2  }
0xa7: {  	v2 =	vld [tilespmem:s14+$0x2790]  }
0xa8: {  	v62 =	vmul.u32 $0x2710, v9;
	v63 =	vld [tilespmem:s14+$0x27A0]  }
0xa9: {  	v8 =	vmul.u32 $0x2710, v8  }
0xaa: {  	v7 =	vmul.u32 $0x2710, v61;
	v5 =	vadd.s32 v10, v62  }
0xab: {  	[tilespmem:s14+$0xC5B0] =	vst v5;
	v4 =	vmul.u32 $0x2710, v4;
	v3 =	vadd.s32 v3, v8  }
0xac: {  	[tilespmem:s14+$0xC580] =	vst v3;
	v2 =	vadd.s32 v2, v7  }
0xad: {  	[tilespmem:s14+$0xC590] =	vst v2;
	v2 =	vadd.s32 v63, v4  }
0xae: {  	[tilespmem:s14+$0xC5A0] =	vst v2  }
.LBB2_14:
0xaf: {  	p0 =	sne.s32 s12, $0x9D00  }
.Ltmp6:
0xb0: {  	_ = 	snop;
	(pc) =	sbr.rel @p0 .LBB2_14-.Ltmp6, $4  }
0xb1: {  	_ = 	snop  }
0xb2: {  	s13 =	sshra.s32 s12, $0x2  }
0xb3: {  	s12 =	sadd.s32 $0x100, s12;
	s13 =	sadd.s32 $0xC580, s13  }
0xb4: {  	[spmem:s1] =	stream.indirect.scatter.add.f32 [tilespmem:s31], [sflag:$0x5], $0x1, s13, s30, $0x2000b8;
	[tilespmem:$0x1FE20] =	vst v63  }
0xb5: {  	_ =	swait.ge [sflag:s0], $0x40  }
0xb6: {  	s12 =	simm.s32 $0x9D;
	[sflag:s0] =	ssyncset.done $0x0  }
.LBB2_16:
0xb7: {  	p0 =	sne.s32 s12, $0x1;
	s12 =	sadd.s32 $0xFFFFFFFF, s12;
	[sflag:s0] =	ssyncadd.s32 $0xFFFFFFC0  }
.Ltmp7:
0xb8: {  	(pc) =	sbr.rel @p0 .LBB2_16-.Ltmp7, $3  }
0xb9: {  	_ =	sdelay $0x1  }
0xba: {  	_ =	swait.ge [sflag:s0], $0x40  }
0xbb: {  	[sflag:s0] =	ssyncset.done $0x0  }
0xbc: {  	[sflag:s0] =	ssyncadd.s32 $0xFFFFFFC0  }
0xbd: {  	[bflag:$0x0] =	sbarrier.arrive $0xFFFF  }
0xbe: {  	_ =	strace $0x90000048  }
0xbf: {  	[tilespmem:s25], [sflag:$0x6] =	stream.linear.gather [spmem:s6], $0x850, $0x38;
	[tilespmem:$0x1FE20] =	vst v63  }
0xc0: {  	_ =	swait.ge [sflag:s26], $0x850  }
0xc1: {  	[sflag:s26] =	ssyncset.done $0x0  }
0xc2: {  	s12 =	simm.s32 $0x0;
	s13 =	simm.s32 $0x40;
	[sflag:s26] =	ssyncadd.s32 $0xFFFFF7B0  }
.LBB2_18:
0xc3: {  	p0 =	sne.s32 s13, $0x2100;
	v2 =	vld [tilespmem:s12+$0xEE40];
	_ =	sdelay $0x4  }
0xc4: {  	v2 =	vmax.f32 v2, $1.000000000e+00  }
0xc5: {  	(erf) = vrcp.f32 v2;
	_ =	sdelay $0x5  }
.Ltmp8:
0xc6: {  	(pc) =	sbr.rel @p0 .LBB2_18-.Ltmp8, $3  }
0xc7: {  	_ =	sdelay $0x1  }
0xc8: {  	v2 =	vpop (erf)  }
0xc9: {  	[tilespmem:s12+$0xEE40] =	vst v2;
	s12 =	sshra.s32 s13, $0x2;
	s13 =	sadd.s32 $0x40, s13  }
0xca: {  	v2 =	vld [tilespmem:s12+$0xEE40];
	_ =	sdelay $0x4  }
0xcb: {  	v2 =	vmax.f32 v2, $1.000000000e+00  }
0xcc: {  	(erf) = vrcp.f32 v2;
	_ =	sdelay $0x8  }
0xcd: {  	v2 =	vpop (erf)  }
0xce: {  	[tilespmem:s12+$0xEE40] =	vst v2  }
0xcf: {  	[spmem:s6] =	stream.linear.scatter [tilespmem:s25], [sflag:$0x6], $0x850, $0x38;
	[tilespmem:$0x1FE20] =	vst v63  }
0xd0: {  	_ =	swait.ge [sflag:s26], $0x850  }
0xd1: {  	[sflag:s26] =	ssyncset.done $0x0  }
0xd2: {  	[sflag:s26] =	ssyncadd.s32 $0xFFFFF7B0  }
0xd3: {  	[tilespmem:s25], [sflag:$0x6] =	stream.linear.gather [spmem:s7], $0x850, $0x38;
	[tilespmem:$0x1FE20] =	vst v63  }
0xd4: {  	_ =	swait.ge [sflag:s26], $0x850  }
0xd5: {  	[sflag:s26] =	ssyncset.done $0x0  }
0xd6: {  	s13 =	simm.s32 $0x40;
	s12 =	simm.s32 $0x0;
	[sflag:s26] =	ssyncadd.s32 $0xFFFFF7B0  }
.LBB2_20:
0xd7: {  	p0 =	sne.s32 s13, $0x2100;
	v2 =	vld [tilespmem:s12+$0xEE40];
	_ =	sdelay $0x4  }
0xd8: {  	v2 =	vmax.f32 v2, $1.000000000e+00  }
0xd9: {  	(erf) = vrcp.f32 v2;
	_ =	sdelay $0x5  }
.Ltmp9:
0xda: {  	(pc) =	sbr.rel @p0 .LBB2_20-.Ltmp9, $3  }
0xdb: {  	_ =	sdelay $0x1  }
0xdc: {  	v2 =	vpop (erf)  }
0xdd: {  	[tilespmem:s12+$0xEE40] =	vst v2;
	s12 =	sshra.s32 s13, $0x2;
	s13 =	sadd.s32 $0x40, s13  }
0xde: {  	v2 =	vld [tilespmem:s12+$0xEE40];
	_ =	sdelay $0x4  }
0xdf: {  	v2 =	vmax.f32 v2, $1.000000000e+00  }
0xe0: {  	(erf) = vrcp.f32 v2;
	_ =	sdelay $0x8  }
0xe1: {  	v2 =	vpop (erf)  }
0xe2: {  	[tilespmem:s12+$0xEE40] =	vst v2  }
0xe3: {  	[spmem:s7] =	stream.linear.scatter [tilespmem:s25], [sflag:$0x6], $0x850, $0x38;
	[tilespmem:$0x1FE20] =	vst v63  }
0xe4: {  	_ =	swait.ge [sflag:s26], $0x850  }
0xe5: {  	[sflag:s26] =	ssyncset.done $0x0  }
0xe6: {  	[sflag:s26] =	ssyncadd.s32 $0xFFFFF7B0  }
0xe7: {  	[tilespmem:s25], [sflag:$0x6] =	stream.linear.gather [spmem:s8], $0x850, $0x38;
	[tilespmem:$0x1FE20] =	vst v63  }
0xe8: {  	_ =	swait.ge [sflag:s26], $0x850  }
0xe9: {  	[sflag:s26] =	ssyncset.done $0x0  }
0xea: {  	s13 =	simm.s32 $0x40;
	s12 =	simm.s32 $0x0;
	[sflag:s26] =	ssyncadd.s32 $0xFFFFF7B0  }
.LBB2_22:
0xeb: {  	p0 =	sne.s32 s13, $0x2100;
	v2 =	vld [tilespmem:s12+$0xEE40];
	_ =	sdelay $0x4  }
0xec: {  	v2 =	vmax.f32 v2, $1.000000000e+00  }
0xed: {  	(erf) = vrcp.f32 v2;
	_ =	sdelay $0x5  }
.Ltmp10:
0xee: {  	(pc) =	sbr.rel @p0 .LBB2_22-.Ltmp10, $3  }
0xef: {  	_ =	sdelay $0x1  }
0xf0: {  	v2 =	vpop (erf)  }
0xf1: {  	[tilespmem:s12+$0xEE40] =	vst v2;
	s12 =	sshra.s32 s13, $0x2;
	s13 =	sadd.s32 $0x40, s13  }
0xf2: {  	v2 =	vld [tilespmem:s12+$0xEE40];
	_ =	sdelay $0x4  }
0xf3: {  	v2 =	vmax.f32 v2, $1.000000000e+00  }
0xf4: {  	(erf) = vrcp.f32 v2;
	_ =	sdelay $0x8  }
0xf5: {  	v2 =	vpop (erf)  }
0xf6: {  	[tilespmem:s12+$0xEE40] =	vst v2  }
0xf7: {  	[spmem:s8] =	stream.linear.scatter [tilespmem:s25], [sflag:$0x6], $0x850, $0x38;
	[tilespmem:$0x1FE20] =	vst v63  }
0xf8: {  	_ =	swait.ge [sflag:s26], $0x850  }
0xf9: {  	[sflag:s26] =	ssyncset.done $0x0  }
0xfa: {  	[sflag:s26] =	ssyncadd.s32 $0xFFFFF7B0  }
0xfb: {  	[tilespmem:s25], [sflag:$0x6] =	stream.linear.gather [spmem:s10], $0x850, $0x38;
	[tilespmem:$0x1FE20] =	vst v63  }
0xfc: {  	_ =	swait.ge [sflag:s26], $0x850  }
0xfd: {  	[sflag:s26] =	ssyncset.done $0x0  }
0xfe: {  	s13 =	simm.s32 $0x40;
	s12 =	simm.s32 $0x0;
	[sflag:s26] =	ssyncadd.s32 $0xFFFFF7B0  }
.LBB2_24:
0xff: {  	p0 =	sne.s32 s13, $0x2100;
	v2 =	vld [tilespmem:s12+$0xEE40];
	_ =	sdelay $0x4  }
0x100: {  	v2 =	vmax.f32 v2, $1.000000000e+00  }
0x101: {  	(erf) = vrcp.f32 v2;
	_ =	sdelay $0x5  }
.Ltmp11:
0x102: {  	(pc) =	sbr.rel @p0 .LBB2_24-.Ltmp11, $3  }
0x103: {  	_ =	sdelay $0x1  }
0x104: {  	v2 =	vpop (erf)  }
0x105: {  	[tilespmem:s12+$0xEE40] =	vst v2;
	s12 =	sshra.s32 s13, $0x2;
	s13 =	sadd.s32 $0x40, s13  }
0x106: {  	v2 =	vld [tilespmem:s12+$0xEE40];
	_ =	sdelay $0x4  }
0x107: {  	v2 =	vmax.f32 v2, $1.000000000e+00  }
0x108: {  	(erf) = vrcp.f32 v2;
	_ =	sdelay $0x8  }
0x109: {  	v2 =	vpop (erf)  }
0x10a: {  	[tilespmem:s12+$0xEE40] =	vst v2  }
0x10b: {  	[spmem:s10] =	stream.linear.scatter [tilespmem:s25], [sflag:$0x6], $0x850, $0x38;
	[tilespmem:$0x1FE20] =	vst v63  }
0x10c: {  	_ =	swait.ge [sflag:s26], $0x850  }
0x10d: {  	[sflag:s26] =	ssyncset.done $0x0  }
0x10e: {  	[sflag:s26] =	ssyncadd.s32 $0xFFFFF7B0  }
0x10f: {  	[tilespmem:s25], [sflag:$0x6] =	stream.linear.gather [spmem:s11], $0x850, $0x38;
	[tilespmem:$0x1FE20] =	vst v63  }
0x110: {  	_ =	swait.ge [sflag:s26], $0x850  }
0x111: {  	[sflag:s26] =	ssyncset.done $0x0  }
0x112: {  	s13 =	simm.s32 $0x40;
	s12 =	simm.s32 $0x0;
	[sflag:s26] =	ssyncadd.s32 $0xFFFFF7B0  }
.LBB2_26:
0x113: {  	p0 =	sne.s32 s13, $0x2100;
	v2 =	vld [tilespmem:s12+$0xEE40];
	_ =	sdelay $0x4  }
0x114: {  	v2 =	vmax.f32 v2, $1.000000000e+00  }
0x115: {  	(erf) = vrcp.f32 v2;
	_ =	sdelay $0x5  }
.Ltmp12:
0x116: {  	(pc) =	sbr.rel @p0 .LBB2_26-.Ltmp12, $3  }
0x117: {  	_ =	sdelay $0x1  }
0x118: {  	v2 =	vpop (erf)  }
0x119: {  	[tilespmem:s12+$0xEE40] =	vst v2;
	s12 =	sshra.s32 s13, $0x2;
	s13 =	sadd.s32 $0x40, s13  }
0x11a: {  	v2 =	vld [tilespmem:s12+$0xEE40];
	_ =	sdelay $0x4  }
0x11b: {  	v2 =	vmax.f32 v2, $1.000000000e+00  }
0x11c: {  	(erf) = vrcp.f32 v2;
	_ =	sdelay $0x8  }
0x11d: {  	v2 =	vpop (erf)  }
0x11e: {  	[tilespmem:s12+$0xEE40] =	vst v2  }
0x11f: {  	[spmem:s11] =	stream.linear.scatter [tilespmem:s25], [sflag:$0x6], $0x850, $0x38;
	[tilespmem:$0x1FE20] =	vst v63  }
0x120: {  	_ =	swait.ge [sflag:s26], $0x850  }
0x121: {  	[sflag:s26] =	ssyncset.done $0x0  }
0x122: {  	[sflag:s26] =	ssyncadd.s32 $0xFFFFF7B0  }
0x123: {  	[bflag:$0x0] =	sbarrier.arrive $0xFFFF  }
0x124: {  	_ =	strace $0x80000049  }
0x125: {  	s17 =	simm.s32 $0x0;
	s3 =	rddreg [dreg:$0x8]  }
0x126: {  	[tilespmem:s17], [sflag:$0x6] =	stream.linear.gather [hbm4b:s3+s17], $0x2780, $0x200038;
	[tilespmem:$0x1FE20] =	vst v63  }
0x127: {  	_ =	swait.ge [sflag:s26], $0x2780  }
0x128: {  	[sflag:s26] =	ssyncset.done $0x0  }
0x129: {  	s18 =	rddreg [dreg:$0x9];
	[sflag:s26] =	ssyncadd.s32 $0xFFFFD880  }
0x12a: {  	[tilespmem:s29], [sflag:$0x6] =	stream.linear.gather [hbm4b:s18+s17], $0x2780, $0x200038;
	[tilespmem:$0x1FE20] =	vst v63  }
0x12b: {  	_ =	swait.ge [sflag:s26], $0x2780  }
0x12c: {  	[sflag:s26] =	ssyncset.done $0x0  }
0x12d: {  	s13 =	simm.s32 $0x4F00;
	s19 =	rddreg [dreg:$0xa];
	[sflag:s26] =	ssyncadd.s32 $0xFFFFD880  }
0x12e: {  	[tilespmem:s13], [sflag:$0x6] =	stream.linear.gather [hbm4b:s19+s17], $0x2780, $0x200038;
	[tilespmem:$0x1FE20] =	vst v63  }
0x12f: {  	_ =	swait.ge [sflag:s26], $0x2780  }
0x130: {  	[sflag:s26] =	ssyncset.done $0x0  }
0x131: {  	s13 =	simm.s32 $0x0;
	[sflag:s26] =	ssyncadd.s32 $0xFFFFD880  }
0x132: {  	v2 =	vld [tilespmem:s13+$0x30];
	_ =	sdelay $0x1  }
0x133: {  	v4 =	vld [tilespmem:s13+$0x4F30]  }
0x134: {  	v3 =	vld [tilespmem:s13+$0x0]  }
0x135: {  	v5 =	vld [tilespmem:s13+$0x10]  }
0x136: {  	v7 =	vld [tilespmem:s13+$0x4F00];
	v2 =	vmul.u32 $0x2710, v2  }
0x137: {  	v6 =	vld [tilespmem:s13+$0x20]  }
0x138: {  	v8 =	vld [tilespmem:s13+$0x4F10];
	v4 =	vadd.s32 v2, v4  }
0x139: {  	v9 =	vld [tilespmem:s13+$0x4F20];
	v3 =	vmul.u32 $0x2710, v3;
	vm0 =	vlt.s32 v4, $0x270FF  }
0x13a: {  	v10 =	vld [tilespmem:s13+$0x2780];
	v4 =	vnsel vm0, $0x270FF, v4  }
0x13b: {  	v12 =	vld [tilespmem:s13+$0x2790];
	v7 =	vadd.s32 v3, v7;
	[tilespmem:s13+$0x9E30] =	vst v4;
	v4 =	vmul.u32 $0x2710, v5  }
0x13c: {  	s12 =	simm.s32 $0x40;
	v14 =	vld [tilespmem:s13+$0x27A0];
	v6 =	vmul.u32 $0x2710, v6;
	vm0 =	vlt.s32 v7, $0x270FF  }
0x13d: {  	v7 =	vnsel vm0, $0x270FF, v7;
	v13 =	vld [tilespmem:s12+$0x30];
	v8 =	vadd.s32 v4, v8  }
0x13e: {  	v15 =	vld [tilespmem:s12+$0x0];
	[tilespmem:s13+$0x9E00] =	vst v7;
	v7 =	vadd.s32 v6, v9;
	vm0 =	vlt.s32 v8, $0x270FF  }
0x13f: {  	v5 =	vld [tilespmem:s13+$0x27B0];
	v8 =	vnsel vm0, $0x270FF, v8;
	vm0 =	vlt.s32 v7, $0x270FF  }
0x140: {  	v9 =	vld [tilespmem:s12+$0x4F30];
	[tilespmem:s13+$0x9E10] =	vst v8;
	v7 =	vnsel vm0, $0x270FF, v7  }
0x141: {  	v3 =	vadd.s32 v10, v3;
	v16 =	vld [tilespmem:s12+$0x10];
	[tilespmem:s13+$0x9E20] =	vst v7  }
0x142: {  	v17 =	vld [tilespmem:s12+$0x20];
	[tilespmem:s13+$0x7680] =	vst v3;
	v3 =	vadd.s32 v12, v4  }
0x143: {  	v4 =	vmul.u32 $0x2710, v13;
	v7 =	vld [tilespmem:s12+$0x4F00];
	[tilespmem:s13+$0x7690] =	vst v3;
	v3 =	vadd.s32 v14, v6  }
0x144: {  	v2 =	vadd.s32 v5, v2;
	v18 =	vld [tilespmem:s12+$0x4F10];
	[tilespmem:s13+$0x76A0] =	vst v3  }
0x145: {  	v6 =	vadd.s32 v4, v9;
	v11 =	vld [tilespmem:s12+$0x4F20];
	[tilespmem:s13+$0x76B0] =	vst v2  }
0x146: {  	v8 =	vmul.u32 $0x2710, v15;
	vm0 =	vlt.s32 v6, $0x270FF;
	v3 =	vld [tilespmem:s12+$0x2780];
	[tilespmem:s13+$0xC580] =	vst v10  }
0x147: {  	v10 =	vnsel vm0, $0x270FF, v6;
	v9 =	vmul.u32 $0x2710, v16;
	v2 =	vld [tilespmem:s12+$0x2790];
	[tilespmem:s13+$0xC590] =	vst v12  }
0x148: {  	v6 =	vld [tilespmem:s12+$0x27A0];
	[tilespmem:s12+$0x9E30] =	vst v10;
	v13 =	vadd.s32 v8, v7;
	v10 =	vmul.u32 $0x2710, v17  }
0x149: {  	s14 =	simm.s32 $0x80;
	s15 =	simm.s32 $0x300;
	v7 =	vld [tilespmem:s12+$0x27B0];
	vm0 =	vlt.s32 v13, $0x270FF;
	v12 =	vadd.s32 v9, v18;
	[tilespmem:s13+$0xC5A0] =	vst v14  }
.LBB2_28:
0x14a: {  	p0 =	sne.s32 s15, $0x9D00;
	v14 =	vld [tilespmem:s14+$0x30];
	v13 =	vnsel vm0, $0x270FF, v13;
	vm0 =	vlt.s32 v12, $0x270FF;
	v11 =	vadd.s32 v10, v11;
	[tilespmem:s13+$0xC5B0] =	vst v5;
	s13 =	smov.u32 s12;
	s12 =	smov.u32 s14  }
0x14b: {  	v15 =	vld [tilespmem:s12+$0x0];
	v5 =	vadd.s32 v3, v8;
	[tilespmem:s13+$0x9E00] =	vst v13;
	v8 =	vnsel vm0, $0x270FF, v12;
	vm0 =	vlt.s32 v11, $0x270FF  }
0x14c: {  	v12 =	vld [tilespmem:s12+$0x4F30];
	v9 =	vadd.s32 v2, v9;
	[tilespmem:s13+$0x9E10] =	vst v8;
	v8 =	vnsel vm0, $0x270FF, v11  }
0x14d: {  	v13 =	vld [tilespmem:s12+$0x10];
	v10 =	vadd.s32 v6, v10;
	[tilespmem:s13+$0x9E20] =	vst v8;
	v16 =	vmov v6  }
0x14e: {  	v6 =	vld [tilespmem:s12+$0x20];
	[tilespmem:s13+$0x7680] =	vst v5;
	v17 =	vadd.s32 v7, v4;
	v5 =	vmov v7  }
0x14f: {  	v7 =	vld [tilespmem:s12+$0x4F00];
	v4 =	vmul.u32 $0x2710, v14;
	[tilespmem:s13+$0x7690] =	vst v9  }
0x150: {  	v8 =	vmul.u32 $0x2710, v15;
	v14 =	vld [tilespmem:s12+$0x4F10];
	[tilespmem:s13+$0x76A0] =	vst v10  }
.Ltmp13:
0x151: {  	v11 =	vld [tilespmem:s12+$0x4F20];
	v12 =	vadd.s32 v4, v12;
	[tilespmem:s13+$0x76B0] =	vst v17;
	(pc) =	sbr.rel @p0 .LBB2_28-.Ltmp13, $4  }
0x152: {  	v9 =	vmul.u32 $0x2710, v13;
	vm0 =	vlt.s32 v12, $0x270FF;
	[tilespmem:s13+$0xC580] =	vst v3;
	v3 =	vld [tilespmem:s12+$0x2780]  }
0x153: {  	v10 =	vmul.u32 $0x2710, v6;
	v12 =	vnsel vm0, $0x270FF, v12;
	[tilespmem:s13+$0xC590] =	vst v2;
	v2 =	vld [tilespmem:s12+$0x2790]  }
0x154: {  	v13 =	vadd.s32 v8, v7;
	v6 =	vld [tilespmem:s12+$0x27A0];
	[tilespmem:s12+$0x9E30] =	vst v12  }
0x155: {  	s14 =	sshra.s32 s15, $0x2;
	s15 =	sadd.s32 $0x100, s15;
	vm0 =	vlt.s32 v13, $0x270FF;
	v12 =	vadd.s32 v9, v14;
	v7 =	vld [tilespmem:s12+$0x27B0];
	[tilespmem:s13+$0xC5A0] =	vst v16  }
0x156: {  	v14 =	vld [tilespmem:s14+$0x30];
	[tilespmem:s13+$0xC5B0] =	vst v5;
	v44 =	vnsel vm0, $0x270FF, v13;
	vm10 =	vlt.s32 v12, $0x270FF;
	v46 =	vadd.s32 v10, v11  }
0x157: {  	v45 =	vld [tilespmem:s14+$0x0];
	[tilespmem:s12+$0x9E00] =	vst v44;
	v47 =	vnsel vm10, $0x270FF, v12;
	vm11 =	vlt.s32 v46, $0x270FF  }
0x158: {  	v48 =	vld [tilespmem:s14+$0x4F30];
	[tilespmem:s12+$0x9E10] =	vst v47;
	v5 =	vnsel vm11, $0x270FF, v46  }
0x159: {  	v49 =	vadd.s32 v3, v8;
	v11 =	vld [tilespmem:s14+$0x10];
	[tilespmem:s12+$0x9E20] =	vst v5  }
0x15a: {  	v51 =	vadd.s32 v2, v9;
	v50 =	vld [tilespmem:s14+$0x20];
	[tilespmem:s12+$0x7680] =	vst v49  }
0x15b: {  	v53 =	vadd.s32 v6, v10;
	v52 =	vld [tilespmem:s14+$0x4F00];
	[tilespmem:s12+$0x7690] =	vst v51  }
0x15c: {  	v4 =	vadd.s32 v7, v4;
	v55 =	vmul.u32 $0x2710, v14;
	v54 =	vld [tilespmem:s14+$0x4F10];
	[tilespmem:s12+$0x76A0] =	vst v53  }
0x15d: {  	v5 =	vld [tilespmem:s14+$0x4F20];
	[tilespmem:s12+$0x76B0] =	vst v4  }
0x15e: {  	v56 =	vld [tilespmem:s14+$0x2780];
	[tilespmem:s12+$0xC580] =	vst v3;
	v3 =	vadd.s32 v55, v48  }
0x15f: {  	vm12 =	vlt.s32 v3, $0x270FF  }
0x160: {  	v57 =	vld [tilespmem:s14+$0x2790];
	[tilespmem:s12+$0xC590] =	vst v2;
	v2 =	vmul.u32 $0x2710, v45;
	v3 =	vnsel vm12, $0x270FF, v3  }
0x161: {  	v11 =	vmul.u32 $0x2710, v11;
	v58 =	vld [tilespmem:s14+$0x27A0];
	[tilespmem:s14+$0x9E30] =	vst v3  }
0x162: {  	v60 =	vld [tilespmem:s14+$0x27B0];
	v59 =	vadd.s32 v2, v52;
	[tilespmem:s12+$0xC5A0] =	vst v6  }
0x163: {  	v10 =	vadd.s32 v11, v54;
	vm13 =	vlt.s32 v59, $0x270FF;
	[tilespmem:s12+$0xC5B0] =	vst v7  }
0x164: {  	vm14 =	vlt.s32 v10, $0x270FF;
	v61 =	vnsel vm13, $0x270FF, v59;
	[tilespmem:s14+$0xC580] =	vst v56  }
0x165: {  	v62 =	vnsel vm14, $0x270FF, v10;
	[tilespmem:s14+$0x9E00] =	vst v61  }
0x166: {  	v2 =	vadd.s32 v56, v2;
	[tilespmem:s14+$0x9E10] =	vst v62  }
0x167: {  	v3 =	vmul.u32 $0x2710, v50;
	[tilespmem:s14+$0x7680] =	vst v2  }
0x168: {  	v63 =	vadd.s32 v57, v11;
	[tilespmem:s14+$0xC590] =	vst v57  }
0x169: {  	v5 =	vadd.s32 v3, v5;
	[tilespmem:s14+$0x7690] =	vst v63  }
0x16a: {  	vm15 =	vlt.s32 v5, $0x270FF;
	[tilespmem:s14+$0xC5A0] =	vst v58  }
0x16b: {  	v5 =	vnsel vm15, $0x270FF, v5;
	[tilespmem:s14+$0xC5B0] =	vst v60  }
0x16c: {  	v2 =	vadd.s32 v58, v3;
	[tilespmem:s14+$0x9E20] =	vst v5  }
0x16d: {  	v3 =	vadd.s32 v60, v55;
	[tilespmem:s14+$0x76A0] =	vst v2  }
0x16e: {  	s3 =	simm.s32 $0x80;
	s17 =	simm.s32 $0x9E00;
	s18 =	simm.s32 $0x7680;
	[tilespmem:s14+$0x76B0] =	vst v3  }
0x16f: {  	[tilespmem:s28], [sflag:$0x1] =	stream.indirect.gather [hbm4b:s5+s3], $0x40, s17, s3, $0x2000b8;
	[tilespmem:$0x1FE20] =	vst v63  }
0x170: {  	s19 =	simm.s32 $0xED40;
	p0 =	por $0x0, $0x0;
	s12 =	simm.s32 $0x0  }
0x171: {  	[tilespmem:s19], [sflag:$0x3] =	stream.indirect.gather [spmem:s1], $0x1, s18, s3, $0x2000b8;
	[tilespmem:$0x1FE20] =	vst v63  }
.LBB2_30:
0x172: {  	s14 =	sand.u32 $0x1, s12;
	p1 =	seq.s32 s12, $0x4E  }
0x173: {  	s13 =	sadd.s32 $0x1, s12;
	s15 =	sxor.u32 @!p1 $0x1, s14  }
0x174: {  	s17 =	sshll.u32 @!p1 s13, $0x7;
	s19 =	simm.s32 @!p1 $0x80;
	s16 =	sshll.u32 @!p1 s15, $0xD  }
0x175: {  	s18 =	sadd.s32 @!p1 $0x9E00, s17;
	s3 =	sadd.s32 @!p1 $0x1, s15;
	s16 =	sadd.s32 @!p1 $0xF690, s16  }
0x176: {  	[tilespmem:s16], [sflag:s3] =	stream.indirect.gather @!p1 [hbm4b:s5+s19], $0x40, s18, s19, $0x2000b8;
	[tilespmem:$0x1FE20] =	vst v63  }
0x177: {  	s3 =	sshll.u32 @!p1 s15, $0x7  }
0x178: {  	s16 =	sadd.s32 @!p1 $0x7680, s17;
	s15 =	sadd.s32 @!p1 $0x3, s15;
	s3 =	sor.u32 @!p1 $0xED40, s3  }
0x179: {  	[tilespmem:s3], [sflag:s15] =	stream.indirect.gather @!p1 [spmem:s1], $0x1, s16, s19, $0x2000b8;
	[tilespmem:$0x1FE20] =	vst v63  }
0x17a: {  	s15 =	simm.s32 $0x1  }
0x17b: {  	s16 =	sadd.s32 $0x1, s14;
	s15 =	simm.s32 @!p0 $0x0  }
0x17c: {  	_ =	swait.ge [sflag:s16], $0x2000;
	s17 =	sshll.u32 s15, $0x7  }
0x17d: {  	[sflag:s16] =	ssyncset.done $0x0;
	s19 =	sor.u32 $0xED40, s17  }
0x17e: {  	s18 =	sadd.s32 $0x3, s14;
	[sflag:s16] =	ssyncadd.s32 $0xFFFFE000;
	v2 =	vmov s19  }
0x17f: {  	s15 =	sshll.u32 s15, $0xD;
	_ =	swait.ge [sflag:s18], $0x80  }
0x180: {  	s14 =	sshll.u32 s14, $0xD;
	s16 =	sadd.s32 $0xF890, s15;
	[sflag:s18] =	ssyncset.done $0x0  }
0x181: {  	s15 =	sadd.s32 $0xF690, s14;
	s17 =	simm.s32 $0x0;
	[sflag:s18] =	ssyncadd.s32 $0xFFFFFF80  }
.LBB2_31:
0x182: {  	s3 =	sshra.s32 s17, $0x2  }
0x183: {  	v3 =	vld.idx.msk [tilespmem:v2+s3+$0x0 ss:$0x1], $0xffff;
	_ =	sdelay $0x1  }
0x184: {  	v4 =	vld [tilespmem:s16+$0xFFFFFE00];
	_ =	sdelay $0x1  }
0x185: {  	v43 =	vld [tilespmem:s16+$0xFFFFFE10]  }
0x186: {  	v5 =	vbroadcast v3, $0x0  }
0x187: {  	v44 =	vld [tilespmem:s16+$0xFFFFFE20]  }
0x188: {  	v4 =	vmul.f32 v5, v4  }
0x189: {  	v45 =	vld [tilespmem:s16+$0xFFFFFE30]  }
0x18a: {  	[tilespmem:s16+$0xFFFFFE00] =	vst v4;
	v4 =	vmul.f32 v43, v5  }
0x18b: {  	v46 =	vld [tilespmem:s16+$0xFFFFFE40]  }
0x18c: {  	[tilespmem:s16+$0xFFFFFE10] =	vst v4;
	v4 =	vmul.f32 v44, v5  }
0x18d: {  	v48 =	vld [tilespmem:s16+$0xFFFFFE50]  }
0x18e: {  	v47 =	vbroadcast v3, $0x1;
	[tilespmem:s16+$0xFFFFFE20] =	vst v4;
	v4 =	vmul.f32 v45, v5  }
0x18f: {  	v49 =	vld [tilespmem:s16+$0xFFFFFE60]  }
0x190: {  	[tilespmem:s16+$0xFFFFFE30] =	vst v4;
	v4 =	vmul.f32 v46, v47  }
0x191: {  	v50 =	vld [tilespmem:s16+$0xFFFFFE70]  }
0x192: {  	[tilespmem:s16+$0xFFFFFE40] =	vst v4;
	v4 =	vmul.f32 v48, v47  }
0x193: {  	v51 =	vld [tilespmem:s16+$0xFFFFFE80]  }
0x194: {  	[tilespmem:s16+$0xFFFFFE50] =	vst v4;
	v4 =	vmul.f32 v49, v47  }
0x195: {  	v53 =	vld [tilespmem:s16+$0xFFFFFE90]  }
0x196: {  	v52 =	vbroadcast v3, $0x2;
	[tilespmem:s16+$0xFFFFFE60] =	vst v4;
	v4 =	vmul.f32 v50, v47  }
0x197: {  	v54 =	vld [tilespmem:s16+$0xFFFFFEA0]  }
0x198: {  	[tilespmem:s16+$0xFFFFFE70] =	vst v4;
	v4 =	vmul.f32 v51, v52  }
0x199: {  	v55 =	vld [tilespmem:s16+$0xFFFFFEB0]  }
0x19a: {  	[tilespmem:s16+$0xFFFFFE80] =	vst v4;
	v4 =	vmul.f32 v53, v52  }
0x19b: {  	v56 =	vld [tilespmem:s16+$0xFFFFFEC0]  }
0x19c: {  	[tilespmem:s16+$0xFFFFFE90] =	vst v4;
	v4 =	vmul.f32 v54, v52  }
0x19d: {  	v58 =	vld [tilespmem:s16+$0xFFFFFED0]  }
0x19e: {  	v57 =	vbroadcast v3, $0x3;
	[tilespmem:s16+$0xFFFFFEA0] =	vst v4;
	v4 =	vmul.f32 v55, v52  }
0x19f: {  	v59 =	vld [tilespmem:s16+$0xFFFFFEE0]  }
0x1a0: {  	[tilespmem:s16+$0xFFFFFEB0] =	vst v4;
	v4 =	vmul.f32 v56, v57  }
0x1a1: {  	v60 =	vld [tilespmem:s16+$0xFFFFFEF0]  }
0x1a2: {  	[tilespmem:s16+$0xFFFFFEC0] =	vst v4;
	v4 =	vmul.f32 v58, v57  }
0x1a3: {  	v61 =	vld [tilespmem:s16+$0xFFFFFF00]  }
0x1a4: {  	[tilespmem:s16+$0xFFFFFED0] =	vst v4;
	v4 =	vmul.f32 v59, v57  }
0x1a5: {  	v63 =	vld [tilespmem:s16+$0xFFFFFF10]  }
0x1a6: {  	v62 =	vbroadcast v3, $0x4;
	[tilespmem:s16+$0xFFFFFEE0] =	vst v4;
	v4 =	vmul.f32 v60, v57  }
0x1a7: {  	v8 =	vld [tilespmem:s16+$0xFFFFFF20]  }
0x1a8: {  	[tilespmem:s16+$0xFFFFFEF0] =	vst v4;
	v4 =	vmul.f32 v61, v62  }
0x1a9: {  	v9 =	vld [tilespmem:s16+$0xFFFFFF30]  }
0x1aa: {  	[tilespmem:s16+$0xFFFFFF00] =	vst v4;
	v4 =	vmul.f32 v63, v62  }
0x1ab: {  	v10 =	vld [tilespmem:s16+$0xFFFFFF40]  }
0x1ac: {  	[tilespmem:s16+$0xFFFFFF10] =	vst v4;
	v4 =	vmul.f32 v8, v62  }
0x1ad: {  	v12 =	vld [tilespmem:s16+$0xFFFFFF50]  }
0x1ae: {  	v11 =	vbroadcast v3, $0x5;
	[tilespmem:s16+$0xFFFFFF20] =	vst v4;
	v4 =	vmul.f32 v9, v62  }
0x1af: {  	v13 =	vld [tilespmem:s16+$0xFFFFFF60]  }
0x1b0: {  	[tilespmem:s16+$0xFFFFFF30] =	vst v4;
	v4 =	vmul.f32 v10, v11  }
0x1b1: {  	v14 =	vld [tilespmem:s16+$0xFFFFFF70]  }
0x1b2: {  	[tilespmem:s16+$0xFFFFFF40] =	vst v4;
	v4 =	vmul.f32 v12, v11  }
0x1b3: {  	v15 =	vld [tilespmem:s16+$0xFFFFFF80]  }
0x1b4: {  	[tilespmem:s16+$0xFFFFFF50] =	vst v4;
	v4 =	vmul.f32 v13, v11  }
0x1b5: {  	v17 =	vld [tilespmem:s16+$0xFFFFFF90]  }
0x1b6: {  	v16 =	vbroadcast v3, $0x6;
	[tilespmem:s16+$0xFFFFFF60] =	vst v4;
	v4 =	vmul.f32 v14, v11  }
0x1b7: {  	v18 =	vld [tilespmem:s16+$0xFFFFFFA0]  }
0x1b8: {  	[tilespmem:s16+$0xFFFFFF70] =	vst v4;
	v4 =	vmul.f32 v15, v16  }
0x1b9: {  	v19 =	vld [tilespmem:s16+$0xFFFFFFB0]  }
0x1ba: {  	[tilespmem:s16+$0xFFFFFF80] =	vst v4;
	v4 =	vmul.f32 v17, v16  }
0x1bb: {  	v20 =	vld [tilespmem:s16+$0xFFFFFFC0]  }
0x1bc: {  	[tilespmem:s16+$0xFFFFFF90] =	vst v4;
	v4 =	vmul.f32 v18, v16  }
0x1bd: {  	v22 =	vld [tilespmem:s16+$0xFFFFFFD0]  }
0x1be: {  	v21 =	vbroadcast v3, $0x7;
	[tilespmem:s16+$0xFFFFFFA0] =	vst v4;
	v4 =	vmul.f32 v19, v16  }
0x1bf: {  	v23 =	vld [tilespmem:s16+$0xFFFFFFE0]  }
0x1c0: {  	[tilespmem:s16+$0xFFFFFFB0] =	vst v4;
	v4 =	vmul.f32 v20, v21  }
0x1c1: {  	v24 =	vld [tilespmem:s16+$0xFFFFFFF0]  }
0x1c2: {  	[tilespmem:s16+$0xFFFFFFC0] =	vst v4;
	v4 =	vmul.f32 v22, v21  }
0x1c3: {  	v25 =	vld [tilespmem:s16+$0x0]  }
0x1c4: {  	[tilespmem:s16+$0xFFFFFFD0] =	vst v4;
	v4 =	vmul.f32 v23, v21  }
0x1c5: {  	v27 =	vld [tilespmem:s16+$0x10]  }
0x1c6: {  	v26 =	vbroadcast v3, $0x8;
	[tilespmem:s16+$0xFFFFFFE0] =	vst v4;
	v4 =	vmul.f32 v24, v21  }
0x1c7: {  	v28 =	vld [tilespmem:s16+$0x20]  }
0x1c8: {  	[tilespmem:s16+$0xFFFFFFF0] =	vst v4;
	v4 =	vmul.f32 v25, v26  }
0x1c9: {  	v29 =	vld [tilespmem:s16+$0x30]  }
0x1ca: {  	[tilespmem:s16+$0x0] =	vst v4;
	v4 =	vmul.f32 v27, v26  }
0x1cb: {  	v30 =	vld [tilespmem:s16+$0x40]  }
0x1cc: {  	[tilespmem:s16+$0x10] =	vst v4;
	v4 =	vmul.f32 v28, v26  }
0x1cd: {  	v32 =	vld [tilespmem:s16+$0x50]  }
0x1ce: {  	v31 =	vbroadcast v3, $0x9;
	[tilespmem:s16+$0x20] =	vst v4;
	v4 =	vmul.f32 v29, v26  }
0x1cf: {  	v33 =	vld [tilespmem:s16+$0x60]  }
0x1d0: {  	[tilespmem:s16+$0x30] =	vst v4;
	v4 =	vmul.f32 v30, v31  }
0x1d1: {  	v34 =	vld [tilespmem:s16+$0x70]  }
0x1d2: {  	[tilespmem:s16+$0x40] =	vst v4;
	v4 =	vmul.f32 v32, v31  }
0x1d3: {  	v35 =	vld [tilespmem:s16+$0x80]  }
0x1d4: {  	[tilespmem:s16+$0x50] =	vst v4;
	v4 =	vmul.f32 v33, v31  }
0x1d5: {  	v37 =	vld [tilespmem:s16+$0x90]  }
0x1d6: {  	v36 =	vbroadcast v3, $0xA;
	[tilespmem:s16+$0x60] =	vst v4;
	v4 =	vmul.f32 v34, v31  }
0x1d7: {  	v38 =	vld [tilespmem:s16+$0xA0]  }
0x1d8: {  	[tilespmem:s16+$0x70] =	vst v4;
	v4 =	vmul.f32 v35, v36  }
0x1d9: {  	v39 =	vld [tilespmem:s16+$0xB0]  }
0x1da: {  	[tilespmem:s16+$0x80] =	vst v4;
	v4 =	vmul.f32 v37, v36  }
0x1db: {  	v40 =	vld [tilespmem:s16+$0xC0]  }
0x1dc: {  	[tilespmem:s16+$0x90] =	vst v4;
	v4 =	vmul.f32 v38, v36  }
0x1dd: {  	v42 =	vld [tilespmem:s16+$0xD0]  }
0x1de: {  	v41 =	vbroadcast v3, $0xB;
	[tilespmem:s16+$0xA0] =	vst v4;
	v4 =	vmul.f32 v39, v36  }
0x1df: {  	v43 =	vld [tilespmem:s16+$0xE0]  }
0x1e0: {  	[tilespmem:s16+$0xB0] =	vst v4;
	v4 =	vmul.f32 v40, v41  }
0x1e1: {  	v44 =	vld [tilespmem:s16+$0xF0]  }
0x1e2: {  	[tilespmem:s16+$0xC0] =	vst v4;
	v4 =	vmul.f32 v42, v41  }
0x1e3: {  	v45 =	vld [tilespmem:s16+$0x100]  }
0x1e4: {  	[tilespmem:s16+$0xD0] =	vst v4;
	v4 =	vmul.f32 v43, v41  }
0x1e5: {  	v47 =	vld [tilespmem:s16+$0x110]  }
0x1e6: {  	v46 =	vbroadcast v3, $0xC;
	[tilespmem:s16+$0xE0] =	vst v4;
	v4 =	vmul.f32 v44, v41  }
0x1e7: {  	v48 =	vld [tilespmem:s16+$0x120]  }
0x1e8: {  	[tilespmem:s16+$0xF0] =	vst v4;
	v4 =	vmul.f32 v45, v46  }
0x1e9: {  	v49 =	vld [tilespmem:s16+$0x130]  }
0x1ea: {  	[tilespmem:s16+$0x100] =	vst v4;
	v4 =	vmul.f32 v47, v46  }
0x1eb: {  	v50 =	vld [tilespmem:s16+$0x140]  }
0x1ec: {  	[tilespmem:s16+$0x110] =	vst v4;
	v4 =	vmul.f32 v48, v46  }
0x1ed: {  	v52 =	vld [tilespmem:s16+$0x150]  }
0x1ee: {  	v51 =	vbroadcast v3, $0xD;
	[tilespmem:s16+$0x120] =	vst v4;
	v4 =	vmul.f32 v49, v46  }
0x1ef: {  	v53 =	vld [tilespmem:s16+$0x160]  }
0x1f0: {  	[tilespmem:s16+$0x130] =	vst v4;
	v4 =	vmul.f32 v50, v51  }
0x1f1: {  	v54 =	vld [tilespmem:s16+$0x170]  }
0x1f2: {  	[tilespmem:s16+$0x140] =	vst v4;
	v4 =	vmul.f32 v52, v51  }
0x1f3: {  	v55 =	vld [tilespmem:s16+$0x180]  }
0x1f4: {  	[tilespmem:s16+$0x150] =	vst v4;
	v4 =	vmul.f32 v53, v51  }
0x1f5: {  	v57 =	vld [tilespmem:s16+$0x190]  }
0x1f6: {  	v56 =	vbroadcast v3, $0xE;
	[tilespmem:s16+$0x160] =	vst v4;
	v4 =	vmul.f32 v54, v51  }
0x1f7: {  	v58 =	vld [tilespmem:s16+$0x1A0]  }
0x1f8: {  	[tilespmem:s16+$0x170] =	vst v4;
	v4 =	vmul.f32 v55, v56  }
0x1f9: {  	v59 =	vld [tilespmem:s16+$0x1B0]  }
0x1fa: {  	[tilespmem:s16+$0x180] =	vst v4;
	v4 =	vmul.f32 v57, v56  }
0x1fb: {  	v60 =	vld [tilespmem:s16+$0x1C0]  }
0x1fc: {  	[tilespmem:s16+$0x190] =	vst v4;
	v4 =	vmul.f32 v58, v56  }
0x1fd: {  	v61 =	vld [tilespmem:s16+$0x1D0]  }
0x1fe: {  	v3 =	vbroadcast v3, $0xF;
	[tilespmem:s16+$0x1A0] =	vst v4;
	v4 =	vmul.f32 v59, v56  }
0x1ff: {  	v62 =	vld [tilespmem:s16+$0x1E0]  }
0x200: {  	v63 =	vld [tilespmem:s16+$0x1F0];
	[tilespmem:s16+$0x1B0] =	vst v4;
	v4 =	vmul.f32 v60, v3;
	_ =	sdelay $0x1  }
0x201: {  	p1 =	sne.s32 s17, $0x1C0;
	[tilespmem:s16+$0x1C0] =	vst v4;
	v4 =	vmul.f32 v61, v3  }
.Ltmp14:
0x202: {  	_ = 	snop;
	(pc) =	sbr.rel @p1 .LBB2_31-.Ltmp14, $4  }
0x203: {  	[tilespmem:s16+$0x1D0] =	vst v4;
	v4 =	vmul.f32 v62, v3  }
0x204: {  	v3 =	vmul.f32 v63, v3  }
0x205: {  	[tilespmem:s16+$0x1E0] =	vst v4  }
0x206: {  	s17 =	sadd.s32 $0x40, s17;
	[tilespmem:s16+$0x1F0] =	vst v3;
	s16 =	sadd.s32 $0x400, s16  }
0x207: {  	s3 =	sshll.u32 s12, $0x7  }
0x208: {  	s3 =	sand.u32 $0x3FFFFF80, s3  }
0x209: {  	s18 =	sadd.s32 $0xC580, s3  }
0x20a: {  	[spmem:s2] =	stream.indirect.scatter.add.f32 [tilespmem:s15], [sflag:$0x5], $0x40, s18, s30, $0x2000b8;
	[tilespmem:$0x1FE20] =	vst v63  }
0x20b: {  	s19 =	sadd.s32 $0x10690, s14;
	s3 =	sadd.s32 $0xC5C0, s3  }
0x20c: {  	[spmem:s2] =	stream.indirect.scatter.add.f32 [tilespmem:s19], [sflag:$0x5], $0x40, s3, s30, $0x2000b8;
	[tilespmem:$0x1FE20] =	vst v63  }
0x20d: {  	p1 =	sne.s32 s13, $0x4F;
	_ =	swait.ge [sflag:s0], $0x1000  }
.Ltmp15:
0x20e: {  	[sflag:s0] =	ssyncset.done $0x0;
	(pc) =	sbr.rel @p1 .LBB2_30-.Ltmp15, $4  }
0x20f: {  	[sflag:s0] =	ssyncadd.s32 $0xFFFFF000  }
0x210: {  	_ =	swait.ge [sflag:s0], $0x1000  }
0x211: {  	[sflag:s0] =	ssyncset.done $0x0  }
0x212: {  	p0 =	por !p0, !p0;
	s12 =	smov.u32 s13;
	[sflag:s0] =	ssyncadd.s32 $0xFFFFF000  }
0x213: {  	[bflag:$0x0] =	sbarrier.arrive $0xFFFF  }
0x214: {  	s3 =	stileid.u32;
	s12 =	sshrl.u32 s9, $0x3;
	s4 =	sadd.s32 $0x1, s4  }
0x215: {  	s3 =	sshll.u32 s3, $0x6;
	_ =	strace $0x90000049;
	p0 =	sne.s32 s4, s20  }
.Ltmp16:
0x216: {  	s3 =	sor.u32 $0x1C06, s3;
	s13 =	rddreg [dreg:$0xb];
	(pc) =	sbr.rel @p0 .LBB2_1-.Ltmp16, $4  }
0x217: {  	[hbm:s13], [sflag:s3] =	dma.local [spmem:s12], $0x13C0  }
0x218: {  	_ =	swait.ge [sflag:s26], $0x13C0  }
0x219: {  	[sflag:s26] =	ssyncset.done $0x0  }
0x21a: {  	[sflag:s26] =	ssyncadd.s32 $0xFFFFEC40  }
0x21b: {  	_ =	sfence.sel $0x180000  }
0x21c: {  	[bflag:$0x0] =	sbarrier.arrive $0xFFFF  }
0x21d: {  	_ =	strace $0x90000047  }
0x21e: {  	s0 =	stileid.u32;
	[bflag:$0x2] =	sbarrier.arrive $0xFFFF  }
0x21f: {  	p0 =	sne.s32 s0, $0x0;
	s0 =	rddreg [dreg:$0x3]  }
0x220: {  	s0 =	sadd.s32 @!p0 $0x100000, s0  }
0x221: {  	[sflag:s0] =	ssyncadd.tile.s32 @!p0 $0x1;
	_ =	shalt  }
.Lfunc_end2:
_tile_overlayer_lowered:
.L_overlay_start_2:
0x222: {  	(tag) =	ssettag $0x2  }
0x223: {  	s0 =	rddreg [dreg:$0x0];
	s2 =	stileid.u32  }
0x224: {  	s1 =	rddreg [dreg:$0x1];
	p0 =	sne.s32 s2, $0x0  }
0x225: {  	s3 =	rddreg [dreg:$0x2];
	[bflag:$0x3] =	sbarrier.arrive $0xFFFF;
	s2 =	simm.s32 @!p0 $0x1C06  }
0x226: {  	[timem:s3], [sflag:s2] =	dma.local @!p0 [hbm:s0], s1  }
0x227: {  	s0 =	simm.s32 @!p0 $0x6  }
0x228: {  	_ =	swait.ge @!p0 [sflag:s0], s1  }
0x229: {  	s1 =	ssub.s32 @!p0 $0x0, s1;
	[sflag:s0] =	ssyncset.done @!p0 $0x0  }
0x22a: {  	[sflag:s0] =	ssyncadd.s32 @!p0 s1  }
0x22b: {  	[bflag:$0x3] =	sbarrier.arrive $0xFFFF  }
0x22c: {  	_ =	shalt  }

</sc_bundles>
